<compile_context>
chip_gen: v7x
topology: tpu7x:2x2x1
jax: 0.10.2.dev20260603
libtpu: 0.0.44.dev20260713+nightly
codegen_flags: <defaults>
</compile_context>

<pallas_src>
import dataclasses
import functools

import jax
import jax.numpy as jnp
from jax.experimental import pallas as pl
from jax.experimental.pallas import tpu as pltpu
from jax.experimental.pallas import tpu_sc as plsc

N_PAD = 1792
N_WORKERS = 32
ROWS_PER = N_PAD // N_WORKERS
EDGE_CHUNK = 4608


def _build_adjacency_sc(src_p, dst_p, w_p):
    num_edges = src_p.shape[0]

    cp = pltpu.CompilerParams()
    if "needs_layout_passes" in pltpu.CompilerParams.__dataclass_fields__:
        cp = dataclasses.replace(cp, needs_layout_passes=False)

    @functools.partial(
        pl.kernel,
        out_type=jax.ShapeDtypeStruct((N_PAD, N_PAD), jnp.float32),
        mesh=plsc.VectorSubcoreMesh(core_axis_name="c", subcore_axis_name="s"),
        scratch_types=[
            pltpu.VMEM((ROWS_PER, N_PAD), jnp.float32),
            pltpu.VMEM((EDGE_CHUNK,), jnp.int32),
            pltpu.VMEM((EDGE_CHUNK,), jnp.int32),
            pltpu.VMEM((EDGE_CHUNK,), jnp.float32),
            pltpu.SemaphoreType.DMA,
        ],
        compiler_params=cp,
    )
    def build(src_hbm, dst_hbm, w_hbm, z_hbm, m_hbm, mband, sbuf, dbuf, wbuf,
              sem):
        cid = jax.lax.axis_index("c")
        sid = jax.lax.axis_index("s")
        lo = (cid * 16 + sid) * ROWS_PER

        pltpu.async_copy(z_hbm, mband, sem).wait()

        @pl.loop(0, num_edges, step=EDGE_CHUNK)
        def _(e0):
            ca = pltpu.async_copy(src_hbm.at[pl.ds(e0, EDGE_CHUNK)], sbuf, sem)
            cb = pltpu.async_copy(dst_hbm.at[pl.ds(e0, EDGE_CHUNK)], dbuf, sem)
            cc = pltpu.async_copy(w_hbm.at[pl.ds(e0, EDGE_CHUNK)], wbuf, sem)
            ca.wait()
            cb.wait()
            cc.wait()

            @pl.loop(0, EDGE_CHUNK, step=16)
            def _(i):
                s = sbuf[pl.ds(i, 16)]
                d = dbuf[pl.ds(i, 16)]
                w = wbuf[pl.ds(i, 16)]
                msk = (s >= lo) & (s < lo + ROWS_PER)
                r = jnp.clip(s - lo, 0, ROWS_PER - 1)
                plsc.addupdate_scatter(mband, [r, d], w, mask=msk)

        pltpu.sync_copy(mband, m_hbm.at[pl.ds(lo, ROWS_PER)])

    zeros_band = jnp.zeros((ROWS_PER, N_PAD), jnp.float32)
    return build(src_p, dst_p, w_p, zeros_band)


def _group_pool_matrix(c):
    ri = jax.lax.broadcasted_iota(jnp.int32, (c, c), 0) // 8
    ci = jax.lax.broadcasted_iota(jnp.int32, (c, c), 1) // 8
    return (ri == ci).astype(jnp.float32)


def _f32dot(a, b):
    return jax.lax.dot(a, b, preferred_element_type=jnp.float32)


def _gn_relu(x, g, b, n_valid):
    c = x.shape[0]
    pool = _group_pool_matrix(c)
    cnt = 8.0 * n_valid
    xv = x[:, :n_valid]
    s = jnp.sum(xv, axis=1, keepdims=True)
    s2 = jnp.sum(xv * xv, axis=1, keepdims=True)
    mean = _f32dot(pool, s) / cnt
    var = _f32dot(pool, s2) / cnt - mean * mean
    a = g * jax.lax.rsqrt(var + 1e-5)
    return jnp.maximum(x * a + (b - mean * a), 0.0)


def _linear(w, b, x):
    return _f32dot(w, x) + b


def _res_block(x, w, n_valid, m, has_skip):
    y = _gn_relu(x, w["pre_g"], w["pre_b"], n_valid)
    y = _linear(w["lin1_W"], w["lin1_b"], y)
    y = _gn_relu(y, w["n1_g"], w["n1_b"], n_valid)
    sup = _f32dot(w["conv_W"], y)
    agg = jax.lax.dot(sup.astype(jnp.bfloat16), m,
                      preferred_element_type=jnp.float32) + w["conv_b"]
    y = _gn_relu(agg, w["n2_g"], w["n2_b"], n_valid)
    y = _linear(w["lin2_W"], w["lin2_b"], y)
    if has_skip:
        x = _linear(w["skip_W"], w["skip_b"], x)
    return x + y


def _forward_body(block_metas, n_valid, *refs):
    it = iter(refs)
    pc_ref = next(it)
    m_ref = next(it)
    refv_ref = next(it)

    def take(n):
        return [next(it)[...] for _ in range(n)]

    w1, b1, w2, b2, w_ref3, w_img, gc_b = take(7)
    blocks = []
    for has_skip in block_metas:
        names = ["pre_g", "pre_b", "lin1_W", "lin1_b", "n1_g", "n1_b",
                 "conv_W", "conv_b", "n2_g", "n2_b", "lin2_W", "lin2_b"]
        if has_skip:
            names += ["skip_W", "skip_b"]
        blocks.append(dict(zip(names, take(len(names)))))
    sn_g, sn_b, sl_w, sl_b = take(4)
    out_ref = next(it)

    m = m_ref[...]

    for s in range(pc_ref.shape[0]):
        pc = pc_ref[s]
        h = jnp.maximum(_f32dot(w1, pc) + b1, 0.0)
        h = jnp.maximum(_f32dot(w2, h) + b2, 0.0)
        feat = jnp.max(h, axis=1, keepdims=True)

        x = _f32dot(w_ref3, refv_ref[...]) + _f32dot(w_img, feat) + gc_b

        for has_skip, w in zip(block_metas, blocks):
            x = _res_block(x, w, n_valid, m, has_skip)

        x = _gn_relu(x, sn_g, sn_b, n_valid)
        out_ref[s] = _f32dot(sl_w, x) + sl_b


def kernel(sparse_pc, batch_size, params, src, dst, edge_w):
    del batch_size
    b = sparse_pc.shape[0]
    n = params["ref_vertices"].shape[1]
    e = src.shape[0]

    e_pad = -(-e // EDGE_CHUNK) * EDGE_CHUNK
    src_p = jnp.pad(src, (0, e_pad - e))
    dst_p = jnp.pad(dst, (0, e_pad - e))
    w_p = jnp.pad(edge_w, (0, e_pad - e))
    m = _build_adjacency_sc(src_p, dst_p, w_p).astype(jnp.bfloat16)

    def col(v):
        return v.reshape(-1, 1)

    refv = jnp.pad(params["ref_vertices"], ((0, 0), (0, N_PAD - n)))
    ops = [
        params["res_w1"], col(params["res_b1"]),
        params["res_w2"], col(params["res_b2"]),
        params["gc_lin_W"][:, :3], params["gc_lin_W"][:, 3:],
        col(params["gc_lin_b"]),
    ]
    block_metas = []
    for bp in list(params["blocks"]) + list(params["shape_blocks"]):
        has_skip = "skip_W" in bp
        block_metas.append(has_skip)
        ops += [col(bp["pre_g"]), col(bp["pre_b"]),
                bp["lin1_W"], col(bp["lin1_b"]),
                col(bp["n1_g"]), col(bp["n1_b"]),
                bp["conv_W"].T, col(bp["conv_b"]),
                col(bp["n2_g"]), col(bp["n2_b"]),
                bp["lin2_W"], col(bp["lin2_b"])]
        if has_skip:
            ops += [bp["skip_W"], col(bp["skip_b"])]
    ops += [col(params["shape_norm_g"]), col(params["shape_norm_b"]),
            params["shape_lin_W"], col(params["shape_lin_b"])]

    def const_spec(arr):
        nd = arr.ndim
        return pl.BlockSpec(arr.shape, lambda i, _n=nd: (0,) * _n)

    samples_per_step = 1
    assert b % samples_per_step == 0
    in_specs = (
        [pl.BlockSpec((samples_per_step, 3, sparse_pc.shape[2]),
                      lambda i: (i, 0, 0)),
         pl.BlockSpec((N_PAD, N_PAD), lambda i: (0, 0)),
         const_spec(refv)]
        + [const_spec(a) for a in ops]
    )

    out = pl.pallas_call(
        functools.partial(_forward_body, tuple(block_metas), n),
        grid=(b // samples_per_step,),
        in_specs=in_specs,
        out_specs=pl.BlockSpec((samples_per_step, 3, N_PAD),
                               lambda i: (i, 0, 0)),
        out_shape=jax.ShapeDtypeStruct((b, 3, N_PAD), jnp.float32),
        compiler_params=pltpu.CompilerParams(
            dimension_semantics=("parallel",)),
    )(sparse_pc, m, refv, *ops)

    return out[:, :, :n]

# --- scband reference (transcript-rebuilt; emitter-appended) ---
"""Pipeline reference for scband-graph-cnn-30932354466213 (READ-ONLY COPY).

The authoritative reference and input builder live on the scoring server;
editing this copy changes nothing except your own understanding.
"""

import jax, jax.numpy as jnp
import numpy as np

N_VERT = 1723
N_EDGE = 13784


def group_norm(x, gamma, beta, groups, eps=1e-5):
    B, C, N = x.shape
    xg = x.reshape(B, groups, C // groups, N)
    mean = xg.mean(axis=(2, 3), keepdims=True)
    var = xg.var(axis=(2, 3), keepdims=True)
    xg = (xg - mean) / jnp.sqrt(var + eps)
    x = xg.reshape(B, C, N)
    return x * gamma[None, :, None] + beta[None, :, None]


def graph_linear(x, W, b):
    # x: [B, C_in, N] -> [B, C_out, N]
    return jnp.einsum('oc,bcn->bon', W, x) + b[None, :, None]


def graph_conv(x_t, W, b, src, dst, edge_w):
    # x_t: [B, N, C]; sparse A applied as gather(src) + scatter-add(dst)
    support = x_t @ W
    msgs = support[:, src, :] * edge_w[None, :, None]
    agg = jnp.zeros_like(support).at[:, dst, :].add(msgs)
    return agg + b


def res_block(x, p, src, dst, edge_w):
    in_c = p['pre_g'].shape[0]
    half = p['n1_g'].shape[0]
    y = jax.nn.relu(group_norm(x, p['pre_g'], p['pre_b'], in_c // 8))
    y = graph_linear(y, p['lin1_W'], p['lin1_b'])
    y = jax.nn.relu(group_norm(y, p['n1_g'], p['n1_b'], half // 8))
    yt = jnp.transpose(y, (0, 2, 1))
    yt = graph_conv(yt, p['conv_W'], p['conv_b'], src, dst, edge_w)
    y = jnp.transpose(yt, (0, 2, 1))
    y = jax.nn.relu(group_norm(y, p['n2_g'], p['n2_b'], half // 8))
    y = graph_linear(y, p['lin2_W'], p['lin2_b'])
    if 'skip_W' in p:
        x = graph_linear(x, p['skip_W'], p['skip_b'])
    return x + y


def _forward(sparse_pc, params, src, dst, edge_w):
    p = params
    B = sparse_pc.shape[0]
    N = p['ref_vertices'].shape[1]
    ref = jnp.broadcast_to(p['ref_vertices'][None], (B, 3, N))
    # point encoder standing in for the sparse ResNet18 (per-point MLP + global max pool -> [B,512])
    h = jax.nn.relu(jnp.einsum('oc,bcn->bon', p['res_w1'], sparse_pc) + p['res_b1'][None, :, None])
    h = jax.nn.relu(jnp.einsum('oc,bcn->bon', p['res_w2'], h) + p['res_b2'][None, :, None])
    feat = h.max(axis=2)
    img = jnp.broadcast_to(feat[:, :, None], (B, 512, N))
    x = jnp.concatenate([ref, img], axis=1)
    x = graph_linear(x, p['gc_lin_W'], p['gc_lin_b'])
    for bp in p['blocks']:
        x = res_block(x, bp, src, dst, edge_w)
    for bp in p['shape_blocks']:
        x = res_block(x, bp, src, dst, edge_w)
    x = jax.nn.relu(group_norm(x, p['shape_norm_g'], p['shape_norm_b'], 32 // 8))
    return graph_linear(x, p['shape_lin_W'], p['shape_lin_b'])


def _mk_block(rng, in_c, out_c):
    h = out_c // 2
    rn = lambda *s: jnp.asarray(rng.standard_normal(s) * 0.02, jnp.float32)
    p = {
        'pre_g': jnp.ones((in_c,), jnp.float32), 'pre_b': jnp.zeros((in_c,), jnp.float32),
        'lin1_W': rn(h, in_c), 'lin1_b': jnp.zeros((h,), jnp.float32),
        'n1_g': jnp.ones((h,), jnp.float32), 'n1_b': jnp.zeros((h,), jnp.float32),
        'conv_W': rn(h, h), 'conv_b': jnp.zeros((h,), jnp.float32),
        'n2_g': jnp.ones((h,), jnp.float32), 'n2_b': jnp.zeros((h,), jnp.float32),
        'lin2_W': rn(out_c, h), 'lin2_b': jnp.zeros((out_c,), jnp.float32),
    }
    if in_c != out_c:
        p['skip_W'] = rn(out_c, in_c)
        p['skip_b'] = jnp.zeros((out_c,), jnp.float32)
    return p


def setup_inputs(seed: int = 0):
    key = jax.random.key(seed)
    rng = np.random.default_rng(0)
    B, P = 32, 4096
    rn = lambda scale, *s: jnp.asarray(rng.standard_normal(s) * scale, jnp.float32)
    sparse_pc = jnp.asarray(rng.standard_normal((B, 3, P)), jnp.float32)
    src = jnp.asarray(rng.integers(0, N_VERT, size=(N_EDGE,)), jnp.int32)
    dst = jnp.asarray(rng.integers(0, N_VERT, size=(N_EDGE,)), jnp.int32)
    edge_w = jnp.asarray(rng.uniform(0.0, 0.25, size=(N_EDGE,)), jnp.float32)
    params = {
        'ref_vertices': rn(0.1, 3, N_VERT),
        'res_w1': rn(0.1, 64, 3), 'res_b1': jnp.zeros((64,), jnp.float32),
        'res_w2': rn(0.05, 512, 64), 'res_b2': jnp.zeros((512,), jnp.float32),
        'gc_lin_W': rn(0.02, 512, 515), 'gc_lin_b': jnp.zeros((512,), jnp.float32),
        'blocks': [_mk_block(rng, 512, 256)] + [_mk_block(rng, 256, 256) for _ in range(5)],
        'shape_blocks': [_mk_block(rng, 256, 64), _mk_block(rng, 64, 32)],
        'shape_norm_g': jnp.ones((32,), jnp.float32), 'shape_norm_b': jnp.zeros((32,), jnp.float32),
        'shape_lin_W': rn(0.02, 3, 32), 'shape_lin_b': jnp.zeros((3,), jnp.float32),
    }
    return {'sparse_pc': sparse_pc, 'batch_size': B, 'params': params, 'src': src, 'dst': dst, 'edge_w': edge_w}


def reference(sparse_pc, batch_size, params, src, dst, edge_w):
    return _forward(sparse_pc, params, src, dst, edge_w)

if __name__ == "__main__":
    import jax
    _d = setup_inputs()
    print(jax.jit(kernel)(*tuple(_d.values())))

</pallas_src>

<mosaic_0001>
#map = affine_map<(d0, d1) -> (0)>
#map1 = affine_map<(d0, d1) -> (0, 0)>
module attributes {stable_mosaic.version = 14 : i64} {
  func.func @build(%arg0: i32, %arg1: i32, %arg2: memref<13824xi32, #tpu.memory_space<hbm>>, %arg3: memref<13824xi32, #tpu.memory_space<hbm>>, %arg4: memref<13824xf32, #tpu.memory_space<hbm>>, %arg5: memref<56x1792xf32, #tpu.memory_space<hbm>>, %arg6: memref<1792x1792xf32, #tpu.memory_space<hbm>>, %arg7: memref<56x1792xf32, #tpu.memory_space<vmem>>, %arg8: memref<4608xi32, #tpu.memory_space<vmem>>, %arg9: memref<4608xi32, #tpu.memory_space<vmem>>, %arg10: memref<4608xf32, #tpu.memory_space<vmem>>, %arg11: memref<!tpu.dma_semaphore, #tpu.memory_space<semaphore_mem>>) attributes {dimension_semantics = [#tpu.dimension_semantics<core_parallel>, #tpu.dimension_semantics<subcore_parallel>], iteration_bounds = array<i64: 2, 16>, scalar_prefetch = 0 : i64, scratch_operands = 5 : i64, tpu.core_type = #tpu.core_type<sc_vector_subcore>, window_params = [{transform_indices = #map}, {transform_indices = #map}, {transform_indices = #map}, {transform_indices = #map1}, {transform_indices = #map1}]} {
    %mul3A = arith.constant 16 : i32
    %mul3A_0 = arith.muli %arg0, %mul3A : i32
    %add3A = arith.addi %mul3A_0, %arg1 : i32
    %mul3A_1 = arith.constant 56 : i32
    %mul3A_2 = arith.muli %add3A, %mul3A_1 : i32
    tpu.enqueue_dma source(%arg5 : memref<56x1792xf32, #tpu.memory_space<hbm>>) target(%arg7 : memref<56x1792xf32, #tpu.memory_space<vmem>>) target_semaphore(%arg11 : memref<!tpu.dma_semaphore, #tpu.memory_space<semaphore_mem>>)
    tpu.wait_dma2 semaphore(%arg11 : memref<!tpu.dma_semaphore, #tpu.memory_space<semaphore_mem>>) src(%arg5 : memref<56x1792xf32, #tpu.memory_space<hbm>>) dst(%arg7 : memref<56x1792xf32, #tpu.memory_space<vmem>>)
    %scan3A = arith.constant 0 : i32
    %scan3A_3 = arith.constant 3 : i32
    %scan3A_4 = arith.addi %scan3A, %scan3A_3 : i32
    %scan3A_5 = arith.constant 1 : i32
    scf.for %scan3A_7 = %scan3A to %scan3A_4 step %scan3A_5  : i32 {
      %mul3A_8 = arith.constant 4608 : i32
      %mul3A_9 = arith.muli %scan3A_7, %mul3A_8 : i32
      %add3A_10 = arith.constant 0 : i32
      %add3A_11 = arith.addi %add3A_10, %mul3A_9 : i32
      %dma_start3A = tpu.memref_slice %arg2[%add3A_11] : memref<13824xi32, #tpu.memory_space<hbm>> -> memref<4608xi32, #tpu.memory_space<hbm>>
      %dma_start3A_12 = tpu.memref_slice %arg2[%add3A_11] : memref<13824xi32, #tpu.memory_space<hbm>> -> memref<4608xi32, #tpu.memory_space<hbm>>
      tpu.enqueue_dma source(%dma_start3A_12 : memref<4608xi32, #tpu.memory_space<hbm>>) target(%arg8 : memref<4608xi32, #tpu.memory_space<vmem>>) target_semaphore(%arg11 : memref<!tpu.dma_semaphore, #tpu.memory_space<semaphore_mem>>)
      %dma_start3A_13 = tpu.memref_slice %arg3[%add3A_11] : memref<13824xi32, #tpu.memory_space<hbm>> -> memref<4608xi32, #tpu.memory_space<hbm>>
      %dma_start3A_14 = tpu.memref_slice %arg3[%add3A_11] : memref<13824xi32, #tpu.memory_space<hbm>> -> memref<4608xi32, #tpu.memory_space<hbm>>
      tpu.enqueue_dma source(%dma_start3A_14 : memref<4608xi32, #tpu.memory_space<hbm>>) target(%arg9 : memref<4608xi32, #tpu.memory_space<vmem>>) target_semaphore(%arg11 : memref<!tpu.dma_semaphore, #tpu.memory_space<semaphore_mem>>)
      %dma_start3A_15 = tpu.memref_slice %arg4[%add3A_11] : memref<13824xf32, #tpu.memory_space<hbm>> -> memref<4608xf32, #tpu.memory_space<hbm>>
      %dma_start3A_16 = tpu.memref_slice %arg4[%add3A_11] : memref<13824xf32, #tpu.memory_space<hbm>> -> memref<4608xf32, #tpu.memory_space<hbm>>
      tpu.enqueue_dma source(%dma_start3A_16 : memref<4608xf32, #tpu.memory_space<hbm>>) target(%arg10 : memref<4608xf32, #tpu.memory_space<vmem>>) target_semaphore(%arg11 : memref<!tpu.dma_semaphore, #tpu.memory_space<semaphore_mem>>)
      %dma_wait3A = tpu.memref_slice %arg2[%add3A_11] : memref<13824xi32, #tpu.memory_space<hbm>> -> memref<4608xi32, #tpu.memory_space<hbm>>
      %dma_wait3A_17 = tpu.memref_slice %arg2[%add3A_11] : memref<13824xi32, #tpu.memory_space<hbm>> -> memref<4608xi32, #tpu.memory_space<hbm>>
      tpu.wait_dma2 semaphore(%arg11 : memref<!tpu.dma_semaphore, #tpu.memory_space<semaphore_mem>>) src(%dma_wait3A_17 : memref<4608xi32, #tpu.memory_space<hbm>>) dst(%arg8 : memref<4608xi32, #tpu.memory_space<vmem>>)
      %dma_wait3A_18 = tpu.memref_slice %arg3[%add3A_11] : memref<13824xi32, #tpu.memory_space<hbm>> -> memref<4608xi32, #tpu.memory_space<hbm>>
      %dma_wait3A_19 = tpu.memref_slice %arg3[%add3A_11] : memref<13824xi32, #tpu.memory_space<hbm>> -> memref<4608xi32, #tpu.memory_space<hbm>>
      tpu.wait_dma2 semaphore(%arg11 : memref<!tpu.dma_semaphore, #tpu.memory_space<semaphore_mem>>) src(%dma_wait3A_19 : memref<4608xi32, #tpu.memory_space<hbm>>) dst(%arg9 : memref<4608xi32, #tpu.memory_space<vmem>>)
      %dma_wait3A_20 = tpu.memref_slice %arg4[%add3A_11] : memref<13824xf32, #tpu.memory_space<hbm>> -> memref<4608xf32, #tpu.memory_space<hbm>>
      %dma_wait3A_21 = tpu.memref_slice %arg4[%add3A_11] : memref<13824xf32, #tpu.memory_space<hbm>> -> memref<4608xf32, #tpu.memory_space<hbm>>
      tpu.wait_dma2 semaphore(%arg11 : memref<!tpu.dma_semaphore, #tpu.memory_space<semaphore_mem>>) src(%dma_wait3A_21 : memref<4608xf32, #tpu.memory_space<hbm>>) dst(%arg10 : memref<4608xf32, #tpu.memory_space<vmem>>)
      %scan3A_22 = arith.constant 0 : i32
      %scan3A_23 = arith.constant 288 : i32
      %scan3A_24 = arith.addi %scan3A_22, %scan3A_23 : i32
      %scan3A_25 = arith.constant 1 : i32
      scf.for %scan3A_27 = %scan3A_22 to %scan3A_24 step %scan3A_25  : i32 {
        %mul3A_28 = arith.constant 16 : i32
        %mul3A_29 = arith.muli %scan3A_27, %mul3A_28 : i32
        %add3A_30 = arith.constant 0 : i32
        %add3A_31 = arith.addi %add3A_30, %mul3A_29 : i32
        %get3A = arith.index_cast %add3A_31 : i32 to index
        %get3A_32 = tpu.vector_load %arg8[%get3A] {strides = array<i32>} : memref<4608xi32, #tpu.memory_space<vmem>>, vector<16xi32>,
        %get3A_33 = arith.index_cast %add3A_31 : i32 to index
        %get3A_34 = tpu.vector_load %arg9[%get3A_33] {strides = array<i32>} : memref<4608xi32, #tpu.memory_space<vmem>>, vector<16xi32>,
        %get3A_35 = arith.index_cast %add3A_31 : i32 to index
        %get3A_36 = tpu.vector_load %arg10[%get3A_35] {strides = array<i32>} : memref<4608xf32, #tpu.memory_space<vmem>>, vector<16xf32>,
        %ge3A = vector.broadcast %mul3A_2 : i32 to vector<16xi32>
        %ge3A_37 = arith.cmpi sge, %get3A_32, %ge3A : vector<16xi32>
        %add3A_38 = arith.constant 56 : i32
        %add3A_39 = arith.addi %mul3A_2, %add3A_38 : i32
        %lt3A = vector.broadcast %add3A_39 : i32 to vector<16xi32>
        %lt3A_40 = arith.cmpi slt, %get3A_32, %lt3A : vector<16xi32>
        %and3A = arith.andi %ge3A_37, %lt3A_40 : vector<16xi1>
        %sub3A = vector.broadcast %mul3A_2 : i32 to vector<16xi32>
        %sub3A_41 = arith.subi %get3A_32, %sub3A : vector<16xi32>
        %jit3A = arith.constant 0 : i32
        %jit3A_42 = arith.constant 55 : i32
        %max3A = vector.broadcast %jit3A : i32 to vector<16xi32>
        %max3A_43 = arith.maxsi %max3A, %sub3A_41 : vector<16xi32>
        %min3A = vector.broadcast %jit3A_42 : i32 to vector<16xi32>
        %min3A_44 = arith.minsi %min3A, %max3A_43 : vector<16xi32>
        tpu.vector_store_idx %arg7[%min3A_44, %get3A_34], %get3A_36 masked %and3A {add = true} : memref<56x1792xf32, #tpu.memory_space<vmem>>[vector<16xi32>, vector<16xi32>], vector<16xf32>, vector<16xi1>
      }
      %scan3A_26 = arith.constant 288 : i32
    }
    %scan3A_6 = arith.constant 3 : i32
    "tpu.region"() ({
      %run_scoped3A = tpu.sem_alloc : memref<!tpu.dma_semaphore, #tpu.memory_space<semaphore_mem>>
      %dma_start3A = arith.constant 0 : i32
      %dma_start3A_7 = tpu.memref_slice %arg6[%mul3A_2, %dma_start3A] : memref<1792x1792xf32, #tpu.memory_space<hbm>> -> memref<56x1792xf32, #tpu.memory_space<hbm>>
      %dma_start3A_8 = arith.constant 0 : i32
      %dma_start3A_9 = tpu.memref_slice %arg6[%mul3A_2, %dma_start3A_8] : memref<1792x1792xf32, #tpu.memory_space<hbm>> -> memref<56x1792xf32, #tpu.memory_space<hbm>>
      tpu.enqueue_dma source(%arg7 : memref<56x1792xf32, #tpu.memory_space<vmem>>) target(%dma_start3A_9 : memref<56x1792xf32, #tpu.memory_space<hbm>>) target_semaphore(%run_scoped3A : memref<!tpu.dma_semaphore, #tpu.memory_space<semaphore_mem>>)
      %dma_wait3A = arith.constant 0 : i32
      %dma_wait3A_10 = tpu.memref_slice %arg6[%mul3A_2, %dma_wait3A] : memref<1792x1792xf32, #tpu.memory_space<hbm>> -> memref<56x1792xf32, #tpu.memory_space<hbm>>
      %dma_wait3A_11 = arith.constant 0 : i32
      %dma_wait3A_12 = tpu.memref_slice %arg6[%mul3A_2, %dma_wait3A_11] : memref<1792x1792xf32, #tpu.memory_space<hbm>> -> memref<56x1792xf32, #tpu.memory_space<hbm>>
      tpu.wait_dma2 semaphore(%run_scoped3A : memref<!tpu.dma_semaphore, #tpu.memory_space<semaphore_mem>>) src(%arg7 : memref<56x1792xf32, #tpu.memory_space<vmem>>) dst(%dma_wait3A_12 : memref<56x1792xf32, #tpu.memory_space<hbm>>)
      tpu.yield
    }) : () -> ()
    return
  }
}

module attributes {stable_mosaic.version = 14 : i64} {
  func.func @_forward_body(%arg0: i32, %arg1: memref<1x3x4096xf32, #tpu.memory_space<vmem>>, %arg2: memref<1792x1792xbf16, #tpu.memory_space<vmem>>, %arg3: memref<3x1792xf32, #tpu.memory_space<vmem>>, %arg4: memref<64x3xf32, #tpu.memory_space<vmem>>, %arg5: memref<64x1xf32, #tpu.memory_space<vmem>>, %arg6: memref<512x64xf32, #tpu.memory_space<vmem>>, %arg7: memref<512x1xf32, #tpu.memory_space<vmem>>, %arg8: memref<512x3xf32, #tpu.memory_space<vmem>>, %arg9: memref<512x512xf32, #tpu.memory_space<vmem>>, %arg10: memref<512x1xf32, #tpu.memory_space<vmem>>, %arg11: memref<512x1xf32, #tpu.memory_space<vmem>>, %arg12: memref<512x1xf32, #tpu.memory_space<vmem>>, %arg13: memref<128x512xf32, #tpu.memory_space<vmem>>, %arg14: memref<128x1xf32, #tpu.memory_space<vmem>>, %arg15: memref<128x1xf32, #tpu.memory_space<vmem>>, %arg16: memref<128x1xf32, #tpu.memory_space<vmem>>, %arg17: memref<128x128xf32, #tpu.memory_space<vmem>>, %arg18: memref<128x1xf32, #tpu.memory_space<vmem>>, %arg19: memref<128x1xf32, #tpu.memory_space<vmem>>, %arg20: memref<128x1xf32, #tpu.memory_space<vmem>>, %arg21: memref<256x128xf32, #tpu.memory_space<vmem>>, %arg22: memref<256x1xf32, #tpu.memory_space<vmem>>, %arg23: memref<256x512xf32, #tpu.memory_space<vmem>>, %arg24: memref<256x1xf32, #tpu.memory_space<vmem>>, %arg25: memref<256x1xf32, #tpu.memory_space<vmem>>, %arg26: memref<256x1xf32, #tpu.memory_space<vmem>>, %arg27: memref<128x256xf32, #tpu.memory_space<vmem>>, %arg28: memref<128x1xf32, #tpu.memory_space<vmem>>, %arg29: memref<128x1xf32, #tpu.memory_space<vmem>>, %arg30: memref<128x1xf32, #tpu.memory_space<vmem>>, %arg31: memref<128x128xf32, #tpu.memory_space<vmem>>, %arg32: memref<128x1xf32, #tpu.memory_space<vmem>>, %arg33: memref<128x1xf32, #tpu.memory_space<vmem>>, %arg34: memref<128x1xf32, #tpu.memory_space<vmem>>, %arg35: memref<256x128xf32, #tpu.memory_space<vmem>>, %arg36: memref<256x1xf32, #tpu.memory_space<vmem>>, %arg37: memref<256x1xf32, #tpu.memory_space<vmem>>, %arg38: memref<256x1xf32, #tpu.memory_space<vmem>>, %arg39: memref<128x256xf32, #tpu.memory_space<vmem>>, %arg40: memref<128x1xf32, #tpu.memory_space<vmem>>, %arg41: memref<128x1xf32, #tpu.memory_space<vmem>>, %arg42: memref<128x1xf32, #tpu.memory_space<vmem>>, %arg43: memref<128x128xf32, #tpu.memory_space<vmem>>, %arg44: memref<128x1xf32, #tpu.memory_space<vmem>>, %arg45: memref<128x1xf32, #tpu.memory_space<vmem>>, %arg46: memref<128x1xf32, #tpu.memory_space<vmem>>, %arg47: memref<256x128xf32, #tpu.memory_space<vmem>>, %arg48: memref<256x1xf32, #tpu.memory_space<vmem>>, %arg49: memref<256x1xf32, #tpu.memory_space<vmem>>, %arg50: memref<256x1xf32, #tpu.memory_space<vmem>>, %arg51: memref<128x256xf32, #tpu.memory_space<vmem>>, %arg52: memref<128x1xf32, #tpu.memory_space<vmem>>, %arg53: memref<128x1xf32, #tpu.memory_space<vmem>>, %arg54: memref<128x1xf32, #tpu.memory_space<vmem>>, %arg55: memref<128x128xf32, #tpu.memory_space<vmem>>, %arg56: memref<128x1xf32, #tpu.memory_space<vmem>>, %arg57: memref<128x1xf32, #tpu.memory_space<vmem>>, %arg58: memref<128x1xf32, #tpu.memory_space<vmem>>, %arg59: memref<256x128xf32, #tpu.memory_space<vmem>>, %arg60: memref<256x1xf32, #tpu.memory_space<vmem>>, %arg61: memref<256x1xf32, #tpu.memory_space<vmem>>, %arg62: memref<256x1xf32, #tpu.memory_space<vmem>>, %arg63: memref<128x256xf32, #tpu.memory_space<vmem>>, %arg64: memref<128x1xf32, #tpu.memory_space<vmem>>, %arg65: memref<128x1xf32, #tpu.memory_space<vmem>>, %arg66: memref<128x1xf32, #tpu.memory_space<vmem>>, %arg67: memref<128x128xf32, #tpu.memory_space<vmem>>, %arg68: memref<128x1xf32, #tpu.memory_space<vmem>>, %arg69: memref<128x1xf32, #tpu.memory_space<vmem>>, %arg70: memref<128x1xf32, #tpu.memory_space<vmem>>, %arg71: memref<256x128xf32, #tpu.memory_space<vmem>>, %arg72: memref<256x1xf32, #tpu.memory_space<vmem>>, %arg73: memref<256x1xf32, #tpu.memory_space<vmem>>, %arg74: memref<256x1xf32, #tpu.memory_space<vmem>>, %arg75: memref<128x256xf32, #tpu.memory_space<vmem>>, %arg76: memref<128x1xf32, #tpu.memory_space<vmem>>, %arg77: memref<128x1xf32, #tpu.memory_space<vmem>>, %arg78: memref<128x1xf32, #tpu.memory_space<vmem>>, %arg79: memref<128x128xf32, #tpu.memory_space<vmem>>, %arg80: memref<128x1xf32, #tpu.memory_space<vmem>>, %arg81: memref<128x1xf32, #tpu.memory_space<vmem>>, %arg82: memref<128x1xf32, #tpu.memory_space<vmem>>, %arg83: memref<256x128xf32, #tpu.memory_space<vmem>>, %arg84: memref<256x1xf32, #tpu.memory_space<vmem>>, %arg85: memref<256x1xf32, #tpu.memory_space<vmem>>, %arg86: memref<256x1xf32, #tpu.memory_space<vmem>>, %arg87: memref<32x256xf32, #tpu.memory_space<vmem>>, %arg88: memref<32x1xf32, #tpu.memory_space<vmem>>, %arg89: memref<32x1xf32, #tpu.memory_space<vmem>>, %arg90: memref<32x1xf32, #tpu.memory_space<vmem>>, %arg91: memref<32x32xf32, #tpu.memory_space<vmem>>, %arg92: memref<32x1xf32, #tpu.memory_space<vmem>>, %arg93: memref<32x1xf32, #tpu.memory_space<vmem>>, %arg94: memref<32x1xf32, #tpu.memory_space<vmem>>, %arg95: memref<64x32xf32, #tpu.memory_space<vmem>>, %arg96: memref<64x1xf32, #tpu.memory_space<vmem>>, %arg97: memref<64x256xf32, #tpu.memory_space<vmem>>, %arg98: memref<64x1xf32, #tpu.memory_space<vmem>>, %arg99: memref<64x1xf32, #tpu.memory_space<vmem>>, %arg100: memref<64x1xf32, #tpu.memory_space<vmem>>, %arg101: memref<16x64xf32, #tpu.memory_space<vmem>>, %arg102: memref<16x1xf32, #tpu.memory_space<vmem>>, %arg103: memref<16x1xf32, #tpu.memory_space<vmem>>, %arg104: memref<16x1xf32, #tpu.memory_space<vmem>>, %arg105: memref<16x16xf32, #tpu.memory_space<vmem>>, %arg106: memref<16x1xf32, #tpu.memory_space<vmem>>, %arg107: memref<16x1xf32, #tpu.memory_space<vmem>>, %arg108: memref<16x1xf32, #tpu.memory_space<vmem>>, %arg109: memref<32x16xf32, #tpu.memory_space<vmem>>, %arg110: memref<32x1xf32, #tpu.memory_space<vmem>>, %arg111: memref<32x64xf32, #tpu.memory_space<vmem>>, %arg112: memref<32x1xf32, #tpu.memory_space<vmem>>, %arg113: memref<32x1xf32, #tpu.memory_space<vmem>>, %arg114: memref<32x1xf32, #tpu.memory_space<vmem>>, %arg115: memref<3x32xf32, #tpu.memory_space<vmem>>, %arg116: memref<3x1xf32, #tpu.memory_space<vmem>>, %arg117: memref<1x3x1792xf32, #tpu.memory_space<vmem>>) attributes {dimension_semantics = [#tpu.dimension_semantics<parallel>], iteration_bounds = array<i64: 32>, scalar_prefetch = 0 : i64, scratch_operands = 0 : i64, tpu.core_type = #tpu.core_type<tc>, window_params = [{transform_indices = @transform_0, window_bounds = array<i64: 1, 3, 4096>}, {pipeline_mode = #tpu.pipeline_mode<synchronous>, transform_indices = @transform_1, window_bounds = array<i64: 1792, 1792>}, {pipeline_mode = #tpu.pipeline_mode<synchronous>, transform_indices = @transform_2, window_bounds = array<i64: 3, 1792>}, {pipeline_mode = #tpu.pipeline_mode<synchronous>, transform_indices = @transform_3, window_bounds = array<i64: 64, 3>}, {pipeline_mode = #tpu.pipeline_mode<synchronous>, transform_indices = @transform_4, window_bounds = array<i64: 64, 1>}, {pipeline_mode = #tpu.pipeline_mode<synchronous>, transform_indices = @transform_5, window_bounds = array<i64: 512, 64>}, {pipeline_mode = #tpu.pipeline_mode<synchronous>, transform_indices = @transform_6, window_bounds = array<i64: 512, 1>}, {pipeline_mode = #tpu.pipeline_mode<synchronous>, transform_indices = @transform_7, window_bounds = array<i64: 512, 3>}, {pipeline_mode = #tpu.pipeline_mode<synchronous>, transform_indices = @transform_8, window_bounds = array<i64: 512, 512>}, {pipeline_mode = #tpu.pipeline_mode<synchronous>, transform_indices = @transform_9, window_bounds = array<i64: 512, 1>}, {pipeline_mode = #tpu.pipeline_mode<synchronous>, transform_indices = @transform_10, window_bounds = array<i64: 512, 1>}, {pipeline_mode = #tpu.pipeline_mode<synchronous>, transform_indices = @transform_11, window_bounds = array<i64: 512, 1>}, {pipeline_mode = #tpu.pipeline_mode<synchronous>, transform_indices = @transform_12, window_bounds = array<i64: 128, 512>}, {pipeline_mode = #tpu.pipeline_mode<synchronous>, transform_indices = @transform_13, window_bounds = array<i64: 128, 1>}, {pipeline_mode = #tpu.pipeline_mode<synchronous>, transform_indices = @transform_14, window_bounds = array<i64: 128, 1>}, {pipeline_mode = #tpu.pipeline_mode<synchronous>, transform_indices = @transform_15, window_bounds = array<i64: 128, 1>}, {pipeline_mode = #tpu.pipeline_mode<synchronous>, transform_indices = @transform_16, window_bounds = array<i64: 128, 128>}, {pipeline_mode = #tpu.pipeline_mode<synchronous>, transform_indices = @transform_17, window_bounds = array<i64: 128, 1>}, {pipeline_mode = #tpu.pipeline_mode<synchronous>, transform_indices = @transform_18, window_bounds = array<i64: 128, 1>}, {pipeline_mode = #tpu.pipeline_mode<synchronous>, transform_indices = @transform_19, window_bounds = array<i64: 128, 1>}, {pipeline_mode = #tpu.pipeline_mode<synchronous>, transform_indices = @transform_20, window_bounds = array<i64: 256, 128>}, {pipeline_mode = #tpu.pipeline_mode<synchronous>, transform_indices = @transform_21, window_bounds = array<i64: 256, 1>}, {pipeline_mode = #tpu.pipeline_mode<synchronous>, transform_indices = @transform_22, window_bounds = array<i64: 256, 512>}, {pipeline_mode = #tpu.pipeline_mode<synchronous>, transform_indices = @transform_23, window_bounds = array<i64: 256, 1>}, {pipeline_mode = #tpu.pipeline_mode<synchronous>, transform_indices = @transform_24, window_bounds = array<i64: 256, 1>}, {pipeline_mode = #tpu.pipeline_mode<synchronous>, transform_indices = @transform_25, window_bounds = array<i64: 256, 1>}, {pipeline_mode = #tpu.pipeline_mode<synchronous>, transform_indices = @transform_26, window_bounds = array<i64: 128, 256>}, {pipeline_mode = #tpu.pipeline_mode<synchronous>, transform_indices = @transform_27, window_bounds = array<i64: 128, 1>}, {pipeline_mode = #tpu.pipeline_mode<synchronous>, transform_indices = @transform_28, window_bounds = array<i64: 128, 1>}, {pipeline_mode = #tpu.pipeline_mode<synchronous>, transform_indices = @transform_29, window_bounds = array<i64: 128, 1>}, {pipeline_mode = #tpu.pipeline_mode<synchronous>, transform_indices = @transform_30, window_bounds = array<i64: 128, 128>}, {pipeline_mode = #tpu.pipeline_mode<synchronous>, transform_indices = @transform_31, window_bounds = array<i64: 128, 1>}, {pipeline_mode = #tpu.pipeline_mode<synchronous>, transform_indices = @transform_32, window_bounds = array<i64: 128, 1>}, {pipeline_mode = #tpu.pipeline_mode<synchronous>, transform_indices = @transform_33, window_bounds = array<i64: 128, 1>}, {pipeline_mode = #tpu.pipeline_mode<synchronous>, transform_indices = @transform_34, window_bounds = array<i64: 256, 128>}, {pipeline_mode = #tpu.pipeline_mode<synchronous>, transform_indices = @transform_35, window_bounds = array<i64: 256, 1>}, {pipeline_mode = #tpu.pipeline_mode<synchronous>, transform_indices = @transform_36, window_bounds = array<i64: 256, 1>}, {pipeline_mode = #tpu.pipeline_mode<synchronous>, transform_indices = @transform_37, window_bounds = array<i64: 256, 1>}, {pipeline_mode = #tpu.pipeline_mode<synchronous>, transform_indices = @transform_38, window_bounds = array<i64: 128, 256>}, {pipeline_mode = #tpu.pipeline_mode<synchronous>, transform_indices = @transform_39, window_bounds = array<i64: 128, 1>}, {pipeline_mode = #tpu.pipeline_mode<synchronous>, transform_indices = @transform_40, window_bounds = array<i64: 128, 1>}, {pipeline_mode = #tpu.pipeline_mode<synchronous>, transform_indices = @transform_41, window_bounds = array<i64: 128, 1>}, {pipeline_mode = #tpu.pipeline_mode<synchronous>, transform_indices = @transform_42, window_bounds = array<i64: 128, 128>}, {pipeline_mode = #tpu.pipeline_mode<synchronous>, transform_indices = @transform_43, window_bounds = array<i64: 128, 1>}, {pipeline_mode = #tpu.pipeline_mode<synchronous>, transform_indices = @transform_44, window_bounds = array<i64: 128, 1>}, {pipeline_mode = #tpu.pipeline_mode<synchronous>, transform_indices = @transform_45, window_bounds = array<i64: 128, 1>}, {pipeline_mode = #tpu.pipeline_mode<synchronous>, transform_indices = @transform_46, window_bounds = array<i64: 256, 128>}, {pipeline_mode = #tpu.pipeline_mode<synchronous>, transform_indices = @transform_47, window_bounds = array<i64: 256, 1>}, {pipeline_mode = #tpu.pipeline_mode<synchronous>, transform_indices = @transform_48, window_bounds = array<i64: 256, 1>}, {pipeline_mode = #tpu.pipeline_mode<synchronous>, transform_indices = @transform_49, window_bounds = array<i64: 256, 1>}, {pipeline_mode = #tpu.pipeline_mode<synchronous>, transform_indices = @transform_50, window_bounds = array<i64: 128, 256>}, {pipeline_mode = #tpu.pipeline_mode<synchronous>, transform_indices = @transform_51, window_bounds = array<i64: 128, 1>}, {pipeline_mode = #tpu.pipeline_mode<synchronous>, transform_indices = @transform_52, window_bounds = array<i64: 128, 1>}, {pipeline_mode = #tpu.pipeline_mode<synchronous>, transform_indices = @transform_53, window_bounds = array<i64: 128, 1>}, {pipeline_mode = #tpu.pipeline_mode<synchronous>, transform_indices = @transform_54, window_bounds = array<i64: 128, 128>}, {pipeline_mode = #tpu.pipeline_mode<synchronous>, transform_indices = @transform_55, window_bounds = array<i64: 128, 1>}, {pipeline_mode = #tpu.pipeline_mode<synchronous>, transform_indices = @transform_56, window_bounds = array<i64: 128, 1>}, {pipeline_mode = #tpu.pipeline_mode<synchronous>, transform_indices = @transform_57, window_bounds = array<i64: 128, 1>}, {pipeline_mode = #tpu.pipeline_mode<synchronous>, transform_indices = @transform_58, window_bounds = array<i64: 256, 128>}, {pipeline_mode = #tpu.pipeline_mode<synchronous>, transform_indices = @transform_59, window_bounds = array<i64: 256, 1>}, {pipeline_mode = #tpu.pipeline_mode<synchronous>, transform_indices = @transform_60, window_bounds = array<i64: 256, 1>}, {pipeline_mode = #tpu.pipeline_mode<synchronous>, transform_indices = @transform_61, window_bounds = array<i64: 256, 1>}, {pipeline_mode = #tpu.pipeline_mode<synchronous>, transform_indices = @transform_62, window_bounds = array<i64: 128, 256>}, {pipeline_mode = #tpu.pipeline_mode<synchronous>, transform_indices = @transform_63, window_bounds = array<i64: 128, 1>}, {pipeline_mode = #tpu.pipeline_mode<synchronous>, transform_indices = @transform_64, window_bounds = array<i64: 128, 1>}, {pipeline_mode = #tpu.pipeline_mode<synchronous>, transform_indices = @transform_65, window_bounds = array<i64: 128, 1>}, {pipeline_mode = #tpu.pipeline_mode<synchronous>, transform_indices = @transform_66, window_bounds = array<i64: 128, 128>}, {pipeline_mode = #tpu.pipeline_mode<synchronous>, transform_indices = @transform_67, window_bounds = array<i64: 128, 1>}, {pipeline_mode = #tpu.pipeline_mode<synchronous>, transform_indices = @transform_68, window_bounds = array<i64: 128, 1>}, {pipeline_mode = #tpu.pipeline_mode<synchronous>, transform_indices = @transform_69, window_bounds = array<i64: 128, 1>}, {pipeline_mode = #tpu.pipeline_mode<synchronous>, transform_indices = @transform_70, window_bounds = array<i64: 256, 128>}, {pipeline_mode = #tpu.pipeline_mode<synchronous>, transform_indices = @transform_71, window_bounds = array<i64: 256, 1>}, {pipeline_mode = #tpu.pipeline_mode<synchronous>, transform_indices = @transform_72, window_bounds = array<i64: 256, 1>}, {pipeline_mode = #tpu.pipeline_mode<synchronous>, transform_indices = @transform_73, window_bounds = array<i64: 256, 1>}, {pipeline_mode = #tpu.pipeline_mode<synchronous>, transform_indices = @transform_74, window_bounds = array<i64: 128, 256>}, {pipeline_mode = #tpu.pipeline_mode<synchronous>, transform_indices = @transform_75, window_bounds = array<i64: 128, 1>}, {pipeline_mode = #tpu.pipeline_mode<synchronous>, transform_indices = @transform_76, window_bounds = array<i64: 128, 1>}, {pipeline_mode = #tpu.pipeline_mode<synchronous>, transform_indices = @transform_77, window_bounds = array<i64: 128, 1>}, {pipeline_mode = #tpu.pipeline_mode<synchronous>, transform_indices = @transform_78, window_bounds = array<i64: 128, 128>}, {pipeline_mode = #tpu.pipeline_mode<synchronous>, transform_indices = @transform_79, window_bounds = array<i64: 128, 1>}, {pipeline_mode = #tpu.pipeline_mode<synchronous>, transform_indices = @transform_80, window_bounds = array<i64: 128, 1>}, {pipeline_mode = #tpu.pipeline_mode<synchronous>, transform_indices = @transform_81, window_bounds = array<i64: 128, 1>}, {pipeline_mode = #tpu.pipeline_mode<synchronous>, transform_indices = @transform_82, window_bounds = array<i64: 256, 128>}, {pipeline_mode = #tpu.pipeline_mode<synchronous>, transform_indices = @transform_83, window_bounds = array<i64: 256, 1>}, {pipeline_mode = #tpu.pipeline_mode<synchronous>, transform_indices = @transform_84, window_bounds = array<i64: 256, 1>}, {pipeline_mode = #tpu.pipeline_mode<synchronous>, transform_indices = @transform_85, window_bounds = array<i64: 256, 1>}, {pipeline_mode = #tpu.pipeline_mode<synchronous>, transform_indices = @transform_86, window_bounds = array<i64: 32, 256>}, {pipeline_mode = #tpu.pipeline_mode<synchronous>, transform_indices = @transform_87, window_bounds = array<i64: 32, 1>}, {pipeline_mode = #tpu.pipeline_mode<synchronous>, transform_indices = @transform_88, window_bounds = array<i64: 32, 1>}, {pipeline_mode = #tpu.pipeline_mode<synchronous>, transform_indices = @transform_89, window_bounds = array<i64: 32, 1>}, {pipeline_mode = #tpu.pipeline_mode<synchronous>, transform_indices = @transform_90, window_bounds = array<i64: 32, 32>}, {pipeline_mode = #tpu.pipeline_mode<synchronous>, transform_indices = @transform_91, window_bounds = array<i64: 32, 1>}, {pipeline_mode = #tpu.pipeline_mode<synchronous>, transform_indices = @transform_92, window_bounds = array<i64: 32, 1>}, {pipeline_mode = #tpu.pipeline_mode<synchronous>, transform_indices = @transform_93, window_bounds = array<i64: 32, 1>}, {pipeline_mode = #tpu.pipeline_mode<synchronous>, transform_indices = @transform_94, window_bounds = array<i64: 64, 32>}, {pipeline_mode = #tpu.pipeline_mode<synchronous>, transform_indices = @transform_95, window_bounds = array<i64: 64, 1>}, {pipeline_mode = #tpu.pipeline_mode<synchronous>, transform_indices = @transform_96, window_bounds = array<i64: 64, 256>}, {pipeline_mode = #tpu.pipeline_mode<synchronous>, transform_indices = @transform_97, window_bounds = array<i64: 64, 1>}, {pipeline_mode = #tpu.pipeline_mode<synchronous>, transform_indices = @transform_98, window_bounds = array<i64: 64, 1>}, {pipeline_mode = #tpu.pipeline_mode<synchronous>, transform_indices = @transform_99, window_bounds = array<i64: 64, 1>}, {pipeline_mode = #tpu.pipeline_mode<synchronous>, transform_indices = @transform_100, window_bounds = array<i64: 16, 64>}, {pipeline_mode = #tpu.pipeline_mode<synchronous>, transform_indices = @transform_101, window_bounds = array<i64: 16, 1>}, {pipeline_mode = #tpu.pipeline_mode<synchronous>, transform_indices = @transform_102, window_bounds = array<i64: 16, 1>}, {pipeline_mode = #tpu.pipeline_mode<synchronous>, transform_indices = @transform_103, window_bounds = array<i64: 16, 1>}, {pipeline_mode = #tpu.pipeline_mode<synchronous>, transform_indices = @transform_104, window_bounds = array<i64: 16, 16>}, {pipeline_mode = #tpu.pipeline_mode<synchronous>, transform_indices = @transform_105, window_bounds = array<i64: 16, 1>}, {pipeline_mode = #tpu.pipeline_mode<synchronous>, transform_indices = @transform_106, window_bounds = array<i64: 16, 1>}, {pipeline_mode = #tpu.pipeline_mode<synchronous>, transform_indices = @transform_107, window_bounds = array<i64: 16, 1>}, {pipeline_mode = #tpu.pipeline_mode<synchronous>, transform_indices = @transform_108, window_bounds = array<i64: 32, 16>}, {pipeline_mode = #tpu.pipeline_mode<synchronous>, transform_indices = @transform_109, window_bounds = array<i64: 32, 1>}, {pipeline_mode = #tpu.pipeline_mode<synchronous>, transform_indices = @transform_110, window_bounds = array<i64: 32, 64>}, {pipeline_mode = #tpu.pipeline_mode<synchronous>, transform_indices = @transform_111, window_bounds = array<i64: 32, 1>}, {pipeline_mode = #tpu.pipeline_mode<synchronous>, transform_indices = @transform_112, window_bounds = array<i64: 32, 1>}, {pipeline_mode = #tpu.pipeline_mode<synchronous>, transform_indices = @transform_113, window_bounds = array<i64: 32, 1>}, {pipeline_mode = #tpu.pipeline_mode<synchronous>, transform_indices = @transform_114, window_bounds = array<i64: 3, 32>}, {pipeline_mode = #tpu.pipeline_mode<synchronous>, transform_indices = @transform_115, window_bounds = array<i64: 3, 1>}, {transform_indices = @transform_116, window_bounds = array<i64: 1, 3, 1792>}]} {
    %get3A = arith.constant 0 : index
    %get3A_0 = arith.constant 0 : index
    %get3A_1 = vector.load %arg4[%get3A, %get3A_0] : memref<64x3xf32, #tpu.memory_space<vmem>>, vector<64x3xf32>
    %get3A_2 = arith.constant 0 : index
    %get3A_3 = arith.constant 0 : index
    %get3A_4 = vector.load %arg5[%get3A_2, %get3A_3] : memref<64x1xf32, #tpu.memory_space<vmem>>, vector<64x1xf32>
    %get3A_5 = arith.constant 0 : index
    %get3A_6 = arith.constant 0 : index
    %get3A_7 = vector.load %arg6[%get3A_5, %get3A_6] : memref<512x64xf32, #tpu.memory_space<vmem>>, vector<512x64xf32>
    %get3A_8 = arith.constant 0 : index
    %get3A_9 = arith.constant 0 : index
    %get3A_10 = vector.load %arg7[%get3A_8, %get3A_9] : memref<512x1xf32, #tpu.memory_space<vmem>>, vector<512x1xf32>
    %get3A_11 = arith.constant 0 : index
    %get3A_12 = arith.constant 0 : index
    %get3A_13 = vector.load %arg8[%get3A_11, %get3A_12] : memref<512x3xf32, #tpu.memory_space<vmem>>, vector<512x3xf32>
    %get3A_14 = arith.constant 0 : index
    %get3A_15 = arith.constant 0 : index
    %get3A_16 = vector.load %arg9[%get3A_14, %get3A_15] : memref<512x512xf32, #tpu.memory_space<vmem>>, vector<512x512xf32>
    %get3A_17 = arith.constant 0 : index
    %get3A_18 = arith.constant 0 : index
    %get3A_19 = vector.load %arg10[%get3A_17, %get3A_18] : memref<512x1xf32, #tpu.memory_space<vmem>>, vector<512x1xf32>
    %get3A_20 = arith.constant 0 : index
    %get3A_21 = arith.constant 0 : index
    %get3A_22 = vector.load %arg11[%get3A_20, %get3A_21] : memref<512x1xf32, #tpu.memory_space<vmem>>, vector<512x1xf32>
    %get3A_23 = arith.constant 0 : index
    %get3A_24 = arith.constant 0 : index
    %get3A_25 = vector.load %arg12[%get3A_23, %get3A_24] : memref<512x1xf32, #tpu.memory_space<vmem>>, vector<512x1xf32>
    %get3A_26 = arith.constant 0 : index
    %get3A_27 = arith.constant 0 : index
    %get3A_28 = vector.load %arg13[%get3A_26, %get3A_27] : memref<128x512xf32, #tpu.memory_space<vmem>>, vector<128x512xf32>
    %get3A_29 = arith.constant 0 : index
    %get3A_30 = arith.constant 0 : index
    %get3A_31 = vector.load %arg14[%get3A_29, %get3A_30] : memref<128x1xf32, #tpu.memory_space<vmem>>, vector<128x1xf32>
    %get3A_32 = arith.constant 0 : index
    %get3A_33 = arith.constant 0 : index
    %get3A_34 = vector.load %arg15[%get3A_32, %get3A_33] : memref<128x1xf32, #tpu.memory_space<vmem>>, vector<128x1xf32>
    %get3A_35 = arith.constant 0 : index
    %get3A_36 = arith.constant 0 : index
    %get3A_37 = vector.load %arg16[%get3A_35, %get3A_36] : memref<128x1xf32, #tpu.memory_space<vmem>>, vector<128x1xf32>
    %get3A_38 = arith.constant 0 : index
    %get3A_39 = arith.constant 0 : index
    %get3A_40 = vector.load %arg17[%get3A_38, %get3A_39] : memref<128x128xf32, #tpu.memory_space<vmem>>, vector<128x128xf32>
    %get3A_41 = arith.constant 0 : index
    %get3A_42 = arith.constant 0 : index
    %get3A_43 = vector.load %arg18[%get3A_41, %get3A_42] : memref<128x1xf32, #tpu.memory_space<vmem>>, vector<128x1xf32>
    %get3A_44 = arith.constant 0 : index
    %get3A_45 = arith.constant 0 : index
    %get3A_46 = vector.load %arg19[%get3A_44, %get3A_45] : memref<128x1xf32, #tpu.memory_space<vmem>>, vector<128x1xf32>
    %get3A_47 = arith.constant 0 : index
    %get3A_48 = arith.constant 0 : index
    %get3A_49 = vector.load %arg20[%get3A_47, %get3A_48] : memref<128x1xf32, #tpu.memory_space<vmem>>, vector<128x1xf32>
    %get3A_50 = arith.constant 0 : index
    %get3A_51 = arith.constant 0 : index
    %get3A_52 = vector.load %arg21[%get3A_50, %get3A_51] : memref<256x128xf32, #tpu.memory_space<vmem>>, vector<256x128xf32>
    %get3A_53 = arith.constant 0 : index
    %get3A_54 = arith.constant 0 : index
    %get3A_55 = vector.load %arg22[%get3A_53, %get3A_54] : memref<256x1xf32, #tpu.memory_space<vmem>>, vector<256x1xf32>
    %get3A_56 = arith.constant 0 : index
    %get3A_57 = arith.constant 0 : index
    %get3A_58 = vector.load %arg23[%get3A_56, %get3A_57] : memref<256x512xf32, #tpu.memory_space<vmem>>, vector<256x512xf32>
    %get3A_59 = arith.constant 0 : index
    %get3A_60 = arith.constant 0 : index
    %get3A_61 = vector.load %arg24[%get3A_59, %get3A_60] : memref<256x1xf32, #tpu.memory_space<vmem>>, vector<256x1xf32>
    %get3A_62 = arith.constant 0 : index
    %get3A_63 = arith.constant 0 : index
    %get3A_64 = vector.load %arg25[%get3A_62, %get3A_63] : memref<256x1xf32, #tpu.memory_space<vmem>>, vector<256x1xf32>
    %get3A_65 = arith.constant 0 : index
    %get3A_66 = arith.constant 0 : index
    %get3A_67 = vector.load %arg26[%get3A_65, %get3A_66] : memref<256x1xf32, #tpu.memory_space<vmem>>, vector<256x1xf32>
    %get3A_68 = arith.constant 0 : index
    %get3A_69 = arith.constant 0 : index
    %get3A_70 = vector.load %arg27[%get3A_68, %get3A_69] : memref<128x256xf32, #tpu.memory_space<vmem>>, vector<128x256xf32>
    %get3A_71 = arith.constant 0 : index
    %get3A_72 = arith.constant 0 : index
    %get3A_73 = vector.load %arg28[%get3A_71, %get3A_72] : memref<128x1xf32, #tpu.memory_space<vmem>>, vector<128x1xf32>
    %get3A_74 = arith.constant 0 : index
    %get3A_75 = arith.constant 0 : index
    %get3A_76 = vector.load %arg29[%get3A_74, %get3A_75] : memref<128x1xf32, #tpu.memory_space<vmem>>, vector<128x1xf32>
    %get3A_77 = arith.constant 0 : index
    %get3A_78 = arith.constant 0 : index
    %get3A_79 = vector.load %arg30[%get3A_77, %get3A_78] : memref<128x1xf32, #tpu.memory_space<vmem>>, vector<128x1xf32>
    %get3A_80 = arith.constant 0 : index
    %get3A_81 = arith.constant 0 : index
    %get3A_82 = vector.load %arg31[%get3A_80, %get3A_81] : memref<128x128xf32, #tpu.memory_space<vmem>>, vector<128x128xf32>
    %get3A_83 = arith.constant 0 : index
    %get3A_84 = arith.constant 0 : index
    %get3A_85 = vector.load %arg32[%get3A_83, %get3A_84] : memref<128x1xf32, #tpu.memory_space<vmem>>, vector<128x1xf32>
    %get3A_86 = arith.constant 0 : index
    %get3A_87 = arith.constant 0 : index
    %get3A_88 = vector.load %arg33[%get3A_86, %get3A_87] : memref<128x1xf32, #tpu.memory_space<vmem>>, vector<128x1xf32>
    %get3A_89 = arith.constant 0 : index
    %get3A_90 = arith.constant 0 : index
    %get3A_91 = vector.load %arg34[%get3A_89, %get3A_90] : memref<128x1xf32, #tpu.memory_space<vmem>>, vector<128x1xf32>
    %get3A_92 = arith.constant 0 : index
    %get3A_93 = arith.constant 0 : index
    %get3A_94 = vector.load %arg35[%get3A_92, %get3A_93] : memref<256x128xf32, #tpu.memory_space<vmem>>, vector<256x128xf32>
    %get3A_95 = arith.constant 0 : index
    %get3A_96 = arith.constant 0 : index
    %get3A_97 = vector.load %arg36[%get3A_95, %get3A_96] : memref<256x1xf32, #tpu.memory_space<vmem>>, vector<256x1xf32>
    %get3A_98 = arith.constant 0 : index
    %get3A_99 = arith.constant 0 : index
    %get3A_100 = vector.load %arg37[%get3A_98, %get3A_99] : memref<256x1xf32, #tpu.memory_space<vmem>>, vector<256x1xf32>
    %get3A_101 = arith.constant 0 : index
    %get3A_102 = arith.constant 0 : index
    %get3A_103 = vector.load %arg38[%get3A_101, %get3A_102] : memref<256x1xf32, #tpu.memory_space<vmem>>, vector<256x1xf32>
    %get3A_104 = arith.constant 0 : index
    %get3A_105 = arith.constant 0 : index
    %get3A_106 = vector.load %arg39[%get3A_104, %get3A_105] : memref<128x256xf32, #tpu.memory_space<vmem>>, vector<128x256xf32>
    %get3A_107 = arith.constant 0 : index
    %get3A_108 = arith.constant 0 : index
    %get3A_109 = vector.load %arg40[%get3A_107, %get3A_108] : memref<128x1xf32, #tpu.memory_space<vmem>>, vector<128x1xf32>
    %get3A_110 = arith.constant 0 : index
    %get3A_111 = arith.constant 0 : index
    %get3A_112 = vector.load %arg41[%get3A_110, %get3A_111] : memref<128x1xf32, #tpu.memory_space<vmem>>, vector<128x1xf32>
    %get3A_113 = arith.constant 0 : index
    %get3A_114 = arith.constant 0 : index
    %get3A_115 = vector.load %arg42[%get3A_113, %get3A_114] : memref<128x1xf32, #tpu.memory_space<vmem>>, vector<128x1xf32>
    %get3A_116 = arith.constant 0 : index
    %get3A_117 = arith.constant 0 : index
    %get3A_118 = vector.load %arg43[%get3A_116, %get3A_117] : memref<128x128xf32, #tpu.memory_space<vmem>>, vector<128x128xf32>
    %get3A_119 = arith.constant 0 : index
    %get3A_120 = arith.constant 0 : index
    %get3A_121 = vector.load %arg44[%get3A_119, %get3A_120] : memref<128x1xf32, #tpu.memory_space<vmem>>, vector<128x1xf32>
    %get3A_122 = arith.constant 0 : index
    %get3A_123 = arith.constant 0 : index
    %get3A_124 = vector.load %arg45[%get3A_122, %get3A_123] : memref<128x1xf32, #tpu.memory_space<vmem>>, vector<128x1xf32>
    %get3A_125 = arith.constant 0 : index
    %get3A_126 = arith.constant 0 : index
    %get3A_127 = vector.load %arg46[%get3A_125, %get3A_126] : memref<128x1xf32, #tpu.memory_space<vmem>>, vector<128x1xf32>
    %get3A_128 = arith.constant 0 : index
    %get3A_129 = arith.constant 0 : index
    %get3A_130 = vector.load %arg47[%get3A_128, %get3A_129] : memref<256x128xf32, #tpu.memory_space<vmem>>, vector<256x128xf32>
    %get3A_131 = arith.constant 0 : index
    %get3A_132 = arith.constant 0 : index
    %get3A_133 = vector.load %arg48[%get3A_131, %get3A_132] : memref<256x1xf32, #tpu.memory_space<vmem>>, vector<256x1xf32>
    %get3A_134 = arith.constant 0 : index
    %get3A_135 = arith.constant 0 : index
    %get3A_136 = vector.load %arg49[%get3A_134, %get3A_135] : memref<256x1xf32, #tpu.memory_space<vmem>>, vector<256x1xf32>
    %get3A_137 = arith.constant 0 : index
    %get3A_138 = arith.constant 0 : index
    %get3A_139 = vector.load %arg50[%get3A_137, %get3A_138] : memref<256x1xf32, #tpu.memory_space<vmem>>, vector<256x1xf32>
    %get3A_140 = arith.constant 0 : index
    %get3A_141 = arith.constant 0 : index
    %get3A_142 = vector.load %arg51[%get3A_140, %get3A_141] : memref<128x256xf32, #tpu.memory_space<vmem>>, vector<128x256xf32>
    %get3A_143 = arith.constant 0 : index
    %get3A_144 = arith.constant 0 : index
    %get3A_145 = vector.load %arg52[%get3A_143, %get3A_144] : memref<128x1xf32, #tpu.memory_space<vmem>>, vector<128x1xf32>
    %get3A_146 = arith.constant 0 : index
    %get3A_147 = arith.constant 0 : index
    %get3A_148 = vector.load %arg53[%get3A_146, %get3A_147] : memref<128x1xf32, #tpu.memory_space<vmem>>, vector<128x1xf32>
    %get3A_149 = arith.constant 0 : index
    %get3A_150 = arith.constant 0 : index
    %get3A_151 = vector.load %arg54[%get3A_149, %get3A_150] : memref<128x1xf32, #tpu.memory_space<vmem>>, vector<128x1xf32>
    %get3A_152 = arith.constant 0 : index
    %get3A_153 = arith.constant 0 : index
    %get3A_154 = vector.load %arg55[%get3A_152, %get3A_153] : memref<128x128xf32, #tpu.memory_space<vmem>>, vector<128x128xf32>
    %get3A_155 = arith.constant 0 : index
    %get3A_156 = arith.constant 0 : index
    %get3A_157 = vector.load %arg56[%get3A_155, %get3A_156] : memref<128x1xf32, #tpu.memory_space<vmem>>, vector<128x1xf32>
    %get3A_158 = arith.constant 0 : index
    %get3A_159 = arith.constant 0 : index
    %get3A_160 = vector.load %arg57[%get3A_158, %get3A_159] : memref<128x1xf32, #tpu.memory_space<vmem>>, vector<128x1xf32>
    %get3A_161 = arith.constant 0 : index
    %get3A_162 = arith.constant 0 : index
    %get3A_163 = vector.load %arg58[%get3A_161, %get3A_162] : memref<128x1xf32, #tpu.memory_space<vmem>>, vector<128x1xf32>
    %get3A_164 = arith.constant 0 : index
    %get3A_165 = arith.constant 0 : index
    %get3A_166 = vector.load %arg59[%get3A_164, %get3A_165] : memref<256x128xf32, #tpu.memory_space<vmem>>, vector<256x128xf32>
    %get3A_167 = arith.constant 0 : index
    %get3A_168 = arith.constant 0 : index
    %get3A_169 = vector.load %arg60[%get3A_167, %get3A_168] : memref<256x1xf32, #tpu.memory_space<vmem>>, vector<256x1xf32>
    %get3A_170 = arith.constant 0 : index
    %get3A_171 = arith.constant 0 : index
    %get3A_172 = vector.load %arg61[%get3A_170, %get3A_171] : memref<256x1xf32, #tpu.memory_space<vmem>>, vector<256x1xf32>
    %get3A_173 = arith.constant 0 : index
    %get3A_174 = arith.constant 0 : index
    %get3A_175 = vector.load %arg62[%get3A_173, %get3A_174] : memref<256x1xf32, #tpu.memory_space<vmem>>, vector<256x1xf32>
    %get3A_176 = arith.constant 0 : index
    %get3A_177 = arith.constant 0 : index
    %get3A_178 = vector.load %arg63[%get3A_176, %get3A_177] : memref<128x256xf32, #tpu.memory_space<vmem>>, vector<128x256xf32>
    %get3A_179 = arith.constant 0 : index
    %get3A_180 = arith.constant 0 : index
    %get3A_181 = vector.load %arg64[%get3A_179, %get3A_180] : memref<128x1xf32, #tpu.memory_space<vmem>>, vector<128x1xf32>
    %get3A_182 = arith.constant 0 : index
    %get3A_183 = arith.constant 0 : index
    %get3A_184 = vector.load %arg65[%get3A_182, %get3A_183] : memref<128x1xf32, #tpu.memory_space<vmem>>, vector<128x1xf32>
    %get3A_185 = arith.constant 0 : index
    %get3A_186 = arith.constant 0 : index
    %get3A_187 = vector.load %arg66[%get3A_185, %get3A_186] : memref<128x1xf32, #tpu.memory_space<vmem>>, vector<128x1xf32>
    %get3A_188 = arith.constant 0 : index
    %get3A_189 = arith.constant 0 : index
    %get3A_190 = vector.load %arg67[%get3A_188, %get3A_189] : memref<128x128xf32, #tpu.memory_space<vmem>>, vector<128x128xf32>
    %get3A_191 = arith.constant 0 : index
    %get3A_192 = arith.constant 0 : index
    %get3A_193 = vector.load %arg68[%get3A_191, %get3A_192] : memref<128x1xf32, #tpu.memory_space<vmem>>, vector<128x1xf32>
    %get3A_194 = arith.constant 0 : index
    %get3A_195 = arith.constant 0 : index
    %get3A_196 = vector.load %arg69[%get3A_194, %get3A_195] : memref<128x1xf32, #tpu.memory_space<vmem>>, vector<128x1xf32>
    %get3A_197 = arith.constant 0 : index
    %get3A_198 = arith.constant 0 : index
    %get3A_199 = vector.load %arg70[%get3A_197, %get3A_198] : memref<128x1xf32, #tpu.memory_space<vmem>>, vector<128x1xf32>
    %get3A_200 = arith.constant 0 : index
    %get3A_201 = arith.constant 0 : index
    %get3A_202 = vector.load %arg71[%get3A_200, %get3A_201] : memref<256x128xf32, #tpu.memory_space<vmem>>, vector<256x128xf32>
    %get3A_203 = arith.constant 0 : index
    %get3A_204 = arith.constant 0 : index
    %get3A_205 = vector.load %arg72[%get3A_203, %get3A_204] : memref<256x1xf32, #tpu.memory_space<vmem>>, vector<256x1xf32>
    %get3A_206 = arith.constant 0 : index
    %get3A_207 = arith.constant 0 : index
    %get3A_208 = vector.load %arg73[%get3A_206, %get3A_207] : memref<256x1xf32, #tpu.memory_space<vmem>>, vector<256x1xf32>
    %get3A_209 = arith.constant 0 : index
    %get3A_210 = arith.constant 0 : index
    %get3A_211 = vector.load %arg74[%get3A_209, %get3A_210] : memref<256x1xf32, #tpu.memory_space<vmem>>, vector<256x1xf32>
    %get3A_212 = arith.constant 0 : index
    %get3A_213 = arith.constant 0 : index
    %get3A_214 = vector.load %arg75[%get3A_212, %get3A_213] : memref<128x256xf32, #tpu.memory_space<vmem>>, vector<128x256xf32>
    %get3A_215 = arith.constant 0 : index
    %get3A_216 = arith.constant 0 : index
    %get3A_217 = vector.load %arg76[%get3A_215, %get3A_216] : memref<128x1xf32, #tpu.memory_space<vmem>>, vector<128x1xf32>
    %get3A_218 = arith.constant 0 : index
    %get3A_219 = arith.constant 0 : index
    %get3A_220 = vector.load %arg77[%get3A_218, %get3A_219] : memref<128x1xf32, #tpu.memory_space<vmem>>, vector<128x1xf32>
    %get3A_221 = arith.constant 0 : index
    %get3A_222 = arith.constant 0 : index
    %get3A_223 = vector.load %arg78[%get3A_221, %get3A_222] : memref<128x1xf32, #tpu.memory_space<vmem>>, vector<128x1xf32>
    %get3A_224 = arith.constant 0 : index
    %get3A_225 = arith.constant 0 : index
    %get3A_226 = vector.load %arg79[%get3A_224, %get3A_225] : memref<128x128xf32, #tpu.memory_space<vmem>>, vector<128x128xf32>
    %get3A_227 = arith.constant 0 : index
    %get3A_228 = arith.constant 0 : index
    %get3A_229 = vector.load %arg80[%get3A_227, %get3A_228] : memref<128x1xf32, #tpu.memory_space<vmem>>, vector<128x1xf32>
    %get3A_230 = arith.constant 0 : index
    %get3A_231 = arith.constant 0 : index
    %get3A_232 = vector.load %arg81[%get3A_230, %get3A_231] : memref<128x1xf32, #tpu.memory_space<vmem>>, vector<128x1xf32>
    %get3A_233 = arith.constant 0 : index
    %get3A_234 = arith.constant 0 : index
    %get3A_235 = vector.load %arg82[%get3A_233, %get3A_234] : memref<128x1xf32, #tpu.memory_space<vmem>>, vector<128x1xf32>
    %get3A_236 = arith.constant 0 : index
    %get3A_237 = arith.constant 0 : index
    %get3A_238 = vector.load %arg83[%get3A_236, %get3A_237] : memref<256x128xf32, #tpu.memory_space<vmem>>, vector<256x128xf32>
    %get3A_239 = arith.constant 0 : index
    %get3A_240 = arith.constant 0 : index
    %get3A_241 = vector.load %arg84[%get3A_239, %get3A_240] : memref<256x1xf32, #tpu.memory_space<vmem>>, vector<256x1xf32>
    %get3A_242 = arith.constant 0 : index
    %get3A_243 = arith.constant 0 : index
    %get3A_244 = vector.load %arg85[%get3A_242, %get3A_243] : memref<256x1xf32, #tpu.memory_space<vmem>>, vector<256x1xf32>
    %get3A_245 = arith.constant 0 : index
    %get3A_246 = arith.constant 0 : index
    %get3A_247 = vector.load %arg86[%get3A_245, %get3A_246] : memref<256x1xf32, #tpu.memory_space<vmem>>, vector<256x1xf32>
    %get3A_248 = arith.constant 0 : index
    %get3A_249 = arith.constant 0 : index
    %get3A_250 = vector.load %arg87[%get3A_248, %get3A_249] : memref<32x256xf32, #tpu.memory_space<vmem>>, vector<32x256xf32>
    %get3A_251 = arith.constant 0 : index
    %get3A_252 = arith.constant 0 : index
    %get3A_253 = vector.load %arg88[%get3A_251, %get3A_252] : memref<32x1xf32, #tpu.memory_space<vmem>>, vector<32x1xf32>
    %get3A_254 = arith.constant 0 : index
    %get3A_255 = arith.constant 0 : index
    %get3A_256 = vector.load %arg89[%get3A_254, %get3A_255] : memref<32x1xf32, #tpu.memory_space<vmem>>, vector<32x1xf32>
    %get3A_257 = arith.constant 0 : index
    %get3A_258 = arith.constant 0 : index
    %get3A_259 = vector.load %arg90[%get3A_257, %get3A_258] : memref<32x1xf32, #tpu.memory_space<vmem>>, vector<32x1xf32>
    %get3A_260 = arith.constant 0 : index
    %get3A_261 = arith.constant 0 : index
    %get3A_262 = vector.load %arg91[%get3A_260, %get3A_261] : memref<32x32xf32, #tpu.memory_space<vmem>>, vector<32x32xf32>
    %get3A_263 = arith.constant 0 : index
    %get3A_264 = arith.constant 0 : index
    %get3A_265 = vector.load %arg92[%get3A_263, %get3A_264] : memref<32x1xf32, #tpu.memory_space<vmem>>, vector<32x1xf32>
    %get3A_266 = arith.constant 0 : index
    %get3A_267 = arith.constant 0 : index
    %get3A_268 = vector.load %arg93[%get3A_266, %get3A_267] : memref<32x1xf32, #tpu.memory_space<vmem>>, vector<32x1xf32>
    %get3A_269 = arith.constant 0 : index
    %get3A_270 = arith.constant 0 : index
    %get3A_271 = vector.load %arg94[%get3A_269, %get3A_270] : memref<32x1xf32, #tpu.memory_space<vmem>>, vector<32x1xf32>
    %get3A_272 = arith.constant 0 : index
    %get3A_273 = arith.constant 0 : index
    %get3A_274 = vector.load %arg95[%get3A_272, %get3A_273] : memref<64x32xf32, #tpu.memory_space<vmem>>, vector<64x32xf32>
    %get3A_275 = arith.constant 0 : index
    %get3A_276 = arith.constant 0 : index
    %get3A_277 = vector.load %arg96[%get3A_275, %get3A_276] : memref<64x1xf32, #tpu.memory_space<vmem>>, vector<64x1xf32>
    %get3A_278 = arith.constant 0 : index
    %get3A_279 = arith.constant 0 : index
    %get3A_280 = vector.load %arg97[%get3A_278, %get3A_279] : memref<64x256xf32, #tpu.memory_space<vmem>>, vector<64x256xf32>
    %get3A_281 = arith.constant 0 : index
    %get3A_282 = arith.constant 0 : index
    %get3A_283 = vector.load %arg98[%get3A_281, %get3A_282] : memref<64x1xf32, #tpu.memory_space<vmem>>, vector<64x1xf32>
    %get3A_284 = arith.constant 0 : index
    %get3A_285 = arith.constant 0 : index
    %get3A_286 = vector.load %arg99[%get3A_284, %get3A_285] : memref<64x1xf32, #tpu.memory_space<vmem>>, vector<64x1xf32>
    %get3A_287 = arith.constant 0 : index
    %get3A_288 = arith.constant 0 : index
    %get3A_289 = vector.load %arg100[%get3A_287, %get3A_288] : memref<64x1xf32, #tpu.memory_space<vmem>>, vector<64x1xf32>
    %get3A_290 = arith.constant 0 : index
    %get3A_291 = arith.constant 0 : index
    %get3A_292 = vector.load %arg101[%get3A_290, %get3A_291] : memref<16x64xf32, #tpu.memory_space<vmem>>, vector<16x64xf32>
    %get3A_293 = arith.constant 0 : index
    %get3A_294 = arith.constant 0 : index
    %get3A_295 = vector.load %arg102[%get3A_293, %get3A_294] : memref<16x1xf32, #tpu.memory_space<vmem>>, vector<16x1xf32>
    %get3A_296 = arith.constant 0 : index
    %get3A_297 = arith.constant 0 : index
    %get3A_298 = vector.load %arg103[%get3A_296, %get3A_297] : memref<16x1xf32, #tpu.memory_space<vmem>>, vector<16x1xf32>
    %get3A_299 = arith.constant 0 : index
    %get3A_300 = arith.constant 0 : index
    %get3A_301 = vector.load %arg104[%get3A_299, %get3A_300] : memref<16x1xf32, #tpu.memory_space<vmem>>, vector<16x1xf32>
    %get3A_302 = arith.constant 0 : index
    %get3A_303 = arith.constant 0 : index
    %get3A_304 = vector.load %arg105[%get3A_302, %get3A_303] : memref<16x16xf32, #tpu.memory_space<vmem>>, vector<16x16xf32>
    %get3A_305 = arith.constant 0 : index
    %get3A_306 = arith.constant 0 : index
    %get3A_307 = vector.load %arg106[%get3A_305, %get3A_306] : memref<16x1xf32, #tpu.memory_space<vmem>>, vector<16x1xf32>
    %get3A_308 = arith.constant 0 : index
    %get3A_309 = arith.constant 0 : index
    %get3A_310 = vector.load %arg107[%get3A_308, %get3A_309] : memref<16x1xf32, #tpu.memory_space<vmem>>, vector<16x1xf32>
    %get3A_311 = arith.constant 0 : index
    %get3A_312 = arith.constant 0 : index
    %get3A_313 = vector.load %arg108[%get3A_311, %get3A_312] : memref<16x1xf32, #tpu.memory_space<vmem>>, vector<16x1xf32>
    %get3A_314 = arith.constant 0 : index
    %get3A_315 = arith.constant 0 : index
    %get3A_316 = vector.load %arg109[%get3A_314, %get3A_315] : memref<32x16xf32, #tpu.memory_space<vmem>>, vector<32x16xf32>
    %get3A_317 = arith.constant 0 : index
    %get3A_318 = arith.constant 0 : index
    %get3A_319 = vector.load %arg110[%get3A_317, %get3A_318] : memref<32x1xf32, #tpu.memory_space<vmem>>, vector<32x1xf32>
    %get3A_320 = arith.constant 0 : index
    %get3A_321 = arith.constant 0 : index
    %get3A_322 = vector.load %arg111[%get3A_320, %get3A_321] : memref<32x64xf32, #tpu.memory_space<vmem>>, vector<32x64xf32>
    %get3A_323 = arith.constant 0 : index
    %get3A_324 = arith.constant 0 : index
    %get3A_325 = vector.load %arg112[%get3A_323, %get3A_324] : memref<32x1xf32, #tpu.memory_space<vmem>>, vector<32x1xf32>
    %get3A_326 = arith.constant 0 : index
    %get3A_327 = arith.constant 0 : index
    %get3A_328 = vector.load %arg113[%get3A_326, %get3A_327] : memref<32x1xf32, #tpu.memory_space<vmem>>, vector<32x1xf32>
    %get3A_329 = arith.constant 0 : index
    %get3A_330 = arith.constant 0 : index
    %get3A_331 = vector.load %arg114[%get3A_329, %get3A_330] : memref<32x1xf32, #tpu.memory_space<vmem>>, vector<32x1xf32>
    %get3A_332 = arith.constant 0 : index
    %get3A_333 = arith.constant 0 : index
    %get3A_334 = vector.load %arg115[%get3A_332, %get3A_333] : memref<3x32xf32, #tpu.memory_space<vmem>>, vector<3x32xf32>
    %get3A_335 = arith.constant 0 : index
    %get3A_336 = arith.constant 0 : index
    %get3A_337 = vector.load %arg116[%get3A_335, %get3A_336] : memref<3x1xf32, #tpu.memory_space<vmem>>, vector<3x1xf32>
    %get3A_338 = arith.constant 0 : index
    %get3A_339 = arith.constant 0 : index
    %get3A_340 = vector.load %arg2[%get3A_338, %get3A_339] : memref<1792x1792xbf16, #tpu.memory_space<vmem>>, vector<1792x1792xbf16>
    %get3A_341 = arith.constant 0 : index
    %get3A_342 = arith.constant 0 : index
    %get3A_343 = arith.constant 0 : index
    %get3A_344 = vector.load %arg1[%get3A_341, %get3A_342, %get3A_343] : memref<1x3x4096xf32, #tpu.memory_space<vmem>>, vector<1x3x4096xf32>
    %get3A_345 = vector.shape_cast %get3A_344 : vector<1x3x4096xf32> to vector<3x4096xf32>
    %dot_general3A = arith.constant dense<0.000000e+00> : vector<64x4096xf32>
    %dot_general3A_346 = tpu.matmul %get3A_1, %get3A_345, %dot_general3A {dimension_numbers = #tpu.dot_dimension_numbers<[1], [0], [0], [1], [0, 0, 1, 1], [], []>, transpose_lhs_hint = false} : vector<64x3xf32>, vector<3x4096xf32>, vector<64x4096xf32> -> vector<64x4096xf32>
    %add3A = vector.broadcast %get3A_4 : vector<64x1xf32> to vector<64x4096xf32>
    %add3A_347 = arith.addf %dot_general3A_346, %add3A : vector<64x4096xf32>
    %max3A = arith.constant 0.000000e+00 : f32
    %max3A_348 = vector.broadcast %max3A : f32 to vector<64x4096xf32>
    %max3A_349 = arith.maximumf %add3A_347, %max3A_348 : vector<64x4096xf32>
    %dot_general3A_350 = arith.constant dense<0.000000e+00> : vector<512x4096xf32>
    %dot_general3A_351 = tpu.matmul %get3A_7, %max3A_349, %dot_general3A_350 {dimension_numbers = #tpu.dot_dimension_numbers<[1], [0], [0], [1], [0, 0, 1, 1], [], []>, transpose_lhs_hint = false} : vector<512x64xf32>, vector<64x4096xf32>, vector<512x4096xf32> -> vector<512x4096xf32>
    %add3A_352 = vector.broadcast %get3A_10 : vector<512x1xf32> to vector<512x4096xf32>
    %add3A_353 = arith.addf %dot_general3A_351, %add3A_352 : vector<512x4096xf32>
    %max3A_354 = arith.constant 0.000000e+00 : f32
    %max3A_355 = vector.broadcast %max3A_354 : f32 to vector<512x4096xf32>
    %max3A_356 = arith.maximumf %add3A_353, %max3A_355 : vector<512x4096xf32>
    %reduce_max3A = arith.constant dense<0xFF800000> : vector<512xf32>
    %reduce_max3A_357 = vector.multi_reduction <maximumf>, %max3A_356, %reduce_max3A [1] : vector<512x4096xf32> to vector<512xf32>
    %broadcast_in_dim3A = vector.shape_cast %reduce_max3A_357 : vector<512xf32> to vector<512x1xf32>
    %get3A_358 = arith.constant 0 : index
    %get3A_359 = arith.constant 0 : index
    %get3A_360 = vector.load %arg3[%get3A_358, %get3A_359] : memref<3x1792xf32, #tpu.memory_space<vmem>>, vector<3x1792xf32>
    %dot_general3A_361 = arith.constant dense<0.000000e+00> : vector<512x1792xf32>
    %dot_general3A_362 = tpu.matmul %get3A_13, %get3A_360, %dot_general3A_361 {dimension_numbers = #tpu.dot_dimension_numbers<[1], [0], [0], [1], [0, 0, 1, 1], [], []>, transpose_lhs_hint = false} : vector<512x3xf32>, vector<3x1792xf32>, vector<512x1792xf32> -> vector<512x1792xf32>
    %dot_general3A_363 = arith.constant dense<0.000000e+00> : vector<512x1xf32>
    %dot_general3A_364 = tpu.matmul %get3A_16, %broadcast_in_dim3A, %dot_general3A_363 {dimension_numbers = #tpu.dot_dimension_numbers<[1], [0], [0], [1], [0, 0, 1, 1], [], []>, transpose_lhs_hint = false} : vector<512x512xf32>, vector<512x1xf32>, vector<512x1xf32> -> vector<512x1xf32>
    %add3A_365 = vector.broadcast %dot_general3A_364 : vector<512x1xf32> to vector<512x1792xf32>
    %add3A_366 = arith.addf %dot_general3A_362, %add3A_365 : vector<512x1792xf32>
    %add3A_367 = vector.broadcast %get3A_19 : vector<512x1xf32> to vector<512x1792xf32>
    %add3A_368 = arith.addf %add3A_366, %add3A_367 : vector<512x1792xf32>
    %iota3A = tpu.iota {dimensions = array<i32: 0>} : vector<512x512xi32>
    %jit3A = arith.constant 8 : i32
    %div3A = vector.broadcast %jit3A : i32 to vector<512x512xi32>
    %div3A_369 = arith.divsi %iota3A, %div3A : vector<512x512xi32>
    %sign3A = arith.constant 0 : i32
    %sign3A_370 = vector.broadcast %sign3A : i32 to vector<512x512xi32>
    %sign3A_371 = arith.cmpi sgt, %iota3A, %sign3A_370 : vector<512x512xi32>
    %sign3A_372 = arith.extui %sign3A_371 : vector<512x512xi1> to vector<512x512xi32>
    %sign3A_373 = arith.constant 0 : i32
    %sign3A_374 = vector.broadcast %sign3A_373 : i32 to vector<512x512xi32>
    %sign3A_375 = arith.cmpi slt, %iota3A, %sign3A_374 : vector<512x512xi32>
    %sign3A_376 = arith.extui %sign3A_375 : vector<512x512xi1> to vector<512x512xi32>
    %sign3A_377 = arith.subi %sign3A_372, %sign3A_376 : vector<512x512xi32>
    %sign3A_378 = arith.constant 0 : i32
    %sign3A_379 = arith.cmpi sgt, %jit3A, %sign3A_378 : i32
    %sign3A_380 = arith.extui %sign3A_379 : i1 to i32
    %sign3A_381 = arith.constant 0 : i32
    %sign3A_382 = arith.cmpi slt, %jit3A, %sign3A_381 : i32
    %sign3A_383 = arith.extui %sign3A_382 : i1 to i32
    %sign3A_384 = arith.subi %sign3A_380, %sign3A_383 : i32
    %ne3A = vector.broadcast %sign3A_384 : i32 to vector<512x512xi32>
    %ne3A_385 = arith.cmpi ne, %sign3A_377, %ne3A : vector<512x512xi32>
    %rem3A = vector.broadcast %jit3A : i32 to vector<512x512xi32>
    %rem3A_386 = arith.remsi %iota3A, %rem3A : vector<512x512xi32>
    %ne3A_387 = arith.constant 0 : i32
    %ne3A_388 = vector.broadcast %ne3A_387 : i32 to vector<512x512xi32>
    %ne3A_389 = arith.cmpi ne, %rem3A_386, %ne3A_388 : vector<512x512xi32>
    %and3A = arith.andi %ne3A_385, %ne3A_389 : vector<512x512xi1>
    %sub3A = arith.constant 1 : i32
    %sub3A_390 = vector.broadcast %sub3A : i32 to vector<512x512xi32>
    %sub3A_391 = arith.subi %div3A_369, %sub3A_390 : vector<512x512xi32>
    %select_n3A = arith.select %and3A, %sub3A_391, %div3A_369 : vector<512x512xi1>, vector<512x512xi32>
    %iota3A_392 = tpu.iota {dimensions = array<i32: 1>} : vector<512x512xi32>
    %jit3A_393 = arith.constant 8 : i32
    %div3A_394 = vector.broadcast %jit3A_393 : i32 to vector<512x512xi32>
    %div3A_395 = arith.divsi %iota3A_392, %div3A_394 : vector<512x512xi32>
    %sign3A_396 = arith.constant 0 : i32
    %sign3A_397 = vector.broadcast %sign3A_396 : i32 to vector<512x512xi32>
    %sign3A_398 = arith.cmpi sgt, %iota3A_392, %sign3A_397 : vector<512x512xi32>
    %sign3A_399 = arith.extui %sign3A_398 : vector<512x512xi1> to vector<512x512xi32>
    %sign3A_400 = arith.constant 0 : i32
    %sign3A_401 = vector.broadcast %sign3A_400 : i32 to vector<512x512xi32>
    %sign3A_402 = arith.cmpi slt, %iota3A_392, %sign3A_401 : vector<512x512xi32>
    %sign3A_403 = arith.extui %sign3A_402 : vector<512x512xi1> to vector<512x512xi32>
    %sign3A_404 = arith.subi %sign3A_399, %sign3A_403 : vector<512x512xi32>
    %sign3A_405 = arith.constant 0 : i32
    %sign3A_406 = arith.cmpi sgt, %jit3A_393, %sign3A_405 : i32
    %sign3A_407 = arith.extui %sign3A_406 : i1 to i32
    %sign3A_408 = arith.constant 0 : i32
    %sign3A_409 = arith.cmpi slt, %jit3A_393, %sign3A_408 : i32
    %sign3A_410 = arith.extui %sign3A_409 : i1 to i32
    %sign3A_411 = arith.subi %sign3A_407, %sign3A_410 : i32
    %ne3A_412 = vector.broadcast %sign3A_411 : i32 to vector<512x512xi32>
    %ne3A_413 = arith.cmpi ne, %sign3A_404, %ne3A_412 : vector<512x512xi32>
    %rem3A_414 = vector.broadcast %jit3A_393 : i32 to vector<512x512xi32>
    %rem3A_415 = arith.remsi %iota3A_392, %rem3A_414 : vector<512x512xi32>
    %ne3A_416 = arith.constant 0 : i32
    %ne3A_417 = vector.broadcast %ne3A_416 : i32 to vector<512x512xi32>
    %ne3A_418 = arith.cmpi ne, %rem3A_415, %ne3A_417 : vector<512x512xi32>
    %and3A_419 = arith.andi %ne3A_413, %ne3A_418 : vector<512x512xi1>
    %sub3A_420 = arith.constant 1 : i32
    %sub3A_421 = vector.broadcast %sub3A_420 : i32 to vector<512x512xi32>
    %sub3A_422 = arith.subi %div3A_395, %sub3A_421 : vector<512x512xi32>
    %select_n3A_423 = arith.select %and3A_419, %sub3A_422, %div3A_395 : vector<512x512xi1>, vector<512x512xi32>
    %eq3A = arith.cmpi eq, %select_n3A, %select_n3A_423 : vector<512x512xi32>
    %convert_element_type3A = arith.extui %eq3A : vector<512x512xi1> to vector<512x512xi32>
    %convert_element_type3A_424 = arith.sitofp %convert_element_type3A : vector<512x512xi32> to vector<512x512xf32>
    %slice3A = vector.extract_strided_slice %add3A_368 {offsets = [0, 0], sizes = [512, 1723], strides = [1, 1]} : vector<512x1792xf32> to vector<512x1723xf32>
    %reduce_sum3A = arith.constant dense<0.000000e+00> : vector<512xf32>
    %reduce_sum3A_425 = vector.multi_reduction <add>, %slice3A, %reduce_sum3A [1] : vector<512x1723xf32> to vector<512xf32>
    %broadcast_in_dim3A_426 = vector.shape_cast %reduce_sum3A_425 : vector<512xf32> to vector<512x1xf32>
    %mul3A = arith.mulf %slice3A, %slice3A : vector<512x1723xf32>
    %reduce_sum3A_427 = arith.constant dense<0.000000e+00> : vector<512xf32>
    %reduce_sum3A_428 = vector.multi_reduction <add>, %mul3A, %reduce_sum3A_427 [1] : vector<512x1723xf32> to vector<512xf32>
    %broadcast_in_dim3A_429 = vector.shape_cast %reduce_sum3A_428 : vector<512xf32> to vector<512x1xf32>
    %dot_general3A_430 = arith.constant dense<0.000000e+00> : vector<512x1xf32>
    %dot_general3A_431 = tpu.matmul %convert_element_type3A_424, %broadcast_in_dim3A_426, %dot_general3A_430 {dimension_numbers = #tpu.dot_dimension_numbers<[1], [0], [0], [1], [0, 0, 1, 1], [], []>, transpose_lhs_hint = false} : vector<512x512xf32>, vector<512x1xf32>, vector<512x1xf32> -> vector<512x1xf32>
    %div3A_432 = arith.constant 1.378400e+04 : f32
    %div3A_433 = vector.broadcast %div3A_432 : f32 to vector<512x1xf32>
    %div3A_434 = arith.divf %dot_general3A_431, %div3A_433 : vector<512x1xf32>
    %dot_general3A_435 = arith.constant dense<0.000000e+00> : vector<512x1xf32>
    %dot_general3A_436 = tpu.matmul %convert_element_type3A_424, %broadcast_in_dim3A_429, %dot_general3A_435 {dimension_numbers = #tpu.dot_dimension_numbers<[1], [0], [0], [1], [0, 0, 1, 1], [], []>, transpose_lhs_hint = false} : vector<512x512xf32>, vector<512x1xf32>, vector<512x1xf32> -> vector<512x1xf32>
    %div3A_437 = arith.constant 1.378400e+04 : f32
    %div3A_438 = vector.broadcast %div3A_437 : f32 to vector<512x1xf32>
    %div3A_439 = arith.divf %dot_general3A_436, %div3A_438 : vector<512x1xf32>
    %mul3A_440 = arith.mulf %div3A_434, %div3A_434 : vector<512x1xf32>
    %sub3A_441 = arith.subf %div3A_439, %mul3A_440 : vector<512x1xf32>
    %add3A_442 = arith.constant 9.99999974E-6 : f32
    %add3A_443 = vector.broadcast %add3A_442 : f32 to vector<512x1xf32>
    %add3A_444 = arith.addf %sub3A_441, %add3A_443 : vector<512x1xf32>
    %rsqrt3A = math.rsqrt %add3A_444 : vector<512x1xf32>
    %mul3A_445 = arith.mulf %get3A_22, %rsqrt3A : vector<512x1xf32>
    %mul3A_446 = vector.broadcast %mul3A_445 : vector<512x1xf32> to vector<512x1792xf32>
    %mul3A_447 = arith.mulf %add3A_368, %mul3A_446 : vector<512x1792xf32>
    %mul3A_448 = arith.mulf %div3A_434, %mul3A_445 : vector<512x1xf32>
    %sub3A_449 = arith.subf %get3A_25, %mul3A_448 : vector<512x1xf32>
    %add3A_450 = vector.broadcast %sub3A_449 : vector<512x1xf32> to vector<512x1792xf32>
    %add3A_451 = arith.addf %mul3A_447, %add3A_450 : vector<512x1792xf32>
    %max3A_452 = arith.constant 0.000000e+00 : f32
    %max3A_453 = vector.broadcast %max3A_452 : f32 to vector<512x1792xf32>
    %max3A_454 = arith.maximumf %add3A_451, %max3A_453 : vector<512x1792xf32>
    %dot_general3A_455 = arith.constant dense<0.000000e+00> : vector<128x1792xf32>
    %dot_general3A_456 = tpu.matmul %get3A_28, %max3A_454, %dot_general3A_455 {dimension_numbers = #tpu.dot_dimension_numbers<[1], [0], [0], [1], [0, 0, 1, 1], [], []>, transpose_lhs_hint = false} : vector<128x512xf32>, vector<512x1792xf32>, vector<128x1792xf32> -> vector<128x1792xf32>
    %add3A_457 = vector.broadcast %get3A_31 : vector<128x1xf32> to vector<128x1792xf32>
    %add3A_458 = arith.addf %dot_general3A_456, %add3A_457 : vector<128x1792xf32>
    %iota3A_459 = tpu.iota {dimensions = array<i32: 0>} : vector<128x128xi32>
    %jit3A_460 = arith.constant 8 : i32
    %div3A_461 = vector.broadcast %jit3A_460 : i32 to vector<128x128xi32>
    %div3A_462 = arith.divsi %iota3A_459, %div3A_461 : vector<128x128xi32>
    %sign3A_463 = arith.constant 0 : i32
    %sign3A_464 = vector.broadcast %sign3A_463 : i32 to vector<128x128xi32>
    %sign3A_465 = arith.cmpi sgt, %iota3A_459, %sign3A_464 : vector<128x128xi32>
    %sign3A_466 = arith.extui %sign3A_465 : vector<128x128xi1> to vector<128x128xi32>
    %sign3A_467 = arith.constant 0 : i32
    %sign3A_468 = vector.broadcast %sign3A_467 : i32 to vector<128x128xi32>
    %sign3A_469 = arith.cmpi slt, %iota3A_459, %sign3A_468 : vector<128x128xi32>
    %sign3A_470 = arith.extui %sign3A_469 : vector<128x128xi1> to vector<128x128xi32>
    %sign3A_471 = arith.subi %sign3A_466, %sign3A_470 : vector<128x128xi32>
    %sign3A_472 = arith.constant 0 : i32
    %sign3A_473 = arith.cmpi sgt, %jit3A_460, %sign3A_472 : i32
    %sign3A_474 = arith.extui %sign3A_473 : i1 to i32
    %sign3A_475 = arith.constant 0 : i32
    %sign3A_476 = arith.cmpi slt, %jit3A_460, %sign3A_475 : i32
    %sign3A_477 = arith.extui %sign3A_476 : i1 to i32
    %sign3A_478 = arith.subi %sign3A_474, %sign3A_477 : i32
    %ne3A_479 = vector.broadcast %sign3A_478 : i32 to vector<128x128xi32>
    %ne3A_480 = arith.cmpi ne, %sign3A_471, %ne3A_479 : vector<128x128xi32>
    %rem3A_481 = vector.broadcast %jit3A_460 : i32 to vector<128x128xi32>
    %rem3A_482 = arith.remsi %iota3A_459, %rem3A_481 : vector<128x128xi32>
    %ne3A_483 = arith.constant 0 : i32
    %ne3A_484 = vector.broadcast %ne3A_483 : i32 to vector<128x128xi32>
    %ne3A_485 = arith.cmpi ne, %rem3A_482, %ne3A_484 : vector<128x128xi32>
    %and3A_486 = arith.andi %ne3A_480, %ne3A_485 : vector<128x128xi1>
    %sub3A_487 = arith.constant 1 : i32
    %sub3A_488 = vector.broadcast %sub3A_487 : i32 to vector<128x128xi32>
    %sub3A_489 = arith.subi %div3A_462, %sub3A_488 : vector<128x128xi32>
    %select_n3A_490 = arith.select %and3A_486, %sub3A_489, %div3A_462 : vector<128x128xi1>, vector<128x128xi32>
    %iota3A_491 = tpu.iota {dimensions = array<i32: 1>} : vector<128x128xi32>
    %jit3A_492 = arith.constant 8 : i32
    %div3A_493 = vector.broadcast %jit3A_492 : i32 to vector<128x128xi32>
    %div3A_494 = arith.divsi %iota3A_491, %div3A_493 : vector<128x128xi32>
    %sign3A_495 = arith.constant 0 : i32
    %sign3A_496 = vector.broadcast %sign3A_495 : i32 to vector<128x128xi32>
    %sign3A_497 = arith.cmpi sgt, %iota3A_491, %sign3A_496 : vector<128x128xi32>
    %sign3A_498 = arith.extui %sign3A_497 : vector<128x128xi1> to vector<128x128xi32>
    %sign3A_499 = arith.constant 0 : i32
    %sign3A_500 = vector.broadcast %sign3A_499 : i32 to vector<128x128xi32>
    %sign3A_501 = arith.cmpi slt, %iota3A_491, %sign3A_500 : vector<128x128xi32>
    %sign3A_502 = arith.extui %sign3A_501 : vector<128x128xi1> to vector<128x128xi32>
    %sign3A_503 = arith.subi %sign3A_498, %sign3A_502 : vector<128x128xi32>
    %sign3A_504 = arith.constant 0 : i32
    %sign3A_505 = arith.cmpi sgt, %jit3A_492, %sign3A_504 : i32
    %sign3A_506 = arith.extui %sign3A_505 : i1 to i32
    %sign3A_507 = arith.constant 0 : i32
    %sign3A_508 = arith.cmpi slt, %jit3A_492, %sign3A_507 : i32
    %sign3A_509 = arith.extui %sign3A_508 : i1 to i32
    %sign3A_510 = arith.subi %sign3A_506, %sign3A_509 : i32
    %ne3A_511 = vector.broadcast %sign3A_510 : i32 to vector<128x128xi32>
    %ne3A_512 = arith.cmpi ne, %sign3A_503, %ne3A_511 : vector<128x128xi32>
    %rem3A_513 = vector.broadcast %jit3A_492 : i32 to vector<128x128xi32>
    %rem3A_514 = arith.remsi %iota3A_491, %rem3A_513 : vector<128x128xi32>
    %ne3A_515 = arith.constant 0 : i32
    %ne3A_516 = vector.broadcast %ne3A_515 : i32 to vector<128x128xi32>
    %ne3A_517 = arith.cmpi ne, %rem3A_514, %ne3A_516 : vector<128x128xi32>
    %and3A_518 = arith.andi %ne3A_512, %ne3A_517 : vector<128x128xi1>
    %sub3A_519 = arith.constant 1 : i32
    %sub3A_520 = vector.broadcast %sub3A_519 : i32 to vector<128x128xi32>
    %sub3A_521 = arith.subi %div3A_494, %sub3A_520 : vector<128x128xi32>
    %select_n3A_522 = arith.select %and3A_518, %sub3A_521, %div3A_494 : vector<128x128xi1>, vector<128x128xi32>
    %eq3A_523 = arith.cmpi eq, %select_n3A_490, %select_n3A_522 : vector<128x128xi32>
    %convert_element_type3A_524 = arith.extui %eq3A_523 : vector<128x128xi1> to vector<128x128xi32>
    %convert_element_type3A_525 = arith.sitofp %convert_element_type3A_524 : vector<128x128xi32> to vector<128x128xf32>
    %slice3A_526 = vector.extract_strided_slice %add3A_458 {offsets = [0, 0], sizes = [128, 1723], strides = [1, 1]} : vector<128x1792xf32> to vector<128x1723xf32>
    %reduce_sum3A_527 = arith.constant dense<0.000000e+00> : vector<128xf32>
    %reduce_sum3A_528 = vector.multi_reduction <add>, %slice3A_526, %reduce_sum3A_527 [1] : vector<128x1723xf32> to vector<128xf32>
    %broadcast_in_dim3A_529 = vector.shape_cast %reduce_sum3A_528 : vector<128xf32> to vector<128x1xf32>
    %mul3A_530 = arith.mulf %slice3A_526, %slice3A_526 : vector<128x1723xf32>
    %reduce_sum3A_531 = arith.constant dense<0.000000e+00> : vector<128xf32>
    %reduce_sum3A_532 = vector.multi_reduction <add>, %mul3A_530, %reduce_sum3A_531 [1] : vector<128x1723xf32> to vector<128xf32>
    %broadcast_in_dim3A_533 = vector.shape_cast %reduce_sum3A_532 : vector<128xf32> to vector<128x1xf32>
    %dot_general3A_534 = arith.constant dense<0.000000e+00> : vector<128x1xf32>
    %dot_general3A_535 = tpu.matmul %convert_element_type3A_525, %broadcast_in_dim3A_529, %dot_general3A_534 {dimension_numbers = #tpu.dot_dimension_numbers<[1], [0], [0], [1], [0, 0, 1, 1], [], []>, transpose_lhs_hint = false} : vector<128x128xf32>, vector<128x1xf32>, vector<128x1xf32> -> vector<128x1xf32>
    %div3A_536 = arith.constant 1.378400e+04 : f32
    %div3A_537 = vector.broadcast %div3A_536 : f32 to vector<128x1xf32>
    %div3A_538 = arith.divf %dot_general3A_535, %div3A_537 : vector<128x1xf32>
    %dot_general3A_539 = arith.constant dense<0.000000e+00> : vector<128x1xf32>
    %dot_general3A_540 = tpu.matmul %convert_element_type3A_525, %broadcast_in_dim3A_533, %dot_general3A_539 {dimension_numbers = #tpu.dot_dimension_numbers<[1], [0], [0], [1], [0, 0, 1, 1], [], []>, transpose_lhs_hint = false} : vector<128x128xf32>, vector<128x1xf32>, vector<128x1xf32> -> vector<128x1xf32>
    %div3A_541 = arith.constant 1.378400e+04 : f32
    %div3A_542 = vector.broadcast %div3A_541 : f32 to vector<128x1xf32>
    %div3A_543 = arith.divf %dot_general3A_540, %div3A_542 : vector<128x1xf32>
    %mul3A_544 = arith.mulf %div3A_538, %div3A_538 : vector<128x1xf32>
    %sub3A_545 = arith.subf %div3A_543, %mul3A_544 : vector<128x1xf32>
    %add3A_546 = arith.constant 9.99999974E-6 : f32
    %add3A_547 = vector.broadcast %add3A_546 : f32 to vector<128x1xf32>
    %add3A_548 = arith.addf %sub3A_545, %add3A_547 : vector<128x1xf32>
    %rsqrt3A_549 = math.rsqrt %add3A_548 : vector<128x1xf32>
    %mul3A_550 = arith.mulf %get3A_34, %rsqrt3A_549 : vector<128x1xf32>
    %mul3A_551 = vector.broadcast %mul3A_550 : vector<128x1xf32> to vector<128x1792xf32>
    %mul3A_552 = arith.mulf %add3A_458, %mul3A_551 : vector<128x1792xf32>
    %mul3A_553 = arith.mulf %div3A_538, %mul3A_550 : vector<128x1xf32>
    %sub3A_554 = arith.subf %get3A_37, %mul3A_553 : vector<128x1xf32>
    %add3A_555 = vector.broadcast %sub3A_554 : vector<128x1xf32> to vector<128x1792xf32>
    %add3A_556 = arith.addf %mul3A_552, %add3A_555 : vector<128x1792xf32>
    %max3A_557 = arith.constant 0.000000e+00 : f32
    %max3A_558 = vector.broadcast %max3A_557 : f32 to vector<128x1792xf32>
    %max3A_559 = arith.maximumf %add3A_556, %max3A_558 : vector<128x1792xf32>
    %dot_general3A_560 = arith.constant dense<0.000000e+00> : vector<128x1792xf32>
    %dot_general3A_561 = tpu.matmul %get3A_40, %max3A_559, %dot_general3A_560 {dimension_numbers = #tpu.dot_dimension_numbers<[1], [0], [0], [1], [0, 0, 1, 1], [], []>, transpose_lhs_hint = false} : vector<128x128xf32>, vector<128x1792xf32>, vector<128x1792xf32> -> vector<128x1792xf32>
    %convert_element_type3A_562 = arith.truncf %dot_general3A_561 : vector<128x1792xf32> to vector<128x1792xbf16>
    %dot_general3A_563 = arith.constant dense<0.000000e+00> : vector<128x1792xf32>
    %dot_general3A_564 = tpu.matmul %convert_element_type3A_562, %get3A_340, %dot_general3A_563 {dimension_numbers = #tpu.dot_dimension_numbers<[1], [0], [0], [1], [0, 0, 1, 1], [], []>, transpose_lhs_hint = false} : vector<128x1792xbf16>, vector<1792x1792xbf16>, vector<128x1792xf32> -> vector<128x1792xf32>
    %add3A_565 = vector.broadcast %get3A_43 : vector<128x1xf32> to vector<128x1792xf32>
    %add3A_566 = arith.addf %dot_general3A_564, %add3A_565 : vector<128x1792xf32>
    %iota3A_567 = tpu.iota {dimensions = array<i32: 0>} : vector<128x128xi32>
    %jit3A_568 = arith.constant 8 : i32
    %div3A_569 = vector.broadcast %jit3A_568 : i32 to vector<128x128xi32>
    %div3A_570 = arith.divsi %iota3A_567, %div3A_569 : vector<128x128xi32>
    %sign3A_571 = arith.constant 0 : i32
    %sign3A_572 = vector.broadcast %sign3A_571 : i32 to vector<128x128xi32>
    %sign3A_573 = arith.cmpi sgt, %iota3A_567, %sign3A_572 : vector<128x128xi32>
    %sign3A_574 = arith.extui %sign3A_573 : vector<128x128xi1> to vector<128x128xi32>
    %sign3A_575 = arith.constant 0 : i32
    %sign3A_576 = vector.broadcast %sign3A_575 : i32 to vector<128x128xi32>
    %sign3A_577 = arith.cmpi slt, %iota3A_567, %sign3A_576 : vector<128x128xi32>
    %sign3A_578 = arith.extui %sign3A_577 : vector<128x128xi1> to vector<128x128xi32>
    %sign3A_579 = arith.subi %sign3A_574, %sign3A_578 : vector<128x128xi32>
    %sign3A_580 = arith.constant 0 : i32
    %sign3A_581 = arith.cmpi sgt, %jit3A_568, %sign3A_580 : i32
    %sign3A_582 = arith.extui %sign3A_581 : i1 to i32
    %sign3A_583 = arith.constant 0 : i32
    %sign3A_584 = arith.cmpi slt, %jit3A_568, %sign3A_583 : i32
    %sign3A_585 = arith.extui %sign3A_584 : i1 to i32
    %sign3A_586 = arith.subi %sign3A_582, %sign3A_585 : i32
    %ne3A_587 = vector.broadcast %sign3A_586 : i32 to vector<128x128xi32>
    %ne3A_588 = arith.cmpi ne, %sign3A_579, %ne3A_587 : vector<128x128xi32>
    %rem3A_589 = vector.broadcast %jit3A_568 : i32 to vector<128x128xi32>
    %rem3A_590 = arith.remsi %iota3A_567, %rem3A_589 : vector<128x128xi32>
    %ne3A_591 = arith.constant 0 : i32
    %ne3A_592 = vector.broadcast %ne3A_591 : i32 to vector<128x128xi32>
    %ne3A_593 = arith.cmpi ne, %rem3A_590, %ne3A_592 : vector<128x128xi32>
    %and3A_594 = arith.andi %ne3A_588, %ne3A_593 : vector<128x128xi1>
    %sub3A_595 = arith.constant 1 : i32
    %sub3A_596 = vector.broadcast %sub3A_595 : i32 to vector<128x128xi32>
    %sub3A_597 = arith.subi %div3A_570, %sub3A_596 : vector<128x128xi32>
    %select_n3A_598 = arith.select %and3A_594, %sub3A_597, %div3A_570 : vector<128x128xi1>, vector<128x128xi32>
    %iota3A_599 = tpu.iota {dimensions = array<i32: 1>} : vector<128x128xi32>
    %jit3A_600 = arith.constant 8 : i32
    %div3A_601 = vector.broadcast %jit3A_600 : i32 to vector<128x128xi32>
    %div3A_602 = arith.divsi %iota3A_599, %div3A_601 : vector<128x128xi32>
    %sign3A_603 = arith.constant 0 : i32
    %sign3A_604 = vector.broadcast %sign3A_603 : i32 to vector<128x128xi32>
    %sign3A_605 = arith.cmpi sgt, %iota3A_599, %sign3A_604 : vector<128x128xi32>
    %sign3A_606 = arith.extui %sign3A_605 : vector<128x128xi1> to vector<128x128xi32>
    %sign3A_607 = arith.constant 0 : i32
    %sign3A_608 = vector.broadcast %sign3A_607 : i32 to vector<128x128xi32>
    %sign3A_609 = arith.cmpi slt, %iota3A_599, %sign3A_608 : vector<128x128xi32>
    %sign3A_610 = arith.extui %sign3A_609 : vector<128x128xi1> to vector<128x128xi32>
    %sign3A_611 = arith.subi %sign3A_606, %sign3A_610 : vector<128x128xi32>
    %sign3A_612 = arith.constant 0 : i32
    %sign3A_613 = arith.cmpi sgt, %jit3A_600, %sign3A_612 : i32
    %sign3A_614 = arith.extui %sign3A_613 : i1 to i32
    %sign3A_615 = arith.constant 0 : i32
    %sign3A_616 = arith.cmpi slt, %jit3A_600, %sign3A_615 : i32
    %sign3A_617 = arith.extui %sign3A_616 : i1 to i32
    %sign3A_618 = arith.subi %sign3A_614, %sign3A_617 : i32
    %ne3A_619 = vector.broadcast %sign3A_618 : i32 to vector<128x128xi32>
    %ne3A_620 = arith.cmpi ne, %sign3A_611, %ne3A_619 : vector<128x128xi32>
    %rem3A_621 = vector.broadcast %jit3A_600 : i32 to vector<128x128xi32>
    %rem3A_622 = arith.remsi %iota3A_599, %rem3A_621 : vector<128x128xi32>
    %ne3A_623 = arith.constant 0 : i32
    %ne3A_624 = vector.broadcast %ne3A_623 : i32 to vector<128x128xi32>
    %ne3A_625 = arith.cmpi ne, %rem3A_622, %ne3A_624 : vector<128x128xi32>
    %and3A_626 = arith.andi %ne3A_620, %ne3A_625 : vector<128x128xi1>
    %sub3A_627 = arith.constant 1 : i32
    %sub3A_628 = vector.broadcast %sub3A_627 : i32 to vector<128x128xi32>
    %sub3A_629 = arith.subi %div3A_602, %sub3A_628 : vector<128x128xi32>
    %select_n3A_630 = arith.select %and3A_626, %sub3A_629, %div3A_602 : vector<128x128xi1>, vector<128x128xi32>
    %eq3A_631 = arith.cmpi eq, %select_n3A_598, %select_n3A_630 : vector<128x128xi32>
    %convert_element_type3A_632 = arith.extui %eq3A_631 : vector<128x128xi1> to vector<128x128xi32>
    %convert_element_type3A_633 = arith.sitofp %convert_element_type3A_632 : vector<128x128xi32> to vector<128x128xf32>
    %slice3A_634 = vector.extract_strided_slice %add3A_566 {offsets = [0, 0], sizes = [128, 1723], strides = [1, 1]} : vector<128x1792xf32> to vector<128x1723xf32>
    %reduce_sum3A_635 = arith.constant dense<0.000000e+00> : vector<128xf32>
    %reduce_sum3A_636 = vector.multi_reduction <add>, %slice3A_634, %reduce_sum3A_635 [1] : vector<128x1723xf32> to vector<128xf32>
    %broadcast_in_dim3A_637 = vector.shape_cast %reduce_sum3A_636 : vector<128xf32> to vector<128x1xf32>
    %mul3A_638 = arith.mulf %slice3A_634, %slice3A_634 : vector<128x1723xf32>
    %reduce_sum3A_639 = arith.constant dense<0.000000e+00> : vector<128xf32>
    %reduce_sum3A_640 = vector.multi_reduction <add>, %mul3A_638, %reduce_sum3A_639 [1] : vector<128x1723xf32> to vector<128xf32>
    %broadcast_in_dim3A_641 = vector.shape_cast %reduce_sum3A_640 : vector<128xf32> to vector<128x1xf32>
    %dot_general3A_642 = arith.constant dense<0.000000e+00> : vector<128x1xf32>
    %dot_general3A_643 = tpu.matmul %convert_element_type3A_633, %broadcast_in_dim3A_637, %dot_general3A_642 {dimension_numbers = #tpu.dot_dimension_numbers<[1], [0], [0], [1], [0, 0, 1, 1], [], []>, transpose_lhs_hint = false} : vector<128x128xf32>, vector<128x1xf32>, vector<128x1xf32> -> vector<128x1xf32>
    %div3A_644 = arith.constant 1.378400e+04 : f32
    %div3A_645 = vector.broadcast %div3A_644 : f32 to vector<128x1xf32>
    %div3A_646 = arith.divf %dot_general3A_643, %div3A_645 : vector<128x1xf32>
    %dot_general3A_647 = arith.constant dense<0.000000e+00> : vector<128x1xf32>
    %dot_general3A_648 = tpu.matmul %convert_element_type3A_633, %broadcast_in_dim3A_641, %dot_general3A_647 {dimension_numbers = #tpu.dot_dimension_numbers<[1], [0], [0], [1], [0, 0, 1, 1], [], []>, transpose_lhs_hint = false} : vector<128x128xf32>, vector<128x1xf32>, vector<128x1xf32> -> vector<128x1xf32>
    %div3A_649 = arith.constant 1.378400e+04 : f32
    %div3A_650 = vector.broadcast %div3A_649 : f32 to vector<128x1xf32>
    %div3A_651 = arith.divf %dot_general3A_648, %div3A_650 : vector<128x1xf32>
    %mul3A_652 = arith.mulf %div3A_646, %div3A_646 : vector<128x1xf32>
    %sub3A_653 = arith.subf %div3A_651, %mul3A_652 : vector<128x1xf32>
    %add3A_654 = arith.constant 9.99999974E-6 : f32
    %add3A_655 = vector.broadcast %add3A_654 : f32 to vector<128x1xf32>
    %add3A_656 = arith.addf %sub3A_653, %add3A_655 : vector<128x1xf32>
    %rsqrt3A_657 = math.rsqrt %add3A_656 : vector<128x1xf32>
    %mul3A_658 = arith.mulf %get3A_46, %rsqrt3A_657 : vector<128x1xf32>
    %mul3A_659 = vector.broadcast %mul3A_658 : vector<128x1xf32> to vector<128x1792xf32>
    %mul3A_660 = arith.mulf %add3A_566, %mul3A_659 : vector<128x1792xf32>
    %mul3A_661 = arith.mulf %div3A_646, %mul3A_658 : vector<128x1xf32>
    %sub3A_662 = arith.subf %get3A_49, %mul3A_661 : vector<128x1xf32>
    %add3A_663 = vector.broadcast %sub3A_662 : vector<128x1xf32> to vector<128x1792xf32>
    %add3A_664 = arith.addf %mul3A_660, %add3A_663 : vector<128x1792xf32>
    %max3A_665 = arith.constant 0.000000e+00 : f32
    %max3A_666 = vector.broadcast %max3A_665 : f32 to vector<128x1792xf32>
    %max3A_667 = arith.maximumf %add3A_664, %max3A_666 : vector<128x1792xf32>
    %dot_general3A_668 = arith.constant dense<0.000000e+00> : vector<256x1792xf32>
    %dot_general3A_669 = tpu.matmul %get3A_52, %max3A_667, %dot_general3A_668 {dimension_numbers = #tpu.dot_dimension_numbers<[1], [0], [0], [1], [0, 0, 1, 1], [], []>, transpose_lhs_hint = false} : vector<256x128xf32>, vector<128x1792xf32>, vector<256x1792xf32> -> vector<256x1792xf32>
    %add3A_670 = vector.broadcast %get3A_55 : vector<256x1xf32> to vector<256x1792xf32>
    %add3A_671 = arith.addf %dot_general3A_669, %add3A_670 : vector<256x1792xf32>
    %dot_general3A_672 = arith.constant dense<0.000000e+00> : vector<256x1792xf32>
    %dot_general3A_673 = tpu.matmul %get3A_58, %add3A_368, %dot_general3A_672 {dimension_numbers = #tpu.dot_dimension_numbers<[1], [0], [0], [1], [0, 0, 1, 1], [], []>, transpose_lhs_hint = false} : vector<256x512xf32>, vector<512x1792xf32>, vector<256x1792xf32> -> vector<256x1792xf32>
    %add3A_674 = vector.broadcast %get3A_61 : vector<256x1xf32> to vector<256x1792xf32>
    %add3A_675 = arith.addf %dot_general3A_673, %add3A_674 : vector<256x1792xf32>
    %add3A_676 = arith.addf %add3A_675, %add3A_671 : vector<256x1792xf32>
    %iota3A_677 = tpu.iota {dimensions = array<i32: 0>} : vector<256x256xi32>
    %jit3A_678 = arith.constant 8 : i32
    %div3A_679 = vector.broadcast %jit3A_678 : i32 to vector<256x256xi32>
    %div3A_680 = arith.divsi %iota3A_677, %div3A_679 : vector<256x256xi32>
    %sign3A_681 = arith.constant 0 : i32
    %sign3A_682 = vector.broadcast %sign3A_681 : i32 to vector<256x256xi32>
    %sign3A_683 = arith.cmpi sgt, %iota3A_677, %sign3A_682 : vector<256x256xi32>
    %sign3A_684 = arith.extui %sign3A_683 : vector<256x256xi1> to vector<256x256xi32>
    %sign3A_685 = arith.constant 0 : i32
    %sign3A_686 = vector.broadcast %sign3A_685 : i32 to vector<256x256xi32>
    %sign3A_687 = arith.cmpi slt, %iota3A_677, %sign3A_686 : vector<256x256xi32>
    %sign3A_688 = arith.extui %sign3A_687 : vector<256x256xi1> to vector<256x256xi32>
    %sign3A_689 = arith.subi %sign3A_684, %sign3A_688 : vector<256x256xi32>
    %sign3A_690 = arith.constant 0 : i32
    %sign3A_691 = arith.cmpi sgt, %jit3A_678, %sign3A_690 : i32
    %sign3A_692 = arith.extui %sign3A_691 : i1 to i32
    %sign3A_693 = arith.constant 0 : i32
    %sign3A_694 = arith.cmpi slt, %jit3A_678, %sign3A_693 : i32
    %sign3A_695 = arith.extui %sign3A_694 : i1 to i32
    %sign3A_696 = arith.subi %sign3A_692, %sign3A_695 : i32
    %ne3A_697 = vector.broadcast %sign3A_696 : i32 to vector<256x256xi32>
    %ne3A_698 = arith.cmpi ne, %sign3A_689, %ne3A_697 : vector<256x256xi32>
    %rem3A_699 = vector.broadcast %jit3A_678 : i32 to vector<256x256xi32>
    %rem3A_700 = arith.remsi %iota3A_677, %rem3A_699 : vector<256x256xi32>
    %ne3A_701 = arith.constant 0 : i32
    %ne3A_702 = vector.broadcast %ne3A_701 : i32 to vector<256x256xi32>
    %ne3A_703 = arith.cmpi ne, %rem3A_700, %ne3A_702 : vector<256x256xi32>
    %and3A_704 = arith.andi %ne3A_698, %ne3A_703 : vector<256x256xi1>
    %sub3A_705 = arith.constant 1 : i32
    %sub3A_706 = vector.broadcast %sub3A_705 : i32 to vector<256x256xi32>
    %sub3A_707 = arith.subi %div3A_680, %sub3A_706 : vector<256x256xi32>
    %select_n3A_708 = arith.select %and3A_704, %sub3A_707, %div3A_680 : vector<256x256xi1>, vector<256x256xi32>
    %iota3A_709 = tpu.iota {dimensions = array<i32: 1>} : vector<256x256xi32>
    %jit3A_710 = arith.constant 8 : i32
    %div3A_711 = vector.broadcast %jit3A_710 : i32 to vector<256x256xi32>
    %div3A_712 = arith.divsi %iota3A_709, %div3A_711 : vector<256x256xi32>
    %sign3A_713 = arith.constant 0 : i32
    %sign3A_714 = vector.broadcast %sign3A_713 : i32 to vector<256x256xi32>
    %sign3A_715 = arith.cmpi sgt, %iota3A_709, %sign3A_714 : vector<256x256xi32>
    %sign3A_716 = arith.extui %sign3A_715 : vector<256x256xi1> to vector<256x256xi32>
    %sign3A_717 = arith.constant 0 : i32
    %sign3A_718 = vector.broadcast %sign3A_717 : i32 to vector<256x256xi32>
    %sign3A_719 = arith.cmpi slt, %iota3A_709, %sign3A_718 : vector<256x256xi32>
    %sign3A_720 = arith.extui %sign3A_719 : vector<256x256xi1> to vector<256x256xi32>
    %sign3A_721 = arith.subi %sign3A_716, %sign3A_720 : vector<256x256xi32>
    %sign3A_722 = arith.constant 0 : i32
    %sign3A_723 = arith.cmpi sgt, %jit3A_710, %sign3A_722 : i32
    %sign3A_724 = arith.extui %sign3A_723 : i1 to i32
    %sign3A_725 = arith.constant 0 : i32
    %sign3A_726 = arith.cmpi slt, %jit3A_710, %sign3A_725 : i32
    %sign3A_727 = arith.extui %sign3A_726 : i1 to i32
    %sign3A_728 = arith.subi %sign3A_724, %sign3A_727 : i32
    %ne3A_729 = vector.broadcast %sign3A_728 : i32 to vector<256x256xi32>
    %ne3A_730 = arith.cmpi ne, %sign3A_721, %ne3A_729 : vector<256x256xi32>
    %rem3A_731 = vector.broadcast %jit3A_710 : i32 to vector<256x256xi32>
    %rem3A_732 = arith.remsi %iota3A_709, %rem3A_731 : vector<256x256xi32>
    %ne3A_733 = arith.constant 0 : i32
    %ne3A_734 = vector.broadcast %ne3A_733 : i32 to vector<256x256xi32>
    %ne3A_735 = arith.cmpi ne, %rem3A_732, %ne3A_734 : vector<256x256xi32>
    %and3A_736 = arith.andi %ne3A_730, %ne3A_735 : vector<256x256xi1>
    %sub3A_737 = arith.constant 1 : i32
    %sub3A_738 = vector.broadcast %sub3A_737 : i32 to vector<256x256xi32>
    %sub3A_739 = arith.subi %div3A_712, %sub3A_738 : vector<256x256xi32>
    %select_n3A_740 = arith.select %and3A_736, %sub3A_739, %div3A_712 : vector<256x256xi1>, vector<256x256xi32>
    %eq3A_741 = arith.cmpi eq, %select_n3A_708, %select_n3A_740 : vector<256x256xi32>
    %convert_element_type3A_742 = arith.extui %eq3A_741 : vector<256x256xi1> to vector<256x256xi32>
    %convert_element_type3A_743 = arith.sitofp %convert_element_type3A_742 : vector<256x256xi32> to vector<256x256xf32>
    %slice3A_744 = vector.extract_strided_slice %add3A_676 {offsets = [0, 0], sizes = [256, 1723], strides = [1, 1]} : vector<256x1792xf32> to vector<256x1723xf32>
    %reduce_sum3A_745 = arith.constant dense<0.000000e+00> : vector<256xf32>
    %reduce_sum3A_746 = vector.multi_reduction <add>, %slice3A_744, %reduce_sum3A_745 [1] : vector<256x1723xf32> to vector<256xf32>
    %broadcast_in_dim3A_747 = vector.shape_cast %reduce_sum3A_746 : vector<256xf32> to vector<256x1xf32>
    %mul3A_748 = arith.mulf %slice3A_744, %slice3A_744 : vector<256x1723xf32>
    %reduce_sum3A_749 = arith.constant dense<0.000000e+00> : vector<256xf32>
    %reduce_sum3A_750 = vector.multi_reduction <add>, %mul3A_748, %reduce_sum3A_749 [1] : vector<256x1723xf32> to vector<256xf32>
    %broadcast_in_dim3A_751 = vector.shape_cast %reduce_sum3A_750 : vector<256xf32> to vector<256x1xf32>
    %dot_general3A_752 = arith.constant dense<0.000000e+00> : vector<256x1xf32>
    %dot_general3A_753 = tpu.matmul %convert_element_type3A_743, %broadcast_in_dim3A_747, %dot_general3A_752 {dimension_numbers = #tpu.dot_dimension_numbers<[1], [0], [0], [1], [0, 0, 1, 1], [], []>, transpose_lhs_hint = false} : vector<256x256xf32>, vector<256x1xf32>, vector<256x1xf32> -> vector<256x1xf32>
    %div3A_754 = arith.constant 1.378400e+04 : f32
    %div3A_755 = vector.broadcast %div3A_754 : f32 to vector<256x1xf32>
    %div3A_756 = arith.divf %dot_general3A_753, %div3A_755 : vector<256x1xf32>
    %dot_general3A_757 = arith.constant dense<0.000000e+00> : vector<256x1xf32>
    %dot_general3A_758 = tpu.matmul %convert_element_type3A_743, %broadcast_in_dim3A_751, %dot_general3A_757 {dimension_numbers = #tpu.dot_dimension_numbers<[1], [0], [0], [1], [0, 0, 1, 1], [], []>, transpose_lhs_hint = false} : vector<256x256xf32>, vector<256x1xf32>, vector<256x1xf32> -> vector<256x1xf32>
    %div3A_759 = arith.constant 1.378400e+04 : f32
    %div3A_760 = vector.broadcast %div3A_759 : f32 to vector<256x1xf32>
    %div3A_761 = arith.divf %dot_general3A_758, %div3A_760 : vector<256x1xf32>
    %mul3A_762 = arith.mulf %div3A_756, %div3A_756 : vector<256x1xf32>
    %sub3A_763 = arith.subf %div3A_761, %mul3A_762 : vector<256x1xf32>
    %add3A_764 = arith.constant 9.99999974E-6 : f32
    %add3A_765 = vector.broadcast %add3A_764 : f32 to vector<256x1xf32>
    %add3A_766 = arith.addf %sub3A_763, %add3A_765 : vector<256x1xf32>
    %rsqrt3A_767 = math.rsqrt %add3A_766 : vector<256x1xf32>
    %mul3A_768 = arith.mulf %get3A_64, %rsqrt3A_767 : vector<256x1xf32>
    %mul3A_769 = vector.broadcast %mul3A_768 : vector<256x1xf32> to vector<256x1792xf32>
    %mul3A_770 = arith.mulf %add3A_676, %mul3A_769 : vector<256x1792xf32>
    %mul3A_771 = arith.mulf %div3A_756, %mul3A_768 : vector<256x1xf32>
    %sub3A_772 = arith.subf %get3A_67, %mul3A_771 : vector<256x1xf32>
    %add3A_773 = vector.broadcast %sub3A_772 : vector<256x1xf32> to vector<256x1792xf32>
    %add3A_774 = arith.addf %mul3A_770, %add3A_773 : vector<256x1792xf32>
    %max3A_775 = arith.constant 0.000000e+00 : f32
    %max3A_776 = vector.broadcast %max3A_775 : f32 to vector<256x1792xf32>
    %max3A_777 = arith.maximumf %add3A_774, %max3A_776 : vector<256x1792xf32>
    %dot_general3A_778 = arith.constant dense<0.000000e+00> : vector<128x1792xf32>
    %dot_general3A_779 = tpu.matmul %get3A_70, %max3A_777, %dot_general3A_778 {dimension_numbers = #tpu.dot_dimension_numbers<[1], [0], [0], [1], [0, 0, 1, 1], [], []>, transpose_lhs_hint = false} : vector<128x256xf32>, vector<256x1792xf32>, vector<128x1792xf32> -> vector<128x1792xf32>
    %add3A_780 = vector.broadcast %get3A_73 : vector<128x1xf32> to vector<128x1792xf32>
    %add3A_781 = arith.addf %dot_general3A_779, %add3A_780 : vector<128x1792xf32>
    %iota3A_782 = tpu.iota {dimensions = array<i32: 0>} : vector<128x128xi32>
    %jit3A_783 = arith.constant 8 : i32
    %div3A_784 = vector.broadcast %jit3A_783 : i32 to vector<128x128xi32>
    %div3A_785 = arith.divsi %iota3A_782, %div3A_784 : vector<128x128xi32>
    %sign3A_786 = arith.constant 0 : i32
    %sign3A_787 = vector.broadcast %sign3A_786 : i32 to vector<128x128xi32>
    %sign3A_788 = arith.cmpi sgt, %iota3A_782, %sign3A_787 : vector<128x128xi32>
    %sign3A_789 = arith.extui %sign3A_788 : vector<128x128xi1> to vector<128x128xi32>
    %sign3A_790 = arith.constant 0 : i32
    %sign3A_791 = vector.broadcast %sign3A_790 : i32 to vector<128x128xi32>
    %sign3A_792 = arith.cmpi slt, %iota3A_782, %sign3A_791 : vector<128x128xi32>
    %sign3A_793 = arith.extui %sign3A_792 : vector<128x128xi1> to vector<128x128xi32>
    %sign3A_794 = arith.subi %sign3A_789, %sign3A_793 : vector<128x128xi32>
    %sign3A_795 = arith.constant 0 : i32
    %sign3A_796 = arith.cmpi sgt, %jit3A_783, %sign3A_795 : i32
    %sign3A_797 = arith.extui %sign3A_796 : i1 to i32
    %sign3A_798 = arith.constant 0 : i32
    %sign3A_799 = arith.cmpi slt, %jit3A_783, %sign3A_798 : i32
    %sign3A_800 = arith.extui %sign3A_799 : i1 to i32
    %sign3A_801 = arith.subi %sign3A_797, %sign3A_800 : i32
    %ne3A_802 = vector.broadcast %sign3A_801 : i32 to vector<128x128xi32>
    %ne3A_803 = arith.cmpi ne, %sign3A_794, %ne3A_802 : vector<128x128xi32>
    %rem3A_804 = vector.broadcast %jit3A_783 : i32 to vector<128x128xi32>
    %rem3A_805 = arith.remsi %iota3A_782, %rem3A_804 : vector<128x128xi32>
    %ne3A_806 = arith.constant 0 : i32
    %ne3A_807 = vector.broadcast %ne3A_806 : i32 to vector<128x128xi32>
    %ne3A_808 = arith.cmpi ne, %rem3A_805, %ne3A_807 : vector<128x128xi32>
    %and3A_809 = arith.andi %ne3A_803, %ne3A_808 : vector<128x128xi1>
    %sub3A_810 = arith.constant 1 : i32
    %sub3A_811 = vector.broadcast %sub3A_810 : i32 to vector<128x128xi32>
    %sub3A_812 = arith.subi %div3A_785, %sub3A_811 : vector<128x128xi32>
    %select_n3A_813 = arith.select %and3A_809, %sub3A_812, %div3A_785 : vector<128x128xi1>, vector<128x128xi32>
    %iota3A_814 = tpu.iota {dimensions = array<i32: 1>} : vector<128x128xi32>
    %jit3A_815 = arith.constant 8 : i32
    %div3A_816 = vector.broadcast %jit3A_815 : i32 to vector<128x128xi32>
    %div3A_817 = arith.divsi %iota3A_814, %div3A_816 : vector<128x128xi32>
    %sign3A_818 = arith.constant 0 : i32
    %sign3A_819 = vector.broadcast %sign3A_818 : i32 to vector<128x128xi32>
    %sign3A_820 = arith.cmpi sgt, %iota3A_814, %sign3A_819 : vector<128x128xi32>
    %sign3A_821 = arith.extui %sign3A_820 : vector<128x128xi1> to vector<128x128xi32>
    %sign3A_822 = arith.constant 0 : i32
    %sign3A_823 = vector.broadcast %sign3A_822 : i32 to vector<128x128xi32>
    %sign3A_824 = arith.cmpi slt, %iota3A_814, %sign3A_823 : vector<128x128xi32>
    %sign3A_825 = arith.extui %sign3A_824 : vector<128x128xi1> to vector<128x128xi32>
    %sign3A_826 = arith.subi %sign3A_821, %sign3A_825 : vector<128x128xi32>
    %sign3A_827 = arith.constant 0 : i32
    %sign3A_828 = arith.cmpi sgt, %jit3A_815, %sign3A_827 : i32
    %sign3A_829 = arith.extui %sign3A_828 : i1 to i32
    %sign3A_830 = arith.constant 0 : i32
    %sign3A_831 = arith.cmpi slt, %jit3A_815, %sign3A_830 : i32
    %sign3A_832 = arith.extui %sign3A_831 : i1 to i32
    %sign3A_833 = arith.subi %sign3A_829, %sign3A_832 : i32
    %ne3A_834 = vector.broadcast %sign3A_833 : i32 to vector<128x128xi32>
    %ne3A_835 = arith.cmpi ne, %sign3A_826, %ne3A_834 : vector<128x128xi32>
    %rem3A_836 = vector.broadcast %jit3A_815 : i32 to vector<128x128xi32>
    %rem3A_837 = arith.remsi %iota3A_814, %rem3A_836 : vector<128x128xi32>
    %ne3A_838 = arith.constant 0 : i32
    %ne3A_839 = vector.broadcast %ne3A_838 : i32 to vector<128x128xi32>
    %ne3A_840 = arith.cmpi ne, %rem3A_837, %ne3A_839 : vector<128x128xi32>
    %and3A_841 = arith.andi %ne3A_835, %ne3A_840 : vector<128x128xi1>
    %sub3A_842 = arith.constant 1 : i32
    %sub3A_843 = vector.broadcast %sub3A_842 : i32 to vector<128x128xi32>
    %sub3A_844 = arith.subi %div3A_817, %sub3A_843 : vector<128x128xi32>
    %select_n3A_845 = arith.select %and3A_841, %sub3A_844, %div3A_817 : vector<128x128xi1>, vector<128x128xi32>
    %eq3A_846 = arith.cmpi eq, %select_n3A_813, %select_n3A_845 : vector<128x128xi32>
    %convert_element_type3A_847 = arith.extui %eq3A_846 : vector<128x128xi1> to vector<128x128xi32>
    %convert_element_type3A_848 = arith.sitofp %convert_element_type3A_847 : vector<128x128xi32> to vector<128x128xf32>
    %slice3A_849 = vector.extract_strided_slice %add3A_781 {offsets = [0, 0], sizes = [128, 1723], strides = [1, 1]} : vector<128x1792xf32> to vector<128x1723xf32>
    %reduce_sum3A_850 = arith.constant dense<0.000000e+00> : vector<128xf32>
    %reduce_sum3A_851 = vector.multi_reduction <add>, %slice3A_849, %reduce_sum3A_850 [1] : vector<128x1723xf32> to vector<128xf32>
    %broadcast_in_dim3A_852 = vector.shape_cast %reduce_sum3A_851 : vector<128xf32> to vector<128x1xf32>
    %mul3A_853 = arith.mulf %slice3A_849, %slice3A_849 : vector<128x1723xf32>
    %reduce_sum3A_854 = arith.constant dense<0.000000e+00> : vector<128xf32>
    %reduce_sum3A_855 = vector.multi_reduction <add>, %mul3A_853, %reduce_sum3A_854 [1] : vector<128x1723xf32> to vector<128xf32>
    %broadcast_in_dim3A_856 = vector.shape_cast %reduce_sum3A_855 : vector<128xf32> to vector<128x1xf32>
    %dot_general3A_857 = arith.constant dense<0.000000e+00> : vector<128x1xf32>
    %dot_general3A_858 = tpu.matmul %convert_element_type3A_848, %broadcast_in_dim3A_852, %dot_general3A_857 {dimension_numbers = #tpu.dot_dimension_numbers<[1], [0], [0], [1], [0, 0, 1, 1], [], []>, transpose_lhs_hint = false} : vector<128x128xf32>, vector<128x1xf32>, vector<128x1xf32> -> vector<128x1xf32>
    %div3A_859 = arith.constant 1.378400e+04 : f32
    %div3A_860 = vector.broadcast %div3A_859 : f32 to vector<128x1xf32>
    %div3A_861 = arith.divf %dot_general3A_858, %div3A_860 : vector<128x1xf32>
    %dot_general3A_862 = arith.constant dense<0.000000e+00> : vector<128x1xf32>
    %dot_general3A_863 = tpu.matmul %convert_element_type3A_848, %broadcast_in_dim3A_856, %dot_general3A_862 {dimension_numbers = #tpu.dot_dimension_numbers<[1], [0], [0], [1], [0, 0, 1, 1], [], []>, transpose_lhs_hint = false} : vector<128x128xf32>, vector<128x1xf32>, vector<128x1xf32> -> vector<128x1xf32>
    %div3A_864 = arith.constant 1.378400e+04 : f32
    %div3A_865 = vector.broadcast %div3A_864 : f32 to vector<128x1xf32>
    %div3A_866 = arith.divf %dot_general3A_863, %div3A_865 : vector<128x1xf32>
    %mul3A_867 = arith.mulf %div3A_861, %div3A_861 : vector<128x1xf32>
    %sub3A_868 = arith.subf %div3A_866, %mul3A_867 : vector<128x1xf32>
    %add3A_869 = arith.constant 9.99999974E-6 : f32
    %add3A_870 = vector.broadcast %add3A_869 : f32 to vector<128x1xf32>
    %add3A_871 = arith.addf %sub3A_868, %add3A_870 : vector<128x1xf32>
    %rsqrt3A_872 = math.rsqrt %add3A_871 : vector<128x1xf32>
    %mul3A_873 = arith.mulf %get3A_76, %rsqrt3A_872 : vector<128x1xf32>
    %mul3A_874 = vector.broadcast %mul3A_873 : vector<128x1xf32> to vector<128x1792xf32>
    %mul3A_875 = arith.mulf %add3A_781, %mul3A_874 : vector<128x1792xf32>
    %mul3A_876 = arith.mulf %div3A_861, %mul3A_873 : vector<128x1xf32>
    %sub3A_877 = arith.subf %get3A_79, %mul3A_876 : vector<128x1xf32>
    %add3A_878 = vector.broadcast %sub3A_877 : vector<128x1xf32> to vector<128x1792xf32>
    %add3A_879 = arith.addf %mul3A_875, %add3A_878 : vector<128x1792xf32>
    %max3A_880 = arith.constant 0.000000e+00 : f32
    %max3A_881 = vector.broadcast %max3A_880 : f32 to vector<128x1792xf32>
    %max3A_882 = arith.maximumf %add3A_879, %max3A_881 : vector<128x1792xf32>
    %dot_general3A_883 = arith.constant dense<0.000000e+00> : vector<128x1792xf32>
    %dot_general3A_884 = tpu.matmul %get3A_82, %max3A_882, %dot_general3A_883 {dimension_numbers = #tpu.dot_dimension_numbers<[1], [0], [0], [1], [0, 0, 1, 1], [], []>, transpose_lhs_hint = false} : vector<128x128xf32>, vector<128x1792xf32>, vector<128x1792xf32> -> vector<128x1792xf32>
    %convert_element_type3A_885 = arith.truncf %dot_general3A_884 : vector<128x1792xf32> to vector<128x1792xbf16>
    %dot_general3A_886 = arith.constant dense<0.000000e+00> : vector<128x1792xf32>
    %dot_general3A_887 = tpu.matmul %convert_element_type3A_885, %get3A_340, %dot_general3A_886 {dimension_numbers = #tpu.dot_dimension_numbers<[1], [0], [0], [1], [0, 0, 1, 1], [], []>, transpose_lhs_hint = false} : vector<128x1792xbf16>, vector<1792x1792xbf16>, vector<128x1792xf32> -> vector<128x1792xf32>
    %add3A_888 = vector.broadcast %get3A_85 : vector<128x1xf32> to vector<128x1792xf32>
    %add3A_889 = arith.addf %dot_general3A_887, %add3A_888 : vector<128x1792xf32>
    %iota3A_890 = tpu.iota {dimensions = array<i32: 0>} : vector<128x128xi32>
    %jit3A_891 = arith.constant 8 : i32
    %div3A_892 = vector.broadcast %jit3A_891 : i32 to vector<128x128xi32>
    %div3A_893 = arith.divsi %iota3A_890, %div3A_892 : vector<128x128xi32>
    %sign3A_894 = arith.constant 0 : i32
    %sign3A_895 = vector.broadcast %sign3A_894 : i32 to vector<128x128xi32>
    %sign3A_896 = arith.cmpi sgt, %iota3A_890, %sign3A_895 : vector<128x128xi32>
    %sign3A_897 = arith.extui %sign3A_896 : vector<128x128xi1> to vector<128x128xi32>
    %sign3A_898 = arith.constant 0 : i32
    %sign3A_899 = vector.broadcast %sign3A_898 : i32 to vector<128x128xi32>
    %sign3A_900 = arith.cmpi slt, %iota3A_890, %sign3A_899 : vector<128x128xi32>
    %sign3A_901 = arith.extui %sign3A_900 : vector<128x128xi1> to vector<128x128xi32>
    %sign3A_902 = arith.subi %sign3A_897, %sign3A_901 : vector<128x128xi32>
    %sign3A_903 = arith.constant 0 : i32
    %sign3A_904 = arith.cmpi sgt, %jit3A_891, %sign3A_903 : i32
    %sign3A_905 = arith.extui %sign3A_904 : i1 to i32
    %sign3A_906 = arith.constant 0 : i32
    %sign3A_907 = arith.cmpi slt, %jit3A_891, %sign3A_906 : i32
    %sign3A_908 = arith.extui %sign3A_907 : i1 to i32
    %sign3A_909 = arith.subi %sign3A_905, %sign3A_908 : i32
    %ne3A_910 = vector.broadcast %sign3A_909 : i32 to vector<128x128xi32>
    %ne3A_911 = arith.cmpi ne, %sign3A_902, %ne3A_910 : vector<128x128xi32>
    %rem3A_912 = vector.broadcast %jit3A_891 : i32 to vector<128x128xi32>
    %rem3A_913 = arith.remsi %iota3A_890, %rem3A_912 : vector<128x128xi32>
    %ne3A_914 = arith.constant 0 : i32
    %ne3A_915 = vector.broadcast %ne3A_914 : i32 to vector<128x128xi32>
    %ne3A_916 = arith.cmpi ne, %rem3A_913, %ne3A_915 : vector<128x128xi32>
    %and3A_917 = arith.andi %ne3A_911, %ne3A_916 : vector<128x128xi1>
    %sub3A_918 = arith.constant 1 : i32
    %sub3A_919 = vector.broadcast %sub3A_918 : i32 to vector<128x128xi32>
    %sub3A_920 = arith.subi %div3A_893, %sub3A_919 : vector<128x128xi32>
    %select_n3A_921 = arith.select %and3A_917, %sub3A_920, %div3A_893 : vector<128x128xi1>, vector<128x128xi32>
    %iota3A_922 = tpu.iota {dimensions = array<i32: 1>} : vector<128x128xi32>
    %jit3A_923 = arith.constant 8 : i32
    %div3A_924 = vector.broadcast %jit3A_923 : i32 to vector<128x128xi32>
    %div3A_925 = arith.divsi %iota3A_922, %div3A_924 : vector<128x128xi32>
    %sign3A_926 = arith.constant 0 : i32
    %sign3A_927 = vector.broadcast %sign3A_926 : i32 to vector<128x128xi32>
    %sign3A_928 = arith.cmpi sgt, %iota3A_922, %sign3A_927 : vector<128x128xi32>
    %sign3A_929 = arith.extui %sign3A_928 : vector<128x128xi1> to vector<128x128xi32>
    %sign3A_930 = arith.constant 0 : i32
    %sign3A_931 = vector.broadcast %sign3A_930 : i32 to vector<128x128xi32>
    %sign3A_932 = arith.cmpi slt, %iota3A_922, %sign3A_931 : vector<128x128xi32>
    %sign3A_933 = arith.extui %sign3A_932 : vector<128x128xi1> to vector<128x128xi32>
    %sign3A_934 = arith.subi %sign3A_929, %sign3A_933 : vector<128x128xi32>
    %sign3A_935 = arith.constant 0 : i32
    %sign3A_936 = arith.cmpi sgt, %jit3A_923, %sign3A_935 : i32
    %sign3A_937 = arith.extui %sign3A_936 : i1 to i32
    %sign3A_938 = arith.constant 0 : i32
    %sign3A_939 = arith.cmpi slt, %jit3A_923, %sign3A_938 : i32
    %sign3A_940 = arith.extui %sign3A_939 : i1 to i32
    %sign3A_941 = arith.subi %sign3A_937, %sign3A_940 : i32
    %ne3A_942 = vector.broadcast %sign3A_941 : i32 to vector<128x128xi32>
    %ne3A_943 = arith.cmpi ne, %sign3A_934, %ne3A_942 : vector<128x128xi32>
    %rem3A_944 = vector.broadcast %jit3A_923 : i32 to vector<128x128xi32>
    %rem3A_945 = arith.remsi %iota3A_922, %rem3A_944 : vector<128x128xi32>
    %ne3A_946 = arith.constant 0 : i32
    %ne3A_947 = vector.broadcast %ne3A_946 : i32 to vector<128x128xi32>
    %ne3A_948 = arith.cmpi ne, %rem3A_945, %ne3A_947 : vector<128x128xi32>
    %and3A_949 = arith.andi %ne3A_943, %ne3A_948 : vector<128x128xi1>
    %sub3A_950 = arith.constant 1 : i32
    %sub3A_951 = vector.broadcast %sub3A_950 : i32 to vector<128x128xi32>
    %sub3A_952 = arith.subi %div3A_925, %sub3A_951 : vector<128x128xi32>
    %select_n3A_953 = arith.select %and3A_949, %sub3A_952, %div3A_925 : vector<128x128xi1>, vector<128x128xi32>
    %eq3A_954 = arith.cmpi eq, %select_n3A_921, %select_n3A_953 : vector<128x128xi32>
    %convert_element_type3A_955 = arith.extui %eq3A_954 : vector<128x128xi1> to vector<128x128xi32>
    %convert_element_type3A_956 = arith.sitofp %convert_element_type3A_955 : vector<128x128xi32> to vector<128x128xf32>
    %slice3A_957 = vector.extract_strided_slice %add3A_889 {offsets = [0, 0], sizes = [128, 1723], strides = [1, 1]} : vector<128x1792xf32> to vector<128x1723xf32>
    %reduce_sum3A_958 = arith.constant dense<0.000000e+00> : vector<128xf32>
    %reduce_sum3A_959 = vector.multi_reduction <add>, %slice3A_957, %reduce_sum3A_958 [1] : vector<128x1723xf32> to vector<128xf32>
    %broadcast_in_dim3A_960 = vector.shape_cast %reduce_sum3A_959 : vector<128xf32> to vector<128x1xf32>
    %mul3A_961 = arith.mulf %slice3A_957, %slice3A_957 : vector<128x1723xf32>
    %reduce_sum3A_962 = arith.constant dense<0.000000e+00> : vector<128xf32>
    %reduce_sum3A_963 = vector.multi_reduction <add>, %mul3A_961, %reduce_sum3A_962 [1] : vector<128x1723xf32> to vector<128xf32>
    %broadcast_in_dim3A_964 = vector.shape_cast %reduce_sum3A_963 : vector<128xf32> to vector<128x1xf32>
    %dot_general3A_965 = arith.constant dense<0.000000e+00> : vector<128x1xf32>
    %dot_general3A_966 = tpu.matmul %convert_element_type3A_956, %broadcast_in_dim3A_960, %dot_general3A_965 {dimension_numbers = #tpu.dot_dimension_numbers<[1], [0], [0], [1], [0, 0, 1, 1], [], []>, transpose_lhs_hint = false} : vector<128x128xf32>, vector<128x1xf32>, vector<128x1xf32> -> vector<128x1xf32>
    %div3A_967 = arith.constant 1.378400e+04 : f32
    %div3A_968 = vector.broadcast %div3A_967 : f32 to vector<128x1xf32>
    %div3A_969 = arith.divf %dot_general3A_966, %div3A_968 : vector<128x1xf32>
    %dot_general3A_970 = arith.constant dense<0.000000e+00> : vector<128x1xf32>
    %dot_general3A_971 = tpu.matmul %convert_element_type3A_956, %broadcast_in_dim3A_964, %dot_general3A_970 {dimension_numbers = #tpu.dot_dimension_numbers<[1], [0], [0], [1], [0, 0, 1, 1], [], []>, transpose_lhs_hint = false} : vector<128x128xf32>, vector<128x1xf32>, vector<128x1xf32> -> vector<128x1xf32>
    %div3A_972 = arith.constant 1.378400e+04 : f32
    %div3A_973 = vector.broadcast %div3A_972 : f32 to vector<128x1xf32>
    %div3A_974 = arith.divf %dot_general3A_971, %div3A_973 : vector<128x1xf32>
    %mul3A_975 = arith.mulf %div3A_969, %div3A_969 : vector<128x1xf32>
    %sub3A_976 = arith.subf %div3A_974, %mul3A_975 : vector<128x1xf32>
    %add3A_977 = arith.constant 9.99999974E-6 : f32
    %add3A_978 = vector.broadcast %add3A_977 : f32 to vector<128x1xf32>
    %add3A_979 = arith.addf %sub3A_976, %add3A_978 : vector<128x1xf32>
    %rsqrt3A_980 = math.rsqrt %add3A_979 : vector<128x1xf32>
    %mul3A_981 = arith.mulf %get3A_88, %rsqrt3A_980 : vector<128x1xf32>
    %mul3A_982 = vector.broadcast %mul3A_981 : vector<128x1xf32> to vector<128x1792xf32>
    %mul3A_983 = arith.mulf %add3A_889, %mul3A_982 : vector<128x1792xf32>
    %mul3A_984 = arith.mulf %div3A_969, %mul3A_981 : vector<128x1xf32>
    %sub3A_985 = arith.subf %get3A_91, %mul3A_984 : vector<128x1xf32>
    %add3A_986 = vector.broadcast %sub3A_985 : vector<128x1xf32> to vector<128x1792xf32>
    %add3A_987 = arith.addf %mul3A_983, %add3A_986 : vector<128x1792xf32>
    %max3A_988 = arith.constant 0.000000e+00 : f32
    %max3A_989 = vector.broadcast %max3A_988 : f32 to vector<128x1792xf32>
    %max3A_990 = arith.maximumf %add3A_987, %max3A_989 : vector<128x1792xf32>
    %dot_general3A_991 = arith.constant dense<0.000000e+00> : vector<256x1792xf32>
    %dot_general3A_992 = tpu.matmul %get3A_94, %max3A_990, %dot_general3A_991 {dimension_numbers = #tpu.dot_dimension_numbers<[1], [0], [0], [1], [0, 0, 1, 1], [], []>, transpose_lhs_hint = false} : vector<256x128xf32>, vector<128x1792xf32>, vector<256x1792xf32> -> vector<256x1792xf32>
    %add3A_993 = vector.broadcast %get3A_97 : vector<256x1xf32> to vector<256x1792xf32>
    %add3A_994 = arith.addf %dot_general3A_992, %add3A_993 : vector<256x1792xf32>
    %add3A_995 = arith.addf %add3A_676, %add3A_994 : vector<256x1792xf32>
    %iota3A_996 = tpu.iota {dimensions = array<i32: 0>} : vector<256x256xi32>
    %jit3A_997 = arith.constant 8 : i32
    %div3A_998 = vector.broadcast %jit3A_997 : i32 to vector<256x256xi32>
    %div3A_999 = arith.divsi %iota3A_996, %div3A_998 : vector<256x256xi32>
    %sign3A_1000 = arith.constant 0 : i32
    %sign3A_1001 = vector.broadcast %sign3A_1000 : i32 to vector<256x256xi32>
    %sign3A_1002 = arith.cmpi sgt, %iota3A_996, %sign3A_1001 : vector<256x256xi32>
    %sign3A_1003 = arith.extui %sign3A_1002 : vector<256x256xi1> to vector<256x256xi32>
    %sign3A_1004 = arith.constant 0 : i32
    %sign3A_1005 = vector.broadcast %sign3A_1004 : i32 to vector<256x256xi32>
    %sign3A_1006 = arith.cmpi slt, %iota3A_996, %sign3A_1005 : vector<256x256xi32>
    %sign3A_1007 = arith.extui %sign3A_1006 : vector<256x256xi1> to vector<256x256xi32>
    %sign3A_1008 = arith.subi %sign3A_1003, %sign3A_1007 : vector<256x256xi32>
    %sign3A_1009 = arith.constant 0 : i32
    %sign3A_1010 = arith.cmpi sgt, %jit3A_997, %sign3A_1009 : i32
    %sign3A_1011 = arith.extui %sign3A_1010 : i1 to i32
    %sign3A_1012 = arith.constant 0 : i32
    %sign3A_1013 = arith.cmpi slt, %jit3A_997, %sign3A_1012 : i32
    %sign3A_1014 = arith.extui %sign3A_1013 : i1 to i32
    %sign3A_1015 = arith.subi %sign3A_1011, %sign3A_1014 : i32
    %ne3A_1016 = vector.broadcast %sign3A_1015 : i32 to vector<256x256xi32>
    %ne3A_1017 = arith.cmpi ne, %sign3A_1008, %ne3A_1016 : vector<256x256xi32>
    %rem3A_1018 = vector.broadcast %jit3A_997 : i32 to vector<256x256xi32>
    %rem3A_1019 = arith.remsi %iota3A_996, %rem3A_1018 : vector<256x256xi32>
    %ne3A_1020 = arith.constant 0 : i32
    %ne3A_1021 = vector.broadcast %ne3A_1020 : i32 to vector<256x256xi32>
    %ne3A_1022 = arith.cmpi ne, %rem3A_1019, %ne3A_1021 : vector<256x256xi32>
    %and3A_1023 = arith.andi %ne3A_1017, %ne3A_1022 : vector<256x256xi1>
    %sub3A_1024 = arith.constant 1 : i32
    %sub3A_1025 = vector.broadcast %sub3A_1024 : i32 to vector<256x256xi32>
    %sub3A_1026 = arith.subi %div3A_999, %sub3A_1025 : vector<256x256xi32>
    %select_n3A_1027 = arith.select %and3A_1023, %sub3A_1026, %div3A_999 : vector<256x256xi1>, vector<256x256xi32>
    %iota3A_1028 = tpu.iota {dimensions = array<i32: 1>} : vector<256x256xi32>
    %jit3A_1029 = arith.constant 8 : i32
    %div3A_1030 = vector.broadcast %jit3A_1029 : i32 to vector<256x256xi32>
    %div3A_1031 = arith.divsi %iota3A_1028, %div3A_1030 : vector<256x256xi32>
    %sign3A_1032 = arith.constant 0 : i32
    %sign3A_1033 = vector.broadcast %sign3A_1032 : i32 to vector<256x256xi32>
    %sign3A_1034 = arith.cmpi sgt, %iota3A_1028, %sign3A_1033 : vector<256x256xi32>
    %sign3A_1035 = arith.extui %sign3A_1034 : vector<256x256xi1> to vector<256x256xi32>
    %sign3A_1036 = arith.constant 0 : i32
    %sign3A_1037 = vector.broadcast %sign3A_1036 : i32 to vector<256x256xi32>
    %sign3A_1038 = arith.cmpi slt, %iota3A_1028, %sign3A_1037 : vector<256x256xi32>
    %sign3A_1039 = arith.extui %sign3A_1038 : vector<256x256xi1> to vector<256x256xi32>
    %sign3A_1040 = arith.subi %sign3A_1035, %sign3A_1039 : vector<256x256xi32>
    %sign3A_1041 = arith.constant 0 : i32
    %sign3A_1042 = arith.cmpi sgt, %jit3A_1029, %sign3A_1041 : i32
    %sign3A_1043 = arith.extui %sign3A_1042 : i1 to i32
    %sign3A_1044 = arith.constant 0 : i32
    %sign3A_1045 = arith.cmpi slt, %jit3A_1029, %sign3A_1044 : i32
    %sign3A_1046 = arith.extui %sign3A_1045 : i1 to i32
    %sign3A_1047 = arith.subi %sign3A_1043, %sign3A_1046 : i32
    %ne3A_1048 = vector.broadcast %sign3A_1047 : i32 to vector<256x256xi32>
    %ne3A_1049 = arith.cmpi ne, %sign3A_1040, %ne3A_1048 : vector<256x256xi32>
    %rem3A_1050 = vector.broadcast %jit3A_1029 : i32 to vector<256x256xi32>
    %rem3A_1051 = arith.remsi %iota3A_1028, %rem3A_1050 : vector<256x256xi32>
    %ne3A_1052 = arith.constant 0 : i32
    %ne3A_1053 = vector.broadcast %ne3A_1052 : i32 to vector<256x256xi32>
    %ne3A_1054 = arith.cmpi ne, %rem3A_1051, %ne3A_1053 : vector<256x256xi32>
    %and3A_1055 = arith.andi %ne3A_1049, %ne3A_1054 : vector<256x256xi1>
    %sub3A_1056 = arith.constant 1 : i32
    %sub3A_1057 = vector.broadcast %sub3A_1056 : i32 to vector<256x256xi32>
    %sub3A_1058 = arith.subi %div3A_1031, %sub3A_1057 : vector<256x256xi32>
    %select_n3A_1059 = arith.select %and3A_1055, %sub3A_1058, %div3A_1031 : vector<256x256xi1>, vector<256x256xi32>
    %eq3A_1060 = arith.cmpi eq, %select_n3A_1027, %select_n3A_1059 : vector<256x256xi32>
    %convert_element_type3A_1061 = arith.extui %eq3A_1060 : vector<256x256xi1> to vector<256x256xi32>
    %convert_element_type3A_1062 = arith.sitofp %convert_element_type3A_1061 : vector<256x256xi32> to vector<256x256xf32>
    %slice3A_1063 = vector.extract_strided_slice %add3A_995 {offsets = [0, 0], sizes = [256, 1723], strides = [1, 1]} : vector<256x1792xf32> to vector<256x1723xf32>
    %reduce_sum3A_1064 = arith.constant dense<0.000000e+00> : vector<256xf32>
    %reduce_sum3A_1065 = vector.multi_reduction <add>, %slice3A_1063, %reduce_sum3A_1064 [1] : vector<256x1723xf32> to vector<256xf32>
    %broadcast_in_dim3A_1066 = vector.shape_cast %reduce_sum3A_1065 : vector<256xf32> to vector<256x1xf32>
    %mul3A_1067 = arith.mulf %slice3A_1063, %slice3A_1063 : vector<256x1723xf32>
    %reduce_sum3A_1068 = arith.constant dense<0.000000e+00> : vector<256xf32>
    %reduce_sum3A_1069 = vector.multi_reduction <add>, %mul3A_1067, %reduce_sum3A_1068 [1] : vector<256x1723xf32> to vector<256xf32>
    %broadcast_in_dim3A_1070 = vector.shape_cast %reduce_sum3A_1069 : vector<256xf32> to vector<256x1xf32>
    %dot_general3A_1071 = arith.constant dense<0.000000e+00> : vector<256x1xf32>
    %dot_general3A_1072 = tpu.matmul %convert_element_type3A_1062, %broadcast_in_dim3A_1066, %dot_general3A_1071 {dimension_numbers = #tpu.dot_dimension_numbers<[1], [0], [0], [1], [0, 0, 1, 1], [], []>, transpose_lhs_hint = false} : vector<256x256xf32>, vector<256x1xf32>, vector<256x1xf32> -> vector<256x1xf32>
    %div3A_1073 = arith.constant 1.378400e+04 : f32
    %div3A_1074 = vector.broadcast %div3A_1073 : f32 to vector<256x1xf32>
    %div3A_1075 = arith.divf %dot_general3A_1072, %div3A_1074 : vector<256x1xf32>
    %dot_general3A_1076 = arith.constant dense<0.000000e+00> : vector<256x1xf32>
    %dot_general3A_1077 = tpu.matmul %convert_element_type3A_1062, %broadcast_in_dim3A_1070, %dot_general3A_1076 {dimension_numbers = #tpu.dot_dimension_numbers<[1], [0], [0], [1], [0, 0, 1, 1], [], []>, transpose_lhs_hint = false} : vector<256x256xf32>, vector<256x1xf32>, vector<256x1xf32> -> vector<256x1xf32>
    %div3A_1078 = arith.constant 1.378400e+04 : f32
    %div3A_1079 = vector.broadcast %div3A_1078 : f32 to vector<256x1xf32>
    %div3A_1080 = arith.divf %dot_general3A_1077, %div3A_1079 : vector<256x1xf32>
    %mul3A_1081 = arith.mulf %div3A_1075, %div3A_1075 : vector<256x1xf32>
    %sub3A_1082 = arith.subf %div3A_1080, %mul3A_1081 : vector<256x1xf32>
    %add3A_1083 = arith.constant 9.99999974E-6 : f32
    %add3A_1084 = vector.broadcast %add3A_1083 : f32 to vector<256x1xf32>
    %add3A_1085 = arith.addf %sub3A_1082, %add3A_1084 : vector<256x1xf32>
    %rsqrt3A_1086 = math.rsqrt %add3A_1085 : vector<256x1xf32>
    %mul3A_1087 = arith.mulf %get3A_100, %rsqrt3A_1086 : vector<256x1xf32>
    %mul3A_1088 = vector.broadcast %mul3A_1087 : vector<256x1xf32> to vector<256x1792xf32>
    %mul3A_1089 = arith.mulf %add3A_995, %mul3A_1088 : vector<256x1792xf32>
    %mul3A_1090 = arith.mulf %div3A_1075, %mul3A_1087 : vector<256x1xf32>
    %sub3A_1091 = arith.subf %get3A_103, %mul3A_1090 : vector<256x1xf32>
    %add3A_1092 = vector.broadcast %sub3A_1091 : vector<256x1xf32> to vector<256x1792xf32>
    %add3A_1093 = arith.addf %mul3A_1089, %add3A_1092 : vector<256x1792xf32>
    %max3A_1094 = arith.constant 0.000000e+00 : f32
    %max3A_1095 = vector.broadcast %max3A_1094 : f32 to vector<256x1792xf32>
    %max3A_1096 = arith.maximumf %add3A_1093, %max3A_1095 : vector<256x1792xf32>
    %dot_general3A_1097 = arith.constant dense<0.000000e+00> : vector<128x1792xf32>
    %dot_general3A_1098 = tpu.matmul %get3A_106, %max3A_1096, %dot_general3A_1097 {dimension_numbers = #tpu.dot_dimension_numbers<[1], [0], [0], [1], [0, 0, 1, 1], [], []>, transpose_lhs_hint = false} : vector<128x256xf32>, vector<256x1792xf32>, vector<128x1792xf32> -> vector<128x1792xf32>
    %add3A_1099 = vector.broadcast %get3A_109 : vector<128x1xf32> to vector<128x1792xf32>
    %add3A_1100 = arith.addf %dot_general3A_1098, %add3A_1099 : vector<128x1792xf32>
    %iota3A_1101 = tpu.iota {dimensions = array<i32: 0>} : vector<128x128xi32>
    %jit3A_1102 = arith.constant 8 : i32
    %div3A_1103 = vector.broadcast %jit3A_1102 : i32 to vector<128x128xi32>
    %div3A_1104 = arith.divsi %iota3A_1101, %div3A_1103 : vector<128x128xi32>
    %sign3A_1105 = arith.constant 0 : i32
    %sign3A_1106 = vector.broadcast %sign3A_1105 : i32 to vector<128x128xi32>
    %sign3A_1107 = arith.cmpi sgt, %iota3A_1101, %sign3A_1106 : vector<128x128xi32>
    %sign3A_1108 = arith.extui %sign3A_1107 : vector<128x128xi1> to vector<128x128xi32>
    %sign3A_1109 = arith.constant 0 : i32
    %sign3A_1110 = vector.broadcast %sign3A_1109 : i32 to vector<128x128xi32>
    %sign3A_1111 = arith.cmpi slt, %iota3A_1101, %sign3A_1110 : vector<128x128xi32>
    %sign3A_1112 = arith.extui %sign3A_1111 : vector<128x128xi1> to vector<128x128xi32>
    %sign3A_1113 = arith.subi %sign3A_1108, %sign3A_1112 : vector<128x128xi32>
    %sign3A_1114 = arith.constant 0 : i32
    %sign3A_1115 = arith.cmpi sgt, %jit3A_1102, %sign3A_1114 : i32
    %sign3A_1116 = arith.extui %sign3A_1115 : i1 to i32
    %sign3A_1117 = arith.constant 0 : i32
    %sign3A_1118 = arith.cmpi slt, %jit3A_1102, %sign3A_1117 : i32
    %sign3A_1119 = arith.extui %sign3A_1118 : i1 to i32
    %sign3A_1120 = arith.subi %sign3A_1116, %sign3A_1119 : i32
    %ne3A_1121 = vector.broadcast %sign3A_1120 : i32 to vector<128x128xi32>
    %ne3A_1122 = arith.cmpi ne, %sign3A_1113, %ne3A_1121 : vector<128x128xi32>
    %rem3A_1123 = vector.broadcast %jit3A_1102 : i32 to vector<128x128xi32>
    %rem3A_1124 = arith.remsi %iota3A_1101, %rem3A_1123 : vector<128x128xi32>
    %ne3A_1125 = arith.constant 0 : i32
    %ne3A_1126 = vector.broadcast %ne3A_1125 : i32 to vector<128x128xi32>
    %ne3A_1127 = arith.cmpi ne, %rem3A_1124, %ne3A_1126 : vector<128x128xi32>
    %and3A_1128 = arith.andi %ne3A_1122, %ne3A_1127 : vector<128x128xi1>
    %sub3A_1129 = arith.constant 1 : i32
    %sub3A_1130 = vector.broadcast %sub3A_1129 : i32 to vector<128x128xi32>
    %sub3A_1131 = arith.subi %div3A_1104, %sub3A_1130 : vector<128x128xi32>
    %select_n3A_1132 = arith.select %and3A_1128, %sub3A_1131, %div3A_1104 : vector<128x128xi1>, vector<128x128xi32>
    %iota3A_1133 = tpu.iota {dimensions = array<i32: 1>} : vector<128x128xi32>
    %jit3A_1134 = arith.constant 8 : i32
    %div3A_1135 = vector.broadcast %jit3A_1134 : i32 to vector<128x128xi32>
    %div3A_1136 = arith.divsi %iota3A_1133, %div3A_1135 : vector<128x128xi32>
    %sign3A_1137 = arith.constant 0 : i32
    %sign3A_1138 = vector.broadcast %sign3A_1137 : i32 to vector<128x128xi32>
    %sign3A_1139 = arith.cmpi sgt, %iota3A_1133, %sign3A_1138 : vector<128x128xi32>
    %sign3A_1140 = arith.extui %sign3A_1139 : vector<128x128xi1> to vector<128x128xi32>
    %sign3A_1141 = arith.constant 0 : i32
    %sign3A_1142 = vector.broadcast %sign3A_1141 : i32 to vector<128x128xi32>
    %sign3A_1143 = arith.cmpi slt, %iota3A_1133, %sign3A_1142 : vector<128x128xi32>
    %sign3A_1144 = arith.extui %sign3A_1143 : vector<128x128xi1> to vector<128x128xi32>
    %sign3A_1145 = arith.subi %sign3A_1140, %sign3A_1144 : vector<128x128xi32>
    %sign3A_1146 = arith.constant 0 : i32
    %sign3A_1147 = arith.cmpi sgt, %jit3A_1134, %sign3A_1146 : i32
    %sign3A_1148 = arith.extui %sign3A_1147 : i1 to i32
    %sign3A_1149 = arith.constant 0 : i32
    %sign3A_1150 = arith.cmpi slt, %jit3A_1134, %sign3A_1149 : i32
    %sign3A_1151 = arith.extui %sign3A_1150 : i1 to i32
    %sign3A_1152 = arith.subi %sign3A_1148, %sign3A_1151 : i32
    %ne3A_1153 = vector.broadcast %sign3A_1152 : i32 to vector<128x128xi32>
    %ne3A_1154 = arith.cmpi ne, %sign3A_1145, %ne3A_1153 : vector<128x128xi32>
    %rem3A_1155 = vector.broadcast %jit3A_1134 : i32 to vector<128x128xi32>
    %rem3A_1156 = arith.remsi %iota3A_1133, %rem3A_1155 : vector<128x128xi32>
    %ne3A_1157 = arith.constant 0 : i32
    %ne3A_1158 = vector.broadcast %ne3A_1157 : i32 to vector<128x128xi32>
    %ne3A_1159 = arith.cmpi ne, %rem3A_1156, %ne3A_1158 : vector<128x128xi32>
    %and3A_1160 = arith.andi %ne3A_1154, %ne3A_1159 : vector<128x128xi1>
    %sub3A_1161 = arith.constant 1 : i32
    %sub3A_1162 = vector.broadcast %sub3A_1161 : i32 to vector<128x128xi32>
    %sub3A_1163 = arith.subi %div3A_1136, %sub3A_1162 : vector<128x128xi32>
    %select_n3A_1164 = arith.select %and3A_1160, %sub3A_1163, %div3A_1136 : vector<128x128xi1>, vector<128x128xi32>
    %eq3A_1165 = arith.cmpi eq, %select_n3A_1132, %select_n3A_1164 : vector<128x128xi32>
    %convert_element_type3A_1166 = arith.extui %eq3A_1165 : vector<128x128xi1> to vector<128x128xi32>
    %convert_element_type3A_1167 = arith.sitofp %convert_element_type3A_1166 : vector<128x128xi32> to vector<128x128xf32>
    %slice3A_1168 = vector.extract_strided_slice %add3A_1100 {offsets = [0, 0], sizes = [128, 1723], strides = [1, 1]} : vector<128x1792xf32> to vector<128x1723xf32>
    %reduce_sum3A_1169 = arith.constant dense<0.000000e+00> : vector<128xf32>
    %reduce_sum3A_1170 = vector.multi_reduction <add>, %slice3A_1168, %reduce_sum3A_1169 [1] : vector<128x1723xf32> to vector<128xf32>
    %broadcast_in_dim3A_1171 = vector.shape_cast %reduce_sum3A_1170 : vector<128xf32> to vector<128x1xf32>
    %mul3A_1172 = arith.mulf %slice3A_1168, %slice3A_1168 : vector<128x1723xf32>
    %reduce_sum3A_1173 = arith.constant dense<0.000000e+00> : vector<128xf32>
    %reduce_sum3A_1174 = vector.multi_reduction <add>, %mul3A_1172, %reduce_sum3A_1173 [1] : vector<128x1723xf32> to vector<128xf32>
    %broadcast_in_dim3A_1175 = vector.shape_cast %reduce_sum3A_1174 : vector<128xf32> to vector<128x1xf32>
    %dot_general3A_1176 = arith.constant dense<0.000000e+00> : vector<128x1xf32>
    %dot_general3A_1177 = tpu.matmul %convert_element_type3A_1167, %broadcast_in_dim3A_1171, %dot_general3A_1176 {dimension_numbers = #tpu.dot_dimension_numbers<[1], [0], [0], [1], [0, 0, 1, 1], [], []>, transpose_lhs_hint = false} : vector<128x128xf32>, vector<128x1xf32>, vector<128x1xf32> -> vector<128x1xf32>
    %div3A_1178 = arith.constant 1.378400e+04 : f32
    %div3A_1179 = vector.broadcast %div3A_1178 : f32 to vector<128x1xf32>
    %div3A_1180 = arith.divf %dot_general3A_1177, %div3A_1179 : vector<128x1xf32>
    %dot_general3A_1181 = arith.constant dense<0.000000e+00> : vector<128x1xf32>
    %dot_general3A_1182 = tpu.matmul %convert_element_type3A_1167, %broadcast_in_dim3A_1175, %dot_general3A_1181 {dimension_numbers = #tpu.dot_dimension_numbers<[1], [0], [0], [1], [0, 0, 1, 1], [], []>, transpose_lhs_hint = false} : vector<128x128xf32>, vector<128x1xf32>, vector<128x1xf32> -> vector<128x1xf32>
    %div3A_1183 = arith.constant 1.378400e+04 : f32
    %div3A_1184 = vector.broadcast %div3A_1183 : f32 to vector<128x1xf32>
    %div3A_1185 = arith.divf %dot_general3A_1182, %div3A_1184 : vector<128x1xf32>
    %mul3A_1186 = arith.mulf %div3A_1180, %div3A_1180 : vector<128x1xf32>
    %sub3A_1187 = arith.subf %div3A_1185, %mul3A_1186 : vector<128x1xf32>
    %add3A_1188 = arith.constant 9.99999974E-6 : f32
    %add3A_1189 = vector.broadcast %add3A_1188 : f32 to vector<128x1xf32>
    %add3A_1190 = arith.addf %sub3A_1187, %add3A_1189 : vector<128x1xf32>
    %rsqrt3A_1191 = math.rsqrt %add3A_1190 : vector<128x1xf32>
    %mul3A_1192 = arith.mulf %get3A_112, %rsqrt3A_1191 : vector<128x1xf32>
    %mul3A_1193 = vector.broadcast %mul3A_1192 : vector<128x1xf32> to vector<128x1792xf32>
    %mul3A_1194 = arith.mulf %add3A_1100, %mul3A_1193 : vector<128x1792xf32>
    %mul3A_1195 = arith.mulf %div3A_1180, %mul3A_1192 : vector<128x1xf32>
    %sub3A_1196 = arith.subf %get3A_115, %mul3A_1195 : vector<128x1xf32>
    %add3A_1197 = vector.broadcast %sub3A_1196 : vector<128x1xf32> to vector<128x1792xf32>
    %add3A_1198 = arith.addf %mul3A_1194, %add3A_1197 : vector<128x1792xf32>
    %max3A_1199 = arith.constant 0.000000e+00 : f32
    %max3A_1200 = vector.broadcast %max3A_1199 : f32 to vector<128x1792xf32>
    %max3A_1201 = arith.maximumf %add3A_1198, %max3A_1200 : vector<128x1792xf32>
    %dot_general3A_1202 = arith.constant dense<0.000000e+00> : vector<128x1792xf32>
    %dot_general3A_1203 = tpu.matmul %get3A_118, %max3A_1201, %dot_general3A_1202 {dimension_numbers = #tpu.dot_dimension_numbers<[1], [0], [0], [1], [0, 0, 1, 1], [], []>, transpose_lhs_hint = false} : vector<128x128xf32>, vector<128x1792xf32>, vector<128x1792xf32> -> vector<128x1792xf32>
    %convert_element_type3A_1204 = arith.truncf %dot_general3A_1203 : vector<128x1792xf32> to vector<128x1792xbf16>
    %dot_general3A_1205 = arith.constant dense<0.000000e+00> : vector<128x1792xf32>
    %dot_general3A_1206 = tpu.matmul %convert_element_type3A_1204, %get3A_340, %dot_general3A_1205 {dimension_numbers = #tpu.dot_dimension_numbers<[1], [0], [0], [1], [0, 0, 1, 1], [], []>, transpose_lhs_hint = false} : vector<128x1792xbf16>, vector<1792x1792xbf16>, vector<128x1792xf32> -> vector<128x1792xf32>
    %add3A_1207 = vector.broadcast %get3A_121 : vector<128x1xf32> to vector<128x1792xf32>
    %add3A_1208 = arith.addf %dot_general3A_1206, %add3A_1207 : vector<128x1792xf32>
    %iota3A_1209 = tpu.iota {dimensions = array<i32: 0>} : vector<128x128xi32>
    %jit3A_1210 = arith.constant 8 : i32
    %div3A_1211 = vector.broadcast %jit3A_1210 : i32 to vector<128x128xi32>
    %div3A_1212 = arith.divsi %iota3A_1209, %div3A_1211 : vector<128x128xi32>
    %sign3A_1213 = arith.constant 0 : i32
    %sign3A_1214 = vector.broadcast %sign3A_1213 : i32 to vector<128x128xi32>
    %sign3A_1215 = arith.cmpi sgt, %iota3A_1209, %sign3A_1214 : vector<128x128xi32>
    %sign3A_1216 = arith.extui %sign3A_1215 : vector<128x128xi1> to vector<128x128xi32>
    %sign3A_1217 = arith.constant 0 : i32
    %sign3A_1218 = vector.broadcast %sign3A_1217 : i32 to vector<128x128xi32>
    %sign3A_1219 = arith.cmpi slt, %iota3A_1209, %sign3A_1218 : vector<128x128xi32>
    %sign3A_1220 = arith.extui %sign3A_1219 : vector<128x128xi1> to vector<128x128xi32>
    %sign3A_1221 = arith.subi %sign3A_1216, %sign3A_1220 : vector<128x128xi32>
    %sign3A_1222 = arith.constant 0 : i32
    %sign3A_1223 = arith.cmpi sgt, %jit3A_1210, %sign3A_1222 : i32
    %sign3A_1224 = arith.extui %sign3A_1223 : i1 to i32
    %sign3A_1225 = arith.constant 0 : i32
    %sign3A_1226 = arith.cmpi slt, %jit3A_1210, %sign3A_1225 : i32
    %sign3A_1227 = arith.extui %sign3A_1226 : i1 to i32
    %sign3A_1228 = arith.subi %sign3A_1224, %sign3A_1227 : i32
    %ne3A_1229 = vector.broadcast %sign3A_1228 : i32 to vector<128x128xi32>
    %ne3A_1230 = arith.cmpi ne, %sign3A_1221, %ne3A_1229 : vector<128x128xi32>
    %rem3A_1231 = vector.broadcast %jit3A_1210 : i32 to vector<128x128xi32>
    %rem3A_1232 = arith.remsi %iota3A_1209, %rem3A_1231 : vector<128x128xi32>
    %ne3A_1233 = arith.constant 0 : i32
    %ne3A_1234 = vector.broadcast %ne3A_1233 : i32 to vector<128x128xi32>
    %ne3A_1235 = arith.cmpi ne, %rem3A_1232, %ne3A_1234 : vector<128x128xi32>
    %and3A_1236 = arith.andi %ne3A_1230, %ne3A_1235 : vector<128x128xi1>
    %sub3A_1237 = arith.constant 1 : i32
    %sub3A_1238 = vector.broadcast %sub3A_1237 : i32 to vector<128x128xi32>
    %sub3A_1239 = arith.subi %div3A_1212, %sub3A_1238 : vector<128x128xi32>
    %select_n3A_1240 = arith.select %and3A_1236, %sub3A_1239, %div3A_1212 : vector<128x128xi1>, vector<128x128xi32>
    %iota3A_1241 = tpu.iota {dimensions = array<i32: 1>} : vector<128x128xi32>
    %jit3A_1242 = arith.constant 8 : i32
    %div3A_1243 = vector.broadcast %jit3A_1242 : i32 to vector<128x128xi32>
    %div3A_1244 = arith.divsi %iota3A_1241, %div3A_1243 : vector<128x128xi32>
    %sign3A_1245 = arith.constant 0 : i32
    %sign3A_1246 = vector.broadcast %sign3A_1245 : i32 to vector<128x128xi32>
    %sign3A_1247 = arith.cmpi sgt, %iota3A_1241, %sign3A_1246 : vector<128x128xi32>
    %sign3A_1248 = arith.extui %sign3A_1247 : vector<128x128xi1> to vector<128x128xi32>
    %sign3A_1249 = arith.constant 0 : i32
    %sign3A_1250 = vector.broadcast %sign3A_1249 : i32 to vector<128x128xi32>
    %sign3A_1251 = arith.cmpi slt, %iota3A_1241, %sign3A_1250 : vector<128x128xi32>
    %sign3A_1252 = arith.extui %sign3A_1251 : vector<128x128xi1> to vector<128x128xi32>
    %sign3A_1253 = arith.subi %sign3A_1248, %sign3A_1252 : vector<128x128xi32>
    %sign3A_1254 = arith.constant 0 : i32
    %sign3A_1255 = arith.cmpi sgt, %jit3A_1242, %sign3A_1254 : i32
    %sign3A_1256 = arith.extui %sign3A_1255 : i1 to i32
    %sign3A_1257 = arith.constant 0 : i32
    %sign3A_1258 = arith.cmpi slt, %jit3A_1242, %sign3A_1257 : i32
    %sign3A_1259 = arith.extui %sign3A_1258 : i1 to i32
    %sign3A_1260 = arith.subi %sign3A_1256, %sign3A_1259 : i32
    %ne3A_1261 = vector.broadcast %sign3A_1260 : i32 to vector<128x128xi32>
    %ne3A_1262 = arith.cmpi ne, %sign3A_1253, %ne3A_1261 : vector<128x128xi32>
    %rem3A_1263 = vector.broadcast %jit3A_1242 : i32 to vector<128x128xi32>
    %rem3A_1264 = arith.remsi %iota3A_1241, %rem3A_1263 : vector<128x128xi32>
    %ne3A_1265 = arith.constant 0 : i32
    %ne3A_1266 = vector.broadcast %ne3A_1265 : i32 to vector<128x128xi32>
    %ne3A_1267 = arith.cmpi ne, %rem3A_1264, %ne3A_1266 : vector<128x128xi32>
    %and3A_1268 = arith.andi %ne3A_1262, %ne3A_1267 : vector<128x128xi1>
    %sub3A_1269 = arith.constant 1 : i32
    %sub3A_1270 = vector.broadcast %sub3A_1269 : i32 to vector<128x128xi32>
    %sub3A_1271 = arith.subi %div3A_1244, %sub3A_1270 : vector<128x128xi32>
    %select_n3A_1272 = arith.select %and3A_1268, %sub3A_1271, %div3A_1244 : vector<128x128xi1>, vector<128x128xi32>
    %eq3A_1273 = arith.cmpi eq, %select_n3A_1240, %select_n3A_1272 : vector<128x128xi32>
    %convert_element_type3A_1274 = arith.extui %eq3A_1273 : vector<128x128xi1> to vector<128x128xi32>
    %convert_element_type3A_1275 = arith.sitofp %convert_element_type3A_1274 : vector<128x128xi32> to vector<128x128xf32>
    %slice3A_1276 = vector.extract_strided_slice %add3A_1208 {offsets = [0, 0], sizes = [128, 1723], strides = [1, 1]} : vector<128x1792xf32> to vector<128x1723xf32>
    %reduce_sum3A_1277 = arith.constant dense<0.000000e+00> : vector<128xf32>
    %reduce_sum3A_1278 = vector.multi_reduction <add>, %slice3A_1276, %reduce_sum3A_1277 [1] : vector<128x1723xf32> to vector<128xf32>
    %broadcast_in_dim3A_1279 = vector.shape_cast %reduce_sum3A_1278 : vector<128xf32> to vector<128x1xf32>
    %mul3A_1280 = arith.mulf %slice3A_1276, %slice3A_1276 : vector<128x1723xf32>
    %reduce_sum3A_1281 = arith.constant dense<0.000000e+00> : vector<128xf32>
    %reduce_sum3A_1282 = vector.multi_reduction <add>, %mul3A_1280, %reduce_sum3A_1281 [1] : vector<128x1723xf32> to vector<128xf32>
    %broadcast_in_dim3A_1283 = vector.shape_cast %reduce_sum3A_1282 : vector<128xf32> to vector<128x1xf32>
    %dot_general3A_1284 = arith.constant dense<0.000000e+00> : vector<128x1xf32>
    %dot_general3A_1285 = tpu.matmul %convert_element_type3A_1275, %broadcast_in_dim3A_1279, %dot_general3A_1284 {dimension_numbers = #tpu.dot_dimension_numbers<[1], [0], [0], [1], [0, 0, 1, 1], [], []>, transpose_lhs_hint = false} : vector<128x128xf32>, vector<128x1xf32>, vector<128x1xf32> -> vector<128x1xf32>
    %div3A_1286 = arith.constant 1.378400e+04 : f32
    %div3A_1287 = vector.broadcast %div3A_1286 : f32 to vector<128x1xf32>
    %div3A_1288 = arith.divf %dot_general3A_1285, %div3A_1287 : vector<128x1xf32>
    %dot_general3A_1289 = arith.constant dense<0.000000e+00> : vector<128x1xf32>
    %dot_general3A_1290 = tpu.matmul %convert_element_type3A_1275, %broadcast_in_dim3A_1283, %dot_general3A_1289 {dimension_numbers = #tpu.dot_dimension_numbers<[1], [0], [0], [1], [0, 0, 1, 1], [], []>, transpose_lhs_hint = false} : vector<128x128xf32>, vector<128x1xf32>, vector<128x1xf32> -> vector<128x1xf32>
    %div3A_1291 = arith.constant 1.378400e+04 : f32
    %div3A_1292 = vector.broadcast %div3A_1291 : f32 to vector<128x1xf32>
    %div3A_1293 = arith.divf %dot_general3A_1290, %div3A_1292 : vector<128x1xf32>
    %mul3A_1294 = arith.mulf %div3A_1288, %div3A_1288 : vector<128x1xf32>
    %sub3A_1295 = arith.subf %div3A_1293, %mul3A_1294 : vector<128x1xf32>
    %add3A_1296 = arith.constant 9.99999974E-6 : f32
    %add3A_1297 = vector.broadcast %add3A_1296 : f32 to vector<128x1xf32>
    %add3A_1298 = arith.addf %sub3A_1295, %add3A_1297 : vector<128x1xf32>
    %rsqrt3A_1299 = math.rsqrt %add3A_1298 : vector<128x1xf32>
    %mul3A_1300 = arith.mulf %get3A_124, %rsqrt3A_1299 : vector<128x1xf32>
    %mul3A_1301 = vector.broadcast %mul3A_1300 : vector<128x1xf32> to vector<128x1792xf32>
    %mul3A_1302 = arith.mulf %add3A_1208, %mul3A_1301 : vector<128x1792xf32>
    %mul3A_1303 = arith.mulf %div3A_1288, %mul3A_1300 : vector<128x1xf32>
    %sub3A_1304 = arith.subf %get3A_127, %mul3A_1303 : vector<128x1xf32>
    %add3A_1305 = vector.broadcast %sub3A_1304 : vector<128x1xf32> to vector<128x1792xf32>
    %add3A_1306 = arith.addf %mul3A_1302, %add3A_1305 : vector<128x1792xf32>
    %max3A_1307 = arith.constant 0.000000e+00 : f32
    %max3A_1308 = vector.broadcast %max3A_1307 : f32 to vector<128x1792xf32>
    %max3A_1309 = arith.maximumf %add3A_1306, %max3A_1308 : vector<128x1792xf32>
    %dot_general3A_1310 = arith.constant dense<0.000000e+00> : vector<256x1792xf32>
    %dot_general3A_1311 = tpu.matmul %get3A_130, %max3A_1309, %dot_general3A_1310 {dimension_numbers = #tpu.dot_dimension_numbers<[1], [0], [0], [1], [0, 0, 1, 1], [], []>, transpose_lhs_hint = false} : vector<256x128xf32>, vector<128x1792xf32>, vector<256x1792xf32> -> vector<256x1792xf32>
    %add3A_1312 = vector.broadcast %get3A_133 : vector<256x1xf32> to vector<256x1792xf32>
    %add3A_1313 = arith.addf %dot_general3A_1311, %add3A_1312 : vector<256x1792xf32>
    %add3A_1314 = arith.addf %add3A_995, %add3A_1313 : vector<256x1792xf32>
    %iota3A_1315 = tpu.iota {dimensions = array<i32: 0>} : vector<256x256xi32>
    %jit3A_1316 = arith.constant 8 : i32
    %div3A_1317 = vector.broadcast %jit3A_1316 : i32 to vector<256x256xi32>
    %div3A_1318 = arith.divsi %iota3A_1315, %div3A_1317 : vector<256x256xi32>
    %sign3A_1319 = arith.constant 0 : i32
    %sign3A_1320 = vector.broadcast %sign3A_1319 : i32 to vector<256x256xi32>
    %sign3A_1321 = arith.cmpi sgt, %iota3A_1315, %sign3A_1320 : vector<256x256xi32>
    %sign3A_1322 = arith.extui %sign3A_1321 : vector<256x256xi1> to vector<256x256xi32>
    %sign3A_1323 = arith.constant 0 : i32
    %sign3A_1324 = vector.broadcast %sign3A_1323 : i32 to vector<256x256xi32>
    %sign3A_1325 = arith.cmpi slt, %iota3A_1315, %sign3A_1324 : vector<256x256xi32>
    %sign3A_1326 = arith.extui %sign3A_1325 : vector<256x256xi1> to vector<256x256xi32>
    %sign3A_1327 = arith.subi %sign3A_1322, %sign3A_1326 : vector<256x256xi32>
    %sign3A_1328 = arith.constant 0 : i32
    %sign3A_1329 = arith.cmpi sgt, %jit3A_1316, %sign3A_1328 : i32
    %sign3A_1330 = arith.extui %sign3A_1329 : i1 to i32
    %sign3A_1331 = arith.constant 0 : i32
    %sign3A_1332 = arith.cmpi slt, %jit3A_1316, %sign3A_1331 : i32
    %sign3A_1333 = arith.extui %sign3A_1332 : i1 to i32
    %sign3A_1334 = arith.subi %sign3A_1330, %sign3A_1333 : i32
    %ne3A_1335 = vector.broadcast %sign3A_1334 : i32 to vector<256x256xi32>
    %ne3A_1336 = arith.cmpi ne, %sign3A_1327, %ne3A_1335 : vector<256x256xi32>
    %rem3A_1337 = vector.broadcast %jit3A_1316 : i32 to vector<256x256xi32>
    %rem3A_1338 = arith.remsi %iota3A_1315, %rem3A_1337 : vector<256x256xi32>
    %ne3A_1339 = arith.constant 0 : i32
    %ne3A_1340 = vector.broadcast %ne3A_1339 : i32 to vector<256x256xi32>
    %ne3A_1341 = arith.cmpi ne, %rem3A_1338, %ne3A_1340 : vector<256x256xi32>
    %and3A_1342 = arith.andi %ne3A_1336, %ne3A_1341 : vector<256x256xi1>
    %sub3A_1343 = arith.constant 1 : i32
    %sub3A_1344 = vector.broadcast %sub3A_1343 : i32 to vector<256x256xi32>
    %sub3A_1345 = arith.subi %div3A_1318, %sub3A_1344 : vector<256x256xi32>
    %select_n3A_1346 = arith.select %and3A_1342, %sub3A_1345, %div3A_1318 : vector<256x256xi1>, vector<256x256xi32>
    %iota3A_1347 = tpu.iota {dimensions = array<i32: 1>} : vector<256x256xi32>
    %jit3A_1348 = arith.constant 8 : i32
    %div3A_1349 = vector.broadcast %jit3A_1348 : i32 to vector<256x256xi32>
    %div3A_1350 = arith.divsi %iota3A_1347, %div3A_1349 : vector<256x256xi32>
    %sign3A_1351 = arith.constant 0 : i32
    %sign3A_1352 = vector.broadcast %sign3A_1351 : i32 to vector<256x256xi32>
    %sign3A_1353 = arith.cmpi sgt, %iota3A_1347, %sign3A_1352 : vector<256x256xi32>
    %sign3A_1354 = arith.extui %sign3A_1353 : vector<256x256xi1> to vector<256x256xi32>
    %sign3A_1355 = arith.constant 0 : i32
    %sign3A_1356 = vector.broadcast %sign3A_1355 : i32 to vector<256x256xi32>
    %sign3A_1357 = arith.cmpi slt, %iota3A_1347, %sign3A_1356 : vector<256x256xi32>
    %sign3A_1358 = arith.extui %sign3A_1357 : vector<256x256xi1> to vector<256x256xi32>
    %sign3A_1359 = arith.subi %sign3A_1354, %sign3A_1358 : vector<256x256xi32>
    %sign3A_1360 = arith.constant 0 : i32
    %sign3A_1361 = arith.cmpi sgt, %jit3A_1348, %sign3A_1360 : i32
    %sign3A_1362 = arith.extui %sign3A_1361 : i1 to i32
    %sign3A_1363 = arith.constant 0 : i32
    %sign3A_1364 = arith.cmpi slt, %jit3A_1348, %sign3A_1363 : i32
    %sign3A_1365 = arith.extui %sign3A_1364 : i1 to i32
    %sign3A_1366 = arith.subi %sign3A_1362, %sign3A_1365 : i32
    %ne3A_1367 = vector.broadcast %sign3A_1366 : i32 to vector<256x256xi32>
    %ne3A_1368 = arith.cmpi ne, %sign3A_1359, %ne3A_1367 : vector<256x256xi32>
    %rem3A_1369 = vector.broadcast %jit3A_1348 : i32 to vector<256x256xi32>
    %rem3A_1370 = arith.remsi %iota3A_1347, %rem3A_1369 : vector<256x256xi32>
    %ne3A_1371 = arith.constant 0 : i32
    %ne3A_1372 = vector.broadcast %ne3A_1371 : i32 to vector<256x256xi32>
    %ne3A_1373 = arith.cmpi ne, %rem3A_1370, %ne3A_1372 : vector<256x256xi32>
    %and3A_1374 = arith.andi %ne3A_1368, %ne3A_1373 : vector<256x256xi1>
    %sub3A_1375 = arith.constant 1 : i32
    %sub3A_1376 = vector.broadcast %sub3A_1375 : i32 to vector<256x256xi32>
    %sub3A_1377 = arith.subi %div3A_1350, %sub3A_1376 : vector<256x256xi32>
    %select_n3A_1378 = arith.select %and3A_1374, %sub3A_1377, %div3A_1350 : vector<256x256xi1>, vector<256x256xi32>
    %eq3A_1379 = arith.cmpi eq, %select_n3A_1346, %select_n3A_1378 : vector<256x256xi32>
    %convert_element_type3A_1380 = arith.extui %eq3A_1379 : vector<256x256xi1> to vector<256x256xi32>
    %convert_element_type3A_1381 = arith.sitofp %convert_element_type3A_1380 : vector<256x256xi32> to vector<256x256xf32>
    %slice3A_1382 = vector.extract_strided_slice %add3A_1314 {offsets = [0, 0], sizes = [256, 1723], strides = [1, 1]} : vector<256x1792xf32> to vector<256x1723xf32>
    %reduce_sum3A_1383 = arith.constant dense<0.000000e+00> : vector<256xf32>
    %reduce_sum3A_1384 = vector.multi_reduction <add>, %slice3A_1382, %reduce_sum3A_1383 [1] : vector<256x1723xf32> to vector<256xf32>
    %broadcast_in_dim3A_1385 = vector.shape_cast %reduce_sum3A_1384 : vector<256xf32> to vector<256x1xf32>
    %mul3A_1386 = arith.mulf %slice3A_1382, %slice3A_1382 : vector<256x1723xf32>
    %reduce_sum3A_1387 = arith.constant dense<0.000000e+00> : vector<256xf32>
    %reduce_sum3A_1388 = vector.multi_reduction <add>, %mul3A_1386, %reduce_sum3A_1387 [1] : vector<256x1723xf32> to vector<256xf32>
    %broadcast_in_dim3A_1389 = vector.shape_cast %reduce_sum3A_1388 : vector<256xf32> to vector<256x1xf32>
    %dot_general3A_1390 = arith.constant dense<0.000000e+00> : vector<256x1xf32>
    %dot_general3A_1391 = tpu.matmul %convert_element_type3A_1381, %broadcast_in_dim3A_1385, %dot_general3A_1390 {dimension_numbers = #tpu.dot_dimension_numbers<[1], [0], [0], [1], [0, 0, 1, 1], [], []>, transpose_lhs_hint = false} : vector<256x256xf32>, vector<256x1xf32>, vector<256x1xf32> -> vector<256x1xf32>
    %div3A_1392 = arith.constant 1.378400e+04 : f32
    %div3A_1393 = vector.broadcast %div3A_1392 : f32 to vector<256x1xf32>
    %div3A_1394 = arith.divf %dot_general3A_1391, %div3A_1393 : vector<256x1xf32>
    %dot_general3A_1395 = arith.constant dense<0.000000e+00> : vector<256x1xf32>
    %dot_general3A_1396 = tpu.matmul %convert_element_type3A_1381, %broadcast_in_dim3A_1389, %dot_general3A_1395 {dimension_numbers = #tpu.dot_dimension_numbers<[1], [0], [0], [1], [0, 0, 1, 1], [], []>, transpose_lhs_hint = false} : vector<256x256xf32>, vector<256x1xf32>, vector<256x1xf32> -> vector<256x1xf32>
    %div3A_1397 = arith.constant 1.378400e+04 : f32
    %div3A_1398 = vector.broadcast %div3A_1397 : f32 to vector<256x1xf32>
    %div3A_1399 = arith.divf %dot_general3A_1396, %div3A_1398 : vector<256x1xf32>
    %mul3A_1400 = arith.mulf %div3A_1394, %div3A_1394 : vector<256x1xf32>
    %sub3A_1401 = arith.subf %div3A_1399, %mul3A_1400 : vector<256x1xf32>
    %add3A_1402 = arith.constant 9.99999974E-6 : f32
    %add3A_1403 = vector.broadcast %add3A_1402 : f32 to vector<256x1xf32>
    %add3A_1404 = arith.addf %sub3A_1401, %add3A_1403 : vector<256x1xf32>
    %rsqrt3A_1405 = math.rsqrt %add3A_1404 : vector<256x1xf32>
    %mul3A_1406 = arith.mulf %get3A_136, %rsqrt3A_1405 : vector<256x1xf32>
    %mul3A_1407 = vector.broadcast %mul3A_1406 : vector<256x1xf32> to vector<256x1792xf32>
    %mul3A_1408 = arith.mulf %add3A_1314, %mul3A_1407 : vector<256x1792xf32>
    %mul3A_1409 = arith.mulf %div3A_1394, %mul3A_1406 : vector<256x1xf32>
    %sub3A_1410 = arith.subf %get3A_139, %mul3A_1409 : vector<256x1xf32>
    %add3A_1411 = vector.broadcast %sub3A_1410 : vector<256x1xf32> to vector<256x1792xf32>
    %add3A_1412 = arith.addf %mul3A_1408, %add3A_1411 : vector<256x1792xf32>
    %max3A_1413 = arith.constant 0.000000e+00 : f32
    %max3A_1414 = vector.broadcast %max3A_1413 : f32 to vector<256x1792xf32>
    %max3A_1415 = arith.maximumf %add3A_1412, %max3A_1414 : vector<256x1792xf32>
    %dot_general3A_1416 = arith.constant dense<0.000000e+00> : vector<128x1792xf32>
    %dot_general3A_1417 = tpu.matmul %get3A_142, %max3A_1415, %dot_general3A_1416 {dimension_numbers = #tpu.dot_dimension_numbers<[1], [0], [0], [1], [0, 0, 1, 1], [], []>, transpose_lhs_hint = false} : vector<128x256xf32>, vector<256x1792xf32>, vector<128x1792xf32> -> vector<128x1792xf32>
    %add3A_1418 = vector.broadcast %get3A_145 : vector<128x1xf32> to vector<128x1792xf32>
    %add3A_1419 = arith.addf %dot_general3A_1417, %add3A_1418 : vector<128x1792xf32>
    %iota3A_1420 = tpu.iota {dimensions = array<i32: 0>} : vector<128x128xi32>
    %jit3A_1421 = arith.constant 8 : i32
    %div3A_1422 = vector.broadcast %jit3A_1421 : i32 to vector<128x128xi32>
    %div3A_1423 = arith.divsi %iota3A_1420, %div3A_1422 : vector<128x128xi32>
    %sign3A_1424 = arith.constant 0 : i32
    %sign3A_1425 = vector.broadcast %sign3A_1424 : i32 to vector<128x128xi32>
    %sign3A_1426 = arith.cmpi sgt, %iota3A_1420, %sign3A_1425 : vector<128x128xi32>
    %sign3A_1427 = arith.extui %sign3A_1426 : vector<128x128xi1> to vector<128x128xi32>
    %sign3A_1428 = arith.constant 0 : i32
    %sign3A_1429 = vector.broadcast %sign3A_1428 : i32 to vector<128x128xi32>
    %sign3A_1430 = arith.cmpi slt, %iota3A_1420, %sign3A_1429 : vector<128x128xi32>
    %sign3A_1431 = arith.extui %sign3A_1430 : vector<128x128xi1> to vector<128x128xi32>
    %sign3A_1432 = arith.subi %sign3A_1427, %sign3A_1431 : vector<128x128xi32>
    %sign3A_1433 = arith.constant 0 : i32
    %sign3A_1434 = arith.cmpi sgt, %jit3A_1421, %sign3A_1433 : i32
    %sign3A_1435 = arith.extui %sign3A_1434 : i1 to i32
    %sign3A_1436 = arith.constant 0 : i32
    %sign3A_1437 = arith.cmpi slt, %jit3A_1421, %sign3A_1436 : i32
    %sign3A_1438 = arith.extui %sign3A_1437 : i1 to i32
    %sign3A_1439 = arith.subi %sign3A_1435, %sign3A_1438 : i32
    %ne3A_1440 = vector.broadcast %sign3A_1439 : i32 to vector<128x128xi32>
    %ne3A_1441 = arith.cmpi ne, %sign3A_1432, %ne3A_1440 : vector<128x128xi32>
    %rem3A_1442 = vector.broadcast %jit3A_1421 : i32 to vector<128x128xi32>
    %rem3A_1443 = arith.remsi %iota3A_1420, %rem3A_1442 : vector<128x128xi32>
    %ne3A_1444 = arith.constant 0 : i32
    %ne3A_1445 = vector.broadcast %ne3A_1444 : i32 to vector<128x128xi32>
    %ne3A_1446 = arith.cmpi ne, %rem3A_1443, %ne3A_1445 : vector<128x128xi32>
    %and3A_1447 = arith.andi %ne3A_1441, %ne3A_1446 : vector<128x128xi1>
    %sub3A_1448 = arith.constant 1 : i32
    %sub3A_1449 = vector.broadcast %sub3A_1448 : i32 to vector<128x128xi32>
    %sub3A_1450 = arith.subi %div3A_1423, %sub3A_1449 : vector<128x128xi32>
    %select_n3A_1451 = arith.select %and3A_1447, %sub3A_1450, %div3A_1423 : vector<128x128xi1>, vector<128x128xi32>
    %iota3A_1452 = tpu.iota {dimensions = array<i32: 1>} : vector<128x128xi32>
    %jit3A_1453 = arith.constant 8 : i32
    %div3A_1454 = vector.broadcast %jit3A_1453 : i32 to vector<128x128xi32>
    %div3A_1455 = arith.divsi %iota3A_1452, %div3A_1454 : vector<128x128xi32>
    %sign3A_1456 = arith.constant 0 : i32
    %sign3A_1457 = vector.broadcast %sign3A_1456 : i32 to vector<128x128xi32>
    %sign3A_1458 = arith.cmpi sgt, %iota3A_1452, %sign3A_1457 : vector<128x128xi32>
    %sign3A_1459 = arith.extui %sign3A_1458 : vector<128x128xi1> to vector<128x128xi32>
    %sign3A_1460 = arith.constant 0 : i32
    %sign3A_1461 = vector.broadcast %sign3A_1460 : i32 to vector<128x128xi32>
    %sign3A_1462 = arith.cmpi slt, %iota3A_1452, %sign3A_1461 : vector<128x128xi32>
    %sign3A_1463 = arith.extui %sign3A_1462 : vector<128x128xi1> to vector<128x128xi32>
    %sign3A_1464 = arith.subi %sign3A_1459, %sign3A_1463 : vector<128x128xi32>
    %sign3A_1465 = arith.constant 0 : i32
    %sign3A_1466 = arith.cmpi sgt, %jit3A_1453, %sign3A_1465 : i32
    %sign3A_1467 = arith.extui %sign3A_1466 : i1 to i32
    %sign3A_1468 = arith.constant 0 : i32
    %sign3A_1469 = arith.cmpi slt, %jit3A_1453, %sign3A_1468 : i32
    %sign3A_1470 = arith.extui %sign3A_1469 : i1 to i32
    %sign3A_1471 = arith.subi %sign3A_1467, %sign3A_1470 : i32
    %ne3A_1472 = vector.broadcast %sign3A_1471 : i32 to vector<128x128xi32>
    %ne3A_1473 = arith.cmpi ne, %sign3A_1464, %ne3A_1472 : vector<128x128xi32>
    %rem3A_1474 = vector.broadcast %jit3A_1453 : i32 to vector<128x128xi32>
    %rem3A_1475 = arith.remsi %iota3A_1452, %rem3A_1474 : vector<128x128xi32>
    %ne3A_1476 = arith.constant 0 : i32
    %ne3A_1477 = vector.broadcast %ne3A_1476 : i32 to vector<128x128xi32>
    %ne3A_1478 = arith.cmpi ne, %rem3A_1475, %ne3A_1477 : vector<128x128xi32>
    %and3A_1479 = arith.andi %ne3A_1473, %ne3A_1478 : vector<128x128xi1>
    %sub3A_1480 = arith.constant 1 : i32
    %sub3A_1481 = vector.broadcast %sub3A_1480 : i32 to vector<128x128xi32>
    %sub3A_1482 = arith.subi %div3A_1455, %sub3A_1481 : vector<128x128xi32>
    %select_n3A_1483 = arith.select %and3A_1479, %sub3A_1482, %div3A_1455 : vector<128x128xi1>, vector<128x128xi32>
    %eq3A_1484 = arith.cmpi eq, %select_n3A_1451, %select_n3A_1483 : vector<128x128xi32>
    %convert_element_type3A_1485 = arith.extui %eq3A_1484 : vector<128x128xi1> to vector<128x128xi32>
    %convert_element_type3A_1486 = arith.sitofp %convert_element_type3A_1485 : vector<128x128xi32> to vector<128x128xf32>
    %slice3A_1487 = vector.extract_strided_slice %add3A_1419 {offsets = [0, 0], sizes = [128, 1723], strides = [1, 1]} : vector<128x1792xf32> to vector<128x1723xf32>
    %reduce_sum3A_1488 = arith.constant dense<0.000000e+00> : vector<128xf32>
    %reduce_sum3A_1489 = vector.multi_reduction <add>, %slice3A_1487, %reduce_sum3A_1488 [1] : vector<128x1723xf32> to vector<128xf32>
    %broadcast_in_dim3A_1490 = vector.shape_cast %reduce_sum3A_1489 : vector<128xf32> to vector<128x1xf32>
    %mul3A_1491 = arith.mulf %slice3A_1487, %slice3A_1487 : vector<128x1723xf32>
    %reduce_sum3A_1492 = arith.constant dense<0.000000e+00> : vector<128xf32>
    %reduce_sum3A_1493 = vector.multi_reduction <add>, %mul3A_1491, %reduce_sum3A_1492 [1] : vector<128x1723xf32> to vector<128xf32>
    %broadcast_in_dim3A_1494 = vector.shape_cast %reduce_sum3A_1493 : vector<128xf32> to vector<128x1xf32>
    %dot_general3A_1495 = arith.constant dense<0.000000e+00> : vector<128x1xf32>
    %dot_general3A_1496 = tpu.matmul %convert_element_type3A_1486, %broadcast_in_dim3A_1490, %dot_general3A_1495 {dimension_numbers = #tpu.dot_dimension_numbers<[1], [0], [0], [1], [0, 0, 1, 1], [], []>, transpose_lhs_hint = false} : vector<128x128xf32>, vector<128x1xf32>, vector<128x1xf32> -> vector<128x1xf32>
    %div3A_1497 = arith.constant 1.378400e+04 : f32
    %div3A_1498 = vector.broadcast %div3A_1497 : f32 to vector<128x1xf32>
    %div3A_1499 = arith.divf %dot_general3A_1496, %div3A_1498 : vector<128x1xf32>
    %dot_general3A_1500 = arith.constant dense<0.000000e+00> : vector<128x1xf32>
    %dot_general3A_1501 = tpu.matmul %convert_element_type3A_1486, %broadcast_in_dim3A_1494, %dot_general3A_1500 {dimension_numbers = #tpu.dot_dimension_numbers<[1], [0], [0], [1], [0, 0, 1, 1], [], []>, transpose_lhs_hint = false} : vector<128x128xf32>, vector<128x1xf32>, vector<128x1xf32> -> vector<128x1xf32>
    %div3A_1502 = arith.constant 1.378400e+04 : f32
    %div3A_1503 = vector.broadcast %div3A_1502 : f32 to vector<128x1xf32>
    %div3A_1504 = arith.divf %dot_general3A_1501, %div3A_1503 : vector<128x1xf32>
    %mul3A_1505 = arith.mulf %div3A_1499, %div3A_1499 : vector<128x1xf32>
    %sub3A_1506 = arith.subf %div3A_1504, %mul3A_1505 : vector<128x1xf32>
    %add3A_1507 = arith.constant 9.99999974E-6 : f32
    %add3A_1508 = vector.broadcast %add3A_1507 : f32 to vector<128x1xf32>
    %add3A_1509 = arith.addf %sub3A_1506, %add3A_1508 : vector<128x1xf32>
    %rsqrt3A_1510 = math.rsqrt %add3A_1509 : vector<128x1xf32>
    %mul3A_1511 = arith.mulf %get3A_148, %rsqrt3A_1510 : vector<128x1xf32>
    %mul3A_1512 = vector.broadcast %mul3A_1511 : vector<128x1xf32> to vector<128x1792xf32>
    %mul3A_1513 = arith.mulf %add3A_1419, %mul3A_1512 : vector<128x1792xf32>
    %mul3A_1514 = arith.mulf %div3A_1499, %mul3A_1511 : vector<128x1xf32>
    %sub3A_1515 = arith.subf %get3A_151, %mul3A_1514 : vector<128x1xf32>
    %add3A_1516 = vector.broadcast %sub3A_1515 : vector<128x1xf32> to vector<128x1792xf32>
    %add3A_1517 = arith.addf %mul3A_1513, %add3A_1516 : vector<128x1792xf32>
    %max3A_1518 = arith.constant 0.000000e+00 : f32
    %max3A_1519 = vector.broadcast %max3A_1518 : f32 to vector<128x1792xf32>
    %max3A_1520 = arith.maximumf %add3A_1517, %max3A_1519 : vector<128x1792xf32>
    %dot_general3A_1521 = arith.constant dense<0.000000e+00> : vector<128x1792xf32>
    %dot_general3A_1522 = tpu.matmul %get3A_154, %max3A_1520, %dot_general3A_1521 {dimension_numbers = #tpu.dot_dimension_numbers<[1], [0], [0], [1], [0, 0, 1, 1], [], []>, transpose_lhs_hint = false} : vector<128x128xf32>, vector<128x1792xf32>, vector<128x1792xf32> -> vector<128x1792xf32>
    %convert_element_type3A_1523 = arith.truncf %dot_general3A_1522 : vector<128x1792xf32> to vector<128x1792xbf16>
    %dot_general3A_1524 = arith.constant dense<0.000000e+00> : vector<128x1792xf32>
    %dot_general3A_1525 = tpu.matmul %convert_element_type3A_1523, %get3A_340, %dot_general3A_1524 {dimension_numbers = #tpu.dot_dimension_numbers<[1], [0], [0], [1], [0, 0, 1, 1], [], []>, transpose_lhs_hint = false} : vector<128x1792xbf16>, vector<1792x1792xbf16>, vector<128x1792xf32> -> vector<128x1792xf32>
    %add3A_1526 = vector.broadcast %get3A_157 : vector<128x1xf32> to vector<128x1792xf32>
    %add3A_1527 = arith.addf %dot_general3A_1525, %add3A_1526 : vector<128x1792xf32>
    %iota3A_1528 = tpu.iota {dimensions = array<i32: 0>} : vector<128x128xi32>
    %jit3A_1529 = arith.constant 8 : i32
    %div3A_1530 = vector.broadcast %jit3A_1529 : i32 to vector<128x128xi32>
    %div3A_1531 = arith.divsi %iota3A_1528, %div3A_1530 : vector<128x128xi32>
    %sign3A_1532 = arith.constant 0 : i32
    %sign3A_1533 = vector.broadcast %sign3A_1532 : i32 to vector<128x128xi32>
    %sign3A_1534 = arith.cmpi sgt, %iota3A_1528, %sign3A_1533 : vector<128x128xi32>
    %sign3A_1535 = arith.extui %sign3A_1534 : vector<128x128xi1> to vector<128x128xi32>
    %sign3A_1536 = arith.constant 0 : i32
    %sign3A_1537 = vector.broadcast %sign3A_1536 : i32 to vector<128x128xi32>
    %sign3A_1538 = arith.cmpi slt, %iota3A_1528, %sign3A_1537 : vector<128x128xi32>
    %sign3A_1539 = arith.extui %sign3A_1538 : vector<128x128xi1> to vector<128x128xi32>
    %sign3A_1540 = arith.subi %sign3A_1535, %sign3A_1539 : vector<128x128xi32>
    %sign3A_1541 = arith.constant 0 : i32
    %sign3A_1542 = arith.cmpi sgt, %jit3A_1529, %sign3A_1541 : i32
    %sign3A_1543 = arith.extui %sign3A_1542 : i1 to i32
    %sign3A_1544 = arith.constant 0 : i32
    %sign3A_1545 = arith.cmpi slt, %jit3A_1529, %sign3A_1544 : i32
    %sign3A_1546 = arith.extui %sign3A_1545 : i1 to i32
    %sign3A_1547 = arith.subi %sign3A_1543, %sign3A_1546 : i32
    %ne3A_1548 = vector.broadcast %sign3A_1547 : i32 to vector<128x128xi32>
    %ne3A_1549 = arith.cmpi ne, %sign3A_1540, %ne3A_1548 : vector<128x128xi32>
    %rem3A_1550 = vector.broadcast %jit3A_1529 : i32 to vector<128x128xi32>
    %rem3A_1551 = arith.remsi %iota3A_1528, %rem3A_1550 : vector<128x128xi32>
    %ne3A_1552 = arith.constant 0 : i32
    %ne3A_1553 = vector.broadcast %ne3A_1552 : i32 to vector<128x128xi32>
    %ne3A_1554 = arith.cmpi ne, %rem3A_1551, %ne3A_1553 : vector<128x128xi32>
    %and3A_1555 = arith.andi %ne3A_1549, %ne3A_1554 : vector<128x128xi1>
    %sub3A_1556 = arith.constant 1 : i32
    %sub3A_1557 = vector.broadcast %sub3A_1556 : i32 to vector<128x128xi32>
    %sub3A_1558 = arith.subi %div3A_1531, %sub3A_1557 : vector<128x128xi32>
    %select_n3A_1559 = arith.select %and3A_1555, %sub3A_1558, %div3A_1531 : vector<128x128xi1>, vector<128x128xi32>
    %iota3A_1560 = tpu.iota {dimensions = array<i32: 1>} : vector<128x128xi32>
    %jit3A_1561 = arith.constant 8 : i32
    %div3A_1562 = vector.broadcast %jit3A_1561 : i32 to vector<128x128xi32>
    %div3A_1563 = arith.divsi %iota3A_1560, %div3A_1562 : vector<128x128xi32>
    %sign3A_1564 = arith.constant 0 : i32
    %sign3A_1565 = vector.broadcast %sign3A_1564 : i32 to vector<128x128xi32>
    %sign3A_1566 = arith.cmpi sgt, %iota3A_1560, %sign3A_1565 : vector<128x128xi32>
    %sign3A_1567 = arith.extui %sign3A_1566 : vector<128x128xi1> to vector<128x128xi32>
    %sign3A_1568 = arith.constant 0 : i32
    %sign3A_1569 = vector.broadcast %sign3A_1568 : i32 to vector<128x128xi32>
    %sign3A_1570 = arith.cmpi slt, %iota3A_1560, %sign3A_1569 : vector<128x128xi32>
    %sign3A_1571 = arith.extui %sign3A_1570 : vector<128x128xi1> to vector<128x128xi32>
    %sign3A_1572 = arith.subi %sign3A_1567, %sign3A_1571 : vector<128x128xi32>
    %sign3A_1573 = arith.constant 0 : i32
    %sign3A_1574 = arith.cmpi sgt, %jit3A_1561, %sign3A_1573 : i32
    %sign3A_1575 = arith.extui %sign3A_1574 : i1 to i32
    %sign3A_1576 = arith.constant 0 : i32
    %sign3A_1577 = arith.cmpi slt, %jit3A_1561, %sign3A_1576 : i32
    %sign3A_1578 = arith.extui %sign3A_1577 : i1 to i32
    %sign3A_1579 = arith.subi %sign3A_1575, %sign3A_1578 : i32
    %ne3A_1580 = vector.broadcast %sign3A_1579 : i32 to vector<128x128xi32>
    %ne3A_1581 = arith.cmpi ne, %sign3A_1572, %ne3A_1580 : vector<128x128xi32>
    %rem3A_1582 = vector.broadcast %jit3A_1561 : i32 to vector<128x128xi32>
    %rem3A_1583 = arith.remsi %iota3A_1560, %rem3A_1582 : vector<128x128xi32>
    %ne3A_1584 = arith.constant 0 : i32
    %ne3A_1585 = vector.broadcast %ne3A_1584 : i32 to vector<128x128xi32>
    %ne3A_1586 = arith.cmpi ne, %rem3A_1583, %ne3A_1585 : vector<128x128xi32>
    %and3A_1587 = arith.andi %ne3A_1581, %ne3A_1586 : vector<128x128xi1>
    %sub3A_1588 = arith.constant 1 : i32
    %sub3A_1589 = vector.broadcast %sub3A_1588 : i32 to vector<128x128xi32>
    %sub3A_1590 = arith.subi %div3A_1563, %sub3A_1589 : vector<128x128xi32>
    %select_n3A_1591 = arith.select %and3A_1587, %sub3A_1590, %div3A_1563 : vector<128x128xi1>, vector<128x128xi32>
    %eq3A_1592 = arith.cmpi eq, %select_n3A_1559, %select_n3A_1591 : vector<128x128xi32>
    %convert_element_type3A_1593 = arith.extui %eq3A_1592 : vector<128x128xi1> to vector<128x128xi32>
    %convert_element_type3A_1594 = arith.sitofp %convert_element_type3A_1593 : vector<128x128xi32> to vector<128x128xf32>
    %slice3A_1595 = vector.extract_strided_slice %add3A_1527 {offsets = [0, 0], sizes = [128, 1723], strides = [1, 1]} : vector<128x1792xf32> to vector<128x1723xf32>
    %reduce_sum3A_1596 = arith.constant dense<0.000000e+00> : vector<128xf32>
    %reduce_sum3A_1597 = vector.multi_reduction <add>, %slice3A_1595, %reduce_sum3A_1596 [1] : vector<128x1723xf32> to vector<128xf32>
    %broadcast_in_dim3A_1598 = vector.shape_cast %reduce_sum3A_1597 : vector<128xf32> to vector<128x1xf32>
    %mul3A_1599 = arith.mulf %slice3A_1595, %slice3A_1595 : vector<128x1723xf32>
    %reduce_sum3A_1600 = arith.constant dense<0.000000e+00> : vector<128xf32>
    %reduce_sum3A_1601 = vector.multi_reduction <add>, %mul3A_1599, %reduce_sum3A_1600 [1] : vector<128x1723xf32> to vector<128xf32>
    %broadcast_in_dim3A_1602 = vector.shape_cast %reduce_sum3A_1601 : vector<128xf32> to vector<128x1xf32>
    %dot_general3A_1603 = arith.constant dense<0.000000e+00> : vector<128x1xf32>
    %dot_general3A_1604 = tpu.matmul %convert_element_type3A_1594, %broadcast_in_dim3A_1598, %dot_general3A_1603 {dimension_numbers = #tpu.dot_dimension_numbers<[1], [0], [0], [1], [0, 0, 1, 1], [], []>, transpose_lhs_hint = false} : vector<128x128xf32>, vector<128x1xf32>, vector<128x1xf32> -> vector<128x1xf32>
    %div3A_1605 = arith.constant 1.378400e+04 : f32
    %div3A_1606 = vector.broadcast %div3A_1605 : f32 to vector<128x1xf32>
    %div3A_1607 = arith.divf %dot_general3A_1604, %div3A_1606 : vector<128x1xf32>
    %dot_general3A_1608 = arith.constant dense<0.000000e+00> : vector<128x1xf32>
    %dot_general3A_1609 = tpu.matmul %convert_element_type3A_1594, %broadcast_in_dim3A_1602, %dot_general3A_1608 {dimension_numbers = #tpu.dot_dimension_numbers<[1], [0], [0], [1], [0, 0, 1, 1], [], []>, transpose_lhs_hint = false} : vector<128x128xf32>, vector<128x1xf32>, vector<128x1xf32> -> vector<128x1xf32>
    %div3A_1610 = arith.constant 1.378400e+04 : f32
    %div3A_1611 = vector.broadcast %div3A_1610 : f32 to vector<128x1xf32>
    %div3A_1612 = arith.divf %dot_general3A_1609, %div3A_1611 : vector<128x1xf32>
    %mul3A_1613 = arith.mulf %div3A_1607, %div3A_1607 : vector<128x1xf32>
    %sub3A_1614 = arith.subf %div3A_1612, %mul3A_1613 : vector<128x1xf32>
    %add3A_1615 = arith.constant 9.99999974E-6 : f32
    %add3A_1616 = vector.broadcast %add3A_1615 : f32 to vector<128x1xf32>
    %add3A_1617 = arith.addf %sub3A_1614, %add3A_1616 : vector<128x1xf32>
    %rsqrt3A_1618 = math.rsqrt %add3A_1617 : vector<128x1xf32>
    %mul3A_1619 = arith.mulf %get3A_160, %rsqrt3A_1618 : vector<128x1xf32>
    %mul3A_1620 = vector.broadcast %mul3A_1619 : vector<128x1xf32> to vector<128x1792xf32>
    %mul3A_1621 = arith.mulf %add3A_1527, %mul3A_1620 : vector<128x1792xf32>
    %mul3A_1622 = arith.mulf %div3A_1607, %mul3A_1619 : vector<128x1xf32>
    %sub3A_1623 = arith.subf %get3A_163, %mul3A_1622 : vector<128x1xf32>
    %add3A_1624 = vector.broadcast %sub3A_1623 : vector<128x1xf32> to vector<128x1792xf32>
    %add3A_1625 = arith.addf %mul3A_1621, %add3A_1624 : vector<128x1792xf32>
    %max3A_1626 = arith.constant 0.000000e+00 : f32
    %max3A_1627 = vector.broadcast %max3A_1626 : f32 to vector<128x1792xf32>
    %max3A_1628 = arith.maximumf %add3A_1625, %max3A_1627 : vector<128x1792xf32>
    %dot_general3A_1629 = arith.constant dense<0.000000e+00> : vector<256x1792xf32>
    %dot_general3A_1630 = tpu.matmul %get3A_166, %max3A_1628, %dot_general3A_1629 {dimension_numbers = #tpu.dot_dimension_numbers<[1], [0], [0], [1], [0, 0, 1, 1], [], []>, transpose_lhs_hint = false} : vector<256x128xf32>, vector<128x1792xf32>, vector<256x1792xf32> -> vector<256x1792xf32>
    %add3A_1631 = vector.broadcast %get3A_169 : vector<256x1xf32> to vector<256x1792xf32>
    %add3A_1632 = arith.addf %dot_general3A_1630, %add3A_1631 : vector<256x1792xf32>
    %add3A_1633 = arith.addf %add3A_1314, %add3A_1632 : vector<256x1792xf32>
    %iota3A_1634 = tpu.iota {dimensions = array<i32: 0>} : vector<256x256xi32>
    %jit3A_1635 = arith.constant 8 : i32
    %div3A_1636 = vector.broadcast %jit3A_1635 : i32 to vector<256x256xi32>
    %div3A_1637 = arith.divsi %iota3A_1634, %div3A_1636 : vector<256x256xi32>
    %sign3A_1638 = arith.constant 0 : i32
    %sign3A_1639 = vector.broadcast %sign3A_1638 : i32 to vector<256x256xi32>
    %sign3A_1640 = arith.cmpi sgt, %iota3A_1634, %sign3A_1639 : vector<256x256xi32>
    %sign3A_1641 = arith.extui %sign3A_1640 : vector<256x256xi1> to vector<256x256xi32>
    %sign3A_1642 = arith.constant 0 : i32
    %sign3A_1643 = vector.broadcast %sign3A_1642 : i32 to vector<256x256xi32>
    %sign3A_1644 = arith.cmpi slt, %iota3A_1634, %sign3A_1643 : vector<256x256xi32>
    %sign3A_1645 = arith.extui %sign3A_1644 : vector<256x256xi1> to vector<256x256xi32>
    %sign3A_1646 = arith.subi %sign3A_1641, %sign3A_1645 : vector<256x256xi32>
    %sign3A_1647 = arith.constant 0 : i32
    %sign3A_1648 = arith.cmpi sgt, %jit3A_1635, %sign3A_1647 : i32
    %sign3A_1649 = arith.extui %sign3A_1648 : i1 to i32
    %sign3A_1650 = arith.constant 0 : i32
    %sign3A_1651 = arith.cmpi slt, %jit3A_1635, %sign3A_1650 : i32
    %sign3A_1652 = arith.extui %sign3A_1651 : i1 to i32
    %sign3A_1653 = arith.subi %sign3A_1649, %sign3A_1652 : i32
    %ne3A_1654 = vector.broadcast %sign3A_1653 : i32 to vector<256x256xi32>
    %ne3A_1655 = arith.cmpi ne, %sign3A_1646, %ne3A_1654 : vector<256x256xi32>
    %rem3A_1656 = vector.broadcast %jit3A_1635 : i32 to vector<256x256xi32>
    %rem3A_1657 = arith.remsi %iota3A_1634, %rem3A_1656 : vector<256x256xi32>
    %ne3A_1658 = arith.constant 0 : i32
    %ne3A_1659 = vector.broadcast %ne3A_1658 : i32 to vector<256x256xi32>
    %ne3A_1660 = arith.cmpi ne, %rem3A_1657, %ne3A_1659 : vector<256x256xi32>
    %and3A_1661 = arith.andi %ne3A_1655, %ne3A_1660 : vector<256x256xi1>
    %sub3A_1662 = arith.constant 1 : i32
    %sub3A_1663 = vector.broadcast %sub3A_1662 : i32 to vector<256x256xi32>
    %sub3A_1664 = arith.subi %div3A_1637, %sub3A_1663 : vector<256x256xi32>
    %select_n3A_1665 = arith.select %and3A_1661, %sub3A_1664, %div3A_1637 : vector<256x256xi1>, vector<256x256xi32>
    %iota3A_1666 = tpu.iota {dimensions = array<i32: 1>} : vector<256x256xi32>
    %jit3A_1667 = arith.constant 8 : i32
    %div3A_1668 = vector.broadcast %jit3A_1667 : i32 to vector<256x256xi32>
    %div3A_1669 = arith.divsi %iota3A_1666, %div3A_1668 : vector<256x256xi32>
    %sign3A_1670 = arith.constant 0 : i32
    %sign3A_1671 = vector.broadcast %sign3A_1670 : i32 to vector<256x256xi32>
    %sign3A_1672 = arith.cmpi sgt, %iota3A_1666, %sign3A_1671 : vector<256x256xi32>
    %sign3A_1673 = arith.extui %sign3A_1672 : vector<256x256xi1> to vector<256x256xi32>
    %sign3A_1674 = arith.constant 0 : i32
    %sign3A_1675 = vector.broadcast %sign3A_1674 : i32 to vector<256x256xi32>
    %sign3A_1676 = arith.cmpi slt, %iota3A_1666, %sign3A_1675 : vector<256x256xi32>
    %sign3A_1677 = arith.extui %sign3A_1676 : vector<256x256xi1> to vector<256x256xi32>
    %sign3A_1678 = arith.subi %sign3A_1673, %sign3A_1677 : vector<256x256xi32>
    %sign3A_1679 = arith.constant 0 : i32
    %sign3A_1680 = arith.cmpi sgt, %jit3A_1667, %sign3A_1679 : i32
    %sign3A_1681 = arith.extui %sign3A_1680 : i1 to i32
    %sign3A_1682 = arith.constant 0 : i32
    %sign3A_1683 = arith.cmpi slt, %jit3A_1667, %sign3A_1682 : i32
    %sign3A_1684 = arith.extui %sign3A_1683 : i1 to i32
    %sign3A_1685 = arith.subi %sign3A_1681, %sign3A_1684 : i32
    %ne3A_1686 = vector.broadcast %sign3A_1685 : i32 to vector<256x256xi32>
    %ne3A_1687 = arith.cmpi ne, %sign3A_1678, %ne3A_1686 : vector<256x256xi32>
    %rem3A_1688 = vector.broadcast %jit3A_1667 : i32 to vector<256x256xi32>
    %rem3A_1689 = arith.remsi %iota3A_1666, %rem3A_1688 : vector<256x256xi32>
    %ne3A_1690 = arith.constant 0 : i32
    %ne3A_1691 = vector.broadcast %ne3A_1690 : i32 to vector<256x256xi32>
    %ne3A_1692 = arith.cmpi ne, %rem3A_1689, %ne3A_1691 : vector<256x256xi32>
    %and3A_1693 = arith.andi %ne3A_1687, %ne3A_1692 : vector<256x256xi1>
    %sub3A_1694 = arith.constant 1 : i32
    %sub3A_1695 = vector.broadcast %sub3A_1694 : i32 to vector<256x256xi32>
    %sub3A_1696 = arith.subi %div3A_1669, %sub3A_1695 : vector<256x256xi32>
    %select_n3A_1697 = arith.select %and3A_1693, %sub3A_1696, %div3A_1669 : vector<256x256xi1>, vector<256x256xi32>
    %eq3A_1698 = arith.cmpi eq, %select_n3A_1665, %select_n3A_1697 : vector<256x256xi32>
    %convert_element_type3A_1699 = arith.extui %eq3A_1698 : vector<256x256xi1> to vector<256x256xi32>
    %convert_element_type3A_1700 = arith.sitofp %convert_element_type3A_1699 : vector<256x256xi32> to vector<256x256xf32>
    %slice3A_1701 = vector.extract_strided_slice %add3A_1633 {offsets = [0, 0], sizes = [256, 1723], strides = [1, 1]} : vector<256x1792xf32> to vector<256x1723xf32>
    %reduce_sum3A_1702 = arith.constant dense<0.000000e+00> : vector<256xf32>
    %reduce_sum3A_1703 = vector.multi_reduction <add>, %slice3A_1701, %reduce_sum3A_1702 [1] : vector<256x1723xf32> to vector<256xf32>
    %broadcast_in_dim3A_1704 = vector.shape_cast %reduce_sum3A_1703 : vector<256xf32> to vector<256x1xf32>
    %mul3A_1705 = arith.mulf %slice3A_1701, %slice3A_1701 : vector<256x1723xf32>
    %reduce_sum3A_1706 = arith.constant dense<0.000000e+00> : vector<256xf32>
    %reduce_sum3A_1707 = vector.multi_reduction <add>, %mul3A_1705, %reduce_sum3A_1706 [1] : vector<256x1723xf32> to vector<256xf32>
    %broadcast_in_dim3A_1708 = vector.shape_cast %reduce_sum3A_1707 : vector<256xf32> to vector<256x1xf32>
    %dot_general3A_1709 = arith.constant dense<0.000000e+00> : vector<256x1xf32>
    %dot_general3A_1710 = tpu.matmul %convert_element_type3A_1700, %broadcast_in_dim3A_1704, %dot_general3A_1709 {dimension_numbers = #tpu.dot_dimension_numbers<[1], [0], [0], [1], [0, 0, 1, 1], [], []>, transpose_lhs_hint = false} : vector<256x256xf32>, vector<256x1xf32>, vector<256x1xf32> -> vector<256x1xf32>
    %div3A_1711 = arith.constant 1.378400e+04 : f32
    %div3A_1712 = vector.broadcast %div3A_1711 : f32 to vector<256x1xf32>
    %div3A_1713 = arith.divf %dot_general3A_1710, %div3A_1712 : vector<256x1xf32>
    %dot_general3A_1714 = arith.constant dense<0.000000e+00> : vector<256x1xf32>
    %dot_general3A_1715 = tpu.matmul %convert_element_type3A_1700, %broadcast_in_dim3A_1708, %dot_general3A_1714 {dimension_numbers = #tpu.dot_dimension_numbers<[1], [0], [0], [1], [0, 0, 1, 1], [], []>, transpose_lhs_hint = false} : vector<256x256xf32>, vector<256x1xf32>, vector<256x1xf32> -> vector<256x1xf32>
    %div3A_1716 = arith.constant 1.378400e+04 : f32
    %div3A_1717 = vector.broadcast %div3A_1716 : f32 to vector<256x1xf32>
    %div3A_1718 = arith.divf %dot_general3A_1715, %div3A_1717 : vector<256x1xf32>
    %mul3A_1719 = arith.mulf %div3A_1713, %div3A_1713 : vector<256x1xf32>
    %sub3A_1720 = arith.subf %div3A_1718, %mul3A_1719 : vector<256x1xf32>
    %add3A_1721 = arith.constant 9.99999974E-6 : f32
    %add3A_1722 = vector.broadcast %add3A_1721 : f32 to vector<256x1xf32>
    %add3A_1723 = arith.addf %sub3A_1720, %add3A_1722 : vector<256x1xf32>
    %rsqrt3A_1724 = math.rsqrt %add3A_1723 : vector<256x1xf32>
    %mul3A_1725 = arith.mulf %get3A_172, %rsqrt3A_1724 : vector<256x1xf32>
    %mul3A_1726 = vector.broadcast %mul3A_1725 : vector<256x1xf32> to vector<256x1792xf32>
    %mul3A_1727 = arith.mulf %add3A_1633, %mul3A_1726 : vector<256x1792xf32>
    %mul3A_1728 = arith.mulf %div3A_1713, %mul3A_1725 : vector<256x1xf32>
    %sub3A_1729 = arith.subf %get3A_175, %mul3A_1728 : vector<256x1xf32>
    %add3A_1730 = vector.broadcast %sub3A_1729 : vector<256x1xf32> to vector<256x1792xf32>
    %add3A_1731 = arith.addf %mul3A_1727, %add3A_1730 : vector<256x1792xf32>
    %max3A_1732 = arith.constant 0.000000e+00 : f32
    %max3A_1733 = vector.broadcast %max3A_1732 : f32 to vector<256x1792xf32>
    %max3A_1734 = arith.maximumf %add3A_1731, %max3A_1733 : vector<256x1792xf32>
    %dot_general3A_1735 = arith.constant dense<0.000000e+00> : vector<128x1792xf32>
    %dot_general3A_1736 = tpu.matmul %get3A_178, %max3A_1734, %dot_general3A_1735 {dimension_numbers = #tpu.dot_dimension_numbers<[1], [0], [0], [1], [0, 0, 1, 1], [], []>, transpose_lhs_hint = false} : vector<128x256xf32>, vector<256x1792xf32>, vector<128x1792xf32> -> vector<128x1792xf32>
    %add3A_1737 = vector.broadcast %get3A_181 : vector<128x1xf32> to vector<128x1792xf32>
    %add3A_1738 = arith.addf %dot_general3A_1736, %add3A_1737 : vector<128x1792xf32>
    %iota3A_1739 = tpu.iota {dimensions = array<i32: 0>} : vector<128x128xi32>
    %jit3A_1740 = arith.constant 8 : i32
    %div3A_1741 = vector.broadcast %jit3A_1740 : i32 to vector<128x128xi32>
    %div3A_1742 = arith.divsi %iota3A_1739, %div3A_1741 : vector<128x128xi32>
    %sign3A_1743 = arith.constant 0 : i32
    %sign3A_1744 = vector.broadcast %sign3A_1743 : i32 to vector<128x128xi32>
    %sign3A_1745 = arith.cmpi sgt, %iota3A_1739, %sign3A_1744 : vector<128x128xi32>
    %sign3A_1746 = arith.extui %sign3A_1745 : vector<128x128xi1> to vector<128x128xi32>
    %sign3A_1747 = arith.constant 0 : i32
    %sign3A_1748 = vector.broadcast %sign3A_1747 : i32 to vector<128x128xi32>
    %sign3A_1749 = arith.cmpi slt, %iota3A_1739, %sign3A_1748 : vector<128x128xi32>
    %sign3A_1750 = arith.extui %sign3A_1749 : vector<128x128xi1> to vector<128x128xi32>
    %sign3A_1751 = arith.subi %sign3A_1746, %sign3A_1750 : vector<128x128xi32>
    %sign3A_1752 = arith.constant 0 : i32
    %sign3A_1753 = arith.cmpi sgt, %jit3A_1740, %sign3A_1752 : i32
    %sign3A_1754 = arith.extui %sign3A_1753 : i1 to i32
    %sign3A_1755 = arith.constant 0 : i32
    %sign3A_1756 = arith.cmpi slt, %jit3A_1740, %sign3A_1755 : i32
    %sign3A_1757 = arith.extui %sign3A_1756 : i1 to i32
    %sign3A_1758 = arith.subi %sign3A_1754, %sign3A_1757 : i32
    %ne3A_1759 = vector.broadcast %sign3A_1758 : i32 to vector<128x128xi32>
    %ne3A_1760 = arith.cmpi ne, %sign3A_1751, %ne3A_1759 : vector<128x128xi32>
    %rem3A_1761 = vector.broadcast %jit3A_1740 : i32 to vector<128x128xi32>
    %rem3A_1762 = arith.remsi %iota3A_1739, %rem3A_1761 : vector<128x128xi32>
    %ne3A_1763 = arith.constant 0 : i32
    %ne3A_1764 = vector.broadcast %ne3A_1763 : i32 to vector<128x128xi32>
    %ne3A_1765 = arith.cmpi ne, %rem3A_1762, %ne3A_1764 : vector<128x128xi32>
    %and3A_1766 = arith.andi %ne3A_1760, %ne3A_1765 : vector<128x128xi1>
    %sub3A_1767 = arith.constant 1 : i32
    %sub3A_1768 = vector.broadcast %sub3A_1767 : i32 to vector<128x128xi32>
    %sub3A_1769 = arith.subi %div3A_1742, %sub3A_1768 : vector<128x128xi32>
    %select_n3A_1770 = arith.select %and3A_1766, %sub3A_1769, %div3A_1742 : vector<128x128xi1>, vector<128x128xi32>
    %iota3A_1771 = tpu.iota {dimensions = array<i32: 1>} : vector<128x128xi32>
    %jit3A_1772 = arith.constant 8 : i32
    %div3A_1773 = vector.broadcast %jit3A_1772 : i32 to vector<128x128xi32>
    %div3A_1774 = arith.divsi %iota3A_1771, %div3A_1773 : vector<128x128xi32>
    %sign3A_1775 = arith.constant 0 : i32
    %sign3A_1776 = vector.broadcast %sign3A_1775 : i32 to vector<128x128xi32>
    %sign3A_1777 = arith.cmpi sgt, %iota3A_1771, %sign3A_1776 : vector<128x128xi32>
    %sign3A_1778 = arith.extui %sign3A_1777 : vector<128x128xi1> to vector<128x128xi32>
    %sign3A_1779 = arith.constant 0 : i32
    %sign3A_1780 = vector.broadcast %sign3A_1779 : i32 to vector<128x128xi32>
    %sign3A_1781 = arith.cmpi slt, %iota3A_1771, %sign3A_1780 : vector<128x128xi32>
    %sign3A_1782 = arith.extui %sign3A_1781 : vector<128x128xi1> to vector<128x128xi32>
    %sign3A_1783 = arith.subi %sign3A_1778, %sign3A_1782 : vector<128x128xi32>
    %sign3A_1784 = arith.constant 0 : i32
    %sign3A_1785 = arith.cmpi sgt, %jit3A_1772, %sign3A_1784 : i32
    %sign3A_1786 = arith.extui %sign3A_1785 : i1 to i32
    %sign3A_1787 = arith.constant 0 : i32
    %sign3A_1788 = arith.cmpi slt, %jit3A_1772, %sign3A_1787 : i32
    %sign3A_1789 = arith.extui %sign3A_1788 : i1 to i32
    %sign3A_1790 = arith.subi %sign3A_1786, %sign3A_1789 : i32
    %ne3A_1791 = vector.broadcast %sign3A_1790 : i32 to vector<128x128xi32>
    %ne3A_1792 = arith.cmpi ne, %sign3A_1783, %ne3A_1791 : vector<128x128xi32>
    %rem3A_1793 = vector.broadcast %jit3A_1772 : i32 to vector<128x128xi32>
    %rem3A_1794 = arith.remsi %iota3A_1771, %rem3A_1793 : vector<128x128xi32>
    %ne3A_1795 = arith.constant 0 : i32
    %ne3A_1796 = vector.broadcast %ne3A_1795 : i32 to vector<128x128xi32>
    %ne3A_1797 = arith.cmpi ne, %rem3A_1794, %ne3A_1796 : vector<128x128xi32>
    %and3A_1798 = arith.andi %ne3A_1792, %ne3A_1797 : vector<128x128xi1>
    %sub3A_1799 = arith.constant 1 : i32
    %sub3A_1800 = vector.broadcast %sub3A_1799 : i32 to vector<128x128xi32>
    %sub3A_1801 = arith.subi %div3A_1774, %sub3A_1800 : vector<128x128xi32>
    %select_n3A_1802 = arith.select %and3A_1798, %sub3A_1801, %div3A_1774 : vector<128x128xi1>, vector<128x128xi32>
    %eq3A_1803 = arith.cmpi eq, %select_n3A_1770, %select_n3A_1802 : vector<128x128xi32>
    %convert_element_type3A_1804 = arith.extui %eq3A_1803 : vector<128x128xi1> to vector<128x128xi32>
    %convert_element_type3A_1805 = arith.sitofp %convert_element_type3A_1804 : vector<128x128xi32> to vector<128x128xf32>
    %slice3A_1806 = vector.extract_strided_slice %add3A_1738 {offsets = [0, 0], sizes = [128, 1723], strides = [1, 1]} : vector<128x1792xf32> to vector<128x1723xf32>
    %reduce_sum3A_1807 = arith.constant dense<0.000000e+00> : vector<128xf32>
    %reduce_sum3A_1808 = vector.multi_reduction <add>, %slice3A_1806, %reduce_sum3A_1807 [1] : vector<128x1723xf32> to vector<128xf32>
    %broadcast_in_dim3A_1809 = vector.shape_cast %reduce_sum3A_1808 : vector<128xf32> to vector<128x1xf32>
    %mul3A_1810 = arith.mulf %slice3A_1806, %slice3A_1806 : vector<128x1723xf32>
    %reduce_sum3A_1811 = arith.constant dense<0.000000e+00> : vector<128xf32>
    %reduce_sum3A_1812 = vector.multi_reduction <add>, %mul3A_1810, %reduce_sum3A_1811 [1] : vector<128x1723xf32> to vector<128xf32>
    %broadcast_in_dim3A_1813 = vector.shape_cast %reduce_sum3A_1812 : vector<128xf32> to vector<128x1xf32>
    %dot_general3A_1814 = arith.constant dense<0.000000e+00> : vector<128x1xf32>
    %dot_general3A_1815 = tpu.matmul %convert_element_type3A_1805, %broadcast_in_dim3A_1809, %dot_general3A_1814 {dimension_numbers = #tpu.dot_dimension_numbers<[1], [0], [0], [1], [0, 0, 1, 1], [], []>, transpose_lhs_hint = false} : vector<128x128xf32>, vector<128x1xf32>, vector<128x1xf32> -> vector<128x1xf32>
    %div3A_1816 = arith.constant 1.378400e+04 : f32
    %div3A_1817 = vector.broadcast %div3A_1816 : f32 to vector<128x1xf32>
    %div3A_1818 = arith.divf %dot_general3A_1815, %div3A_1817 : vector<128x1xf32>
    %dot_general3A_1819 = arith.constant dense<0.000000e+00> : vector<128x1xf32>
    %dot_general3A_1820 = tpu.matmul %convert_element_type3A_1805, %broadcast_in_dim3A_1813, %dot_general3A_1819 {dimension_numbers = #tpu.dot_dimension_numbers<[1], [0], [0], [1], [0, 0, 1, 1], [], []>, transpose_lhs_hint = false} : vector<128x128xf32>, vector<128x1xf32>, vector<128x1xf32> -> vector<128x1xf32>
    %div3A_1821 = arith.constant 1.378400e+04 : f32
    %div3A_1822 = vector.broadcast %div3A_1821 : f32 to vector<128x1xf32>
    %div3A_1823 = arith.divf %dot_general3A_1820, %div3A_1822 : vector<128x1xf32>
    %mul3A_1824 = arith.mulf %div3A_1818, %div3A_1818 : vector<128x1xf32>
    %sub3A_1825 = arith.subf %div3A_1823, %mul3A_1824 : vector<128x1xf32>
    %add3A_1826 = arith.constant 9.99999974E-6 : f32
    %add3A_1827 = vector.broadcast %add3A_1826 : f32 to vector<128x1xf32>
    %add3A_1828 = arith.addf %sub3A_1825, %add3A_1827 : vector<128x1xf32>
    %rsqrt3A_1829 = math.rsqrt %add3A_1828 : vector<128x1xf32>
    %mul3A_1830 = arith.mulf %get3A_184, %rsqrt3A_1829 : vector<128x1xf32>
    %mul3A_1831 = vector.broadcast %mul3A_1830 : vector<128x1xf32> to vector<128x1792xf32>
    %mul3A_1832 = arith.mulf %add3A_1738, %mul3A_1831 : vector<128x1792xf32>
    %mul3A_1833 = arith.mulf %div3A_1818, %mul3A_1830 : vector<128x1xf32>
    %sub3A_1834 = arith.subf %get3A_187, %mul3A_1833 : vector<128x1xf32>
    %add3A_1835 = vector.broadcast %sub3A_1834 : vector<128x1xf32> to vector<128x1792xf32>
    %add3A_1836 = arith.addf %mul3A_1832, %add3A_1835 : vector<128x1792xf32>
    %max3A_1837 = arith.constant 0.000000e+00 : f32
    %max3A_1838 = vector.broadcast %max3A_1837 : f32 to vector<128x1792xf32>
    %max3A_1839 = arith.maximumf %add3A_1836, %max3A_1838 : vector<128x1792xf32>
    %dot_general3A_1840 = arith.constant dense<0.000000e+00> : vector<128x1792xf32>
    %dot_general3A_1841 = tpu.matmul %get3A_190, %max3A_1839, %dot_general3A_1840 {dimension_numbers = #tpu.dot_dimension_numbers<[1], [0], [0], [1], [0, 0, 1, 1], [], []>, transpose_lhs_hint = false} : vector<128x128xf32>, vector<128x1792xf32>, vector<128x1792xf32> -> vector<128x1792xf32>
    %convert_element_type3A_1842 = arith.truncf %dot_general3A_1841 : vector<128x1792xf32> to vector<128x1792xbf16>
    %dot_general3A_1843 = arith.constant dense<0.000000e+00> : vector<128x1792xf32>
    %dot_general3A_1844 = tpu.matmul %convert_element_type3A_1842, %get3A_340, %dot_general3A_1843 {dimension_numbers = #tpu.dot_dimension_numbers<[1], [0], [0], [1], [0, 0, 1, 1], [], []>, transpose_lhs_hint = false} : vector<128x1792xbf16>, vector<1792x1792xbf16>, vector<128x1792xf32> -> vector<128x1792xf32>
    %add3A_1845 = vector.broadcast %get3A_193 : vector<128x1xf32> to vector<128x1792xf32>
    %add3A_1846 = arith.addf %dot_general3A_1844, %add3A_1845 : vector<128x1792xf32>
    %iota3A_1847 = tpu.iota {dimensions = array<i32: 0>} : vector<128x128xi32>
    %jit3A_1848 = arith.constant 8 : i32
    %div3A_1849 = vector.broadcast %jit3A_1848 : i32 to vector<128x128xi32>
    %div3A_1850 = arith.divsi %iota3A_1847, %div3A_1849 : vector<128x128xi32>
    %sign3A_1851 = arith.constant 0 : i32
    %sign3A_1852 = vector.broadcast %sign3A_1851 : i32 to vector<128x128xi32>
    %sign3A_1853 = arith.cmpi sgt, %iota3A_1847, %sign3A_1852 : vector<128x128xi32>
    %sign3A_1854 = arith.extui %sign3A_1853 : vector<128x128xi1> to vector<128x128xi32>
    %sign3A_1855 = arith.constant 0 : i32
    %sign3A_1856 = vector.broadcast %sign3A_1855 : i32 to vector<128x128xi32>
    %sign3A_1857 = arith.cmpi slt, %iota3A_1847, %sign3A_1856 : vector<128x128xi32>
    %sign3A_1858 = arith.extui %sign3A_1857 : vector<128x128xi1> to vector<128x128xi32>
    %sign3A_1859 = arith.subi %sign3A_1854, %sign3A_1858 : vector<128x128xi32>
    %sign3A_1860 = arith.constant 0 : i32
    %sign3A_1861 = arith.cmpi sgt, %jit3A_1848, %sign3A_1860 : i32
    %sign3A_1862 = arith.extui %sign3A_1861 : i1 to i32
    %sign3A_1863 = arith.constant 0 : i32
    %sign3A_1864 = arith.cmpi slt, %jit3A_1848, %sign3A_1863 : i32
    %sign3A_1865 = arith.extui %sign3A_1864 : i1 to i32
    %sign3A_1866 = arith.subi %sign3A_1862, %sign3A_1865 : i32
    %ne3A_1867 = vector.broadcast %sign3A_1866 : i32 to vector<128x128xi32>
    %ne3A_1868 = arith.cmpi ne, %sign3A_1859, %ne3A_1867 : vector<128x128xi32>
    %rem3A_1869 = vector.broadcast %jit3A_1848 : i32 to vector<128x128xi32>
    %rem3A_1870 = arith.remsi %iota3A_1847, %rem3A_1869 : vector<128x128xi32>
    %ne3A_1871 = arith.constant 0 : i32
    %ne3A_1872 = vector.broadcast %ne3A_1871 : i32 to vector<128x128xi32>
    %ne3A_1873 = arith.cmpi ne, %rem3A_1870, %ne3A_1872 : vector<128x128xi32>
    %and3A_1874 = arith.andi %ne3A_1868, %ne3A_1873 : vector<128x128xi1>
    %sub3A_1875 = arith.constant 1 : i32
    %sub3A_1876 = vector.broadcast %sub3A_1875 : i32 to vector<128x128xi32>
    %sub3A_1877 = arith.subi %div3A_1850, %sub3A_1876 : vector<128x128xi32>
    %select_n3A_1878 = arith.select %and3A_1874, %sub3A_1877, %div3A_1850 : vector<128x128xi1>, vector<128x128xi32>
    %iota3A_1879 = tpu.iota {dimensions = array<i32: 1>} : vector<128x128xi32>
    %jit3A_1880 = arith.constant 8 : i32
    %div3A_1881 = vector.broadcast %jit3A_1880 : i32 to vector<128x128xi32>
    %div3A_1882 = arith.divsi %iota3A_1879, %div3A_1881 : vector<128x128xi32>
    %sign3A_1883 = arith.constant 0 : i32
    %sign3A_1884 = vector.broadcast %sign3A_1883 : i32 to vector<128x128xi32>
    %sign3A_1885 = arith.cmpi sgt, %iota3A_1879, %sign3A_1884 : vector<128x128xi32>
    %sign3A_1886 = arith.extui %sign3A_1885 : vector<128x128xi1> to vector<128x128xi32>
    %sign3A_1887 = arith.constant 0 : i32
    %sign3A_1888 = vector.broadcast %sign3A_1887 : i32 to vector<128x128xi32>
    %sign3A_1889 = arith.cmpi slt, %iota3A_1879, %sign3A_1888 : vector<128x128xi32>
    %sign3A_1890 = arith.extui %sign3A_1889 : vector<128x128xi1> to vector<128x128xi32>
    %sign3A_1891 = arith.subi %sign3A_1886, %sign3A_1890 : vector<128x128xi32>
    %sign3A_1892 = arith.constant 0 : i32
    %sign3A_1893 = arith.cmpi sgt, %jit3A_1880, %sign3A_1892 : i32
    %sign3A_1894 = arith.extui %sign3A_1893 : i1 to i32
    %sign3A_1895 = arith.constant 0 : i32
    %sign3A_1896 = arith.cmpi slt, %jit3A_1880, %sign3A_1895 : i32
    %sign3A_1897 = arith.extui %sign3A_1896 : i1 to i32
    %sign3A_1898 = arith.subi %sign3A_1894, %sign3A_1897 : i32
    %ne3A_1899 = vector.broadcast %sign3A_1898 : i32 to vector<128x128xi32>
    %ne3A_1900 = arith.cmpi ne, %sign3A_1891, %ne3A_1899 : vector<128x128xi32>
    %rem3A_1901 = vector.broadcast %jit3A_1880 : i32 to vector<128x128xi32>
    %rem3A_1902 = arith.remsi %iota3A_1879, %rem3A_1901 : vector<128x128xi32>
    %ne3A_1903 = arith.constant 0 : i32
    %ne3A_1904 = vector.broadcast %ne3A_1903 : i32 to vector<128x128xi32>
    %ne3A_1905 = arith.cmpi ne, %rem3A_1902, %ne3A_1904 : vector<128x128xi32>
    %and3A_1906 = arith.andi %ne3A_1900, %ne3A_1905 : vector<128x128xi1>
    %sub3A_1907 = arith.constant 1 : i32
    %sub3A_1908 = vector.broadcast %sub3A_1907 : i32 to vector<128x128xi32>
    %sub3A_1909 = arith.subi %div3A_1882, %sub3A_1908 : vector<128x128xi32>
    %select_n3A_1910 = arith.select %and3A_1906, %sub3A_1909, %div3A_1882 : vector<128x128xi1>, vector<128x128xi32>
    %eq3A_1911 = arith.cmpi eq, %select_n3A_1878, %select_n3A_1910 : vector<128x128xi32>
    %convert_element_type3A_1912 = arith.extui %eq3A_1911 : vector<128x128xi1> to vector<128x128xi32>
    %convert_element_type3A_1913 = arith.sitofp %convert_element_type3A_1912 : vector<128x128xi32> to vector<128x128xf32>
    %slice3A_1914 = vector.extract_strided_slice %add3A_1846 {offsets = [0, 0], sizes = [128, 1723], strides = [1, 1]} : vector<128x1792xf32> to vector<128x1723xf32>
    %reduce_sum3A_1915 = arith.constant dense<0.000000e+00> : vector<128xf32>
    %reduce_sum3A_1916 = vector.multi_reduction <add>, %slice3A_1914, %reduce_sum3A_1915 [1] : vector<128x1723xf32> to vector<128xf32>
    %broadcast_in_dim3A_1917 = vector.shape_cast %reduce_sum3A_1916 : vector<128xf32> to vector<128x1xf32>
    %mul3A_1918 = arith.mulf %slice3A_1914, %slice3A_1914 : vector<128x1723xf32>
    %reduce_sum3A_1919 = arith.constant dense<0.000000e+00> : vector<128xf32>
    %reduce_sum3A_1920 = vector.multi_reduction <add>, %mul3A_1918, %reduce_sum3A_1919 [1] : vector<128x1723xf32> to vector<128xf32>
    %broadcast_in_dim3A_1921 = vector.shape_cast %reduce_sum3A_1920 : vector<128xf32> to vector<128x1xf32>
    %dot_general3A_1922 = arith.constant dense<0.000000e+00> : vector<128x1xf32>
    %dot_general3A_1923 = tpu.matmul %convert_element_type3A_1913, %broadcast_in_dim3A_1917, %dot_general3A_1922 {dimension_numbers = #tpu.dot_dimension_numbers<[1], [0], [0], [1], [0, 0, 1, 1], [], []>, transpose_lhs_hint = false} : vector<128x128xf32>, vector<128x1xf32>, vector<128x1xf32> -> vector<128x1xf32>
    %div3A_1924 = arith.constant 1.378400e+04 : f32
    %div3A_1925 = vector.broadcast %div3A_1924 : f32 to vector<128x1xf32>
    %div3A_1926 = arith.divf %dot_general3A_1923, %div3A_1925 : vector<128x1xf32>
    %dot_general3A_1927 = arith.constant dense<0.000000e+00> : vector<128x1xf32>
    %dot_general3A_1928 = tpu.matmul %convert_element_type3A_1913, %broadcast_in_dim3A_1921, %dot_general3A_1927 {dimension_numbers = #tpu.dot_dimension_numbers<[1], [0], [0], [1], [0, 0, 1, 1], [], []>, transpose_lhs_hint = false} : vector<128x128xf32>, vector<128x1xf32>, vector<128x1xf32> -> vector<128x1xf32>
    %div3A_1929 = arith.constant 1.378400e+04 : f32
    %div3A_1930 = vector.broadcast %div3A_1929 : f32 to vector<128x1xf32>
    %div3A_1931 = arith.divf %dot_general3A_1928, %div3A_1930 : vector<128x1xf32>
    %mul3A_1932 = arith.mulf %div3A_1926, %div3A_1926 : vector<128x1xf32>
    %sub3A_1933 = arith.subf %div3A_1931, %mul3A_1932 : vector<128x1xf32>
    %add3A_1934 = arith.constant 9.99999974E-6 : f32
    %add3A_1935 = vector.broadcast %add3A_1934 : f32 to vector<128x1xf32>
    %add3A_1936 = arith.addf %sub3A_1933, %add3A_1935 : vector<128x1xf32>
    %rsqrt3A_1937 = math.rsqrt %add3A_1936 : vector<128x1xf32>
    %mul3A_1938 = arith.mulf %get3A_196, %rsqrt3A_1937 : vector<128x1xf32>
    %mul3A_1939 = vector.broadcast %mul3A_1938 : vector<128x1xf32> to vector<128x1792xf32>
    %mul3A_1940 = arith.mulf %add3A_1846, %mul3A_1939 : vector<128x1792xf32>
    %mul3A_1941 = arith.mulf %div3A_1926, %mul3A_1938 : vector<128x1xf32>
    %sub3A_1942 = arith.subf %get3A_199, %mul3A_1941 : vector<128x1xf32>
    %add3A_1943 = vector.broadcast %sub3A_1942 : vector<128x1xf32> to vector<128x1792xf32>
    %add3A_1944 = arith.addf %mul3A_1940, %add3A_1943 : vector<128x1792xf32>
    %max3A_1945 = arith.constant 0.000000e+00 : f32
    %max3A_1946 = vector.broadcast %max3A_1945 : f32 to vector<128x1792xf32>
    %max3A_1947 = arith.maximumf %add3A_1944, %max3A_1946 : vector<128x1792xf32>
    %dot_general3A_1948 = arith.constant dense<0.000000e+00> : vector<256x1792xf32>
    %dot_general3A_1949 = tpu.matmul %get3A_202, %max3A_1947, %dot_general3A_1948 {dimension_numbers = #tpu.dot_dimension_numbers<[1], [0], [0], [1], [0, 0, 1, 1], [], []>, transpose_lhs_hint = false} : vector<256x128xf32>, vector<128x1792xf32>, vector<256x1792xf32> -> vector<256x1792xf32>
    %add3A_1950 = vector.broadcast %get3A_205 : vector<256x1xf32> to vector<256x1792xf32>
    %add3A_1951 = arith.addf %dot_general3A_1949, %add3A_1950 : vector<256x1792xf32>
    %add3A_1952 = arith.addf %add3A_1633, %add3A_1951 : vector<256x1792xf32>
    %iota3A_1953 = tpu.iota {dimensions = array<i32: 0>} : vector<256x256xi32>
    %jit3A_1954 = arith.constant 8 : i32
    %div3A_1955 = vector.broadcast %jit3A_1954 : i32 to vector<256x256xi32>
    %div3A_1956 = arith.divsi %iota3A_1953, %div3A_1955 : vector<256x256xi32>
    %sign3A_1957 = arith.constant 0 : i32
    %sign3A_1958 = vector.broadcast %sign3A_1957 : i32 to vector<256x256xi32>
    %sign3A_1959 = arith.cmpi sgt, %iota3A_1953, %sign3A_1958 : vector<256x256xi32>
    %sign3A_1960 = arith.extui %sign3A_1959 : vector<256x256xi1> to vector<256x256xi32>
    %sign3A_1961 = arith.constant 0 : i32
    %sign3A_1962 = vector.broadcast %sign3A_1961 : i32 to vector<256x256xi32>
    %sign3A_1963 = arith.cmpi slt, %iota3A_1953, %sign3A_1962 : vector<256x256xi32>
    %sign3A_1964 = arith.extui %sign3A_1963 : vector<256x256xi1> to vector<256x256xi32>
    %sign3A_1965 = arith.subi %sign3A_1960, %sign3A_1964 : vector<256x256xi32>
    %sign3A_1966 = arith.constant 0 : i32
    %sign3A_1967 = arith.cmpi sgt, %jit3A_1954, %sign3A_1966 : i32
    %sign3A_1968 = arith.extui %sign3A_1967 : i1 to i32
    %sign3A_1969 = arith.constant 0 : i32
    %sign3A_1970 = arith.cmpi slt, %jit3A_1954, %sign3A_1969 : i32
    %sign3A_1971 = arith.extui %sign3A_1970 : i1 to i32
    %sign3A_1972 = arith.subi %sign3A_1968, %sign3A_1971 : i32
    %ne3A_1973 = vector.broadcast %sign3A_1972 : i32 to vector<256x256xi32>
    %ne3A_1974 = arith.cmpi ne, %sign3A_1965, %ne3A_1973 : vector<256x256xi32>
    %rem3A_1975 = vector.broadcast %jit3A_1954 : i32 to vector<256x256xi32>
    %rem3A_1976 = arith.remsi %iota3A_1953, %rem3A_1975 : vector<256x256xi32>
    %ne3A_1977 = arith.constant 0 : i32
    %ne3A_1978 = vector.broadcast %ne3A_1977 : i32 to vector<256x256xi32>
    %ne3A_1979 = arith.cmpi ne, %rem3A_1976, %ne3A_1978 : vector<256x256xi32>
    %and3A_1980 = arith.andi %ne3A_1974, %ne3A_1979 : vector<256x256xi1>
    %sub3A_1981 = arith.constant 1 : i32
    %sub3A_1982 = vector.broadcast %sub3A_1981 : i32 to vector<256x256xi32>
    %sub3A_1983 = arith.subi %div3A_1956, %sub3A_1982 : vector<256x256xi32>
    %select_n3A_1984 = arith.select %and3A_1980, %sub3A_1983, %div3A_1956 : vector<256x256xi1>, vector<256x256xi32>
    %iota3A_1985 = tpu.iota {dimensions = array<i32: 1>} : vector<256x256xi32>
    %jit3A_1986 = arith.constant 8 : i32
    %div3A_1987 = vector.broadcast %jit3A_1986 : i32 to vector<256x256xi32>
    %div3A_1988 = arith.divsi %iota3A_1985, %div3A_1987 : vector<256x256xi32>
    %sign3A_1989 = arith.constant 0 : i32
    %sign3A_1990 = vector.broadcast %sign3A_1989 : i32 to vector<256x256xi32>
    %sign3A_1991 = arith.cmpi sgt, %iota3A_1985, %sign3A_1990 : vector<256x256xi32>
    %sign3A_1992 = arith.extui %sign3A_1991 : vector<256x256xi1> to vector<256x256xi32>
    %sign3A_1993 = arith.constant 0 : i32
    %sign3A_1994 = vector.broadcast %sign3A_1993 : i32 to vector<256x256xi32>
    %sign3A_1995 = arith.cmpi slt, %iota3A_1985, %sign3A_1994 : vector<256x256xi32>
    %sign3A_1996 = arith.extui %sign3A_1995 : vector<256x256xi1> to vector<256x256xi32>
    %sign3A_1997 = arith.subi %sign3A_1992, %sign3A_1996 : vector<256x256xi32>
    %sign3A_1998 = arith.constant 0 : i32
    %sign3A_1999 = arith.cmpi sgt, %jit3A_1986, %sign3A_1998 : i32
    %sign3A_2000 = arith.extui %sign3A_1999 : i1 to i32
    %sign3A_2001 = arith.constant 0 : i32
    %sign3A_2002 = arith.cmpi slt, %jit3A_1986, %sign3A_2001 : i32
    %sign3A_2003 = arith.extui %sign3A_2002 : i1 to i32
    %sign3A_2004 = arith.subi %sign3A_2000, %sign3A_2003 : i32
    %ne3A_2005 = vector.broadcast %sign3A_2004 : i32 to vector<256x256xi32>
    %ne3A_2006 = arith.cmpi ne, %sign3A_1997, %ne3A_2005 : vector<256x256xi32>
    %rem3A_2007 = vector.broadcast %jit3A_1986 : i32 to vector<256x256xi32>
    %rem3A_2008 = arith.remsi %iota3A_1985, %rem3A_2007 : vector<256x256xi32>
    %ne3A_2009 = arith.constant 0 : i32
    %ne3A_2010 = vector.broadcast %ne3A_2009 : i32 to vector<256x256xi32>
    %ne3A_2011 = arith.cmpi ne, %rem3A_2008, %ne3A_2010 : vector<256x256xi32>
    %and3A_2012 = arith.andi %ne3A_2006, %ne3A_2011 : vector<256x256xi1>
    %sub3A_2013 = arith.constant 1 : i32
    %sub3A_2014 = vector.broadcast %sub3A_2013 : i32 to vector<256x256xi32>
    %sub3A_2015 = arith.subi %div3A_1988, %sub3A_2014 : vector<256x256xi32>
    %select_n3A_2016 = arith.select %and3A_2012, %sub3A_2015, %div3A_1988 : vector<256x256xi1>, vector<256x256xi32>
    %eq3A_2017 = arith.cmpi eq, %select_n3A_1984, %select_n3A_2016 : vector<256x256xi32>
    %convert_element_type3A_2018 = arith.extui %eq3A_2017 : vector<256x256xi1> to vector<256x256xi32>
    %convert_element_type3A_2019 = arith.sitofp %convert_element_type3A_2018 : vector<256x256xi32> to vector<256x256xf32>
    %slice3A_2020 = vector.extract_strided_slice %add3A_1952 {offsets = [0, 0], sizes = [256, 1723], strides = [1, 1]} : vector<256x1792xf32> to vector<256x1723xf32>
    %reduce_sum3A_2021 = arith.constant dense<0.000000e+00> : vector<256xf32>
    %reduce_sum3A_2022 = vector.multi_reduction <add>, %slice3A_2020, %reduce_sum3A_2021 [1] : vector<256x1723xf32> to vector<256xf32>
    %broadcast_in_dim3A_2023 = vector.shape_cast %reduce_sum3A_2022 : vector<256xf32> to vector<256x1xf32>
    %mul3A_2024 = arith.mulf %slice3A_2020, %slice3A_2020 : vector<256x1723xf32>
    %reduce_sum3A_2025 = arith.constant dense<0.000000e+00> : vector<256xf32>
    %reduce_sum3A_2026 = vector.multi_reduction <add>, %mul3A_2024, %reduce_sum3A_2025 [1] : vector<256x1723xf32> to vector<256xf32>
    %broadcast_in_dim3A_2027 = vector.shape_cast %reduce_sum3A_2026 : vector<256xf32> to vector<256x1xf32>
    %dot_general3A_2028 = arith.constant dense<0.000000e+00> : vector<256x1xf32>
    %dot_general3A_2029 = tpu.matmul %convert_element_type3A_2019, %broadcast_in_dim3A_2023, %dot_general3A_2028 {dimension_numbers = #tpu.dot_dimension_numbers<[1], [0], [0], [1], [0, 0, 1, 1], [], []>, transpose_lhs_hint = false} : vector<256x256xf32>, vector<256x1xf32>, vector<256x1xf32> -> vector<256x1xf32>
    %div3A_2030 = arith.constant 1.378400e+04 : f32
    %div3A_2031 = vector.broadcast %div3A_2030 : f32 to vector<256x1xf32>
    %div3A_2032 = arith.divf %dot_general3A_2029, %div3A_2031 : vector<256x1xf32>
    %dot_general3A_2033 = arith.constant dense<0.000000e+00> : vector<256x1xf32>
    %dot_general3A_2034 = tpu.matmul %convert_element_type3A_2019, %broadcast_in_dim3A_2027, %dot_general3A_2033 {dimension_numbers = #tpu.dot_dimension_numbers<[1], [0], [0], [1], [0, 0, 1, 1], [], []>, transpose_lhs_hint = false} : vector<256x256xf32>, vector<256x1xf32>, vector<256x1xf32> -> vector<256x1xf32>
    %div3A_2035 = arith.constant 1.378400e+04 : f32
    %div3A_2036 = vector.broadcast %div3A_2035 : f32 to vector<256x1xf32>
    %div3A_2037 = arith.divf %dot_general3A_2034, %div3A_2036 : vector<256x1xf32>
    %mul3A_2038 = arith.mulf %div3A_2032, %div3A_2032 : vector<256x1xf32>
    %sub3A_2039 = arith.subf %div3A_2037, %mul3A_2038 : vector<256x1xf32>
    %add3A_2040 = arith.constant 9.99999974E-6 : f32
    %add3A_2041 = vector.broadcast %add3A_2040 : f32 to vector<256x1xf32>
    %add3A_2042 = arith.addf %sub3A_2039, %add3A_2041 : vector<256x1xf32>
    %rsqrt3A_2043 = math.rsqrt %add3A_2042 : vector<256x1xf32>
    %mul3A_2044 = arith.mulf %get3A_208, %rsqrt3A_2043 : vector<256x1xf32>
    %mul3A_2045 = vector.broadcast %mul3A_2044 : vector<256x1xf32> to vector<256x1792xf32>
    %mul3A_2046 = arith.mulf %add3A_1952, %mul3A_2045 : vector<256x1792xf32>
    %mul3A_2047 = arith.mulf %div3A_2032, %mul3A_2044 : vector<256x1xf32>
    %sub3A_2048 = arith.subf %get3A_211, %mul3A_2047 : vector<256x1xf32>
    %add3A_2049 = vector.broadcast %sub3A_2048 : vector<256x1xf32> to vector<256x1792xf32>
    %add3A_2050 = arith.addf %mul3A_2046, %add3A_2049 : vector<256x1792xf32>
    %max3A_2051 = arith.constant 0.000000e+00 : f32
    %max3A_2052 = vector.broadcast %max3A_2051 : f32 to vector<256x1792xf32>
    %max3A_2053 = arith.maximumf %add3A_2050, %max3A_2052 : vector<256x1792xf32>
    %dot_general3A_2054 = arith.constant dense<0.000000e+00> : vector<128x1792xf32>
    %dot_general3A_2055 = tpu.matmul %get3A_214, %max3A_2053, %dot_general3A_2054 {dimension_numbers = #tpu.dot_dimension_numbers<[1], [0], [0], [1], [0, 0, 1, 1], [], []>, transpose_lhs_hint = false} : vector<128x256xf32>, vector<256x1792xf32>, vector<128x1792xf32> -> vector<128x1792xf32>
    %add3A_2056 = vector.broadcast %get3A_217 : vector<128x1xf32> to vector<128x1792xf32>
    %add3A_2057 = arith.addf %dot_general3A_2055, %add3A_2056 : vector<128x1792xf32>
    %iota3A_2058 = tpu.iota {dimensions = array<i32: 0>} : vector<128x128xi32>
    %jit3A_2059 = arith.constant 8 : i32
    %div3A_2060 = vector.broadcast %jit3A_2059 : i32 to vector<128x128xi32>
    %div3A_2061 = arith.divsi %iota3A_2058, %div3A_2060 : vector<128x128xi32>
    %sign3A_2062 = arith.constant 0 : i32
    %sign3A_2063 = vector.broadcast %sign3A_2062 : i32 to vector<128x128xi32>
    %sign3A_2064 = arith.cmpi sgt, %iota3A_2058, %sign3A_2063 : vector<128x128xi32>
    %sign3A_2065 = arith.extui %sign3A_2064 : vector<128x128xi1> to vector<128x128xi32>
    %sign3A_2066 = arith.constant 0 : i32
    %sign3A_2067 = vector.broadcast %sign3A_2066 : i32 to vector<128x128xi32>
    %sign3A_2068 = arith.cmpi slt, %iota3A_2058, %sign3A_2067 : vector<128x128xi32>
    %sign3A_2069 = arith.extui %sign3A_2068 : vector<128x128xi1> to vector<128x128xi32>
    %sign3A_2070 = arith.subi %sign3A_2065, %sign3A_2069 : vector<128x128xi32>
    %sign3A_2071 = arith.constant 0 : i32
    %sign3A_2072 = arith.cmpi sgt, %jit3A_2059, %sign3A_2071 : i32
    %sign3A_2073 = arith.extui %sign3A_2072 : i1 to i32
    %sign3A_2074 = arith.constant 0 : i32
    %sign3A_2075 = arith.cmpi slt, %jit3A_2059, %sign3A_2074 : i32
    %sign3A_2076 = arith.extui %sign3A_2075 : i1 to i32
    %sign3A_2077 = arith.subi %sign3A_2073, %sign3A_2076 : i32
    %ne3A_2078 = vector.broadcast %sign3A_2077 : i32 to vector<128x128xi32>
    %ne3A_2079 = arith.cmpi ne, %sign3A_2070, %ne3A_2078 : vector<128x128xi32>
    %rem3A_2080 = vector.broadcast %jit3A_2059 : i32 to vector<128x128xi32>
    %rem3A_2081 = arith.remsi %iota3A_2058, %rem3A_2080 : vector<128x128xi32>
    %ne3A_2082 = arith.constant 0 : i32
    %ne3A_2083 = vector.broadcast %ne3A_2082 : i32 to vector<128x128xi32>
    %ne3A_2084 = arith.cmpi ne, %rem3A_2081, %ne3A_2083 : vector<128x128xi32>
    %and3A_2085 = arith.andi %ne3A_2079, %ne3A_2084 : vector<128x128xi1>
    %sub3A_2086 = arith.constant 1 : i32
    %sub3A_2087 = vector.broadcast %sub3A_2086 : i32 to vector<128x128xi32>
    %sub3A_2088 = arith.subi %div3A_2061, %sub3A_2087 : vector<128x128xi32>
    %select_n3A_2089 = arith.select %and3A_2085, %sub3A_2088, %div3A_2061 : vector<128x128xi1>, vector<128x128xi32>
    %iota3A_2090 = tpu.iota {dimensions = array<i32: 1>} : vector<128x128xi32>
    %jit3A_2091 = arith.constant 8 : i32
    %div3A_2092 = vector.broadcast %jit3A_2091 : i32 to vector<128x128xi32>
    %div3A_2093 = arith.divsi %iota3A_2090, %div3A_2092 : vector<128x128xi32>
    %sign3A_2094 = arith.constant 0 : i32
    %sign3A_2095 = vector.broadcast %sign3A_2094 : i32 to vector<128x128xi32>
    %sign3A_2096 = arith.cmpi sgt, %iota3A_2090, %sign3A_2095 : vector<128x128xi32>
    %sign3A_2097 = arith.extui %sign3A_2096 : vector<128x128xi1> to vector<128x128xi32>
    %sign3A_2098 = arith.constant 0 : i32
    %sign3A_2099 = vector.broadcast %sign3A_2098 : i32 to vector<128x128xi32>
    %sign3A_2100 = arith.cmpi slt, %iota3A_2090, %sign3A_2099 : vector<128x128xi32>
    %sign3A_2101 = arith.extui %sign3A_2100 : vector<128x128xi1> to vector<128x128xi32>
    %sign3A_2102 = arith.subi %sign3A_2097, %sign3A_2101 : vector<128x128xi32>
    %sign3A_2103 = arith.constant 0 : i32
    %sign3A_2104 = arith.cmpi sgt, %jit3A_2091, %sign3A_2103 : i32
    %sign3A_2105 = arith.extui %sign3A_2104 : i1 to i32
    %sign3A_2106 = arith.constant 0 : i32
    %sign3A_2107 = arith.cmpi slt, %jit3A_2091, %sign3A_2106 : i32
    %sign3A_2108 = arith.extui %sign3A_2107 : i1 to i32
    %sign3A_2109 = arith.subi %sign3A_2105, %sign3A_2108 : i32
    %ne3A_2110 = vector.broadcast %sign3A_2109 : i32 to vector<128x128xi32>
    %ne3A_2111 = arith.cmpi ne, %sign3A_2102, %ne3A_2110 : vector<128x128xi32>
    %rem3A_2112 = vector.broadcast %jit3A_2091 : i32 to vector<128x128xi32>
    %rem3A_2113 = arith.remsi %iota3A_2090, %rem3A_2112 : vector<128x128xi32>
    %ne3A_2114 = arith.constant 0 : i32
    %ne3A_2115 = vector.broadcast %ne3A_2114 : i32 to vector<128x128xi32>
    %ne3A_2116 = arith.cmpi ne, %rem3A_2113, %ne3A_2115 : vector<128x128xi32>
    %and3A_2117 = arith.andi %ne3A_2111, %ne3A_2116 : vector<128x128xi1>
    %sub3A_2118 = arith.constant 1 : i32
    %sub3A_2119 = vector.broadcast %sub3A_2118 : i32 to vector<128x128xi32>
    %sub3A_2120 = arith.subi %div3A_2093, %sub3A_2119 : vector<128x128xi32>
    %select_n3A_2121 = arith.select %and3A_2117, %sub3A_2120, %div3A_2093 : vector<128x128xi1>, vector<128x128xi32>
    %eq3A_2122 = arith.cmpi eq, %select_n3A_2089, %select_n3A_2121 : vector<128x128xi32>
    %convert_element_type3A_2123 = arith.extui %eq3A_2122 : vector<128x128xi1> to vector<128x128xi32>
    %convert_element_type3A_2124 = arith.sitofp %convert_element_type3A_2123 : vector<128x128xi32> to vector<128x128xf32>
    %slice3A_2125 = vector.extract_strided_slice %add3A_2057 {offsets = [0, 0], sizes = [128, 1723], strides = [1, 1]} : vector<128x1792xf32> to vector<128x1723xf32>
    %reduce_sum3A_2126 = arith.constant dense<0.000000e+00> : vector<128xf32>
    %reduce_sum3A_2127 = vector.multi_reduction <add>, %slice3A_2125, %reduce_sum3A_2126 [1] : vector<128x1723xf32> to vector<128xf32>
    %broadcast_in_dim3A_2128 = vector.shape_cast %reduce_sum3A_2127 : vector<128xf32> to vector<128x1xf32>
    %mul3A_2129 = arith.mulf %slice3A_2125, %slice3A_2125 : vector<128x1723xf32>
    %reduce_sum3A_2130 = arith.constant dense<0.000000e+00> : vector<128xf32>
    %reduce_sum3A_2131 = vector.multi_reduction <add>, %mul3A_2129, %reduce_sum3A_2130 [1] : vector<128x1723xf32> to vector<128xf32>
    %broadcast_in_dim3A_2132 = vector.shape_cast %reduce_sum3A_2131 : vector<128xf32> to vector<128x1xf32>
    %dot_general3A_2133 = arith.constant dense<0.000000e+00> : vector<128x1xf32>
    %dot_general3A_2134 = tpu.matmul %convert_element_type3A_2124, %broadcast_in_dim3A_2128, %dot_general3A_2133 {dimension_numbers = #tpu.dot_dimension_numbers<[1], [0], [0], [1], [0, 0, 1, 1], [], []>, transpose_lhs_hint = false} : vector<128x128xf32>, vector<128x1xf32>, vector<128x1xf32> -> vector<128x1xf32>
    %div3A_2135 = arith.constant 1.378400e+04 : f32
    %div3A_2136 = vector.broadcast %div3A_2135 : f32 to vector<128x1xf32>
    %div3A_2137 = arith.divf %dot_general3A_2134, %div3A_2136 : vector<128x1xf32>
    %dot_general3A_2138 = arith.constant dense<0.000000e+00> : vector<128x1xf32>
    %dot_general3A_2139 = tpu.matmul %convert_element_type3A_2124, %broadcast_in_dim3A_2132, %dot_general3A_2138 {dimension_numbers = #tpu.dot_dimension_numbers<[1], [0], [0], [1], [0, 0, 1, 1], [], []>, transpose_lhs_hint = false} : vector<128x128xf32>, vector<128x1xf32>, vector<128x1xf32> -> vector<128x1xf32>
    %div3A_2140 = arith.constant 1.378400e+04 : f32
    %div3A_2141 = vector.broadcast %div3A_2140 : f32 to vector<128x1xf32>
    %div3A_2142 = arith.divf %dot_general3A_2139, %div3A_2141 : vector<128x1xf32>
    %mul3A_2143 = arith.mulf %div3A_2137, %div3A_2137 : vector<128x1xf32>
    %sub3A_2144 = arith.subf %div3A_2142, %mul3A_2143 : vector<128x1xf32>
    %add3A_2145 = arith.constant 9.99999974E-6 : f32
    %add3A_2146 = vector.broadcast %add3A_2145 : f32 to vector<128x1xf32>
    %add3A_2147 = arith.addf %sub3A_2144, %add3A_2146 : vector<128x1xf32>
    %rsqrt3A_2148 = math.rsqrt %add3A_2147 : vector<128x1xf32>
    %mul3A_2149 = arith.mulf %get3A_220, %rsqrt3A_2148 : vector<128x1xf32>
    %mul3A_2150 = vector.broadcast %mul3A_2149 : vector<128x1xf32> to vector<128x1792xf32>
    %mul3A_2151 = arith.mulf %add3A_2057, %mul3A_2150 : vector<128x1792xf32>
    %mul3A_2152 = arith.mulf %div3A_2137, %mul3A_2149 : vector<128x1xf32>
    %sub3A_2153 = arith.subf %get3A_223, %mul3A_2152 : vector<128x1xf32>
    %add3A_2154 = vector.broadcast %sub3A_2153 : vector<128x1xf32> to vector<128x1792xf32>
    %add3A_2155 = arith.addf %mul3A_2151, %add3A_2154 : vector<128x1792xf32>
    %max3A_2156 = arith.constant 0.000000e+00 : f32
    %max3A_2157 = vector.broadcast %max3A_2156 : f32 to vector<128x1792xf32>
    %max3A_2158 = arith.maximumf %add3A_2155, %max3A_2157 : vector<128x1792xf32>
    %dot_general3A_2159 = arith.constant dense<0.000000e+00> : vector<128x1792xf32>
    %dot_general3A_2160 = tpu.matmul %get3A_226, %max3A_2158, %dot_general3A_2159 {dimension_numbers = #tpu.dot_dimension_numbers<[1], [0], [0], [1], [0, 0, 1, 1], [], []>, transpose_lhs_hint = false} : vector<128x128xf32>, vector<128x1792xf32>, vector<128x1792xf32> -> vector<128x1792xf32>
    %convert_element_type3A_2161 = arith.truncf %dot_general3A_2160 : vector<128x1792xf32> to vector<128x1792xbf16>
    %dot_general3A_2162 = arith.constant dense<0.000000e+00> : vector<128x1792xf32>
    %dot_general3A_2163 = tpu.matmul %convert_element_type3A_2161, %get3A_340, %dot_general3A_2162 {dimension_numbers = #tpu.dot_dimension_numbers<[1], [0], [0], [1], [0, 0, 1, 1], [], []>, transpose_lhs_hint = false} : vector<128x1792xbf16>, vector<1792x1792xbf16>, vector<128x1792xf32> -> vector<128x1792xf32>
    %add3A_2164 = vector.broadcast %get3A_229 : vector<128x1xf32> to vector<128x1792xf32>
    %add3A_2165 = arith.addf %dot_general3A_2163, %add3A_2164 : vector<128x1792xf32>
    %iota3A_2166 = tpu.iota {dimensions = array<i32: 0>} : vector<128x128xi32>
    %jit3A_2167 = arith.constant 8 : i32
    %div3A_2168 = vector.broadcast %jit3A_2167 : i32 to vector<128x128xi32>
    %div3A_2169 = arith.divsi %iota3A_2166, %div3A_2168 : vector<128x128xi32>
    %sign3A_2170 = arith.constant 0 : i32
    %sign3A_2171 = vector.broadcast %sign3A_2170 : i32 to vector<128x128xi32>
    %sign3A_2172 = arith.cmpi sgt, %iota3A_2166, %sign3A_2171 : vector<128x128xi32>
    %sign3A_2173 = arith.extui %sign3A_2172 : vector<128x128xi1> to vector<128x128xi32>
    %sign3A_2174 = arith.constant 0 : i32
    %sign3A_2175 = vector.broadcast %sign3A_2174 : i32 to vector<128x128xi32>
    %sign3A_2176 = arith.cmpi slt, %iota3A_2166, %sign3A_2175 : vector<128x128xi32>
    %sign3A_2177 = arith.extui %sign3A_2176 : vector<128x128xi1> to vector<128x128xi32>
    %sign3A_2178 = arith.subi %sign3A_2173, %sign3A_2177 : vector<128x128xi32>
    %sign3A_2179 = arith.constant 0 : i32
    %sign3A_2180 = arith.cmpi sgt, %jit3A_2167, %sign3A_2179 : i32
    %sign3A_2181 = arith.extui %sign3A_2180 : i1 to i32
    %sign3A_2182 = arith.constant 0 : i32
    %sign3A_2183 = arith.cmpi slt, %jit3A_2167, %sign3A_2182 : i32
    %sign3A_2184 = arith.extui %sign3A_2183 : i1 to i32
    %sign3A_2185 = arith.subi %sign3A_2181, %sign3A_2184 : i32
    %ne3A_2186 = vector.broadcast %sign3A_2185 : i32 to vector<128x128xi32>
    %ne3A_2187 = arith.cmpi ne, %sign3A_2178, %ne3A_2186 : vector<128x128xi32>
    %rem3A_2188 = vector.broadcast %jit3A_2167 : i32 to vector<128x128xi32>
    %rem3A_2189 = arith.remsi %iota3A_2166, %rem3A_2188 : vector<128x128xi32>
    %ne3A_2190 = arith.constant 0 : i32
    %ne3A_2191 = vector.broadcast %ne3A_2190 : i32 to vector<128x128xi32>
    %ne3A_2192 = arith.cmpi ne, %rem3A_2189, %ne3A_2191 : vector<128x128xi32>
    %and3A_2193 = arith.andi %ne3A_2187, %ne3A_2192 : vector<128x128xi1>
    %sub3A_2194 = arith.constant 1 : i32
    %sub3A_2195 = vector.broadcast %sub3A_2194 : i32 to vector<128x128xi32>
    %sub3A_2196 = arith.subi %div3A_2169, %sub3A_2195 : vector<128x128xi32>
    %select_n3A_2197 = arith.select %and3A_2193, %sub3A_2196, %div3A_2169 : vector<128x128xi1>, vector<128x128xi32>
    %iota3A_2198 = tpu.iota {dimensions = array<i32: 1>} : vector<128x128xi32>
    %jit3A_2199 = arith.constant 8 : i32
    %div3A_2200 = vector.broadcast %jit3A_2199 : i32 to vector<128x128xi32>
    %div3A_2201 = arith.divsi %iota3A_2198, %div3A_2200 : vector<128x128xi32>
    %sign3A_2202 = arith.constant 0 : i32
    %sign3A_2203 = vector.broadcast %sign3A_2202 : i32 to vector<128x128xi32>
    %sign3A_2204 = arith.cmpi sgt, %iota3A_2198, %sign3A_2203 : vector<128x128xi32>
    %sign3A_2205 = arith.extui %sign3A_2204 : vector<128x128xi1> to vector<128x128xi32>
    %sign3A_2206 = arith.constant 0 : i32
    %sign3A_2207 = vector.broadcast %sign3A_2206 : i32 to vector<128x128xi32>
    %sign3A_2208 = arith.cmpi slt, %iota3A_2198, %sign3A_2207 : vector<128x128xi32>
    %sign3A_2209 = arith.extui %sign3A_2208 : vector<128x128xi1> to vector<128x128xi32>
    %sign3A_2210 = arith.subi %sign3A_2205, %sign3A_2209 : vector<128x128xi32>
    %sign3A_2211 = arith.constant 0 : i32
    %sign3A_2212 = arith.cmpi sgt, %jit3A_2199, %sign3A_2211 : i32
    %sign3A_2213 = arith.extui %sign3A_2212 : i1 to i32
    %sign3A_2214 = arith.constant 0 : i32
    %sign3A_2215 = arith.cmpi slt, %jit3A_2199, %sign3A_2214 : i32
    %sign3A_2216 = arith.extui %sign3A_2215 : i1 to i32
    %sign3A_2217 = arith.subi %sign3A_2213, %sign3A_2216 : i32
    %ne3A_2218 = vector.broadcast %sign3A_2217 : i32 to vector<128x128xi32>
    %ne3A_2219 = arith.cmpi ne, %sign3A_2210, %ne3A_2218 : vector<128x128xi32>
    %rem3A_2220 = vector.broadcast %jit3A_2199 : i32 to vector<128x128xi32>
    %rem3A_2221 = arith.remsi %iota3A_2198, %rem3A_2220 : vector<128x128xi32>
    %ne3A_2222 = arith.constant 0 : i32
    %ne3A_2223 = vector.broadcast %ne3A_2222 : i32 to vector<128x128xi32>
    %ne3A_2224 = arith.cmpi ne, %rem3A_2221, %ne3A_2223 : vector<128x128xi32>
    %and3A_2225 = arith.andi %ne3A_2219, %ne3A_2224 : vector<128x128xi1>
    %sub3A_2226 = arith.constant 1 : i32
    %sub3A_2227 = vector.broadcast %sub3A_2226 : i32 to vector<128x128xi32>
    %sub3A_2228 = arith.subi %div3A_2201, %sub3A_2227 : vector<128x128xi32>
    %select_n3A_2229 = arith.select %and3A_2225, %sub3A_2228, %div3A_2201 : vector<128x128xi1>, vector<128x128xi32>
    %eq3A_2230 = arith.cmpi eq, %select_n3A_2197, %select_n3A_2229 : vector<128x128xi32>
    %convert_element_type3A_2231 = arith.extui %eq3A_2230 : vector<128x128xi1> to vector<128x128xi32>
    %convert_element_type3A_2232 = arith.sitofp %convert_element_type3A_2231 : vector<128x128xi32> to vector<128x128xf32>
    %slice3A_2233 = vector.extract_strided_slice %add3A_2165 {offsets = [0, 0], sizes = [128, 1723], strides = [1, 1]} : vector<128x1792xf32> to vector<128x1723xf32>
    %reduce_sum3A_2234 = arith.constant dense<0.000000e+00> : vector<128xf32>
    %reduce_sum3A_2235 = vector.multi_reduction <add>, %slice3A_2233, %reduce_sum3A_2234 [1] : vector<128x1723xf32> to vector<128xf32>
    %broadcast_in_dim3A_2236 = vector.shape_cast %reduce_sum3A_2235 : vector<128xf32> to vector<128x1xf32>
    %mul3A_2237 = arith.mulf %slice3A_2233, %slice3A_2233 : vector<128x1723xf32>
    %reduce_sum3A_2238 = arith.constant dense<0.000000e+00> : vector<128xf32>
    %reduce_sum3A_2239 = vector.multi_reduction <add>, %mul3A_2237, %reduce_sum3A_2238 [1] : vector<128x1723xf32> to vector<128xf32>
    %broadcast_in_dim3A_2240 = vector.shape_cast %reduce_sum3A_2239 : vector<128xf32> to vector<128x1xf32>
    %dot_general3A_2241 = arith.constant dense<0.000000e+00> : vector<128x1xf32>
    %dot_general3A_2242 = tpu.matmul %convert_element_type3A_2232, %broadcast_in_dim3A_2236, %dot_general3A_2241 {dimension_numbers = #tpu.dot_dimension_numbers<[1], [0], [0], [1], [0, 0, 1, 1], [], []>, transpose_lhs_hint = false} : vector<128x128xf32>, vector<128x1xf32>, vector<128x1xf32> -> vector<128x1xf32>
    %div3A_2243 = arith.constant 1.378400e+04 : f32
    %div3A_2244 = vector.broadcast %div3A_2243 : f32 to vector<128x1xf32>
    %div3A_2245 = arith.divf %dot_general3A_2242, %div3A_2244 : vector<128x1xf32>
    %dot_general3A_2246 = arith.constant dense<0.000000e+00> : vector<128x1xf32>
    %dot_general3A_2247 = tpu.matmul %convert_element_type3A_2232, %broadcast_in_dim3A_2240, %dot_general3A_2246 {dimension_numbers = #tpu.dot_dimension_numbers<[1], [0], [0], [1], [0, 0, 1, 1], [], []>, transpose_lhs_hint = false} : vector<128x128xf32>, vector<128x1xf32>, vector<128x1xf32> -> vector<128x1xf32>
    %div3A_2248 = arith.constant 1.378400e+04 : f32
    %div3A_2249 = vector.broadcast %div3A_2248 : f32 to vector<128x1xf32>
    %div3A_2250 = arith.divf %dot_general3A_2247, %div3A_2249 : vector<128x1xf32>
    %mul3A_2251 = arith.mulf %div3A_2245, %div3A_2245 : vector<128x1xf32>
    %sub3A_2252 = arith.subf %div3A_2250, %mul3A_2251 : vector<128x1xf32>
    %add3A_2253 = arith.constant 9.99999974E-6 : f32
    %add3A_2254 = vector.broadcast %add3A_2253 : f32 to vector<128x1xf32>
    %add3A_2255 = arith.addf %sub3A_2252, %add3A_2254 : vector<128x1xf32>
    %rsqrt3A_2256 = math.rsqrt %add3A_2255 : vector<128x1xf32>
    %mul3A_2257 = arith.mulf %get3A_232, %rsqrt3A_2256 : vector<128x1xf32>
    %mul3A_2258 = vector.broadcast %mul3A_2257 : vector<128x1xf32> to vector<128x1792xf32>
    %mul3A_2259 = arith.mulf %add3A_2165, %mul3A_2258 : vector<128x1792xf32>
    %mul3A_2260 = arith.mulf %div3A_2245, %mul3A_2257 : vector<128x1xf32>
    %sub3A_2261 = arith.subf %get3A_235, %mul3A_2260 : vector<128x1xf32>
    %add3A_2262 = vector.broadcast %sub3A_2261 : vector<128x1xf32> to vector<128x1792xf32>
    %add3A_2263 = arith.addf %mul3A_2259, %add3A_2262 : vector<128x1792xf32>
    %max3A_2264 = arith.constant 0.000000e+00 : f32
    %max3A_2265 = vector.broadcast %max3A_2264 : f32 to vector<128x1792xf32>
    %max3A_2266 = arith.maximumf %add3A_2263, %max3A_2265 : vector<128x1792xf32>
    %dot_general3A_2267 = arith.constant dense<0.000000e+00> : vector<256x1792xf32>
    %dot_general3A_2268 = tpu.matmul %get3A_238, %max3A_2266, %dot_general3A_2267 {dimension_numbers = #tpu.dot_dimension_numbers<[1], [0], [0], [1], [0, 0, 1, 1], [], []>, transpose_lhs_hint = false} : vector<256x128xf32>, vector<128x1792xf32>, vector<256x1792xf32> -> vector<256x1792xf32>
    %add3A_2269 = vector.broadcast %get3A_241 : vector<256x1xf32> to vector<256x1792xf32>
    %add3A_2270 = arith.addf %dot_general3A_2268, %add3A_2269 : vector<256x1792xf32>
    %add3A_2271 = arith.addf %add3A_1952, %add3A_2270 : vector<256x1792xf32>
    %iota3A_2272 = tpu.iota {dimensions = array<i32: 0>} : vector<256x256xi32>
    %jit3A_2273 = arith.constant 8 : i32
    %div3A_2274 = vector.broadcast %jit3A_2273 : i32 to vector<256x256xi32>
    %div3A_2275 = arith.divsi %iota3A_2272, %div3A_2274 : vector<256x256xi32>
    %sign3A_2276 = arith.constant 0 : i32
    %sign3A_2277 = vector.broadcast %sign3A_2276 : i32 to vector<256x256xi32>
    %sign3A_2278 = arith.cmpi sgt, %iota3A_2272, %sign3A_2277 : vector<256x256xi32>
    %sign3A_2279 = arith.extui %sign3A_2278 : vector<256x256xi1> to vector<256x256xi32>
    %sign3A_2280 = arith.constant 0 : i32
    %sign3A_2281 = vector.broadcast %sign3A_2280 : i32 to vector<256x256xi32>
    %sign3A_2282 = arith.cmpi slt, %iota3A_2272, %sign3A_2281 : vector<256x256xi32>
    %sign3A_2283 = arith.extui %sign3A_2282 : vector<256x256xi1> to vector<256x256xi32>
    %sign3A_2284 = arith.subi %sign3A_2279, %sign3A_2283 : vector<256x256xi32>
    %sign3A_2285 = arith.constant 0 : i32
    %sign3A_2286 = arith.cmpi sgt, %jit3A_2273, %sign3A_2285 : i32
    %sign3A_2287 = arith.extui %sign3A_2286 : i1 to i32
    %sign3A_2288 = arith.constant 0 : i32
    %sign3A_2289 = arith.cmpi slt, %jit3A_2273, %sign3A_2288 : i32
    %sign3A_2290 = arith.extui %sign3A_2289 : i1 to i32
    %sign3A_2291 = arith.subi %sign3A_2287, %sign3A_2290 : i32
    %ne3A_2292 = vector.broadcast %sign3A_2291 : i32 to vector<256x256xi32>
    %ne3A_2293 = arith.cmpi ne, %sign3A_2284, %ne3A_2292 : vector<256x256xi32>
    %rem3A_2294 = vector.broadcast %jit3A_2273 : i32 to vector<256x256xi32>
    %rem3A_2295 = arith.remsi %iota3A_2272, %rem3A_2294 : vector<256x256xi32>
    %ne3A_2296 = arith.constant 0 : i32
    %ne3A_2297 = vector.broadcast %ne3A_2296 : i32 to vector<256x256xi32>
    %ne3A_2298 = arith.cmpi ne, %rem3A_2295, %ne3A_2297 : vector<256x256xi32>
    %and3A_2299 = arith.andi %ne3A_2293, %ne3A_2298 : vector<256x256xi1>
    %sub3A_2300 = arith.constant 1 : i32
    %sub3A_2301 = vector.broadcast %sub3A_2300 : i32 to vector<256x256xi32>
    %sub3A_2302 = arith.subi %div3A_2275, %sub3A_2301 : vector<256x256xi32>
    %select_n3A_2303 = arith.select %and3A_2299, %sub3A_2302, %div3A_2275 : vector<256x256xi1>, vector<256x256xi32>
    %iota3A_2304 = tpu.iota {dimensions = array<i32: 1>} : vector<256x256xi32>
    %jit3A_2305 = arith.constant 8 : i32
    %div3A_2306 = vector.broadcast %jit3A_2305 : i32 to vector<256x256xi32>
    %div3A_2307 = arith.divsi %iota3A_2304, %div3A_2306 : vector<256x256xi32>
    %sign3A_2308 = arith.constant 0 : i32
    %sign3A_2309 = vector.broadcast %sign3A_2308 : i32 to vector<256x256xi32>
    %sign3A_2310 = arith.cmpi sgt, %iota3A_2304, %sign3A_2309 : vector<256x256xi32>
    %sign3A_2311 = arith.extui %sign3A_2310 : vector<256x256xi1> to vector<256x256xi32>
    %sign3A_2312 = arith.constant 0 : i32
    %sign3A_2313 = vector.broadcast %sign3A_2312 : i32 to vector<256x256xi32>
    %sign3A_2314 = arith.cmpi slt, %iota3A_2304, %sign3A_2313 : vector<256x256xi32>
    %sign3A_2315 = arith.extui %sign3A_2314 : vector<256x256xi1> to vector<256x256xi32>
    %sign3A_2316 = arith.subi %sign3A_2311, %sign3A_2315 : vector<256x256xi32>
    %sign3A_2317 = arith.constant 0 : i32
    %sign3A_2318 = arith.cmpi sgt, %jit3A_2305, %sign3A_2317 : i32
    %sign3A_2319 = arith.extui %sign3A_2318 : i1 to i32
    %sign3A_2320 = arith.constant 0 : i32
    %sign3A_2321 = arith.cmpi slt, %jit3A_2305, %sign3A_2320 : i32
    %sign3A_2322 = arith.extui %sign3A_2321 : i1 to i32
    %sign3A_2323 = arith.subi %sign3A_2319, %sign3A_2322 : i32
    %ne3A_2324 = vector.broadcast %sign3A_2323 : i32 to vector<256x256xi32>
    %ne3A_2325 = arith.cmpi ne, %sign3A_2316, %ne3A_2324 : vector<256x256xi32>
    %rem3A_2326 = vector.broadcast %jit3A_2305 : i32 to vector<256x256xi32>
    %rem3A_2327 = arith.remsi %iota3A_2304, %rem3A_2326 : vector<256x256xi32>
    %ne3A_2328 = arith.constant 0 : i32
    %ne3A_2329 = vector.broadcast %ne3A_2328 : i32 to vector<256x256xi32>
    %ne3A_2330 = arith.cmpi ne, %rem3A_2327, %ne3A_2329 : vector<256x256xi32>
    %and3A_2331 = arith.andi %ne3A_2325, %ne3A_2330 : vector<256x256xi1>
    %sub3A_2332 = arith.constant 1 : i32
    %sub3A_2333 = vector.broadcast %sub3A_2332 : i32 to vector<256x256xi32>
    %sub3A_2334 = arith.subi %div3A_2307, %sub3A_2333 : vector<256x256xi32>
    %select_n3A_2335 = arith.select %and3A_2331, %sub3A_2334, %div3A_2307 : vector<256x256xi1>, vector<256x256xi32>
    %eq3A_2336 = arith.cmpi eq, %select_n3A_2303, %select_n3A_2335 : vector<256x256xi32>
    %convert_element_type3A_2337 = arith.extui %eq3A_2336 : vector<256x256xi1> to vector<256x256xi32>
    %convert_element_type3A_2338 = arith.sitofp %convert_element_type3A_2337 : vector<256x256xi32> to vector<256x256xf32>
    %slice3A_2339 = vector.extract_strided_slice %add3A_2271 {offsets = [0, 0], sizes = [256, 1723], strides = [1, 1]} : vector<256x1792xf32> to vector<256x1723xf32>
    %reduce_sum3A_2340 = arith.constant dense<0.000000e+00> : vector<256xf32>
    %reduce_sum3A_2341 = vector.multi_reduction <add>, %slice3A_2339, %reduce_sum3A_2340 [1] : vector<256x1723xf32> to vector<256xf32>
    %broadcast_in_dim3A_2342 = vector.shape_cast %reduce_sum3A_2341 : vector<256xf32> to vector<256x1xf32>
    %mul3A_2343 = arith.mulf %slice3A_2339, %slice3A_2339 : vector<256x1723xf32>
    %reduce_sum3A_2344 = arith.constant dense<0.000000e+00> : vector<256xf32>
    %reduce_sum3A_2345 = vector.multi_reduction <add>, %mul3A_2343, %reduce_sum3A_2344 [1] : vector<256x1723xf32> to vector<256xf32>
    %broadcast_in_dim3A_2346 = vector.shape_cast %reduce_sum3A_2345 : vector<256xf32> to vector<256x1xf32>
    %dot_general3A_2347 = arith.constant dense<0.000000e+00> : vector<256x1xf32>
    %dot_general3A_2348 = tpu.matmul %convert_element_type3A_2338, %broadcast_in_dim3A_2342, %dot_general3A_2347 {dimension_numbers = #tpu.dot_dimension_numbers<[1], [0], [0], [1], [0, 0, 1, 1], [], []>, transpose_lhs_hint = false} : vector<256x256xf32>, vector<256x1xf32>, vector<256x1xf32> -> vector<256x1xf32>
    %div3A_2349 = arith.constant 1.378400e+04 : f32
    %div3A_2350 = vector.broadcast %div3A_2349 : f32 to vector<256x1xf32>
    %div3A_2351 = arith.divf %dot_general3A_2348, %div3A_2350 : vector<256x1xf32>
    %dot_general3A_2352 = arith.constant dense<0.000000e+00> : vector<256x1xf32>
    %dot_general3A_2353 = tpu.matmul %convert_element_type3A_2338, %broadcast_in_dim3A_2346, %dot_general3A_2352 {dimension_numbers = #tpu.dot_dimension_numbers<[1], [0], [0], [1], [0, 0, 1, 1], [], []>, transpose_lhs_hint = false} : vector<256x256xf32>, vector<256x1xf32>, vector<256x1xf32> -> vector<256x1xf32>
    %div3A_2354 = arith.constant 1.378400e+04 : f32
    %div3A_2355 = vector.broadcast %div3A_2354 : f32 to vector<256x1xf32>
    %div3A_2356 = arith.divf %dot_general3A_2353, %div3A_2355 : vector<256x1xf32>
    %mul3A_2357 = arith.mulf %div3A_2351, %div3A_2351 : vector<256x1xf32>
    %sub3A_2358 = arith.subf %div3A_2356, %mul3A_2357 : vector<256x1xf32>
    %add3A_2359 = arith.constant 9.99999974E-6 : f32
    %add3A_2360 = vector.broadcast %add3A_2359 : f32 to vector<256x1xf32>
    %add3A_2361 = arith.addf %sub3A_2358, %add3A_2360 : vector<256x1xf32>
    %rsqrt3A_2362 = math.rsqrt %add3A_2361 : vector<256x1xf32>
    %mul3A_2363 = arith.mulf %get3A_244, %rsqrt3A_2362 : vector<256x1xf32>
    %mul3A_2364 = vector.broadcast %mul3A_2363 : vector<256x1xf32> to vector<256x1792xf32>
    %mul3A_2365 = arith.mulf %add3A_2271, %mul3A_2364 : vector<256x1792xf32>
    %mul3A_2366 = arith.mulf %div3A_2351, %mul3A_2363 : vector<256x1xf32>
    %sub3A_2367 = arith.subf %get3A_247, %mul3A_2366 : vector<256x1xf32>
    %add3A_2368 = vector.broadcast %sub3A_2367 : vector<256x1xf32> to vector<256x1792xf32>
    %add3A_2369 = arith.addf %mul3A_2365, %add3A_2368 : vector<256x1792xf32>
    %max3A_2370 = arith.constant 0.000000e+00 : f32
    %max3A_2371 = vector.broadcast %max3A_2370 : f32 to vector<256x1792xf32>
    %max3A_2372 = arith.maximumf %add3A_2369, %max3A_2371 : vector<256x1792xf32>
    %dot_general3A_2373 = arith.constant dense<0.000000e+00> : vector<32x1792xf32>
    %dot_general3A_2374 = tpu.matmul %get3A_250, %max3A_2372, %dot_general3A_2373 {dimension_numbers = #tpu.dot_dimension_numbers<[1], [0], [0], [1], [0, 0, 1, 1], [], []>, transpose_lhs_hint = false} : vector<32x256xf32>, vector<256x1792xf32>, vector<32x1792xf32> -> vector<32x1792xf32>
    %add3A_2375 = vector.broadcast %get3A_253 : vector<32x1xf32> to vector<32x1792xf32>
    %add3A_2376 = arith.addf %dot_general3A_2374, %add3A_2375 : vector<32x1792xf32>
    %iota3A_2377 = tpu.iota {dimensions = array<i32: 0>} : vector<32x32xi32>
    %jit3A_2378 = arith.constant 8 : i32
    %div3A_2379 = vector.broadcast %jit3A_2378 : i32 to vector<32x32xi32>
    %div3A_2380 = arith.divsi %iota3A_2377, %div3A_2379 : vector<32x32xi32>
    %sign3A_2381 = arith.constant 0 : i32
    %sign3A_2382 = vector.broadcast %sign3A_2381 : i32 to vector<32x32xi32>
    %sign3A_2383 = arith.cmpi sgt, %iota3A_2377, %sign3A_2382 : vector<32x32xi32>
    %sign3A_2384 = arith.extui %sign3A_2383 : vector<32x32xi1> to vector<32x32xi32>
    %sign3A_2385 = arith.constant 0 : i32
    %sign3A_2386 = vector.broadcast %sign3A_2385 : i32 to vector<32x32xi32>
    %sign3A_2387 = arith.cmpi slt, %iota3A_2377, %sign3A_2386 : vector<32x32xi32>
    %sign3A_2388 = arith.extui %sign3A_2387 : vector<32x32xi1> to vector<32x32xi32>
    %sign3A_2389 = arith.subi %sign3A_2384, %sign3A_2388 : vector<32x32xi32>
    %sign3A_2390 = arith.constant 0 : i32
    %sign3A_2391 = arith.cmpi sgt, %jit3A_2378, %sign3A_2390 : i32
    %sign3A_2392 = arith.extui %sign3A_2391 : i1 to i32
    %sign3A_2393 = arith.constant 0 : i32
    %sign3A_2394 = arith.cmpi slt, %jit3A_2378, %sign3A_2393 : i32
    %sign3A_2395 = arith.extui %sign3A_2394 : i1 to i32
    %sign3A_2396 = arith.subi %sign3A_2392, %sign3A_2395 : i32
    %ne3A_2397 = vector.broadcast %sign3A_2396 : i32 to vector<32x32xi32>
    %ne3A_2398 = arith.cmpi ne, %sign3A_2389, %ne3A_2397 : vector<32x32xi32>
    %rem3A_2399 = vector.broadcast %jit3A_2378 : i32 to vector<32x32xi32>
    %rem3A_2400 = arith.remsi %iota3A_2377, %rem3A_2399 : vector<32x32xi32>
    %ne3A_2401 = arith.constant 0 : i32
    %ne3A_2402 = vector.broadcast %ne3A_2401 : i32 to vector<32x32xi32>
    %ne3A_2403 = arith.cmpi ne, %rem3A_2400, %ne3A_2402 : vector<32x32xi32>
    %and3A_2404 = arith.andi %ne3A_2398, %ne3A_2403 : vector<32x32xi1>
    %sub3A_2405 = arith.constant 1 : i32
    %sub3A_2406 = vector.broadcast %sub3A_2405 : i32 to vector<32x32xi32>
    %sub3A_2407 = arith.subi %div3A_2380, %sub3A_2406 : vector<32x32xi32>
    %select_n3A_2408 = arith.select %and3A_2404, %sub3A_2407, %div3A_2380 : vector<32x32xi1>, vector<32x32xi32>
    %iota3A_2409 = tpu.iota {dimensions = array<i32: 1>} : vector<32x32xi32>
    %jit3A_2410 = arith.constant 8 : i32
    %div3A_2411 = vector.broadcast %jit3A_2410 : i32 to vector<32x32xi32>
    %div3A_2412 = arith.divsi %iota3A_2409, %div3A_2411 : vector<32x32xi32>
    %sign3A_2413 = arith.constant 0 : i32
    %sign3A_2414 = vector.broadcast %sign3A_2413 : i32 to vector<32x32xi32>
    %sign3A_2415 = arith.cmpi sgt, %iota3A_2409, %sign3A_2414 : vector<32x32xi32>
    %sign3A_2416 = arith.extui %sign3A_2415 : vector<32x32xi1> to vector<32x32xi32>
    %sign3A_2417 = arith.constant 0 : i32
    %sign3A_2418 = vector.broadcast %sign3A_2417 : i32 to vector<32x32xi32>
    %sign3A_2419 = arith.cmpi slt, %iota3A_2409, %sign3A_2418 : vector<32x32xi32>
    %sign3A_2420 = arith.extui %sign3A_2419 : vector<32x32xi1> to vector<32x32xi32>
    %sign3A_2421 = arith.subi %sign3A_2416, %sign3A_2420 : vector<32x32xi32>
    %sign3A_2422 = arith.constant 0 : i32
    %sign3A_2423 = arith.cmpi sgt, %jit3A_2410, %sign3A_2422 : i32
    %sign3A_2424 = arith.extui %sign3A_2423 : i1 to i32
    %sign3A_2425 = arith.constant 0 : i32
    %sign3A_2426 = arith.cmpi slt, %jit3A_2410, %sign3A_2425 : i32
    %sign3A_2427 = arith.extui %sign3A_2426 : i1 to i32
    %sign3A_2428 = arith.subi %sign3A_2424, %sign3A_2427 : i32
    %ne3A_2429 = vector.broadcast %sign3A_2428 : i32 to vector<32x32xi32>
    %ne3A_2430 = arith.cmpi ne, %sign3A_2421, %ne3A_2429 : vector<32x32xi32>
    %rem3A_2431 = vector.broadcast %jit3A_2410 : i32 to vector<32x32xi32>
    %rem3A_2432 = arith.remsi %iota3A_2409, %rem3A_2431 : vector<32x32xi32>
    %ne3A_2433 = arith.constant 0 : i32
    %ne3A_2434 = vector.broadcast %ne3A_2433 : i32 to vector<32x32xi32>
    %ne3A_2435 = arith.cmpi ne, %rem3A_2432, %ne3A_2434 : vector<32x32xi32>
    %and3A_2436 = arith.andi %ne3A_2430, %ne3A_2435 : vector<32x32xi1>
    %sub3A_2437 = arith.constant 1 : i32
    %sub3A_2438 = vector.broadcast %sub3A_2437 : i32 to vector<32x32xi32>
    %sub3A_2439 = arith.subi %div3A_2412, %sub3A_2438 : vector<32x32xi32>
    %select_n3A_2440 = arith.select %and3A_2436, %sub3A_2439, %div3A_2412 : vector<32x32xi1>, vector<32x32xi32>
    %eq3A_2441 = arith.cmpi eq, %select_n3A_2408, %select_n3A_2440 : vector<32x32xi32>
    %convert_element_type3A_2442 = arith.extui %eq3A_2441 : vector<32x32xi1> to vector<32x32xi32>
    %convert_element_type3A_2443 = arith.sitofp %convert_element_type3A_2442 : vector<32x32xi32> to vector<32x32xf32>
    %slice3A_2444 = vector.extract_strided_slice %add3A_2376 {offsets = [0, 0], sizes = [32, 1723], strides = [1, 1]} : vector<32x1792xf32> to vector<32x1723xf32>
    %reduce_sum3A_2445 = arith.constant dense<0.000000e+00> : vector<32xf32>
    %reduce_sum3A_2446 = vector.multi_reduction <add>, %slice3A_2444, %reduce_sum3A_2445 [1] : vector<32x1723xf32> to vector<32xf32>
    %broadcast_in_dim3A_2447 = vector.shape_cast %reduce_sum3A_2446 : vector<32xf32> to vector<32x1xf32>
    %mul3A_2448 = arith.mulf %slice3A_2444, %slice3A_2444 : vector<32x1723xf32>
    %reduce_sum3A_2449 = arith.constant dense<0.000000e+00> : vector<32xf32>
    %reduce_sum3A_2450 = vector.multi_reduction <add>, %mul3A_2448, %reduce_sum3A_2449 [1] : vector<32x1723xf32> to vector<32xf32>
    %broadcast_in_dim3A_2451 = vector.shape_cast %reduce_sum3A_2450 : vector<32xf32> to vector<32x1xf32>
    %dot_general3A_2452 = arith.constant dense<0.000000e+00> : vector<32x1xf32>
    %dot_general3A_2453 = tpu.matmul %convert_element_type3A_2443, %broadcast_in_dim3A_2447, %dot_general3A_2452 {dimension_numbers = #tpu.dot_dimension_numbers<[1], [0], [0], [1], [0, 0, 1, 1], [], []>, transpose_lhs_hint = false} : vector<32x32xf32>, vector<32x1xf32>, vector<32x1xf32> -> vector<32x1xf32>
    %div3A_2454 = arith.constant 1.378400e+04 : f32
    %div3A_2455 = vector.broadcast %div3A_2454 : f32 to vector<32x1xf32>
    %div3A_2456 = arith.divf %dot_general3A_2453, %div3A_2455 : vector<32x1xf32>
    %dot_general3A_2457 = arith.constant dense<0.000000e+00> : vector<32x1xf32>
    %dot_general3A_2458 = tpu.matmul %convert_element_type3A_2443, %broadcast_in_dim3A_2451, %dot_general3A_2457 {dimension_numbers = #tpu.dot_dimension_numbers<[1], [0], [0], [1], [0, 0, 1, 1], [], []>, transpose_lhs_hint = false} : vector<32x32xf32>, vector<32x1xf32>, vector<32x1xf32> -> vector<32x1xf32>
    %div3A_2459 = arith.constant 1.378400e+04 : f32
    %div3A_2460 = vector.broadcast %div3A_2459 : f32 to vector<32x1xf32>
    %div3A_2461 = arith.divf %dot_general3A_2458, %div3A_2460 : vector<32x1xf32>
    %mul3A_2462 = arith.mulf %div3A_2456, %div3A_2456 : vector<32x1xf32>
    %sub3A_2463 = arith.subf %div3A_2461, %mul3A_2462 : vector<32x1xf32>
    %add3A_2464 = arith.constant 9.99999974E-6 : f32
    %add3A_2465 = vector.broadcast %add3A_2464 : f32 to vector<32x1xf32>
    %add3A_2466 = arith.addf %sub3A_2463, %add3A_2465 : vector<32x1xf32>
    %rsqrt3A_2467 = math.rsqrt %add3A_2466 : vector<32x1xf32>
    %mul3A_2468 = arith.mulf %get3A_256, %rsqrt3A_2467 : vector<32x1xf32>
    %mul3A_2469 = vector.broadcast %mul3A_2468 : vector<32x1xf32> to vector<32x1792xf32>
    %mul3A_2470 = arith.mulf %add3A_2376, %mul3A_2469 : vector<32x1792xf32>
    %mul3A_2471 = arith.mulf %div3A_2456, %mul3A_2468 : vector<32x1xf32>
    %sub3A_2472 = arith.subf %get3A_259, %mul3A_2471 : vector<32x1xf32>
    %add3A_2473 = vector.broadcast %sub3A_2472 : vector<32x1xf32> to vector<32x1792xf32>
    %add3A_2474 = arith.addf %mul3A_2470, %add3A_2473 : vector<32x1792xf32>
    %max3A_2475 = arith.constant 0.000000e+00 : f32
    %max3A_2476 = vector.broadcast %max3A_2475 : f32 to vector<32x1792xf32>
    %max3A_2477 = arith.maximumf %add3A_2474, %max3A_2476 : vector<32x1792xf32>
    %dot_general3A_2478 = arith.constant dense<0.000000e+00> : vector<32x1792xf32>
    %dot_general3A_2479 = tpu.matmul %get3A_262, %max3A_2477, %dot_general3A_2478 {dimension_numbers = #tpu.dot_dimension_numbers<[1], [0], [0], [1], [0, 0, 1, 1], [], []>, transpose_lhs_hint = false} : vector<32x32xf32>, vector<32x1792xf32>, vector<32x1792xf32> -> vector<32x1792xf32>
    %convert_element_type3A_2480 = arith.truncf %dot_general3A_2479 : vector<32x1792xf32> to vector<32x1792xbf16>
    %dot_general3A_2481 = arith.constant dense<0.000000e+00> : vector<32x1792xf32>
    %dot_general3A_2482 = tpu.matmul %convert_element_type3A_2480, %get3A_340, %dot_general3A_2481 {dimension_numbers = #tpu.dot_dimension_numbers<[1], [0], [0], [1], [0, 0, 1, 1], [], []>, transpose_lhs_hint = false} : vector<32x1792xbf16>, vector<1792x1792xbf16>, vector<32x1792xf32> -> vector<32x1792xf32>
    %add3A_2483 = vector.broadcast %get3A_265 : vector<32x1xf32> to vector<32x1792xf32>
    %add3A_2484 = arith.addf %dot_general3A_2482, %add3A_2483 : vector<32x1792xf32>
    %iota3A_2485 = tpu.iota {dimensions = array<i32: 0>} : vector<32x32xi32>
    %jit3A_2486 = arith.constant 8 : i32
    %div3A_2487 = vector.broadcast %jit3A_2486 : i32 to vector<32x32xi32>
    %div3A_2488 = arith.divsi %iota3A_2485, %div3A_2487 : vector<32x32xi32>
    %sign3A_2489 = arith.constant 0 : i32
    %sign3A_2490 = vector.broadcast %sign3A_2489 : i32 to vector<32x32xi32>
    %sign3A_2491 = arith.cmpi sgt, %iota3A_2485, %sign3A_2490 : vector<32x32xi32>
    %sign3A_2492 = arith.extui %sign3A_2491 : vector<32x32xi1> to vector<32x32xi32>
    %sign3A_2493 = arith.constant 0 : i32
    %sign3A_2494 = vector.broadcast %sign3A_2493 : i32 to vector<32x32xi32>
    %sign3A_2495 = arith.cmpi slt, %iota3A_2485, %sign3A_2494 : vector<32x32xi32>
    %sign3A_2496 = arith.extui %sign3A_2495 : vector<32x32xi1> to vector<32x32xi32>
    %sign3A_2497 = arith.subi %sign3A_2492, %sign3A_2496 : vector<32x32xi32>
    %sign3A_2498 = arith.constant 0 : i32
    %sign3A_2499 = arith.cmpi sgt, %jit3A_2486, %sign3A_2498 : i32
    %sign3A_2500 = arith.extui %sign3A_2499 : i1 to i32
    %sign3A_2501 = arith.constant 0 : i32
    %sign3A_2502 = arith.cmpi slt, %jit3A_2486, %sign3A_2501 : i32
    %sign3A_2503 = arith.extui %sign3A_2502 : i1 to i32
    %sign3A_2504 = arith.subi %sign3A_2500, %sign3A_2503 : i32
    %ne3A_2505 = vector.broadcast %sign3A_2504 : i32 to vector<32x32xi32>
    %ne3A_2506 = arith.cmpi ne, %sign3A_2497, %ne3A_2505 : vector<32x32xi32>
    %rem3A_2507 = vector.broadcast %jit3A_2486 : i32 to vector<32x32xi32>
    %rem3A_2508 = arith.remsi %iota3A_2485, %rem3A_2507 : vector<32x32xi32>
    %ne3A_2509 = arith.constant 0 : i32
    %ne3A_2510 = vector.broadcast %ne3A_2509 : i32 to vector<32x32xi32>
    %ne3A_2511 = arith.cmpi ne, %rem3A_2508, %ne3A_2510 : vector<32x32xi32>
    %and3A_2512 = arith.andi %ne3A_2506, %ne3A_2511 : vector<32x32xi1>
    %sub3A_2513 = arith.constant 1 : i32
    %sub3A_2514 = vector.broadcast %sub3A_2513 : i32 to vector<32x32xi32>
    %sub3A_2515 = arith.subi %div3A_2488, %sub3A_2514 : vector<32x32xi32>
    %select_n3A_2516 = arith.select %and3A_2512, %sub3A_2515, %div3A_2488 : vector<32x32xi1>, vector<32x32xi32>
    %iota3A_2517 = tpu.iota {dimensions = array<i32: 1>} : vector<32x32xi32>
    %jit3A_2518 = arith.constant 8 : i32
    %div3A_2519 = vector.broadcast %jit3A_2518 : i32 to vector<32x32xi32>
    %div3A_2520 = arith.divsi %iota3A_2517, %div3A_2519 : vector<32x32xi32>
    %sign3A_2521 = arith.constant 0 : i32
    %sign3A_2522 = vector.broadcast %sign3A_2521 : i32 to vector<32x32xi32>
    %sign3A_2523 = arith.cmpi sgt, %iota3A_2517, %sign3A_2522 : vector<32x32xi32>
    %sign3A_2524 = arith.extui %sign3A_2523 : vector<32x32xi1> to vector<32x32xi32>
    %sign3A_2525 = arith.constant 0 : i32
    %sign3A_2526 = vector.broadcast %sign3A_2525 : i32 to vector<32x32xi32>
    %sign3A_2527 = arith.cmpi slt, %iota3A_2517, %sign3A_2526 : vector<32x32xi32>
    %sign3A_2528 = arith.extui %sign3A_2527 : vector<32x32xi1> to vector<32x32xi32>
    %sign3A_2529 = arith.subi %sign3A_2524, %sign3A_2528 : vector<32x32xi32>
    %sign3A_2530 = arith.constant 0 : i32
    %sign3A_2531 = arith.cmpi sgt, %jit3A_2518, %sign3A_2530 : i32
    %sign3A_2532 = arith.extui %sign3A_2531 : i1 to i32
    %sign3A_2533 = arith.constant 0 : i32
    %sign3A_2534 = arith.cmpi slt, %jit3A_2518, %sign3A_2533 : i32
    %sign3A_2535 = arith.extui %sign3A_2534 : i1 to i32
    %sign3A_2536 = arith.subi %sign3A_2532, %sign3A_2535 : i32
    %ne3A_2537 = vector.broadcast %sign3A_2536 : i32 to vector<32x32xi32>
    %ne3A_2538 = arith.cmpi ne, %sign3A_2529, %ne3A_2537 : vector<32x32xi32>
    %rem3A_2539 = vector.broadcast %jit3A_2518 : i32 to vector<32x32xi32>
    %rem3A_2540 = arith.remsi %iota3A_2517, %rem3A_2539 : vector<32x32xi32>
    %ne3A_2541 = arith.constant 0 : i32
    %ne3A_2542 = vector.broadcast %ne3A_2541 : i32 to vector<32x32xi32>
    %ne3A_2543 = arith.cmpi ne, %rem3A_2540, %ne3A_2542 : vector<32x32xi32>
    %and3A_2544 = arith.andi %ne3A_2538, %ne3A_2543 : vector<32x32xi1>
    %sub3A_2545 = arith.constant 1 : i32
    %sub3A_2546 = vector.broadcast %sub3A_2545 : i32 to vector<32x32xi32>
    %sub3A_2547 = arith.subi %div3A_2520, %sub3A_2546 : vector<32x32xi32>
    %select_n3A_2548 = arith.select %and3A_2544, %sub3A_2547, %div3A_2520 : vector<32x32xi1>, vector<32x32xi32>
    %eq3A_2549 = arith.cmpi eq, %select_n3A_2516, %select_n3A_2548 : vector<32x32xi32>
    %convert_element_type3A_2550 = arith.extui %eq3A_2549 : vector<32x32xi1> to vector<32x32xi32>
    %convert_element_type3A_2551 = arith.sitofp %convert_element_type3A_2550 : vector<32x32xi32> to vector<32x32xf32>
    %slice3A_2552 = vector.extract_strided_slice %add3A_2484 {offsets = [0, 0], sizes = [32, 1723], strides = [1, 1]} : vector<32x1792xf32> to vector<32x1723xf32>
    %reduce_sum3A_2553 = arith.constant dense<0.000000e+00> : vector<32xf32>
    %reduce_sum3A_2554 = vector.multi_reduction <add>, %slice3A_2552, %reduce_sum3A_2553 [1] : vector<32x1723xf32> to vector<32xf32>
    %broadcast_in_dim3A_2555 = vector.shape_cast %reduce_sum3A_2554 : vector<32xf32> to vector<32x1xf32>
    %mul3A_2556 = arith.mulf %slice3A_2552, %slice3A_2552 : vector<32x1723xf32>
    %reduce_sum3A_2557 = arith.constant dense<0.000000e+00> : vector<32xf32>
    %reduce_sum3A_2558 = vector.multi_reduction <add>, %mul3A_2556, %reduce_sum3A_2557 [1] : vector<32x1723xf32> to vector<32xf32>
    %broadcast_in_dim3A_2559 = vector.shape_cast %reduce_sum3A_2558 : vector<32xf32> to vector<32x1xf32>
    %dot_general3A_2560 = arith.constant dense<0.000000e+00> : vector<32x1xf32>
    %dot_general3A_2561 = tpu.matmul %convert_element_type3A_2551, %broadcast_in_dim3A_2555, %dot_general3A_2560 {dimension_numbers = #tpu.dot_dimension_numbers<[1], [0], [0], [1], [0, 0, 1, 1], [], []>, transpose_lhs_hint = false} : vector<32x32xf32>, vector<32x1xf32>, vector<32x1xf32> -> vector<32x1xf32>
    %div3A_2562 = arith.constant 1.378400e+04 : f32
    %div3A_2563 = vector.broadcast %div3A_2562 : f32 to vector<32x1xf32>
    %div3A_2564 = arith.divf %dot_general3A_2561, %div3A_2563 : vector<32x1xf32>
    %dot_general3A_2565 = arith.constant dense<0.000000e+00> : vector<32x1xf32>
    %dot_general3A_2566 = tpu.matmul %convert_element_type3A_2551, %broadcast_in_dim3A_2559, %dot_general3A_2565 {dimension_numbers = #tpu.dot_dimension_numbers<[1], [0], [0], [1], [0, 0, 1, 1], [], []>, transpose_lhs_hint = false} : vector<32x32xf32>, vector<32x1xf32>, vector<32x1xf32> -> vector<32x1xf32>
    %div3A_2567 = arith.constant 1.378400e+04 : f32
    %div3A_2568 = vector.broadcast %div3A_2567 : f32 to vector<32x1xf32>
    %div3A_2569 = arith.divf %dot_general3A_2566, %div3A_2568 : vector<32x1xf32>
    %mul3A_2570 = arith.mulf %div3A_2564, %div3A_2564 : vector<32x1xf32>
    %sub3A_2571 = arith.subf %div3A_2569, %mul3A_2570 : vector<32x1xf32>
    %add3A_2572 = arith.constant 9.99999974E-6 : f32
    %add3A_2573 = vector.broadcast %add3A_2572 : f32 to vector<32x1xf32>
    %add3A_2574 = arith.addf %sub3A_2571, %add3A_2573 : vector<32x1xf32>
    %rsqrt3A_2575 = math.rsqrt %add3A_2574 : vector<32x1xf32>
    %mul3A_2576 = arith.mulf %get3A_268, %rsqrt3A_2575 : vector<32x1xf32>
    %mul3A_2577 = vector.broadcast %mul3A_2576 : vector<32x1xf32> to vector<32x1792xf32>
    %mul3A_2578 = arith.mulf %add3A_2484, %mul3A_2577 : vector<32x1792xf32>
    %mul3A_2579 = arith.mulf %div3A_2564, %mul3A_2576 : vector<32x1xf32>
    %sub3A_2580 = arith.subf %get3A_271, %mul3A_2579 : vector<32x1xf32>
    %add3A_2581 = vector.broadcast %sub3A_2580 : vector<32x1xf32> to vector<32x1792xf32>
    %add3A_2582 = arith.addf %mul3A_2578, %add3A_2581 : vector<32x1792xf32>
    %max3A_2583 = arith.constant 0.000000e+00 : f32
    %max3A_2584 = vector.broadcast %max3A_2583 : f32 to vector<32x1792xf32>
    %max3A_2585 = arith.maximumf %add3A_2582, %max3A_2584 : vector<32x1792xf32>
    %dot_general3A_2586 = arith.constant dense<0.000000e+00> : vector<64x1792xf32>
    %dot_general3A_2587 = tpu.matmul %get3A_274, %max3A_2585, %dot_general3A_2586 {dimension_numbers = #tpu.dot_dimension_numbers<[1], [0], [0], [1], [0, 0, 1, 1], [], []>, transpose_lhs_hint = false} : vector<64x32xf32>, vector<32x1792xf32>, vector<64x1792xf32> -> vector<64x1792xf32>
    %add3A_2588 = vector.broadcast %get3A_277 : vector<64x1xf32> to vector<64x1792xf32>
    %add3A_2589 = arith.addf %dot_general3A_2587, %add3A_2588 : vector<64x1792xf32>
    %dot_general3A_2590 = arith.constant dense<0.000000e+00> : vector<64x1792xf32>
    %dot_general3A_2591 = tpu.matmul %get3A_280, %add3A_2271, %dot_general3A_2590 {dimension_numbers = #tpu.dot_dimension_numbers<[1], [0], [0], [1], [0, 0, 1, 1], [], []>, transpose_lhs_hint = false} : vector<64x256xf32>, vector<256x1792xf32>, vector<64x1792xf32> -> vector<64x1792xf32>
    %add3A_2592 = vector.broadcast %get3A_283 : vector<64x1xf32> to vector<64x1792xf32>
    %add3A_2593 = arith.addf %dot_general3A_2591, %add3A_2592 : vector<64x1792xf32>
    %add3A_2594 = arith.addf %add3A_2593, %add3A_2589 : vector<64x1792xf32>
    %iota3A_2595 = tpu.iota {dimensions = array<i32: 0>} : vector<64x64xi32>
    %jit3A_2596 = arith.constant 8 : i32
    %div3A_2597 = vector.broadcast %jit3A_2596 : i32 to vector<64x64xi32>
    %div3A_2598 = arith.divsi %iota3A_2595, %div3A_2597 : vector<64x64xi32>
    %sign3A_2599 = arith.constant 0 : i32
    %sign3A_2600 = vector.broadcast %sign3A_2599 : i32 to vector<64x64xi32>
    %sign3A_2601 = arith.cmpi sgt, %iota3A_2595, %sign3A_2600 : vector<64x64xi32>
    %sign3A_2602 = arith.extui %sign3A_2601 : vector<64x64xi1> to vector<64x64xi32>
    %sign3A_2603 = arith.constant 0 : i32
    %sign3A_2604 = vector.broadcast %sign3A_2603 : i32 to vector<64x64xi32>
    %sign3A_2605 = arith.cmpi slt, %iota3A_2595, %sign3A_2604 : vector<64x64xi32>
    %sign3A_2606 = arith.extui %sign3A_2605 : vector<64x64xi1> to vector<64x64xi32>
    %sign3A_2607 = arith.subi %sign3A_2602, %sign3A_2606 : vector<64x64xi32>
    %sign3A_2608 = arith.constant 0 : i32
    %sign3A_2609 = arith.cmpi sgt, %jit3A_2596, %sign3A_2608 : i32
    %sign3A_2610 = arith.extui %sign3A_2609 : i1 to i32
    %sign3A_2611 = arith.constant 0 : i32
    %sign3A_2612 = arith.cmpi slt, %jit3A_2596, %sign3A_2611 : i32
    %sign3A_2613 = arith.extui %sign3A_2612 : i1 to i32
    %sign3A_2614 = arith.subi %sign3A_2610, %sign3A_2613 : i32
    %ne3A_2615 = vector.broadcast %sign3A_2614 : i32 to vector<64x64xi32>
    %ne3A_2616 = arith.cmpi ne, %sign3A_2607, %ne3A_2615 : vector<64x64xi32>
    %rem3A_2617 = vector.broadcast %jit3A_2596 : i32 to vector<64x64xi32>
    %rem3A_2618 = arith.remsi %iota3A_2595, %rem3A_2617 : vector<64x64xi32>
    %ne3A_2619 = arith.constant 0 : i32
    %ne3A_2620 = vector.broadcast %ne3A_2619 : i32 to vector<64x64xi32>
    %ne3A_2621 = arith.cmpi ne, %rem3A_2618, %ne3A_2620 : vector<64x64xi32>
    %and3A_2622 = arith.andi %ne3A_2616, %ne3A_2621 : vector<64x64xi1>
    %sub3A_2623 = arith.constant 1 : i32
    %sub3A_2624 = vector.broadcast %sub3A_2623 : i32 to vector<64x64xi32>
    %sub3A_2625 = arith.subi %div3A_2598, %sub3A_2624 : vector<64x64xi32>
    %select_n3A_2626 = arith.select %and3A_2622, %sub3A_2625, %div3A_2598 : vector<64x64xi1>, vector<64x64xi32>
    %iota3A_2627 = tpu.iota {dimensions = array<i32: 1>} : vector<64x64xi32>
    %jit3A_2628 = arith.constant 8 : i32
    %div3A_2629 = vector.broadcast %jit3A_2628 : i32 to vector<64x64xi32>
    %div3A_2630 = arith.divsi %iota3A_2627, %div3A_2629 : vector<64x64xi32>
    %sign3A_2631 = arith.constant 0 : i32
    %sign3A_2632 = vector.broadcast %sign3A_2631 : i32 to vector<64x64xi32>
    %sign3A_2633 = arith.cmpi sgt, %iota3A_2627, %sign3A_2632 : vector<64x64xi32>
    %sign3A_2634 = arith.extui %sign3A_2633 : vector<64x64xi1> to vector<64x64xi32>
    %sign3A_2635 = arith.constant 0 : i32
    %sign3A_2636 = vector.broadcast %sign3A_2635 : i32 to vector<64x64xi32>
    %sign3A_2637 = arith.cmpi slt, %iota3A_2627, %sign3A_2636 : vector<64x64xi32>
    %sign3A_2638 = arith.extui %sign3A_2637 : vector<64x64xi1> to vector<64x64xi32>
    %sign3A_2639 = arith.subi %sign3A_2634, %sign3A_2638 : vector<64x64xi32>
    %sign3A_2640 = arith.constant 0 : i32
    %sign3A_2641 = arith.cmpi sgt, %jit3A_2628, %sign3A_2640 : i32
    %sign3A_2642 = arith.extui %sign3A_2641 : i1 to i32
    %sign3A_2643 = arith.constant 0 : i32
    %sign3A_2644 = arith.cmpi slt, %jit3A_2628, %sign3A_2643 : i32
    %sign3A_2645 = arith.extui %sign3A_2644 : i1 to i32
    %sign3A_2646 = arith.subi %sign3A_2642, %sign3A_2645 : i32
    %ne3A_2647 = vector.broadcast %sign3A_2646 : i32 to vector<64x64xi32>
    %ne3A_2648 = arith.cmpi ne, %sign3A_2639, %ne3A_2647 : vector<64x64xi32>
    %rem3A_2649 = vector.broadcast %jit3A_2628 : i32 to vector<64x64xi32>
    %rem3A_2650 = arith.remsi %iota3A_2627, %rem3A_2649 : vector<64x64xi32>
    %ne3A_2651 = arith.constant 0 : i32
    %ne3A_2652 = vector.broadcast %ne3A_2651 : i32 to vector<64x64xi32>
    %ne3A_2653 = arith.cmpi ne, %rem3A_2650, %ne3A_2652 : vector<64x64xi32>
    %and3A_2654 = arith.andi %ne3A_2648, %ne3A_2653 : vector<64x64xi1>
    %sub3A_2655 = arith.constant 1 : i32
    %sub3A_2656 = vector.broadcast %sub3A_2655 : i32 to vector<64x64xi32>
    %sub3A_2657 = arith.subi %div3A_2630, %sub3A_2656 : vector<64x64xi32>
    %select_n3A_2658 = arith.select %and3A_2654, %sub3A_2657, %div3A_2630 : vector<64x64xi1>, vector<64x64xi32>
    %eq3A_2659 = arith.cmpi eq, %select_n3A_2626, %select_n3A_2658 : vector<64x64xi32>
    %convert_element_type3A_2660 = arith.extui %eq3A_2659 : vector<64x64xi1> to vector<64x64xi32>
    %convert_element_type3A_2661 = arith.sitofp %convert_element_type3A_2660 : vector<64x64xi32> to vector<64x64xf32>
    %slice3A_2662 = vector.extract_strided_slice %add3A_2594 {offsets = [0, 0], sizes = [64, 1723], strides = [1, 1]} : vector<64x1792xf32> to vector<64x1723xf32>
    %reduce_sum3A_2663 = arith.constant dense<0.000000e+00> : vector<64xf32>
    %reduce_sum3A_2664 = vector.multi_reduction <add>, %slice3A_2662, %reduce_sum3A_2663 [1] : vector<64x1723xf32> to vector<64xf32>
    %broadcast_in_dim3A_2665 = vector.shape_cast %reduce_sum3A_2664 : vector<64xf32> to vector<64x1xf32>
    %mul3A_2666 = arith.mulf %slice3A_2662, %slice3A_2662 : vector<64x1723xf32>
    %reduce_sum3A_2667 = arith.constant dense<0.000000e+00> : vector<64xf32>
    %reduce_sum3A_2668 = vector.multi_reduction <add>, %mul3A_2666, %reduce_sum3A_2667 [1] : vector<64x1723xf32> to vector<64xf32>
    %broadcast_in_dim3A_2669 = vector.shape_cast %reduce_sum3A_2668 : vector<64xf32> to vector<64x1xf32>
    %dot_general3A_2670 = arith.constant dense<0.000000e+00> : vector<64x1xf32>
    %dot_general3A_2671 = tpu.matmul %convert_element_type3A_2661, %broadcast_in_dim3A_2665, %dot_general3A_2670 {dimension_numbers = #tpu.dot_dimension_numbers<[1], [0], [0], [1], [0, 0, 1, 1], [], []>, transpose_lhs_hint = false} : vector<64x64xf32>, vector<64x1xf32>, vector<64x1xf32> -> vector<64x1xf32>
    %div3A_2672 = arith.constant 1.378400e+04 : f32
    %div3A_2673 = vector.broadcast %div3A_2672 : f32 to vector<64x1xf32>
    %div3A_2674 = arith.divf %dot_general3A_2671, %div3A_2673 : vector<64x1xf32>
    %dot_general3A_2675 = arith.constant dense<0.000000e+00> : vector<64x1xf32>
    %dot_general3A_2676 = tpu.matmul %convert_element_type3A_2661, %broadcast_in_dim3A_2669, %dot_general3A_2675 {dimension_numbers = #tpu.dot_dimension_numbers<[1], [0], [0], [1], [0, 0, 1, 1], [], []>, transpose_lhs_hint = false} : vector<64x64xf32>, vector<64x1xf32>, vector<64x1xf32> -> vector<64x1xf32>
    %div3A_2677 = arith.constant 1.378400e+04 : f32
    %div3A_2678 = vector.broadcast %div3A_2677 : f32 to vector<64x1xf32>
    %div3A_2679 = arith.divf %dot_general3A_2676, %div3A_2678 : vector<64x1xf32>
    %mul3A_2680 = arith.mulf %div3A_2674, %div3A_2674 : vector<64x1xf32>
    %sub3A_2681 = arith.subf %div3A_2679, %mul3A_2680 : vector<64x1xf32>
    %add3A_2682 = arith.constant 9.99999974E-6 : f32
    %add3A_2683 = vector.broadcast %add3A_2682 : f32 to vector<64x1xf32>
    %add3A_2684 = arith.addf %sub3A_2681, %add3A_2683 : vector<64x1xf32>
    %rsqrt3A_2685 = math.rsqrt %add3A_2684 : vector<64x1xf32>
    %mul3A_2686 = arith.mulf %get3A_286, %rsqrt3A_2685 : vector<64x1xf32>
    %mul3A_2687 = vector.broadcast %mul3A_2686 : vector<64x1xf32> to vector<64x1792xf32>
    %mul3A_2688 = arith.mulf %add3A_2594, %mul3A_2687 : vector<64x1792xf32>
    %mul3A_2689 = arith.mulf %div3A_2674, %mul3A_2686 : vector<64x1xf32>
    %sub3A_2690 = arith.subf %get3A_289, %mul3A_2689 : vector<64x1xf32>
    %add3A_2691 = vector.broadcast %sub3A_2690 : vector<64x1xf32> to vector<64x1792xf32>
    %add3A_2692 = arith.addf %mul3A_2688, %add3A_2691 : vector<64x1792xf32>
    %max3A_2693 = arith.constant 0.000000e+00 : f32
    %max3A_2694 = vector.broadcast %max3A_2693 : f32 to vector<64x1792xf32>
    %max3A_2695 = arith.maximumf %add3A_2692, %max3A_2694 : vector<64x1792xf32>
    %dot_general3A_2696 = arith.constant dense<0.000000e+00> : vector<16x1792xf32>
    %dot_general3A_2697 = tpu.matmul %get3A_292, %max3A_2695, %dot_general3A_2696 {dimension_numbers = #tpu.dot_dimension_numbers<[1], [0], [0], [1], [0, 0, 1, 1], [], []>, transpose_lhs_hint = false} : vector<16x64xf32>, vector<64x1792xf32>, vector<16x1792xf32> -> vector<16x1792xf32>
    %add3A_2698 = vector.broadcast %get3A_295 : vector<16x1xf32> to vector<16x1792xf32>
    %add3A_2699 = arith.addf %dot_general3A_2697, %add3A_2698 : vector<16x1792xf32>
    %iota3A_2700 = tpu.iota {dimensions = array<i32: 0>} : vector<16x16xi32>
    %jit3A_2701 = arith.constant 8 : i32
    %div3A_2702 = vector.broadcast %jit3A_2701 : i32 to vector<16x16xi32>
    %div3A_2703 = arith.divsi %iota3A_2700, %div3A_2702 : vector<16x16xi32>
    %sign3A_2704 = arith.constant 0 : i32
    %sign3A_2705 = vector.broadcast %sign3A_2704 : i32 to vector<16x16xi32>
    %sign3A_2706 = arith.cmpi sgt, %iota3A_2700, %sign3A_2705 : vector<16x16xi32>
    %sign3A_2707 = arith.extui %sign3A_2706 : vector<16x16xi1> to vector<16x16xi32>
    %sign3A_2708 = arith.constant 0 : i32
    %sign3A_2709 = vector.broadcast %sign3A_2708 : i32 to vector<16x16xi32>
    %sign3A_2710 = arith.cmpi slt, %iota3A_2700, %sign3A_2709 : vector<16x16xi32>
    %sign3A_2711 = arith.extui %sign3A_2710 : vector<16x16xi1> to vector<16x16xi32>
    %sign3A_2712 = arith.subi %sign3A_2707, %sign3A_2711 : vector<16x16xi32>
    %sign3A_2713 = arith.constant 0 : i32
    %sign3A_2714 = arith.cmpi sgt, %jit3A_2701, %sign3A_2713 : i32
    %sign3A_2715 = arith.extui %sign3A_2714 : i1 to i32
    %sign3A_2716 = arith.constant 0 : i32
    %sign3A_2717 = arith.cmpi slt, %jit3A_2701, %sign3A_2716 : i32
    %sign3A_2718 = arith.extui %sign3A_2717 : i1 to i32
    %sign3A_2719 = arith.subi %sign3A_2715, %sign3A_2718 : i32
    %ne3A_2720 = vector.broadcast %sign3A_2719 : i32 to vector<16x16xi32>
    %ne3A_2721 = arith.cmpi ne, %sign3A_2712, %ne3A_2720 : vector<16x16xi32>
    %rem3A_2722 = vector.broadcast %jit3A_2701 : i32 to vector<16x16xi32>
    %rem3A_2723 = arith.remsi %iota3A_2700, %rem3A_2722 : vector<16x16xi32>
    %ne3A_2724 = arith.constant 0 : i32
    %ne3A_2725 = vector.broadcast %ne3A_2724 : i32 to vector<16x16xi32>
    %ne3A_2726 = arith.cmpi ne, %rem3A_2723, %ne3A_2725 : vector<16x16xi32>
    %and3A_2727 = arith.andi %ne3A_2721, %ne3A_2726 : vector<16x16xi1>
    %sub3A_2728 = arith.constant 1 : i32
    %sub3A_2729 = vector.broadcast %sub3A_2728 : i32 to vector<16x16xi32>
    %sub3A_2730 = arith.subi %div3A_2703, %sub3A_2729 : vector<16x16xi32>
    %select_n3A_2731 = arith.select %and3A_2727, %sub3A_2730, %div3A_2703 : vector<16x16xi1>, vector<16x16xi32>
    %iota3A_2732 = tpu.iota {dimensions = array<i32: 1>} : vector<16x16xi32>
    %jit3A_2733 = arith.constant 8 : i32
    %div3A_2734 = vector.broadcast %jit3A_2733 : i32 to vector<16x16xi32>
    %div3A_2735 = arith.divsi %iota3A_2732, %div3A_2734 : vector<16x16xi32>
    %sign3A_2736 = arith.constant 0 : i32
    %sign3A_2737 = vector.broadcast %sign3A_2736 : i32 to vector<16x16xi32>
    %sign3A_2738 = arith.cmpi sgt, %iota3A_2732, %sign3A_2737 : vector<16x16xi32>
    %sign3A_2739 = arith.extui %sign3A_2738 : vector<16x16xi1> to vector<16x16xi32>
    %sign3A_2740 = arith.constant 0 : i32
    %sign3A_2741 = vector.broadcast %sign3A_2740 : i32 to vector<16x16xi32>
    %sign3A_2742 = arith.cmpi slt, %iota3A_2732, %sign3A_2741 : vector<16x16xi32>
    %sign3A_2743 = arith.extui %sign3A_2742 : vector<16x16xi1> to vector<16x16xi32>
    %sign3A_2744 = arith.subi %sign3A_2739, %sign3A_2743 : vector<16x16xi32>
    %sign3A_2745 = arith.constant 0 : i32
    %sign3A_2746 = arith.cmpi sgt, %jit3A_2733, %sign3A_2745 : i32
    %sign3A_2747 = arith.extui %sign3A_2746 : i1 to i32
    %sign3A_2748 = arith.constant 0 : i32
    %sign3A_2749 = arith.cmpi slt, %jit3A_2733, %sign3A_2748 : i32
    %sign3A_2750 = arith.extui %sign3A_2749 : i1 to i32
    %sign3A_2751 = arith.subi %sign3A_2747, %sign3A_2750 : i32
    %ne3A_2752 = vector.broadcast %sign3A_2751 : i32 to vector<16x16xi32>
    %ne3A_2753 = arith.cmpi ne, %sign3A_2744, %ne3A_2752 : vector<16x16xi32>
    %rem3A_2754 = vector.broadcast %jit3A_2733 : i32 to vector<16x16xi32>
    %rem3A_2755 = arith.remsi %iota3A_2732, %rem3A_2754 : vector<16x16xi32>
    %ne3A_2756 = arith.constant 0 : i32
    %ne3A_2757 = vector.broadcast %ne3A_2756 : i32 to vector<16x16xi32>
    %ne3A_2758 = arith.cmpi ne, %rem3A_2755, %ne3A_2757 : vector<16x16xi32>
    %and3A_2759 = arith.andi %ne3A_2753, %ne3A_2758 : vector<16x16xi1>
    %sub3A_2760 = arith.constant 1 : i32
    %sub3A_2761 = vector.broadcast %sub3A_2760 : i32 to vector<16x16xi32>
    %sub3A_2762 = arith.subi %div3A_2735, %sub3A_2761 : vector<16x16xi32>
    %select_n3A_2763 = arith.select %and3A_2759, %sub3A_2762, %div3A_2735 : vector<16x16xi1>, vector<16x16xi32>
    %eq3A_2764 = arith.cmpi eq, %select_n3A_2731, %select_n3A_2763 : vector<16x16xi32>
    %convert_element_type3A_2765 = arith.extui %eq3A_2764 : vector<16x16xi1> to vector<16x16xi32>
    %convert_element_type3A_2766 = arith.sitofp %convert_element_type3A_2765 : vector<16x16xi32> to vector<16x16xf32>
    %slice3A_2767 = vector.extract_strided_slice %add3A_2699 {offsets = [0, 0], sizes = [16, 1723], strides = [1, 1]} : vector<16x1792xf32> to vector<16x1723xf32>
    %reduce_sum3A_2768 = arith.constant dense<0.000000e+00> : vector<16xf32>
    %reduce_sum3A_2769 = vector.multi_reduction <add>, %slice3A_2767, %reduce_sum3A_2768 [1] : vector<16x1723xf32> to vector<16xf32>
    %broadcast_in_dim3A_2770 = vector.shape_cast %reduce_sum3A_2769 : vector<16xf32> to vector<16x1xf32>
    %mul3A_2771 = arith.mulf %slice3A_2767, %slice3A_2767 : vector<16x1723xf32>
    %reduce_sum3A_2772 = arith.constant dense<0.000000e+00> : vector<16xf32>
    %reduce_sum3A_2773 = vector.multi_reduction <add>, %mul3A_2771, %reduce_sum3A_2772 [1] : vector<16x1723xf32> to vector<16xf32>
    %broadcast_in_dim3A_2774 = vector.shape_cast %reduce_sum3A_2773 : vector<16xf32> to vector<16x1xf32>
    %dot_general3A_2775 = arith.constant dense<0.000000e+00> : vector<16x1xf32>
    %dot_general3A_2776 = tpu.matmul %convert_element_type3A_2766, %broadcast_in_dim3A_2770, %dot_general3A_2775 {dimension_numbers = #tpu.dot_dimension_numbers<[1], [0], [0], [1], [0, 0, 1, 1], [], []>, transpose_lhs_hint = false} : vector<16x16xf32>, vector<16x1xf32>, vector<16x1xf32> -> vector<16x1xf32>
    %div3A_2777 = arith.constant 1.378400e+04 : f32
    %div3A_2778 = vector.broadcast %div3A_2777 : f32 to vector<16x1xf32>
    %div3A_2779 = arith.divf %dot_general3A_2776, %div3A_2778 : vector<16x1xf32>
    %dot_general3A_2780 = arith.constant dense<0.000000e+00> : vector<16x1xf32>
    %dot_general3A_2781 = tpu.matmul %convert_element_type3A_2766, %broadcast_in_dim3A_2774, %dot_general3A_2780 {dimension_numbers = #tpu.dot_dimension_numbers<[1], [0], [0], [1], [0, 0, 1, 1], [], []>, transpose_lhs_hint = false} : vector<16x16xf32>, vector<16x1xf32>, vector<16x1xf32> -> vector<16x1xf32>
    %div3A_2782 = arith.constant 1.378400e+04 : f32
    %div3A_2783 = vector.broadcast %div3A_2782 : f32 to vector<16x1xf32>
    %div3A_2784 = arith.divf %dot_general3A_2781, %div3A_2783 : vector<16x1xf32>
    %mul3A_2785 = arith.mulf %div3A_2779, %div3A_2779 : vector<16x1xf32>
    %sub3A_2786 = arith.subf %div3A_2784, %mul3A_2785 : vector<16x1xf32>
    %add3A_2787 = arith.constant 9.99999974E-6 : f32
    %add3A_2788 = vector.broadcast %add3A_2787 : f32 to vector<16x1xf32>
    %add3A_2789 = arith.addf %sub3A_2786, %add3A_2788 : vector<16x1xf32>
    %rsqrt3A_2790 = math.rsqrt %add3A_2789 : vector<16x1xf32>
    %mul3A_2791 = arith.mulf %get3A_298, %rsqrt3A_2790 : vector<16x1xf32>
    %mul3A_2792 = vector.broadcast %mul3A_2791 : vector<16x1xf32> to vector<16x1792xf32>
    %mul3A_2793 = arith.mulf %add3A_2699, %mul3A_2792 : vector<16x1792xf32>
    %mul3A_2794 = arith.mulf %div3A_2779, %mul3A_2791 : vector<16x1xf32>
    %sub3A_2795 = arith.subf %get3A_301, %mul3A_2794 : vector<16x1xf32>
    %add3A_2796 = vector.broadcast %sub3A_2795 : vector<16x1xf32> to vector<16x1792xf32>
    %add3A_2797 = arith.addf %mul3A_2793, %add3A_2796 : vector<16x1792xf32>
    %max3A_2798 = arith.constant 0.000000e+00 : f32
    %max3A_2799 = vector.broadcast %max3A_2798 : f32 to vector<16x1792xf32>
    %max3A_2800 = arith.maximumf %add3A_2797, %max3A_2799 : vector<16x1792xf32>
    %dot_general3A_2801 = arith.constant dense<0.000000e+00> : vector<16x1792xf32>
    %dot_general3A_2802 = tpu.matmul %get3A_304, %max3A_2800, %dot_general3A_2801 {dimension_numbers = #tpu.dot_dimension_numbers<[1], [0], [0], [1], [0, 0, 1, 1], [], []>, transpose_lhs_hint = false} : vector<16x16xf32>, vector<16x1792xf32>, vector<16x1792xf32> -> vector<16x1792xf32>
    %convert_element_type3A_2803 = arith.truncf %dot_general3A_2802 : vector<16x1792xf32> to vector<16x1792xbf16>
    %dot_general3A_2804 = arith.constant dense<0.000000e+00> : vector<16x1792xf32>
    %dot_general3A_2805 = tpu.matmul %convert_element_type3A_2803, %get3A_340, %dot_general3A_2804 {dimension_numbers = #tpu.dot_dimension_numbers<[1], [0], [0], [1], [0, 0, 1, 1], [], []>, transpose_lhs_hint = false} : vector<16x1792xbf16>, vector<1792x1792xbf16>, vector<16x1792xf32> -> vector<16x1792xf32>
    %add3A_2806 = vector.broadcast %get3A_307 : vector<16x1xf32> to vector<16x1792xf32>
    %add3A_2807 = arith.addf %dot_general3A_2805, %add3A_2806 : vector<16x1792xf32>
    %iota3A_2808 = tpu.iota {dimensions = array<i32: 0>} : vector<16x16xi32>
    %jit3A_2809 = arith.constant 8 : i32
    %div3A_2810 = vector.broadcast %jit3A_2809 : i32 to vector<16x16xi32>
    %div3A_2811 = arith.divsi %iota3A_2808, %div3A_2810 : vector<16x16xi32>
    %sign3A_2812 = arith.constant 0 : i32
    %sign3A_2813 = vector.broadcast %sign3A_2812 : i32 to vector<16x16xi32>
    %sign3A_2814 = arith.cmpi sgt, %iota3A_2808, %sign3A_2813 : vector<16x16xi32>
    %sign3A_2815 = arith.extui %sign3A_2814 : vector<16x16xi1> to vector<16x16xi32>
    %sign3A_2816 = arith.constant 0 : i32
    %sign3A_2817 = vector.broadcast %sign3A_2816 : i32 to vector<16x16xi32>
    %sign3A_2818 = arith.cmpi slt, %iota3A_2808, %sign3A_2817 : vector<16x16xi32>
    %sign3A_2819 = arith.extui %sign3A_2818 : vector<16x16xi1> to vector<16x16xi32>
    %sign3A_2820 = arith.subi %sign3A_2815, %sign3A_2819 : vector<16x16xi32>
    %sign3A_2821 = arith.constant 0 : i32
    %sign3A_2822 = arith.cmpi sgt, %jit3A_2809, %sign3A_2821 : i32
    %sign3A_2823 = arith.extui %sign3A_2822 : i1 to i32
    %sign3A_2824 = arith.constant 0 : i32
    %sign3A_2825 = arith.cmpi slt, %jit3A_2809, %sign3A_2824 : i32
    %sign3A_2826 = arith.extui %sign3A_2825 : i1 to i32
    %sign3A_2827 = arith.subi %sign3A_2823, %sign3A_2826 : i32
    %ne3A_2828 = vector.broadcast %sign3A_2827 : i32 to vector<16x16xi32>
    %ne3A_2829 = arith.cmpi ne, %sign3A_2820, %ne3A_2828 : vector<16x16xi32>
    %rem3A_2830 = vector.broadcast %jit3A_2809 : i32 to vector<16x16xi32>
    %rem3A_2831 = arith.remsi %iota3A_2808, %rem3A_2830 : vector<16x16xi32>
    %ne3A_2832 = arith.constant 0 : i32
    %ne3A_2833 = vector.broadcast %ne3A_2832 : i32 to vector<16x16xi32>
    %ne3A_2834 = arith.cmpi ne, %rem3A_2831, %ne3A_2833 : vector<16x16xi32>
    %and3A_2835 = arith.andi %ne3A_2829, %ne3A_2834 : vector<16x16xi1>
    %sub3A_2836 = arith.constant 1 : i32
    %sub3A_2837 = vector.broadcast %sub3A_2836 : i32 to vector<16x16xi32>
    %sub3A_2838 = arith.subi %div3A_2811, %sub3A_2837 : vector<16x16xi32>
    %select_n3A_2839 = arith.select %and3A_2835, %sub3A_2838, %div3A_2811 : vector<16x16xi1>, vector<16x16xi32>
    %iota3A_2840 = tpu.iota {dimensions = array<i32: 1>} : vector<16x16xi32>
    %jit3A_2841 = arith.constant 8 : i32
    %div3A_2842 = vector.broadcast %jit3A_2841 : i32 to vector<16x16xi32>
    %div3A_2843 = arith.divsi %iota3A_2840, %div3A_2842 : vector<16x16xi32>
    %sign3A_2844 = arith.constant 0 : i32
    %sign3A_2845 = vector.broadcast %sign3A_2844 : i32 to vector<16x16xi32>
    %sign3A_2846 = arith.cmpi sgt, %iota3A_2840, %sign3A_2845 : vector<16x16xi32>
    %sign3A_2847 = arith.extui %sign3A_2846 : vector<16x16xi1> to vector<16x16xi32>
    %sign3A_2848 = arith.constant 0 : i32
    %sign3A_2849 = vector.broadcast %sign3A_2848 : i32 to vector<16x16xi32>
    %sign3A_2850 = arith.cmpi slt, %iota3A_2840, %sign3A_2849 : vector<16x16xi32>
    %sign3A_2851 = arith.extui %sign3A_2850 : vector<16x16xi1> to vector<16x16xi32>
    %sign3A_2852 = arith.subi %sign3A_2847, %sign3A_2851 : vector<16x16xi32>
    %sign3A_2853 = arith.constant 0 : i32
    %sign3A_2854 = arith.cmpi sgt, %jit3A_2841, %sign3A_2853 : i32
    %sign3A_2855 = arith.extui %sign3A_2854 : i1 to i32
    %sign3A_2856 = arith.constant 0 : i32
    %sign3A_2857 = arith.cmpi slt, %jit3A_2841, %sign3A_2856 : i32
    %sign3A_2858 = arith.extui %sign3A_2857 : i1 to i32
    %sign3A_2859 = arith.subi %sign3A_2855, %sign3A_2858 : i32
    %ne3A_2860 = vector.broadcast %sign3A_2859 : i32 to vector<16x16xi32>
    %ne3A_2861 = arith.cmpi ne, %sign3A_2852, %ne3A_2860 : vector<16x16xi32>
    %rem3A_2862 = vector.broadcast %jit3A_2841 : i32 to vector<16x16xi32>
    %rem3A_2863 = arith.remsi %iota3A_2840, %rem3A_2862 : vector<16x16xi32>
    %ne3A_2864 = arith.constant 0 : i32
    %ne3A_2865 = vector.broadcast %ne3A_2864 : i32 to vector<16x16xi32>
    %ne3A_2866 = arith.cmpi ne, %rem3A_2863, %ne3A_2865 : vector<16x16xi32>
    %and3A_2867 = arith.andi %ne3A_2861, %ne3A_2866 : vector<16x16xi1>
    %sub3A_2868 = arith.constant 1 : i32
    %sub3A_2869 = vector.broadcast %sub3A_2868 : i32 to vector<16x16xi32>
    %sub3A_2870 = arith.subi %div3A_2843, %sub3A_2869 : vector<16x16xi32>
    %select_n3A_2871 = arith.select %and3A_2867, %sub3A_2870, %div3A_2843 : vector<16x16xi1>, vector<16x16xi32>
    %eq3A_2872 = arith.cmpi eq, %select_n3A_2839, %select_n3A_2871 : vector<16x16xi32>
    %convert_element_type3A_2873 = arith.extui %eq3A_2872 : vector<16x16xi1> to vector<16x16xi32>
    %convert_element_type3A_2874 = arith.sitofp %convert_element_type3A_2873 : vector<16x16xi32> to vector<16x16xf32>
    %slice3A_2875 = vector.extract_strided_slice %add3A_2807 {offsets = [0, 0], sizes = [16, 1723], strides = [1, 1]} : vector<16x1792xf32> to vector<16x1723xf32>
    %reduce_sum3A_2876 = arith.constant dense<0.000000e+00> : vector<16xf32>
    %reduce_sum3A_2877 = vector.multi_reduction <add>, %slice3A_2875, %reduce_sum3A_2876 [1] : vector<16x1723xf32> to vector<16xf32>
    %broadcast_in_dim3A_2878 = vector.shape_cast %reduce_sum3A_2877 : vector<16xf32> to vector<16x1xf32>
    %mul3A_2879 = arith.mulf %slice3A_2875, %slice3A_2875 : vector<16x1723xf32>
    %reduce_sum3A_2880 = arith.constant dense<0.000000e+00> : vector<16xf32>
    %reduce_sum3A_2881 = vector.multi_reduction <add>, %mul3A_2879, %reduce_sum3A_2880 [1] : vector<16x1723xf32> to vector<16xf32>
    %broadcast_in_dim3A_2882 = vector.shape_cast %reduce_sum3A_2881 : vector<16xf32> to vector<16x1xf32>
    %dot_general3A_2883 = arith.constant dense<0.000000e+00> : vector<16x1xf32>
    %dot_general3A_2884 = tpu.matmul %convert_element_type3A_2874, %broadcast_in_dim3A_2878, %dot_general3A_2883 {dimension_numbers = #tpu.dot_dimension_numbers<[1], [0], [0], [1], [0, 0, 1, 1], [], []>, transpose_lhs_hint = false} : vector<16x16xf32>, vector<16x1xf32>, vector<16x1xf32> -> vector<16x1xf32>
    %div3A_2885 = arith.constant 1.378400e+04 : f32
    %div3A_2886 = vector.broadcast %div3A_2885 : f32 to vector<16x1xf32>
    %div3A_2887 = arith.divf %dot_general3A_2884, %div3A_2886 : vector<16x1xf32>
    %dot_general3A_2888 = arith.constant dense<0.000000e+00> : vector<16x1xf32>
    %dot_general3A_2889 = tpu.matmul %convert_element_type3A_2874, %broadcast_in_dim3A_2882, %dot_general3A_2888 {dimension_numbers = #tpu.dot_dimension_numbers<[1], [0], [0], [1], [0, 0, 1, 1], [], []>, transpose_lhs_hint = false} : vector<16x16xf32>, vector<16x1xf32>, vector<16x1xf32> -> vector<16x1xf32>
    %div3A_2890 = arith.constant 1.378400e+04 : f32
    %div3A_2891 = vector.broadcast %div3A_2890 : f32 to vector<16x1xf32>
    %div3A_2892 = arith.divf %dot_general3A_2889, %div3A_2891 : vector<16x1xf32>
    %mul3A_2893 = arith.mulf %div3A_2887, %div3A_2887 : vector<16x1xf32>
    %sub3A_2894 = arith.subf %div3A_2892, %mul3A_2893 : vector<16x1xf32>
    %add3A_2895 = arith.constant 9.99999974E-6 : f32
    %add3A_2896 = vector.broadcast %add3A_2895 : f32 to vector<16x1xf32>
    %add3A_2897 = arith.addf %sub3A_2894, %add3A_2896 : vector<16x1xf32>
    %rsqrt3A_2898 = math.rsqrt %add3A_2897 : vector<16x1xf32>
    %mul3A_2899 = arith.mulf %get3A_310, %rsqrt3A_2898 : vector<16x1xf32>
    %mul3A_2900 = vector.broadcast %mul3A_2899 : vector<16x1xf32> to vector<16x1792xf32>
    %mul3A_2901 = arith.mulf %add3A_2807, %mul3A_2900 : vector<16x1792xf32>
    %mul3A_2902 = arith.mulf %div3A_2887, %mul3A_2899 : vector<16x1xf32>
    %sub3A_2903 = arith.subf %get3A_313, %mul3A_2902 : vector<16x1xf32>
    %add3A_2904 = vector.broadcast %sub3A_2903 : vector<16x1xf32> to vector<16x1792xf32>
    %add3A_2905 = arith.addf %mul3A_2901, %add3A_2904 : vector<16x1792xf32>
    %max3A_2906 = arith.constant 0.000000e+00 : f32
    %max3A_2907 = vector.broadcast %max3A_2906 : f32 to vector<16x1792xf32>
    %max3A_2908 = arith.maximumf %add3A_2905, %max3A_2907 : vector<16x1792xf32>
    %dot_general3A_2909 = arith.constant dense<0.000000e+00> : vector<32x1792xf32>
    %dot_general3A_2910 = tpu.matmul %get3A_316, %max3A_2908, %dot_general3A_2909 {dimension_numbers = #tpu.dot_dimension_numbers<[1], [0], [0], [1], [0, 0, 1, 1], [], []>, transpose_lhs_hint = false} : vector<32x16xf32>, vector<16x1792xf32>, vector<32x1792xf32> -> vector<32x1792xf32>
    %add3A_2911 = vector.broadcast %get3A_319 : vector<32x1xf32> to vector<32x1792xf32>
    %add3A_2912 = arith.addf %dot_general3A_2910, %add3A_2911 : vector<32x1792xf32>
    %dot_general3A_2913 = arith.constant dense<0.000000e+00> : vector<32x1792xf32>
    %dot_general3A_2914 = tpu.matmul %get3A_322, %add3A_2594, %dot_general3A_2913 {dimension_numbers = #tpu.dot_dimension_numbers<[1], [0], [0], [1], [0, 0, 1, 1], [], []>, transpose_lhs_hint = false} : vector<32x64xf32>, vector<64x1792xf32>, vector<32x1792xf32> -> vector<32x1792xf32>
    %add3A_2915 = vector.broadcast %get3A_325 : vector<32x1xf32> to vector<32x1792xf32>
    %add3A_2916 = arith.addf %dot_general3A_2914, %add3A_2915 : vector<32x1792xf32>
    %add3A_2917 = arith.addf %add3A_2916, %add3A_2912 : vector<32x1792xf32>
    %iota3A_2918 = tpu.iota {dimensions = array<i32: 0>} : vector<32x32xi32>
    %jit3A_2919 = arith.constant 8 : i32
    %div3A_2920 = vector.broadcast %jit3A_2919 : i32 to vector<32x32xi32>
    %div3A_2921 = arith.divsi %iota3A_2918, %div3A_2920 : vector<32x32xi32>
    %sign3A_2922 = arith.constant 0 : i32
    %sign3A_2923 = vector.broadcast %sign3A_2922 : i32 to vector<32x32xi32>
    %sign3A_2924 = arith.cmpi sgt, %iota3A_2918, %sign3A_2923 : vector<32x32xi32>
    %sign3A_2925 = arith.extui %sign3A_2924 : vector<32x32xi1> to vector<32x32xi32>
    %sign3A_2926 = arith.constant 0 : i32
    %sign3A_2927 = vector.broadcast %sign3A_2926 : i32 to vector<32x32xi32>
    %sign3A_2928 = arith.cmpi slt, %iota3A_2918, %sign3A_2927 : vector<32x32xi32>
    %sign3A_2929 = arith.extui %sign3A_2928 : vector<32x32xi1> to vector<32x32xi32>
    %sign3A_2930 = arith.subi %sign3A_2925, %sign3A_2929 : vector<32x32xi32>
    %sign3A_2931 = arith.constant 0 : i32
    %sign3A_2932 = arith.cmpi sgt, %jit3A_2919, %sign3A_2931 : i32
    %sign3A_2933 = arith.extui %sign3A_2932 : i1 to i32
    %sign3A_2934 = arith.constant 0 : i32
    %sign3A_2935 = arith.cmpi slt, %jit3A_2919, %sign3A_2934 : i32
    %sign3A_2936 = arith.extui %sign3A_2935 : i1 to i32
    %sign3A_2937 = arith.subi %sign3A_2933, %sign3A_2936 : i32
    %ne3A_2938 = vector.broadcast %sign3A_2937 : i32 to vector<32x32xi32>
    %ne3A_2939 = arith.cmpi ne, %sign3A_2930, %ne3A_2938 : vector<32x32xi32>
    %rem3A_2940 = vector.broadcast %jit3A_2919 : i32 to vector<32x32xi32>
    %rem3A_2941 = arith.remsi %iota3A_2918, %rem3A_2940 : vector<32x32xi32>
    %ne3A_2942 = arith.constant 0 : i32
    %ne3A_2943 = vector.broadcast %ne3A_2942 : i32 to vector<32x32xi32>
    %ne3A_2944 = arith.cmpi ne, %rem3A_2941, %ne3A_2943 : vector<32x32xi32>
    %and3A_2945 = arith.andi %ne3A_2939, %ne3A_2944 : vector<32x32xi1>
    %sub3A_2946 = arith.constant 1 : i32
    %sub3A_2947 = vector.broadcast %sub3A_2946 : i32 to vector<32x32xi32>
    %sub3A_2948 = arith.subi %div3A_2921, %sub3A_2947 : vector<32x32xi32>
    %select_n3A_2949 = arith.select %and3A_2945, %sub3A_2948, %div3A_2921 : vector<32x32xi1>, vector<32x32xi32>
    %iota3A_2950 = tpu.iota {dimensions = array<i32: 1>} : vector<32x32xi32>
    %jit3A_2951 = arith.constant 8 : i32
    %div3A_2952 = vector.broadcast %jit3A_2951 : i32 to vector<32x32xi32>
    %div3A_2953 = arith.divsi %iota3A_2950, %div3A_2952 : vector<32x32xi32>
    %sign3A_2954 = arith.constant 0 : i32
    %sign3A_2955 = vector.broadcast %sign3A_2954 : i32 to vector<32x32xi32>
    %sign3A_2956 = arith.cmpi sgt, %iota3A_2950, %sign3A_2955 : vector<32x32xi32>
    %sign3A_2957 = arith.extui %sign3A_2956 : vector<32x32xi1> to vector<32x32xi32>
    %sign3A_2958 = arith.constant 0 : i32
    %sign3A_2959 = vector.broadcast %sign3A_2958 : i32 to vector<32x32xi32>
    %sign3A_2960 = arith.cmpi slt, %iota3A_2950, %sign3A_2959 : vector<32x32xi32>
    %sign3A_2961 = arith.extui %sign3A_2960 : vector<32x32xi1> to vector<32x32xi32>
    %sign3A_2962 = arith.subi %sign3A_2957, %sign3A_2961 : vector<32x32xi32>
    %sign3A_2963 = arith.constant 0 : i32
    %sign3A_2964 = arith.cmpi sgt, %jit3A_2951, %sign3A_2963 : i32
    %sign3A_2965 = arith.extui %sign3A_2964 : i1 to i32
    %sign3A_2966 = arith.constant 0 : i32
    %sign3A_2967 = arith.cmpi slt, %jit3A_2951, %sign3A_2966 : i32
    %sign3A_2968 = arith.extui %sign3A_2967 : i1 to i32
    %sign3A_2969 = arith.subi %sign3A_2965, %sign3A_2968 : i32
    %ne3A_2970 = vector.broadcast %sign3A_2969 : i32 to vector<32x32xi32>
    %ne3A_2971 = arith.cmpi ne, %sign3A_2962, %ne3A_2970 : vector<32x32xi32>
    %rem3A_2972 = vector.broadcast %jit3A_2951 : i32 to vector<32x32xi32>
    %rem3A_2973 = arith.remsi %iota3A_2950, %rem3A_2972 : vector<32x32xi32>
    %ne3A_2974 = arith.constant 0 : i32
    %ne3A_2975 = vector.broadcast %ne3A_2974 : i32 to vector<32x32xi32>
    %ne3A_2976 = arith.cmpi ne, %rem3A_2973, %ne3A_2975 : vector<32x32xi32>
    %and3A_2977 = arith.andi %ne3A_2971, %ne3A_2976 : vector<32x32xi1>
    %sub3A_2978 = arith.constant 1 : i32
    %sub3A_2979 = vector.broadcast %sub3A_2978 : i32 to vector<32x32xi32>
    %sub3A_2980 = arith.subi %div3A_2953, %sub3A_2979 : vector<32x32xi32>
    %select_n3A_2981 = arith.select %and3A_2977, %sub3A_2980, %div3A_2953 : vector<32x32xi1>, vector<32x32xi32>
    %eq3A_2982 = arith.cmpi eq, %select_n3A_2949, %select_n3A_2981 : vector<32x32xi32>
    %convert_element_type3A_2983 = arith.extui %eq3A_2982 : vector<32x32xi1> to vector<32x32xi32>
    %convert_element_type3A_2984 = arith.sitofp %convert_element_type3A_2983 : vector<32x32xi32> to vector<32x32xf32>
    %slice3A_2985 = vector.extract_strided_slice %add3A_2917 {offsets = [0, 0], sizes = [32, 1723], strides = [1, 1]} : vector<32x1792xf32> to vector<32x1723xf32>
    %reduce_sum3A_2986 = arith.constant dense<0.000000e+00> : vector<32xf32>
    %reduce_sum3A_2987 = vector.multi_reduction <add>, %slice3A_2985, %reduce_sum3A_2986 [1] : vector<32x1723xf32> to vector<32xf32>
    %broadcast_in_dim3A_2988 = vector.shape_cast %reduce_sum3A_2987 : vector<32xf32> to vector<32x1xf32>
    %mul3A_2989 = arith.mulf %slice3A_2985, %slice3A_2985 : vector<32x1723xf32>
    %reduce_sum3A_2990 = arith.constant dense<0.000000e+00> : vector<32xf32>
    %reduce_sum3A_2991 = vector.multi_reduction <add>, %mul3A_2989, %reduce_sum3A_2990 [1] : vector<32x1723xf32> to vector<32xf32>
    %broadcast_in_dim3A_2992 = vector.shape_cast %reduce_sum3A_2991 : vector<32xf32> to vector<32x1xf32>
    %dot_general3A_2993 = arith.constant dense<0.000000e+00> : vector<32x1xf32>
    %dot_general3A_2994 = tpu.matmul %convert_element_type3A_2984, %broadcast_in_dim3A_2988, %dot_general3A_2993 {dimension_numbers = #tpu.dot_dimension_numbers<[1], [0], [0], [1], [0, 0, 1, 1], [], []>, transpose_lhs_hint = false} : vector<32x32xf32>, vector<32x1xf32>, vector<32x1xf32> -> vector<32x1xf32>
    %div3A_2995 = arith.constant 1.378400e+04 : f32
    %div3A_2996 = vector.broadcast %div3A_2995 : f32 to vector<32x1xf32>
    %div3A_2997 = arith.divf %dot_general3A_2994, %div3A_2996 : vector<32x1xf32>
    %dot_general3A_2998 = arith.constant dense<0.000000e+00> : vector<32x1xf32>
    %dot_general3A_2999 = tpu.matmul %convert_element_type3A_2984, %broadcast_in_dim3A_2992, %dot_general3A_2998 {dimension_numbers = #tpu.dot_dimension_numbers<[1], [0], [0], [1], [0, 0, 1, 1], [], []>, transpose_lhs_hint = false} : vector<32x32xf32>, vector<32x1xf32>, vector<32x1xf32> -> vector<32x1xf32>
    %div3A_3000 = arith.constant 1.378400e+04 : f32
    %div3A_3001 = vector.broadcast %div3A_3000 : f32 to vector<32x1xf32>
    %div3A_3002 = arith.divf %dot_general3A_2999, %div3A_3001 : vector<32x1xf32>
    %mul3A_3003 = arith.mulf %div3A_2997, %div3A_2997 : vector<32x1xf32>
    %sub3A_3004 = arith.subf %div3A_3002, %mul3A_3003 : vector<32x1xf32>
    %add3A_3005 = arith.constant 9.99999974E-6 : f32
    %add3A_3006 = vector.broadcast %add3A_3005 : f32 to vector<32x1xf32>
    %add3A_3007 = arith.addf %sub3A_3004, %add3A_3006 : vector<32x1xf32>
    %rsqrt3A_3008 = math.rsqrt %add3A_3007 : vector<32x1xf32>
    %mul3A_3009 = arith.mulf %get3A_328, %rsqrt3A_3008 : vector<32x1xf32>
    %mul3A_3010 = vector.broadcast %mul3A_3009 : vector<32x1xf32> to vector<32x1792xf32>
    %mul3A_3011 = arith.mulf %add3A_2917, %mul3A_3010 : vector<32x1792xf32>
    %mul3A_3012 = arith.mulf %div3A_2997, %mul3A_3009 : vector<32x1xf32>
    %sub3A_3013 = arith.subf %get3A_331, %mul3A_3012 : vector<32x1xf32>
    %add3A_3014 = vector.broadcast %sub3A_3013 : vector<32x1xf32> to vector<32x1792xf32>
    %add3A_3015 = arith.addf %mul3A_3011, %add3A_3014 : vector<32x1792xf32>
    %max3A_3016 = arith.constant 0.000000e+00 : f32
    %max3A_3017 = vector.broadcast %max3A_3016 : f32 to vector<32x1792xf32>
    %max3A_3018 = arith.maximumf %add3A_3015, %max3A_3017 : vector<32x1792xf32>
    %dot_general3A_3019 = arith.constant dense<0.000000e+00> : vector<3x1792xf32>
    %dot_general3A_3020 = tpu.matmul %get3A_334, %max3A_3018, %dot_general3A_3019 {dimension_numbers = #tpu.dot_dimension_numbers<[1], [0], [0], [1], [0, 0, 1, 1], [], []>, transpose_lhs_hint = false} : vector<3x32xf32>, vector<32x1792xf32>, vector<3x1792xf32> -> vector<3x1792xf32>
    %add3A_3021 = vector.broadcast %get3A_337 : vector<3x1xf32> to vector<3x1792xf32>
    %add3A_3022 = arith.addf %dot_general3A_3020, %add3A_3021 : vector<3x1792xf32>
    %swap3A = arith.constant 0 : index
    %swap3A_3023 = arith.constant 0 : index
    %swap3A_3024 = arith.constant 0 : index
    %swap3A_3025 = vector.load %arg117[%swap3A, %swap3A_3023, %swap3A_3024] : memref<1x3x1792xf32, #tpu.memory_space<vmem>>, vector<1x3x1792xf32>
    %swap3A_3026 = vector.shape_cast %swap3A_3025 : vector<1x3x1792xf32> to vector<3x1792xf32>
    %swap3A_3027 = vector.shape_cast %add3A_3022 : vector<3x1792xf32> to vector<1x3x1792xf32>
    tpu.vector_store %arg117[%swap3A, %swap3A_3023, %swap3A_3024], %swap3A_3027 {strides = array<i32>} : memref<1x3x1792xf32, #tpu.memory_space<vmem>>, vector<1x3x1792xf32>,
    return
  }
  func.func @transform_0(%arg0: i32) -> (i32, i32, i32) {
    %c0_i32 = arith.constant 0 : i32
    %c0_i32_0 = arith.constant 0 : i32
    %c0_i32_1 = arith.constant 0 : i32
    return %arg0, %c0_i32, %c0_i32_0 : i32, i32, i32
  }
  func.func @transform_1(%arg0: i32) -> (i32, i32) {
    %c0_i32 = arith.constant 0 : i32
    %c0_i32_0 = arith.constant 0 : i32
    %c0_i32_1 = arith.constant 0 : i32
    return %c0_i32, %c0_i32_0 : i32, i32
  }
  func.func @transform_2(%arg0: i32) -> (i32, i32) {
    %c0_i32 = arith.constant 0 : i32
    %c0_i32_0 = arith.constant 0 : i32
    %c0_i32_1 = arith.constant 0 : i32
    return %c0_i32, %c0_i32_0 : i32, i32
  }
  func.func @transform_3(%arg0: i32) -> (i32, i32) {
    %c0_i32 = arith.constant 0 : i32
    %c0_i32_0 = arith.constant 0 : i32
    %c0_i32_1 = arith.constant 0 : i32
    return %c0_i32, %c0_i32_0 : i32, i32
  }
  func.func @transform_4(%arg0: i32) -> (i32, i32) {
    %c0_i32 = arith.constant 0 : i32
    %c0_i32_0 = arith.constant 0 : i32
    %c0_i32_1 = arith.constant 0 : i32
    return %c0_i32, %c0_i32_0 : i32, i32
  }
  func.func @transform_5(%arg0: i32) -> (i32, i32) {
    %c0_i32 = arith.constant 0 : i32
    %c0_i32_0 = arith.constant 0 : i32
    %c0_i32_1 = arith.constant 0 : i32
    return %c0_i32, %c0_i32_0 : i32, i32
  }
  func.func @transform_6(%arg0: i32) -> (i32, i32) {
    %c0_i32 = arith.constant 0 : i32
    %c0_i32_0 = arith.constant 0 : i32
    %c0_i32_1 = arith.constant 0 : i32
    return %c0_i32, %c0_i32_0 : i32, i32
  }
  func.func @transform_7(%arg0: i32) -> (i32, i32) {
    %c0_i32 = arith.constant 0 : i32
    %c0_i32_0 = arith.constant 0 : i32
    %c0_i32_1 = arith.constant 0 : i32
    return %c0_i32, %c0_i32_0 : i32, i32
  }
  func.func @transform_8(%arg0: i32) -> (i32, i32) {
    %c0_i32 = arith.constant 0 : i32
    %c0_i32_0 = arith.constant 0 : i32
    %c0_i32_1 = arith.constant 0 : i32
    return %c0_i32, %c0_i32_0 : i32, i32
  }
  func.func @transform_9(%arg0: i32) -> (i32, i32) {
    %c0_i32 = arith.constant 0 : i32
    %c0_i32_0 = arith.constant 0 : i32
    %c0_i32_1 = arith.constant 0 : i32
    return %c0_i32, %c0_i32_0 : i32, i32
  }
  func.func @transform_10(%arg0: i32) -> (i32, i32) {
    %c0_i32 = arith.constant 0 : i32
    %c0_i32_0 = arith.constant 0 : i32
    %c0_i32_1 = arith.constant 0 : i32
    return %c0_i32, %c0_i32_0 : i32, i32
  }
  func.func @transform_11(%arg0: i32) -> (i32, i32) {
    %c0_i32 = arith.constant 0 : i32
    %c0_i32_0 = arith.constant 0 : i32
    %c0_i32_1 = arith.constant 0 : i32
    return %c0_i32, %c0_i32_0 : i32, i32
  }
  func.func @transform_12(%arg0: i32) -> (i32, i32) {
    %c0_i32 = arith.constant 0 : i32
    %c0_i32_0 = arith.constant 0 : i32
    %c0_i32_1 = arith.constant 0 : i32
    return %c0_i32, %c0_i32_0 : i32, i32
  }
  func.func @transform_13(%arg0: i32) -> (i32, i32) {
    %c0_i32 = arith.constant 0 : i32
    %c0_i32_0 = arith.constant 0 : i32
    %c0_i32_1 = arith.constant 0 : i32
    return %c0_i32, %c0_i32_0 : i32, i32
  }
  func.func @transform_14(%arg0: i32) -> (i32, i32) {
    %c0_i32 = arith.constant 0 : i32
    %c0_i32_0 = arith.constant 0 : i32
    %c0_i32_1 = arith.constant 0 : i32
    return %c0_i32, %c0_i32_0 : i32, i32
  }
  func.func @transform_15(%arg0: i32) -> (i32, i32) {
    %c0_i32 = arith.constant 0 : i32
    %c0_i32_0 = arith.constant 0 : i32
    %c0_i32_1 = arith.constant 0 : i32
    return %c0_i32, %c0_i32_0 : i32, i32
  }
  func.func @transform_16(%arg0: i32) -> (i32, i32) {
    %c0_i32 = arith.constant 0 : i32
    %c0_i32_0 = arith.constant 0 : i32
    %c0_i32_1 = arith.constant 0 : i32
    return %c0_i32, %c0_i32_0 : i32, i32
  }
  func.func @transform_17(%arg0: i32) -> (i32, i32) {
    %c0_i32 = arith.constant 0 : i32
    %c0_i32_0 = arith.constant 0 : i32
    %c0_i32_1 = arith.constant 0 : i32
    return %c0_i32, %c0_i32_0 : i32, i32
  }
  func.func @transform_18(%arg0: i32) -> (i32, i32) {
    %c0_i32 = arith.constant 0 : i32
    %c0_i32_0 = arith.constant 0 : i32
    %c0_i32_1 = arith.constant 0 : i32
    return %c0_i32, %c0_i32_0 : i32, i32
  }
  func.func @transform_19(%arg0: i32) -> (i32, i32) {
    %c0_i32 = arith.constant 0 : i32
    %c0_i32_0 = arith.constant 0 : i32
    %c0_i32_1 = arith.constant 0 : i32
    return %c0_i32, %c0_i32_0 : i32, i32
  }
  func.func @transform_20(%arg0: i32) -> (i32, i32) {
    %c0_i32 = arith.constant 0 : i32
    %c0_i32_0 = arith.constant 0 : i32
    %c0_i32_1 = arith.constant 0 : i32
    return %c0_i32, %c0_i32_0 : i32, i32
  }
  func.func @transform_21(%arg0: i32) -> (i32, i32) {
    %c0_i32 = arith.constant 0 : i32
    %c0_i32_0 = arith.constant 0 : i32
    %c0_i32_1 = arith.constant 0 : i32
    return %c0_i32, %c0_i32_0 : i32, i32
  }
  func.func @transform_22(%arg0: i32) -> (i32, i32) {
    %c0_i32 = arith.constant 0 : i32
    %c0_i32_0 = arith.constant 0 : i32
    %c0_i32_1 = arith.constant 0 : i32
    return %c0_i32, %c0_i32_0 : i32, i32
  }
  func.func @transform_23(%arg0: i32) -> (i32, i32) {
    %c0_i32 = arith.constant 0 : i32
    %c0_i32_0 = arith.constant 0 : i32
    %c0_i32_1 = arith.constant 0 : i32
    return %c0_i32, %c0_i32_0 : i32, i32
  }
  func.func @transform_24(%arg0: i32) -> (i32, i32) {
    %c0_i32 = arith.constant 0 : i32
    %c0_i32_0 = arith.constant 0 : i32
    %c0_i32_1 = arith.constant 0 : i32
    return %c0_i32, %c0_i32_0 : i32, i32
  }
  func.func @transform_25(%arg0: i32) -> (i32, i32) {
    %c0_i32 = arith.constant 0 : i32
    %c0_i32_0 = arith.constant 0 : i32
    %c0_i32_1 = arith.constant 0 : i32
    return %c0_i32, %c0_i32_0 : i32, i32
  }
  func.func @transform_26(%arg0: i32) -> (i32, i32) {
    %c0_i32 = arith.constant 0 : i32
    %c0_i32_0 = arith.constant 0 : i32
    %c0_i32_1 = arith.constant 0 : i32
    return %c0_i32, %c0_i32_0 : i32, i32
  }
  func.func @transform_27(%arg0: i32) -> (i32, i32) {
    %c0_i32 = arith.constant 0 : i32
    %c0_i32_0 = arith.constant 0 : i32
    %c0_i32_1 = arith.constant 0 : i32
    return %c0_i32, %c0_i32_0 : i32, i32
  }
  func.func @transform_28(%arg0: i32) -> (i32, i32) {
    %c0_i32 = arith.constant 0 : i32
    %c0_i32_0 = arith.constant 0 : i32
    %c0_i32_1 = arith.constant 0 : i32
    return %c0_i32, %c0_i32_0 : i32, i32
  }
  func.func @transform_29(%arg0: i32) -> (i32, i32) {
    %c0_i32 = arith.constant 0 : i32
    %c0_i32_0 = arith.constant 0 : i32
    %c0_i32_1 = arith.constant 0 : i32
    return %c0_i32, %c0_i32_0 : i32, i32
  }
  func.func @transform_30(%arg0: i32) -> (i32, i32) {
    %c0_i32 = arith.constant 0 : i32
    %c0_i32_0 = arith.constant 0 : i32
    %c0_i32_1 = arith.constant 0 : i32
    return %c0_i32, %c0_i32_0 : i32, i32
  }
  func.func @transform_31(%arg0: i32) -> (i32, i32) {
    %c0_i32 = arith.constant 0 : i32
    %c0_i32_0 = arith.constant 0 : i32
    %c0_i32_1 = arith.constant 0 : i32
    return %c0_i32, %c0_i32_0 : i32, i32
  }
  func.func @transform_32(%arg0: i32) -> (i32, i32) {
    %c0_i32 = arith.constant 0 : i32
    %c0_i32_0 = arith.constant 0 : i32
    %c0_i32_1 = arith.constant 0 : i32
    return %c0_i32, %c0_i32_0 : i32, i32
  }
  func.func @transform_33(%arg0: i32) -> (i32, i32) {
    %c0_i32 = arith.constant 0 : i32
    %c0_i32_0 = arith.constant 0 : i32
    %c0_i32_1 = arith.constant 0 : i32
    return %c0_i32, %c0_i32_0 : i32, i32
  }
  func.func @transform_34(%arg0: i32) -> (i32, i32) {
    %c0_i32 = arith.constant 0 : i32
    %c0_i32_0 = arith.constant 0 : i32
    %c0_i32_1 = arith.constant 0 : i32
    return %c0_i32, %c0_i32_0 : i32, i32
  }
  func.func @transform_35(%arg0: i32) -> (i32, i32) {
    %c0_i32 = arith.constant 0 : i32
    %c0_i32_0 = arith.constant 0 : i32
    %c0_i32_1 = arith.constant 0 : i32
    return %c0_i32, %c0_i32_0 : i32, i32
  }
  func.func @transform_36(%arg0: i32) -> (i32, i32) {
    %c0_i32 = arith.constant 0 : i32
    %c0_i32_0 = arith.constant 0 : i32
    %c0_i32_1 = arith.constant 0 : i32
    return %c0_i32, %c0_i32_0 : i32, i32
  }
  func.func @transform_37(%arg0: i32) -> (i32, i32) {
    %c0_i32 = arith.constant 0 : i32
    %c0_i32_0 = arith.constant 0 : i32
    %c0_i32_1 = arith.constant 0 : i32
    return %c0_i32, %c0_i32_0 : i32, i32
  }
  func.func @transform_38(%arg0: i32) -> (i32, i32) {
    %c0_i32 = arith.constant 0 : i32
    %c0_i32_0 = arith.constant 0 : i32
    %c0_i32_1 = arith.constant 0 : i32
    return %c0_i32, %c0_i32_0 : i32, i32
  }
  func.func @transform_39(%arg0: i32) -> (i32, i32) {
    %c0_i32 = arith.constant 0 : i32
    %c0_i32_0 = arith.constant 0 : i32
    %c0_i32_1 = arith.constant 0 : i32
    return %c0_i32, %c0_i32_0 : i32, i32
  }
  func.func @transform_40(%arg0: i32) -> (i32, i32) {
    %c0_i32 = arith.constant 0 : i32
    %c0_i32_0 = arith.constant 0 : i32
    %c0_i32_1 = arith.constant 0 : i32
    return %c0_i32, %c0_i32_0 : i32, i32
  }
  func.func @transform_41(%arg0: i32) -> (i32, i32) {
    %c0_i32 = arith.constant 0 : i32
    %c0_i32_0 = arith.constant 0 : i32
    %c0_i32_1 = arith.constant 0 : i32
    return %c0_i32, %c0_i32_0 : i32, i32
  }
  func.func @transform_42(%arg0: i32) -> (i32, i32) {
    %c0_i32 = arith.constant 0 : i32
    %c0_i32_0 = arith.constant 0 : i32
    %c0_i32_1 = arith.constant 0 : i32
    return %c0_i32, %c0_i32_0 : i32, i32
  }
  func.func @transform_43(%arg0: i32) -> (i32, i32) {
    %c0_i32 = arith.constant 0 : i32
    %c0_i32_0 = arith.constant 0 : i32
    %c0_i32_1 = arith.constant 0 : i32
    return %c0_i32, %c0_i32_0 : i32, i32
  }
  func.func @transform_44(%arg0: i32) -> (i32, i32) {
    %c0_i32 = arith.constant 0 : i32
    %c0_i32_0 = arith.constant 0 : i32
    %c0_i32_1 = arith.constant 0 : i32
    return %c0_i32, %c0_i32_0 : i32, i32
  }
  func.func @transform_45(%arg0: i32) -> (i32, i32) {
    %c0_i32 = arith.constant 0 : i32
    %c0_i32_0 = arith.constant 0 : i32
    %c0_i32_1 = arith.constant 0 : i32
    return %c0_i32, %c0_i32_0 : i32, i32
  }
  func.func @transform_46(%arg0: i32) -> (i32, i32) {
    %c0_i32 = arith.constant 0 : i32
    %c0_i32_0 = arith.constant 0 : i32
    %c0_i32_1 = arith.constant 0 : i32
    return %c0_i32, %c0_i32_0 : i32, i32
  }
  func.func @transform_47(%arg0: i32) -> (i32, i32) {
    %c0_i32 = arith.constant 0 : i32
    %c0_i32_0 = arith.constant 0 : i32
    %c0_i32_1 = arith.constant 0 : i32
    return %c0_i32, %c0_i32_0 : i32, i32
  }
  func.func @transform_48(%arg0: i32) -> (i32, i32) {
    %c0_i32 = arith.constant 0 : i32
    %c0_i32_0 = arith.constant 0 : i32
    %c0_i32_1 = arith.constant 0 : i32
    return %c0_i32, %c0_i32_0 : i32, i32
  }
  func.func @transform_49(%arg0: i32) -> (i32, i32) {
    %c0_i32 = arith.constant 0 : i32
    %c0_i32_0 = arith.constant 0 : i32
    %c0_i32_1 = arith.constant 0 : i32
    return %c0_i32, %c0_i32_0 : i32, i32
  }
  func.func @transform_50(%arg0: i32) -> (i32, i32) {
    %c0_i32 = arith.constant 0 : i32
    %c0_i32_0 = arith.constant 0 : i32
    %c0_i32_1 = arith.constant 0 : i32
    return %c0_i32, %c0_i32_0 : i32, i32
  }
  func.func @transform_51(%arg0: i32) -> (i32, i32) {
    %c0_i32 = arith.constant 0 : i32
    %c0_i32_0 = arith.constant 0 : i32
    %c0_i32_1 = arith.constant 0 : i32
    return %c0_i32, %c0_i32_0 : i32, i32
  }
  func.func @transform_52(%arg0: i32) -> (i32, i32) {
    %c0_i32 = arith.constant 0 : i32
    %c0_i32_0 = arith.constant 0 : i32
    %c0_i32_1 = arith.constant 0 : i32
    return %c0_i32, %c0_i32_0 : i32, i32
  }
  func.func @transform_53(%arg0: i32) -> (i32, i32) {
    %c0_i32 = arith.constant 0 : i32
    %c0_i32_0 = arith.constant 0 : i32
    %c0_i32_1 = arith.constant 0 : i32
    return %c0_i32, %c0_i32_0 : i32, i32
  }
  func.func @transform_54(%arg0: i32) -> (i32, i32) {
    %c0_i32 = arith.constant 0 : i32
    %c0_i32_0 = arith.constant 0 : i32
    %c0_i32_1 = arith.constant 0 : i32
    return %c0_i32, %c0_i32_0 : i32, i32
  }
  func.func @transform_55(%arg0: i32) -> (i32, i32) {
    %c0_i32 = arith.constant 0 : i32
    %c0_i32_0 = arith.constant 0 : i32
    %c0_i32_1 = arith.constant 0 : i32
    return %c0_i32, %c0_i32_0 : i32, i32
  }
  func.func @transform_56(%arg0: i32) -> (i32, i32) {
    %c0_i32 = arith.constant 0 : i32
    %c0_i32_0 = arith.constant 0 : i32
    %c0_i32_1 = arith.constant 0 : i32
    return %c0_i32, %c0_i32_0 : i32, i32
  }
  func.func @transform_57(%arg0: i32) -> (i32, i32) {
    %c0_i32 = arith.constant 0 : i32
    %c0_i32_0 = arith.constant 0 : i32
    %c0_i32_1 = arith.constant 0 : i32
    return %c0_i32, %c0_i32_0 : i32, i32
  }
  func.func @transform_58(%arg0: i32) -> (i32, i32) {
    %c0_i32 = arith.constant 0 : i32
    %c0_i32_0 = arith.constant 0 : i32
    %c0_i32_1 = arith.constant 0 : i32
    return %c0_i32, %c0_i32_0 : i32, i32
  }
  func.func @transform_59(%arg0: i32) -> (i32, i32) {
    %c0_i32 = arith.constant 0 : i32
    %c0_i32_0 = arith.constant 0 : i32
    %c0_i32_1 = arith.constant 0 : i32
    return %c0_i32, %c0_i32_0 : i32, i32
  }
  func.func @transform_60(%arg0: i32) -> (i32, i32) {
    %c0_i32 = arith.constant 0 : i32
    %c0_i32_0 = arith.constant 0 : i32
    %c0_i32_1 = arith.constant 0 : i32
    return %c0_i32, %c0_i32_0 : i32, i32
  }
  func.func @transform_61(%arg0: i32) -> (i32, i32) {
    %c0_i32 = arith.constant 0 : i32
    %c0_i32_0 = arith.constant 0 : i32
    %c0_i32_1 = arith.constant 0 : i32
    return %c0_i32, %c0_i32_0 : i32, i32
  }
  func.func @transform_62(%arg0: i32) -> (i32, i32) {
    %c0_i32 = arith.constant 0 : i32
    %c0_i32_0 = arith.constant 0 : i32
    %c0_i32_1 = arith.constant 0 : i32
    return %c0_i32, %c0_i32_0 : i32, i32
  }
  func.func @transform_63(%arg0: i32) -> (i32, i32) {
    %c0_i32 = arith.constant 0 : i32
    %c0_i32_0 = arith.constant 0 : i32
    %c0_i32_1 = arith.constant 0 : i32
    return %c0_i32, %c0_i32_0 : i32, i32
  }
  func.func @transform_64(%arg0: i32) -> (i32, i32) {
    %c0_i32 = arith.constant 0 : i32
    %c0_i32_0 = arith.constant 0 : i32
    %c0_i32_1 = arith.constant 0 : i32
    return %c0_i32, %c0_i32_0 : i32, i32
  }
  func.func @transform_65(%arg0: i32) -> (i32, i32) {
    %c0_i32 = arith.constant 0 : i32
    %c0_i32_0 = arith.constant 0 : i32
    %c0_i32_1 = arith.constant 0 : i32
    return %c0_i32, %c0_i32_0 : i32, i32
  }
  func.func @transform_66(%arg0: i32) -> (i32, i32) {
    %c0_i32 = arith.constant 0 : i32
    %c0_i32_0 = arith.constant 0 : i32
    %c0_i32_1 = arith.constant 0 : i32
    return %c0_i32, %c0_i32_0 : i32, i32
  }
  func.func @transform_67(%arg0: i32) -> (i32, i32) {
    %c0_i32 = arith.constant 0 : i32
    %c0_i32_0 = arith.constant 0 : i32
    %c0_i32_1 = arith.constant 0 : i32
    return %c0_i32, %c0_i32_0 : i32, i32
  }
  func.func @transform_68(%arg0: i32) -> (i32, i32) {
    %c0_i32 = arith.constant 0 : i32
    %c0_i32_0 = arith.constant 0 : i32
    %c0_i32_1 = arith.constant 0 : i32
    return %c0_i32, %c0_i32_0 : i32, i32
  }
  func.func @transform_69(%arg0: i32) -> (i32, i32) {
    %c0_i32 = arith.constant 0 : i32
    %c0_i32_0 = arith.constant 0 : i32
    %c0_i32_1 = arith.constant 0 : i32
    return %c0_i32, %c0_i32_0 : i32, i32
  }
  func.func @transform_70(%arg0: i32) -> (i32, i32) {
    %c0_i32 = arith.constant 0 : i32
    %c0_i32_0 = arith.constant 0 : i32
    %c0_i32_1 = arith.constant 0 : i32
    return %c0_i32, %c0_i32_0 : i32, i32
  }
  func.func @transform_71(%arg0: i32) -> (i32, i32) {
    %c0_i32 = arith.constant 0 : i32
    %c0_i32_0 = arith.constant 0 : i32
    %c0_i32_1 = arith.constant 0 : i32
    return %c0_i32, %c0_i32_0 : i32, i32
  }
  func.func @transform_72(%arg0: i32) -> (i32, i32) {
    %c0_i32 = arith.constant 0 : i32
    %c0_i32_0 = arith.constant 0 : i32
    %c0_i32_1 = arith.constant 0 : i32
    return %c0_i32, %c0_i32_0 : i32, i32
  }
  func.func @transform_73(%arg0: i32) -> (i32, i32) {
    %c0_i32 = arith.constant 0 : i32
    %c0_i32_0 = arith.constant 0 : i32
    %c0_i32_1 = arith.constant 0 : i32
    return %c0_i32, %c0_i32_0 : i32, i32
  }
  func.func @transform_74(%arg0: i32) -> (i32, i32) {
    %c0_i32 = arith.constant 0 : i32
    %c0_i32_0 = arith.constant 0 : i32
    %c0_i32_1 = arith.constant 0 : i32
    return %c0_i32, %c0_i32_0 : i32, i32
  }
  func.func @transform_75(%arg0: i32) -> (i32, i32) {
    %c0_i32 = arith.constant 0 : i32
    %c0_i32_0 = arith.constant 0 : i32
    %c0_i32_1 = arith.constant 0 : i32
    return %c0_i32, %c0_i32_0 : i32, i32
  }
  func.func @transform_76(%arg0: i32) -> (i32, i32) {
    %c0_i32 = arith.constant 0 : i32
    %c0_i32_0 = arith.constant 0 : i32
    %c0_i32_1 = arith.constant 0 : i32
    return %c0_i32, %c0_i32_0 : i32, i32
  }
  func.func @transform_77(%arg0: i32) -> (i32, i32) {
    %c0_i32 = arith.constant 0 : i32
    %c0_i32_0 = arith.constant 0 : i32
    %c0_i32_1 = arith.constant 0 : i32
    return %c0_i32, %c0_i32_0 : i32, i32
  }
  func.func @transform_78(%arg0: i32) -> (i32, i32) {
    %c0_i32 = arith.constant 0 : i32
    %c0_i32_0 = arith.constant 0 : i32
    %c0_i32_1 = arith.constant 0 : i32
    return %c0_i32, %c0_i32_0 : i32, i32
  }
  func.func @transform_79(%arg0: i32) -> (i32, i32) {
    %c0_i32 = arith.constant 0 : i32
    %c0_i32_0 = arith.constant 0 : i32
    %c0_i32_1 = arith.constant 0 : i32
    return %c0_i32, %c0_i32_0 : i32, i32
  }
  func.func @transform_80(%arg0: i32) -> (i32, i32) {
    %c0_i32 = arith.constant 0 : i32
    %c0_i32_0 = arith.constant 0 : i32
    %c0_i32_1 = arith.constant 0 : i32
    return %c0_i32, %c0_i32_0 : i32, i32
  }
  func.func @transform_81(%arg0: i32) -> (i32, i32) {
    %c0_i32 = arith.constant 0 : i32
    %c0_i32_0 = arith.constant 0 : i32
    %c0_i32_1 = arith.constant 0 : i32
    return %c0_i32, %c0_i32_0 : i32, i32
  }
  func.func @transform_82(%arg0: i32) -> (i32, i32) {
    %c0_i32 = arith.constant 0 : i32
    %c0_i32_0 = arith.constant 0 : i32
    %c0_i32_1 = arith.constant 0 : i32
    return %c0_i32, %c0_i32_0 : i32, i32
  }
  func.func @transform_83(%arg0: i32) -> (i32, i32) {
    %c0_i32 = arith.constant 0 : i32
    %c0_i32_0 = arith.constant 0 : i32
    %c0_i32_1 = arith.constant 0 : i32
    return %c0_i32, %c0_i32_0 : i32, i32
  }
  func.func @transform_84(%arg0: i32) -> (i32, i32) {
    %c0_i32 = arith.constant 0 : i32
    %c0_i32_0 = arith.constant 0 : i32
    %c0_i32_1 = arith.constant 0 : i32
    return %c0_i32, %c0_i32_0 : i32, i32
  }
  func.func @transform_85(%arg0: i32) -> (i32, i32) {
    %c0_i32 = arith.constant 0 : i32
    %c0_i32_0 = arith.constant 0 : i32
    %c0_i32_1 = arith.constant 0 : i32
    return %c0_i32, %c0_i32_0 : i32, i32
  }
  func.func @transform_86(%arg0: i32) -> (i32, i32) {
    %c0_i32 = arith.constant 0 : i32
    %c0_i32_0 = arith.constant 0 : i32
    %c0_i32_1 = arith.constant 0 : i32
    return %c0_i32, %c0_i32_0 : i32, i32
  }
  func.func @transform_87(%arg0: i32) -> (i32, i32) {
    %c0_i32 = arith.constant 0 : i32
    %c0_i32_0 = arith.constant 0 : i32
    %c0_i32_1 = arith.constant 0 : i32
    return %c0_i32, %c0_i32_0 : i32, i32
  }
  func.func @transform_88(%arg0: i32) -> (i32, i32) {
    %c0_i32 = arith.constant 0 : i32
    %c0_i32_0 = arith.constant 0 : i32
    %c0_i32_1 = arith.constant 0 : i32
    return %c0_i32, %c0_i32_0 : i32, i32
  }
  func.func @transform_89(%arg0: i32) -> (i32, i32) {
    %c0_i32 = arith.constant 0 : i32
    %c0_i32_0 = arith.constant 0 : i32
    %c0_i32_1 = arith.constant 0 : i32
    return %c0_i32, %c0_i32_0 : i32, i32
  }
  func.func @transform_90(%arg0: i32) -> (i32, i32) {
    %c0_i32 = arith.constant 0 : i32
    %c0_i32_0 = arith.constant 0 : i32
    %c0_i32_1 = arith.constant 0 : i32
    return %c0_i32, %c0_i32_0 : i32, i32
  }
  func.func @transform_91(%arg0: i32) -> (i32, i32) {
    %c0_i32 = arith.constant 0 : i32
    %c0_i32_0 = arith.constant 0 : i32
    %c0_i32_1 = arith.constant 0 : i32
    return %c0_i32, %c0_i32_0 : i32, i32
  }
  func.func @transform_92(%arg0: i32) -> (i32, i32) {
    %c0_i32 = arith.constant 0 : i32
    %c0_i32_0 = arith.constant 0 : i32
    %c0_i32_1 = arith.constant 0 : i32
    return %c0_i32, %c0_i32_0 : i32, i32
  }
  func.func @transform_93(%arg0: i32) -> (i32, i32) {
    %c0_i32 = arith.constant 0 : i32
    %c0_i32_0 = arith.constant 0 : i32
    %c0_i32_1 = arith.constant 0 : i32
    return %c0_i32, %c0_i32_0 : i32, i32
  }
  func.func @transform_94(%arg0: i32) -> (i32, i32) {
    %c0_i32 = arith.constant 0 : i32
    %c0_i32_0 = arith.constant 0 : i32
    %c0_i32_1 = arith.constant 0 : i32
    return %c0_i32, %c0_i32_0 : i32, i32
  }
  func.func @transform_95(%arg0: i32) -> (i32, i32) {
    %c0_i32 = arith.constant 0 : i32
    %c0_i32_0 = arith.constant 0 : i32
    %c0_i32_1 = arith.constant 0 : i32
    return %c0_i32, %c0_i32_0 : i32, i32
  }
  func.func @transform_96(%arg0: i32) -> (i32, i32) {
    %c0_i32 = arith.constant 0 : i32
    %c0_i32_0 = arith.constant 0 : i32
    %c0_i32_1 = arith.constant 0 : i32
    return %c0_i32, %c0_i32_0 : i32, i32
  }
  func.func @transform_97(%arg0: i32) -> (i32, i32) {
    %c0_i32 = arith.constant 0 : i32
    %c0_i32_0 = arith.constant 0 : i32
    %c0_i32_1 = arith.constant 0 : i32
    return %c0_i32, %c0_i32_0 : i32, i32
  }
  func.func @transform_98(%arg0: i32) -> (i32, i32) {
    %c0_i32 = arith.constant 0 : i32
    %c0_i32_0 = arith.constant 0 : i32
    %c0_i32_1 = arith.constant 0 : i32
    return %c0_i32, %c0_i32_0 : i32, i32
  }
  func.func @transform_99(%arg0: i32) -> (i32, i32) {
    %c0_i32 = arith.constant 0 : i32
    %c0_i32_0 = arith.constant 0 : i32
    %c0_i32_1 = arith.constant 0 : i32
    return %c0_i32, %c0_i32_0 : i32, i32
  }
  func.func @transform_100(%arg0: i32) -> (i32, i32) {
    %c0_i32 = arith.constant 0 : i32
    %c0_i32_0 = arith.constant 0 : i32
    %c0_i32_1 = arith.constant 0 : i32
    return %c0_i32, %c0_i32_0 : i32, i32
  }
  func.func @transform_101(%arg0: i32) -> (i32, i32) {
    %c0_i32 = arith.constant 0 : i32
    %c0_i32_0 = arith.constant 0 : i32
    %c0_i32_1 = arith.constant 0 : i32
    return %c0_i32, %c0_i32_0 : i32, i32
  }
  func.func @transform_102(%arg0: i32) -> (i32, i32) {
    %c0_i32 = arith.constant 0 : i32
    %c0_i32_0 = arith.constant 0 : i32
    %c0_i32_1 = arith.constant 0 : i32
    return %c0_i32, %c0_i32_0 : i32, i32
  }
  func.func @transform_103(%arg0: i32) -> (i32, i32) {
    %c0_i32 = arith.constant 0 : i32
    %c0_i32_0 = arith.constant 0 : i32
    %c0_i32_1 = arith.constant 0 : i32
    return %c0_i32, %c0_i32_0 : i32, i32
  }
  func.func @transform_104(%arg0: i32) -> (i32, i32) {
    %c0_i32 = arith.constant 0 : i32
    %c0_i32_0 = arith.constant 0 : i32
    %c0_i32_1 = arith.constant 0 : i32
    return %c0_i32, %c0_i32_0 : i32, i32
  }
  func.func @transform_105(%arg0: i32) -> (i32, i32) {
    %c0_i32 = arith.constant 0 : i32
    %c0_i32_0 = arith.constant 0 : i32
    %c0_i32_1 = arith.constant 0 : i32
    return %c0_i32, %c0_i32_0 : i32, i32
  }
  func.func @transform_106(%arg0: i32) -> (i32, i32) {
    %c0_i32 = arith.constant 0 : i32
    %c0_i32_0 = arith.constant 0 : i32
    %c0_i32_1 = arith.constant 0 : i32
    return %c0_i32, %c0_i32_0 : i32, i32
  }
  func.func @transform_107(%arg0: i32) -> (i32, i32) {
    %c0_i32 = arith.constant 0 : i32
    %c0_i32_0 = arith.constant 0 : i32
    %c0_i32_1 = arith.constant 0 : i32
    return %c0_i32, %c0_i32_0 : i32, i32
  }
  func.func @transform_108(%arg0: i32) -> (i32, i32) {
    %c0_i32 = arith.constant 0 : i32
    %c0_i32_0 = arith.constant 0 : i32
    %c0_i32_1 = arith.constant 0 : i32
    return %c0_i32, %c0_i32_0 : i32, i32
  }
  func.func @transform_109(%arg0: i32) -> (i32, i32) {
    %c0_i32 = arith.constant 0 : i32
    %c0_i32_0 = arith.constant 0 : i32
    %c0_i32_1 = arith.constant 0 : i32
    return %c0_i32, %c0_i32_0 : i32, i32
  }
  func.func @transform_110(%arg0: i32) -> (i32, i32) {
    %c0_i32 = arith.constant 0 : i32
    %c0_i32_0 = arith.constant 0 : i32
    %c0_i32_1 = arith.constant 0 : i32
    return %c0_i32, %c0_i32_0 : i32, i32
  }
  func.func @transform_111(%arg0: i32) -> (i32, i32) {
    %c0_i32 = arith.constant 0 : i32
    %c0_i32_0 = arith.constant 0 : i32
    %c0_i32_1 = arith.constant 0 : i32
    return %c0_i32, %c0_i32_0 : i32, i32
  }
  func.func @transform_112(%arg0: i32) -> (i32, i32) {
    %c0_i32 = arith.constant 0 : i32
    %c0_i32_0 = arith.constant 0 : i32
    %c0_i32_1 = arith.constant 0 : i32
    return %c0_i32, %c0_i32_0 : i32, i32
  }
  func.func @transform_113(%arg0: i32) -> (i32, i32) {
    %c0_i32 = arith.constant 0 : i32
    %c0_i32_0 = arith.constant 0 : i32
    %c0_i32_1 = arith.constant 0 : i32
    return %c0_i32, %c0_i32_0 : i32, i32
  }
  func.func @transform_114(%arg0: i32) -> (i32, i32) {
    %c0_i32 = arith.constant 0 : i32
    %c0_i32_0 = arith.constant 0 : i32
    %c0_i32_1 = arith.constant 0 : i32
    return %c0_i32, %c0_i32_0 : i32, i32
  }
  func.func @transform_115(%arg0: i32) -> (i32, i32) {
    %c0_i32 = arith.constant 0 : i32
    %c0_i32_0 = arith.constant 0 : i32
    %c0_i32_1 = arith.constant 0 : i32
    return %c0_i32, %c0_i32_0 : i32, i32
  }
  func.func @transform_116(%arg0: i32) -> (i32, i32, i32) {
    %c0_i32 = arith.constant 0 : i32
    %c0_i32_0 = arith.constant 0 : i32
    %c0_i32_1 = arith.constant 0 : i32
    return %arg0, %c0_i32, %c0_i32_0 : i32, i32, i32
  }
}

</mosaic_0001>

<sc_bundles>
// kernel: kernel.4.cloned.1.call-start
scs
__scs_entry_jumppad:
0x0: {  	(pc) =	sbr.rel $0x88, $3  }
0x1: {  	(tag) =	ssettag $0x0;
	lr =	simm.s32 $0x1  }
0x2: {  	[smem:$0x3F2C] =	sst lr;
	_ =	strace $0xD0000000  }
0x3: {  	_ = 	snop  }
0x4: {  	_ = 	snop  }
0x5: {  	_ = 	snop  }
0x6: {  	_ = 	snop  }
0x7: {  	_ = 	snop  }
__scs_overlays_trampoline_lowered:
0x8: {  	[smem:$0x3F3B] =	sst s0  }
0x9: {  	[smem:$0x3F3C] =	sst s1  }
0xa: {  	[smem:$0x3F3D] =	sst s2  }
0xb: {  	[smem:$0x3F3E] =	sst s3  }
0xc: {  	[smem:$0x3F3F] =	sst s4  }
0xd: {  	[smem:$0x3F40] =	sst s5  }
0xe: {  	[smem:$0x3F41] =	sst s6  }
0xf: {  	[smem:$0x3F42] =	sst s7  }
0x10: {  	[smem:$0x3F43] =	sst s8  }
0x11: {  	[smem:$0x3F44] =	sst s9;
	s0 =	simm.s32 @!p0 $0x0  }
0x12: {  	s1 =	sld [smem:$0x3F2A];
	s0 =	simm.s32 @p0 $0x1  }
0x13: {  	[smem:$0x3F45] =	sst s0;
	s0 =	simm.s32 @!p1 $0x0  }
0x14: {  	s2 =	sld [smem:$0x3F29];
	s0 =	simm.s32 @p1 $0x1  }
0x15: {  	[smem:$0x3F46] =	sst s0;
	s0 =	simm.s32 @!p2 $0x0  }
0x16: {  	s3 =	sld [smem:$0x3FDB];
	s0 =	simm.s32 @p2 $0x1  }
0x17: {  	s4 =	simm.s32 $0x1BF5;
	[smem:$0x3F48] =	sst s0  }
0x18: {  	s0 =	sld [smem:$0x3F2B];
	_ =	swait.ge [sflag:s4], $0x0  }
0x19: {  	s7 =	sld [smem:$0x3F2C]  }
0x1a: {  	s8 =	sadd.s32 $0xFFFFE003, lr  }
0x1b: {  	s9 =	sadd.s32 $0xFFFFFEF7, lr;
	s5 =	simm.s32 $0xFFFFFFFF;
	p2 =	slt.u32 s8, $0xFFFFF086  }
0x1c: {  	p1 =	slt.u32 s9, $0xF7A;
	s5 =	simm.s32 @!p2 $0x0  }
0x1d: {  	s5 =	simm.s32 @p1 $0x1;
	p0 =	seq.s32 s7, s2  }
0x1e: {  	s7 =	smul.u32 @!p0 $0xF7A, s2;
	p2 =	seq.s32 @!p0 s5, $0x0  }
0x1f: {  	s9 =	smul.u32 $0xF7A, s1;
	s8 =	simm.s32 @!p0 $0x1BF5;
	p2 =	por !p2, p0  }
0x20: {  	[sflag:s8] =	ssyncset.s32 @!p0 $0xFFFFF086;
	s6 =	sadd.s32 @!p0 s3, s7;
	s7 =	simm.s32 @!p0 $0x108  }
0x21: {  	s3 =	sadd.s32 s3, s9;
	s6 =	sadd.s32 @!p0 $0x88, s6;
	s7 =	simm.s32 @p2 $0x1082  }
0x22: {  	[simem:s7], [sflag:s8] =	dma.local @!p0 [hbm:s6], $0xF7A  }
0x23: {  	s9 =	sor.u32 $0xD0000000, s2;
	s6 =	simm.s32 $0x108;
	_ =	swait.ge @!p0 [sflag:s8], $0x0  }
0x24: {  	s3 =	sadd.s32 $0x88, s3;
	s6 =	simm.s32 @!p1 $0x1082;
	[sflag:s4] =	ssyncset.s32 $0xFFFFF086  }
0x25: {  	[simem:s6], [sflag:s4] =	dma.local [hbm:s3], $0xF7A  }
0x26: {  	[smem:$0x3F2C] =	sst s1;
	(tag) =	ssettag s2;
	_ =	strace s9  }
0x27: {  	s1 =	sld [smem:$0x3F3C]  }
0x28: {  	s2 =	sld [smem:$0x3F3D]  }
0x29: {  	s4 =	sld [smem:$0x3F3F]  }
0x2a: {  	p0 =	seq.s32 s5, $0x0;
	s5 =	sld [smem:$0x3F40]  }
0x2b: {  	s6 =	sld [smem:$0x3F41]  }
0x2c: {  	s7 =	sld [smem:$0x3F42]  }
0x2d: {  	s3 =	simm.s32 $0x108;
	s8 =	sld [smem:$0x3F43]  }
0x2e: {  	s3 =	simm.s32 @!p0 $0x1082;
	s9 =	sld [smem:$0x3F44]  }
0x2f: {  	lr =	sadd.s32 s0, s3;
	s0 =	sld [smem:$0x3F3B]  }
0x30: {  	s3 =	sld [smem:$0x3F3E]  }
0x31: {  	[smem:$0x3F47] =	sst s10  }
0x32: {  	s10 =	sld [smem:$0x3F45];
	_ =	sdelay $0x3  }
0x33: {  	p0 =	seq.s32 s10, $0x1;
	s10 =	sld [smem:$0x3F47];
	_ =	sdelay $0x3  }
0x34: {  	[smem:$0x3F47] =	sst s10  }
0x35: {  	s10 =	sld [smem:$0x3F46];
	_ =	sdelay $0x3  }
0x36: {  	p1 =	seq.s32 s10, $0x1;
	s10 =	sld [smem:$0x3F47];
	_ =	sdelay $0x3  }
0x37: {  	[smem:$0x3F47] =	sst s10  }
0x38: {  	s10 =	sld [smem:$0x3F48]  }
0x39: {  	_ = 	snop;
	(pc) =	sbr.ind lr, $3  }
0x3a: {  	_ = 	snop  }
0x3b: {  	_ = 	snop  }
0x3c: {  	p2 =	seq.s32 s10, $0x1;
	s10 =	sld [smem:$0x3F47]  }
0x3d: {  	_ =	shalt  }
0x3e: {  	_ =	shalt  }
0x3f: {  	_ =	shalt  }
0x40: {  	_ =	shalt  }
0x41: {  	_ =	shalt  }
0x42: {  	_ =	shalt  }
0x43: {  	_ =	shalt  }
0x44: {  	_ =	shalt  }
0x45: {  	_ =	shalt  }
0x46: {  	_ =	shalt  }
0x47: {  	_ =	shalt  }
0x48: {  	_ =	shalt  }
0x49: {  	_ =	shalt  }
0x4a: {  	_ =	shalt  }
0x4b: {  	_ =	shalt  }
0x4c: {  	_ =	shalt  }
0x4d: {  	_ =	shalt  }
0x4e: {  	_ =	shalt  }
0x4f: {  	_ =	shalt  }
0x50: {  	_ =	shalt  }
0x51: {  	_ =	shalt  }
0x52: {  	_ =	shalt  }
0x53: {  	_ =	shalt  }
0x54: {  	_ =	shalt  }
0x55: {  	_ =	shalt  }
0x56: {  	_ =	shalt  }
0x57: {  	_ =	shalt  }
0x58: {  	_ =	shalt  }
0x59: {  	_ =	shalt  }
0x5a: {  	_ =	shalt  }
0x5b: {  	_ =	shalt  }
0x5c: {  	_ =	shalt  }
0x5d: {  	_ =	shalt  }
0x5e: {  	_ =	shalt  }
0x5f: {  	_ =	shalt  }
0x60: {  	_ =	shalt  }
0x61: {  	_ =	shalt  }
0x62: {  	_ =	shalt  }
0x63: {  	_ =	shalt  }
0x64: {  	_ =	shalt  }
0x65: {  	_ =	shalt  }
0x66: {  	_ =	shalt  }
0x67: {  	_ =	shalt  }
0x68: {  	_ =	shalt  }
0x69: {  	_ =	shalt  }
0x6a: {  	_ =	shalt  }
0x6b: {  	_ =	shalt  }
0x6c: {  	_ =	shalt  }
0x6d: {  	_ =	shalt  }
0x6e: {  	_ =	shalt  }
0x6f: {  	_ =	shalt  }
0x70: {  	_ =	shalt  }
0x71: {  	_ =	shalt  }
0x72: {  	_ =	shalt  }
0x73: {  	_ =	shalt  }
0x74: {  	_ =	shalt  }
0x75: {  	_ =	shalt  }
0x76: {  	_ =	shalt  }
0x77: {  	_ =	shalt  }
0x78: {  	_ =	shalt  }
0x79: {  	_ =	shalt  }
0x7a: {  	_ =	shalt  }
0x7b: {  	_ =	shalt  }
0x7c: {  	_ =	shalt  }
0x7d: {  	_ =	shalt  }
0x7e: {  	_ =	shalt  }
0x7f: {  	_ =	shalt  }
0x80: {  	_ =	shalt  }
0x81: {  	_ =	shalt  }
0x82: {  	_ =	shalt  }
0x83: {  	_ =	shalt  }
0x84: {  	_ =	shalt  }
0x85: {  	_ =	shalt  }
0x86: {  	_ =	shalt  }
0x87: {  	_ =	shalt  }
.Lfunc_end0:
.L_simem_size_0:
called_computation_lowered:
.L_overlay_start_0:
0x88: {  	s2 =	sld [smem:$0x3FD9]  }
0x89: {  	s3 =	sld [smem:$0x3FFE];
	_ =	sdelay $0x1  }
0x8a: {  	s1 =	srdreg.scid  }
0x8b: {  	s0 =	sand.u32 $0x1, s1  }
0x8c: {  	s17 =	sshll.u32 s0, $0xA;
	s2 =	sadd.s32 s3, s2  }
0x8d: {  	s2 =	sadd.s32 s2, s17  }
0x8e: {  	[smem:$0x3F53] =	sst s2  }
0x8f: {  	_ = 	snop  }
0x90: {  	s2 =	sld [smem:$0x3FD0];
	(tm) =	ssettm $0x1  }
0x91: {  	s18 =	sld [smem:$0x3FFB];
	_ =	sdelay $0x3  }
0x92: {  	_ =	strace s18  }
0x93: {  	s3 =	sld [smem:$0x3FFC];
	_ =	sdelay $0x3  }
0x94: {  	_ =	strace s3  }
0x95: {  	s3 =	sld [smem:$0x3FFD];
	_ =	sdelay $0x3  }
0x96: {  	_ =	strace s3  }
0x97: {  	_ =	strace $0x8FFFFFFF  }
0x98: {  	s19 =	sld [smem:$0x3FDB];
	_ =	sdelay $0x1  }
0x99: {  	s4 =	simm.s32 $_scs_section_size  }
0x9a: {  	s5 =	simm.s32 $_size__tile_overlayer_lowered;
	s6 =	simm.s32 $_tile_overlayer_lowered  }
0x9b: {  	s22 =	simm.s32 $0x1BFF;
	s21 =	sshll.u32 s6, $0x1;
	s3 =	sadd.s32 s4, s19  }
0x9c: {  	s7 =	simm.s32 $0x0;
	s20 =	sshll.u32 s5, $0x1;
	s5 =	sadd.s32 s21, s3  }
0x9d: {  	[timem:s7], [sflag:s22] =	dma.local [hbm:s5], s20  }
0x9e: {  	_ =	swait.ge [sflag:s22], s20  }
0x9f: {  	s4 =	ssub.s32 $0x0, s20;
	[sflag:s22] =	ssyncset.done $0x0  }
0xa0: {  	[sflag:s22] =	ssyncadd.s32 s4;
	_ =	sdelay $0x1  }
0xa1: {  	s23 =	simm.s32 $0x1B8B  }
0xa2: {  	_ =	swait.ge [sflag:s23], $0x1  }
0xa3: {  	[sflag:s23] =	ssyncset.done $0x0  }
0xa4: {  	s25 =	simm.s32 $0x1B8E;
	s24 =	sld [smem:$0x3FFE];
	[sflag:s23] =	ssyncadd.s32 $0xFFFFFFFF  }
0xa5: {  	s26 =	simm.s32 $execute0_lowered;
	[smem:$0x3FD2] =	sst s25  }
0xa6: {  	s5 =	sshll.u32 s26, $0x1;
	_ =	strace $0x80000046;
	[dreg:$0x1] =	wrdreg $0xFFFFFFFF  }
0xa7: {  	s28 =	simm.s32 $_size_execute0_lowered;
	s3 =	sadd.s32 s3, s5;
	[dreg:$0x0] =	wrdreg $0x0  }
0xa8: {  	s5 =	sshll.u32 s28, $0x1;
	[dreg:$0x2] =	wrdreg s3  }
0xa9: {  	[dreg:$0x3] =	wrdreg s5  }
0xaa: {  	[dreg:$0x4] =	wrdreg $0xC0  }
0xab: {  	_ =	task [dreg:s7], $0x5FFFF  }
0xac: {  	[dreg:$0x1] =	wrdreg $0xFFFFFFFF  }
0xad: {  	[dreg:$0x0] =	wrdreg $0x60  }
0xae: {  	[dreg:$0x2] =	wrdreg s24  }
0xaf: {  	[dreg:$0x3] =	wrdreg s2  }
0xb0: {  	[dreg:$0x4] =	wrdreg $0x9  }
0xb1: {  	_ =	task.clear_ibuf [dreg:s7], $0x5FFFF;
	_ =	strace $0x90000046  }
0xb2: {  	s29 =	simm.s32 $0x9;
	_ =	strace $0x80000048  }
0xb3: {  	_ =	swait.ge [sflag:s29], $0x1  }
0xb4: {  	[sflag:s29] =	ssyncadd.s32 $0xFFFFFFFF  }
0xb5: {  	_ =	strace $0x90000048  }
0xb6: {  	_ =	sfence  }
0xb7: {  	s30 =	sld [smem:$0x0];
	_ =	sdelay $0x2  }
0xb8: {  	s31 =	sshll.u32 s1, $0xD;
	s1 =	sshrl.u32 s1, $0x2  }
0xb9: {  	s3 =	sand.u32 $0x4000, s31;
	s1 =	sadd.s32 s1, s30  }
0xba: {  	s0 =	sor.u32 s3, s0;
	s1 =	sshll.u32 s1, $0x11  }
0xbb: {  	s0 =	sor.u32 s1, s0  }
0xbc: {  	s0 =	sadd.s32 $0x8F2B, s0  }
0xbd: {  	[sflag:s0] =	ssyncadd.remote.s32 $0x1  }
0xbe: {  	_ =	sfence.sel $0xFFFF  }
0xbf: {  	[dreg:$0x0] =	wrdreg $0xFFFFFFFF;
	(pc) =	sbr.abs _section_cstart, $3  }
0xc0: {  	[dreg:$0x1] =	wrdreg $0xFFFFFFFF  }
0xc1: {  	_ =	task.clear_ibuf [dreg:s7], $0x2FFFF;
	_ =	strace $0x9FFFFFFF  }
0xc2: {  	(tm) =	ssettm $0x7FFFFFFF  }
0xc3: {  	_ =	shalt  }
tec
execute0_lowered:
.L_overlay_start_1:
0x0: {  	(tag) =	ssettag $0x1  }
0x1: {  	s0 =	srdreg.scid;
	s7 =	rddreg [dreg:$0x0]  }
0x2: {  	s2 =	rddreg [dreg:$0x1];
	s4 =	sand.u32 $0x1, s0  }
0x3: {  	s3 =	simm.s32 $0x0;
	s0 =	stileid.u32;
	s1 =	sshll.u32 s4, $0x4  }
0x4: {  	s11 =	simm.s32 $0x19A00;
	s14 =	simm.s32 $0x0;
	s1 =	sor.u32 s0, s1  }
0x5: {  	s18 =	simm.s32 $0x0;
	[smem:$0x7FF] =	sst s3;
	s12 =	smul.u32 $0x38, s1  }
0x6: {  	s6 =	sadd.s32 $0xE800, s7;
	s9 =	ssub.s32 $0x2, s4;
	s4 =	sadd.s32 $0xD800, s7  }
0x7: {  	s10 =	sshrl.u32 s9, $0x1;
	s1 =	rddreg [dreg:$0x2];
	s5 =	sshrl.u32 s12, $0x3  }
0x8: {  	_ =	strace $0x80000047;
	s31 =	ssub.s32 s9, s10;
	s8 =	smul.u32 $0x700, s5  }
0x9: {  	s9 =	simm.s32 $0x1;
	s10 =	simm.s32 $0x18800;
	s13 =	sadd.s32 $0x38, s12  }
0xa: {  	v0 =	vmov s12;
	s12 =	simm.s32 $0x1AC00;
	s5 =	sadd.s32 $0xE000, s7;
	s7 =	sadd.s32 s8, s7  }
0xb: {  	v1 =	vmov s13;
	s13 =	simm.s32 $0x2;
	s8 =	smax.u32 s31, $0x1;
	s7 =	sadd.s32 $0xF000, s7  }
.LBB2_1:
0xc: {  	[tilespmem:s3], [sflag:$0x1] =	stream.linear.gather [hbm4b:s2+s3], $0x18800, $0x38;
	[tilespmem:$0x1BE00] =	vst v63  }
0xd: {  	_ =	swait.ge [sflag:s9], $0x18800  }
0xe: {  	[sflag:s9] =	ssyncset.done $0x0  }
0xf: {  	s15 =	simm.s32 $0x0;
	[sflag:s9] =	ssyncadd.s32 $0xFFFE7800  }
.LBB2_2:
0x10: {  	s16 =	smul.u32 $0x240, s15;
	_ =	sdelay $0x1  }
0x11: {  	s17 =	sadd.s32 s4, s16  }
0x12: {  	[tilespmem:s10], [sflag:$0x1] =	stream.linear.gather [hbm4b:s17+s18], $0x1200, $0x38;
	[tilespmem:$0x1BE00] =	vst v63  }
0x13: {  	s31 =	sadd.s32 s5, s16  }
0x14: {  	[tilespmem:s11], [sflag:$0x1] =	stream.linear.gather [hbm4b:s31+s18], $0x1200, $0x38;
	[tilespmem:$0x1BE00] =	vst v63  }
0x15: {  	s16 =	sadd.s32 s6, s16  }
0x16: {  	[tilespmem:s12], [sflag:$0x1] =	stream.linear.gather [hbm4b:s16+s18], $0x1200, $0x38;
	[tilespmem:$0x1BE00] =	vst v63  }
0x17: {  	_ =	swait.ge [sflag:s9], $0x1200  }
0x18: {  	[sflag:s9] =	ssyncset.done $0x0  }
0x19: {  	[sflag:s9] =	ssyncadd.s32 $0xFFFFEE00  }
0x1a: {  	_ =	swait.ge [sflag:s9], $0x1200  }
0x1b: {  	[sflag:s9] =	ssyncset.done $0x0  }
0x1c: {  	[sflag:s9] =	ssyncadd.s32 $0xFFFFEE00  }
0x1d: {  	_ =	swait.ge [sflag:s9], $0x1200  }
0x1e: {  	[sflag:s9] =	ssyncset.done $0x0  }
0x1f: {  	s17 =	simm.s32 $0x40;
	s16 =	simm.s32 $0x0;
	[sflag:s9] =	ssyncadd.s32 $0xFFFFEE00  }
.LBB2_3:
0x20: {  	p0 =	sne.s32 s17, $0x47C0;
	v2 =	vld [tilespmem:s16+$0x18800];
	_ =	sdelay $0x4  }
0x21: {  	v3 =	vld [tilespmem:s16+$0x19A00];
	v4 =	vsub.s32 v2, v0  }
0x22: {  	vm0 =	vgt.s32 v4, $0x0  }
0x23: {  	v4 =	vnsel vm0, $0x0, v4  }
0x24: {  	v4 =	vmin.u32 v4, $0x37  }
0x25: {  	v5 =	vshrl.u32 v4, $0x3  }
0x26: {  	v5 =	vmul.u32 $0x3800, v5;
	v6 =	vshll.u32 v3, $0x3  }
0x27: {  	vm0 =	vge.s32 v2, v0;
	v4 =	vshll.u32 v4, $0x7;
	v6 =	vand.u32 $0xFFFFFC00, v6  }
0x28: {  	vm1 =	vlt.s32 v2, v1;
	v4 =	vand.u32 $0x380, v4;
	v2 =	vadd.s32 v6, v5  }
0x29: {  	vm0 =	vmand vm0, vm1;
	v3 =	vand.u32 $0x7F, v3;
	v2 =	vor.u32 v4, v2  }
0x2a: {  	v4 =	vld [tilespmem:s16+$0x1AC00];
	v2 =	vor.u32 v3, v2  }
.Ltmp0:
0x2b: {  	(pc) =	sbr.rel @p0 .LBB2_3-.Ltmp0, $2  }
0x2c: {  	_ =	sdelay $0x2  }
0x2d: {  	s16 =	sshra.s32 s17, $0x2;
	s17 =	sadd.s32 $0x40, s17;
	[tilespmem:v2+s3+$0x0] =	vst.idx.add.f32.msk vm0, v4  }
0x2e: {  	v2 =	vld [tilespmem:s16+$0x18800];
	_ =	sdelay $0x4  }
0x2f: {  	v3 =	vld [tilespmem:s16+$0x19A00];
	v4 =	vsub.s32 v2, v0  }
0x30: {  	vm0 =	vgt.s32 v4, $0x0  }
0x31: {  	v4 =	vnsel vm0, $0x0, v4  }
0x32: {  	v4 =	vmin.u32 v4, $0x37  }
0x33: {  	v5 =	vshrl.u32 v4, $0x3  }
0x34: {  	v6 =	vshll.u32 v3, $0x3;
	v5 =	vmul.u32 $0x3800, v5  }
0x35: {  	vm15 =	vge.s32 v2, v0;
	v6 =	vand.u32 $0xFFFFFC00, v6;
	v4 =	vshll.u32 v4, $0x7  }
0x36: {  	vm1 =	vlt.s32 v2, v1;
	v4 =	vand.u32 $0x380, v4;
	v2 =	vadd.s32 v6, v5  }
0x37: {  	s15 =	sadd.s32 $0x1, s15;
	v3 =	vand.u32 $0x7F, v3;
	vm0 =	vmand vm15, vm1;
	v2 =	vor.u32 v4, v2  }
0x38: {  	v63 =	vld [tilespmem:s16+$0x1AC00];
	p0 =	sne.s32 s15, $0x3;
	v2 =	vor.u32 v3, v2  }
.Ltmp1:
0x39: {  	_ = 	snop;
	(pc) =	sbr.rel @p0 .LBB2_2-.Ltmp1, $2  }
0x3a: {  	_ =	sdelay $0x2  }
0x3b: {  	[tilespmem:v2+s3+$0x0] =	vst.idx.add.f32.msk vm0, v63  }
0x3c: {  	s14 =	sadd.s32 $0x1, s14  }
0x3d: {  	p0 =	sne.s32 s14, s8  }
.Ltmp2:
0x3e: {  	_ = 	snop;
	(pc) =	sbr.rel @p0 .LBB2_1-.Ltmp2, $4  }
0x3f: {  	[hbm4b:s7+s3] =	stream.linear.scatter [tilespmem:s3], [sflag:$0x2], $0x18800, $0x38;
	[tilespmem:$0x1BE00] =	vst v63  }
0x40: {  	_ =	swait.ge [sflag:s13], $0x18800  }
0x41: {  	[sflag:s13] =	ssyncset.done $0x0  }
0x42: {  	[sflag:s13] =	ssyncadd.s32 $0xFFFE7800  }
0x43: {  	_ =	sfence.sel $0x180000  }
0x44: {  	[bflag:$0x0] =	sbarrier.arrive $0xFFFF  }
0x45: {  	p0 =	sne.s32 s0, $0x0;
	_ =	strace $0x90000047  }
0x46: {  	s0 =	sadd.s32 @!p0 $0x100000, s1;
	[bflag:$0x2] =	sbarrier.arrive $0xFFFF  }
0x47: {  	[sflag:s0] =	ssyncadd.tile.s32 @!p0 $0x1;
	_ =	shalt  }
.Lfunc_end2:
_tile_overlayer_lowered:
.L_overlay_start_2:
0x48: {  	(tag) =	ssettag $0x2  }
0x49: {  	s0 =	rddreg [dreg:$0x0];
	s2 =	stileid.u32  }
0x4a: {  	s1 =	rddreg [dreg:$0x1];
	p0 =	sne.s32 s2, $0x0  }
0x4b: {  	s3 =	rddreg [dreg:$0x2];
	[bflag:$0x3] =	sbarrier.arrive $0xFFFF;
	s2 =	simm.s32 @!p0 $0x1C02  }
0x4c: {  	[timem:s3], [sflag:s2] =	dma.local @!p0 [hbm:s0], s1  }
0x4d: {  	s0 =	simm.s32 @!p0 $0x2  }
0x4e: {  	_ =	swait.ge @!p0 [sflag:s0], s1  }
0x4f: {  	s1 =	ssub.s32 @!p0 $0x0, s1;
	[sflag:s0] =	ssyncset.done @!p0 $0x0  }
0x50: {  	[sflag:s0] =	ssyncadd.s32 @!p0 s1  }
0x51: {  	[bflag:$0x3] =	sbarrier.arrive $0xFFFF  }
0x52: {  	_ =	shalt  }

</sc_bundles>
